<compile_context>
chip_gen: v7x
topology: tpu7x:2x2x1
jax: 0.10.2.dev20260603
libtpu: 0.0.44.dev20260713+nightly
codegen_flags: <defaults>
</compile_context>

<pallas_src>
import dataclasses
import functools

import jax
import jax.numpy as jnp
import numpy as np
from jax import lax
from jax.experimental import pallas as pl
from jax.experimental.pallas import tpu as pltpu
from jax.experimental.pallas import tpu_sc as plsc

N = 10000
E = 320000
NP = 10240
H1 = 8
C1 = 32
ROWBLK = 400

NSUB = 16
RPT = NP // NSUB

EPT1 = E // NSUB
EPT2 = E // (2 * NSUB)
CE1 = 160
CE2 = 400
ZR = 80

_MESH = plsc.VectorSubcoreMesh(core_axis_name="c", subcore_axis_name="s")

_SC_PARAMS = pltpu.CompilerParams()
if "needs_layout_passes" in pltpu.CompilerParams.__dataclass_fields__:
    _SC_PARAMS = dataclasses.replace(
        _SC_PARAMS, needs_layout_passes=False, use_tc_tiling_on_sc=False)


def _perm_half(s):
    p = np.arange(128)
    return (4 * s + (p % 4)) * C1 + (p // 4)


_PERM = np.concatenate([_perm_half(0), _perm_half(1)])



def _k1_body(x_ref, w_ref, h0_ref, h1_ref, as0_ref, ad0_ref, as1_ref, ad1_ref,
             mx_ref):
    i = pl.program_id(0)
    y = jnp.dot(x_ref[...], w_ref[...], preferred_element_type=jnp.float32)
    h0_ref[...] = y[:, 0:128]
    h1_ref[...] = y[:, 128:256]
    as0_ref[...] = y[:, 256:272]
    ad0_ref[...] = y[:, 272:288]
    as1_ref[...] = y[:, 288:304]
    ad1_ref[...] = y[:, 304:320]
    blkmax = jnp.concatenate(
        [jnp.max(y[:, 256 + 16 * k:272 + 16 * k], axis=0)[None] for k in range(4)]
        + [jnp.full((4, 16), -3.0e38, jnp.float32)], axis=0)

    @pl.when(i == 0)
    def _():
        mx_ref[...] = jnp.full((8, 16), -3.0e38, jnp.float32)

    mx_ref[...] = jnp.maximum(mx_ref[...], blkmax)


def _k1(x, wbig):
    f = pl.pallas_call(
        _k1_body,
        grid=(N // ROWBLK,),
        in_specs=[
            pl.BlockSpec((ROWBLK, 128), lambda i: (i, 0)),
            pl.BlockSpec((128, 320), lambda i: (0, 0)),
        ],
        out_specs=[
            pl.BlockSpec((ROWBLK, 128), lambda i: (i, 0)),
            pl.BlockSpec((ROWBLK, 128), lambda i: (i, 0)),
            pl.BlockSpec((ROWBLK, 16), lambda i: (i, 0)),
            pl.BlockSpec((ROWBLK, 16), lambda i: (i, 0)),
            pl.BlockSpec((ROWBLK, 16), lambda i: (i, 0)),
            pl.BlockSpec((ROWBLK, 16), lambda i: (i, 0)),
            pl.BlockSpec((8, 16), lambda i: (0, 0)),
        ],
        out_shape=[
            jax.ShapeDtypeStruct((N, 128), jnp.float32),
            jax.ShapeDtypeStruct((N, 128), jnp.float32),
            jax.ShapeDtypeStruct((N, 16), jnp.float32),
            jax.ShapeDtypeStruct((N, 16), jnp.float32),
            jax.ShapeDtypeStruct((N, 16), jnp.float32),
            jax.ShapeDtypeStruct((N, 16), jnp.float32),
            jax.ShapeDtypeStruct((8, 16), jnp.float32),
        ],
    )
    return f(x, wbig)


def _k5_body(o0_ref, o1_ref, r0_ref, r1_ref, b1_ref, w2_ref, v2_ref,
             h2_ref, a2s_ref, a2d_ref, mx_ref):
    i = pl.program_id(0)
    rec0 = jnp.concatenate([r0_ref[...]] * 8, axis=1)
    rec1 = jnp.concatenate([r1_ref[...]] * 8, axis=1)
    h1 = jnp.concatenate(
        [o0_ref[...] * rec0, o1_ref[...] * rec1], axis=1) + b1_ref[...]
    h1 = jnp.where(h1 > 0, h1, jnp.exp(jnp.minimum(h1, 0.0)) - 1.0)
    h2_ref[...] = jnp.dot(h1, w2_ref[...], preferred_element_type=jnp.float32)
    sd = jnp.dot(h1, v2_ref[...], preferred_element_type=jnp.float32)
    a2s = jnp.broadcast_to(sd[:, 0:1], (sd.shape[0], 16))
    a2d = jnp.broadcast_to(sd[:, 1:2], (sd.shape[0], 16))
    a2s_ref[...] = a2s
    a2d_ref[...] = a2d
    blkmax = jnp.concatenate(
        [jnp.max(a2s, axis=0)[None], jnp.max(a2d, axis=0)[None],
         jnp.full((6, 16), -3.0e38, jnp.float32)], axis=0)

    @pl.when(i == 0)
    def _():
        mx_ref[...] = jnp.full((8, 16), -3.0e38, jnp.float32)

    mx_ref[...] = jnp.maximum(mx_ref[...], blkmax)


def _k5(o0, o1, rec0, rec1, b1p, w2p, v2sd):
    f = pl.pallas_call(
        _k5_body,
        grid=(N // ROWBLK,),
        in_specs=[
            pl.BlockSpec((ROWBLK, 128), lambda i: (i, 0)),
            pl.BlockSpec((ROWBLK, 128), lambda i: (i, 0)),
            pl.BlockSpec((ROWBLK, 16), lambda i: (i, 0)),
            pl.BlockSpec((ROWBLK, 16), lambda i: (i, 0)),
            pl.BlockSpec((1, 256), lambda i: (0, 0)),
            pl.BlockSpec((256, 64), lambda i: (0, 0)),
            pl.BlockSpec((256, 2), lambda i: (0, 0)),
        ],
        out_specs=[
            pl.BlockSpec((ROWBLK, 64), lambda i: (i, 0)),
            pl.BlockSpec((ROWBLK, 16), lambda i: (i, 0)),
            pl.BlockSpec((ROWBLK, 16), lambda i: (i, 0)),
            pl.BlockSpec((8, 16), lambda i: (0, 0)),
        ],
        out_shape=[
            jax.ShapeDtypeStruct((N, 64), jnp.float32),
            jax.ShapeDtypeStruct((N, 16), jnp.float32),
            jax.ShapeDtypeStruct((N, 16), jnp.float32),
            jax.ShapeDtypeStruct((8, 16), jnp.float32),
        ],
    )
    return f(o0, o1, rec0, rec1, b1p, w2p, v2sd)


def _k9_body(p0_ref, p1_ref, d0_ref, d1_ref, b2_ref, o_ref):
    rec = 1.0 / (d0_ref[...] + d1_ref[...] + 1e-16)
    z = (p0_ref[...] + p1_ref[...]) * jnp.concatenate([rec] * 4, axis=1)
    z = z + b2_ref[...]
    m = jnp.max(z, axis=1, keepdims=True)
    ex = jnp.exp(z - m)
    s = jnp.sum(ex, axis=1, keepdims=True)
    o_ref[...] = z - m - jnp.log(s)


def _k9(p0, p1, d20, d21, b2):
    f = pl.pallas_call(
        _k9_body,
        grid=(N // ROWBLK,),
        in_specs=[
            pl.BlockSpec((ROWBLK, 64), lambda i: (i, 0)),
            pl.BlockSpec((ROWBLK, 64), lambda i: (i, 0)),
            pl.BlockSpec((ROWBLK, 16), lambda i: (i, 0)),
            pl.BlockSpec((ROWBLK, 16), lambda i: (i, 0)),
            pl.BlockSpec((1, 64), lambda i: (0, 0)),
        ],
        out_specs=pl.BlockSpec((ROWBLK, 64), lambda i: (i, 0)),
        out_shape=jax.ShapeDtypeStruct((N, 64), jnp.float32),
    )
    return f(p0, p1, d20, d21, b2)



@functools.partial(
    pl.kernel,
    out_type=[
        jax.ShapeDtypeStruct((NP, 128), jnp.float32),
        jax.ShapeDtypeStruct((NP, 128), jnp.float32),
        jax.ShapeDtypeStruct((NP, 16), jnp.float32),
        jax.ShapeDtypeStruct((NP, 16), jnp.float32),
    ],
    mesh=_MESH,
    compiler_params=_SC_PARAMS,
    scratch_types=[
        pltpu.VMEM((CE1,), jnp.int32),
        pltpu.VMEM((CE1,), jnp.int32),
        pltpu.VMEM((CE1, 16), jnp.float32),
        pltpu.VMEM((CE1, 16), jnp.float32),
        pltpu.VMEM((CE1, 16), jnp.float32),
        pltpu.VMEM((CE1, 128), jnp.float32),
        pltpu.VMEM((8, 16), jnp.float32),
        pltpu.VMEM_SHARED((NP, 16), jnp.float32),
        pltpu.VMEM_SHARED((NP, 128), jnp.float32),
        pltpu.SemaphoreType.DMA,
    ],
)
def _k23(as0, ad0, as1, ad1, mx1, h0, h1f, src_r, dst_r,
         out0, out1, rec0, rec1,
         idxa, idxb, ga, gb, eb, hb, mxb, den_sh, osh, sem):
    c = lax.axis_index("c")
    t = lax.axis_index("s")
    nch = EPT1 // CE1
    z = jnp.zeros((16,), jnp.float32)

    pltpu.sync_copy(mx1, mxb)

    def zrow(i, _):
        eb[i] = z
        for v in range(8):
            hb[i, pl.ds(v * 16, 16)] = z
        return 0

    lax.fori_loop(0, ZR, zrow, 0)
    for k in range(RPT // ZR):
        sl = pl.ds(t * RPT + k * ZR, ZR)
        pltpu.sync_copy(eb.at[pl.ds(0, ZR)], den_sh.at[sl])
        pltpu.sync_copy(hb.at[pl.ds(0, ZR)], osh.at[sl])
    plsc.subcore_barrier()

    def half(s, as_ref, ad_ref, h_ref, out_ref, rec_ref):
        shift = jnp.maximum(mxb[2 * s] + mxb[2 * s + 1], 0.0)

        def chunk(j, _):
            base = t * EPT1 + j * CE1
            pltpu.sync_copy(src_r.at[pl.ds(base, CE1)], idxa)
            pltpu.async_copy(as_ref.at[idxa], ga, sem)
            pltpu.async_copy(h_ref.at[idxa], hb, sem)
            pltpu.sync_copy(dst_r.at[pl.ds(base, CE1)], idxb)
            pltpu.async_copy(ad_ref.at[idxb], gb, sem)
            pltpu.make_async_copy(as_ref.at[idxa], ga, sem).wait()
            pltpu.make_async_copy(ad_ref.at[idxb], gb, sem).wait()
            pltpu.make_async_copy(h_ref.at[idxa], hb, sem).wait()

            @plsc.parallel_loop(0, CE1, unroll=4)
            def _(i):
                e = ga[i] + gb[i]
                e = jnp.where(e >= 0.0, e, 0.2 * e)
                ex = jnp.exp(e - shift)
                eb[i] = ex
                for v in range(8):
                    sl = pl.ds(v * 16, 16)
                    hb[i, sl] = hb[i, sl] * ex

            pltpu.sync_copy(eb, den_sh.at[idxb], add=True)
            pltpu.sync_copy(hb, osh.at[idxb], add=True)
            return 0

        lax.fori_loop(0, nch, chunk, 0)
        plsc.subcore_barrier()

        r0 = t * RPT
        pltpu.sync_copy(osh.at[pl.ds(r0, RPT)], out_ref.at[pl.ds(r0, RPT)])
        for k in range(RPT // ZR):
            sl = pl.ds(r0 + k * ZR, ZR)
            pltpu.sync_copy(den_sh.at[sl], eb.at[pl.ds(0, ZR)])

            @plsc.parallel_loop(0, ZR, unroll=4)
            def _(i):
                eb[i] = 1.0 / (eb[i] + 1e-16)

            pltpu.sync_copy(eb.at[pl.ds(0, ZR)], rec_ref.at[sl])

    @pl.when(c == 0)
    def _():
        half(0, as0, ad0, h0, out0, rec0)

    @pl.when(c == 1)
    def _():
        half(1, as1, ad1, h1f, out1, rec1)


@functools.partial(
    pl.kernel,
    out_type=[
        jax.ShapeDtypeStruct((NP, 64), jnp.float32),
        jax.ShapeDtypeStruct((NP, 64), jnp.float32),
        jax.ShapeDtypeStruct((NP, 16), jnp.float32),
        jax.ShapeDtypeStruct((NP, 16), jnp.float32),
    ],
    mesh=_MESH,
    compiler_params=_SC_PARAMS,
    scratch_types=[
        pltpu.VMEM((CE2,), jnp.int32),
        pltpu.VMEM((CE2,), jnp.int32),
        pltpu.VMEM((CE2, 16), jnp.float32),
        pltpu.VMEM((CE2, 16), jnp.float32),
        pltpu.VMEM((CE2, 16), jnp.float32),
        pltpu.VMEM((CE2, 64), jnp.float32),
        pltpu.VMEM((8, 16), jnp.float32),
        pltpu.VMEM_SHARED((NP, 16), jnp.float32),
        pltpu.VMEM_SHARED((NP, 64), jnp.float32),
        pltpu.SemaphoreType.DMA,
    ],
)
def _k78(a2s, a2d, mx2, h2, src_r, dst_r, o2p0, o2p1, d20, d21,
         idxa, idxb, ga, gb, eb, hb, mxb, den_sh, osh, sem):
    c = lax.axis_index("c")
    t = lax.axis_index("s")
    nch = EPT2 // CE2
    z = jnp.zeros((16,), jnp.float32)

    pltpu.sync_copy(mx2, mxb)
    shift = jnp.maximum(mxb[0] + mxb[1], 0.0)

    def zrow(i, _):
        eb[i] = z
        for v in range(4):
            hb[i, pl.ds(v * 16, 16)] = z
        return 0

    lax.fori_loop(0, ZR, zrow, 0)
    for k in range(RPT // ZR):
        sl = pl.ds(t * RPT + k * ZR, ZR)
        pltpu.sync_copy(eb.at[pl.ds(0, ZR)], den_sh.at[sl])
        pltpu.sync_copy(hb.at[pl.ds(0, ZR)], osh.at[sl])
    plsc.subcore_barrier()

    def chunk(j, _):
        base = c * (E // 2) + t * EPT2 + j * CE2
        pltpu.sync_copy(src_r.at[pl.ds(base, CE2)], idxa)
        pltpu.async_copy(a2s.at[idxa], ga, sem)
        pltpu.async_copy(h2.at[idxa], hb, sem)
        pltpu.sync_copy(dst_r.at[pl.ds(base, CE2)], idxb)
        pltpu.async_copy(a2d.at[idxb], gb, sem)
        pltpu.make_async_copy(a2s.at[idxa], ga, sem).wait()
        pltpu.make_async_copy(a2d.at[idxb], gb, sem).wait()
        pltpu.make_async_copy(h2.at[idxa], hb, sem).wait()

        @plsc.parallel_loop(0, CE2, unroll=4)
        def _(i):
            e = ga[i] + gb[i]
            e = jnp.where(e >= 0.0, e, 0.2 * e)
            ex = jnp.exp(e - shift)
            eb[i] = ex
            for v in range(4):
                sl = pl.ds(v * 16, 16)
                hb[i, sl] = hb[i, sl] * ex

        pltpu.sync_copy(eb, den_sh.at[idxb], add=True)
        pltpu.sync_copy(hb, osh.at[idxb], add=True)
        return 0

    lax.fori_loop(0, nch, chunk, 0)
    plsc.subcore_barrier()

    r0 = t * RPT

    @pl.when(c == 0)
    def _():
        pltpu.sync_copy(den_sh.at[pl.ds(r0, RPT)], d20.at[pl.ds(r0, RPT)])
        pltpu.sync_copy(osh.at[pl.ds(r0, RPT)], o2p0.at[pl.ds(r0, RPT)])

    @pl.when(c == 1)
    def _():
        pltpu.sync_copy(den_sh.at[pl.ds(r0, RPT)], d21.at[pl.ds(r0, RPT)])
        pltpu.sync_copy(osh.at[pl.ds(r0, RPT)], o2p1.at[pl.ds(r0, RPT)])



def kernel(x, edge_index, W1, att_src1, att_dst1, b1, W2, att_src2, att_dst2, b2):
    src = edge_index[0]
    dst = edge_index[1]

    perm = jnp.asarray(_PERM)
    w1p = W1[:, perm]
    v_src = jnp.sum(W1.reshape(128, H1, C1) * att_src1[None], axis=-1)
    v_dst = jnp.sum(W1.reshape(128, H1, C1) * att_dst1[None], axis=-1)
    rep = jnp.asarray(np.tile(np.arange(4), 4))
    wbig = jnp.concatenate(
        [w1p,
         v_src[:, 0 + rep], v_dst[:, 0 + rep],
         v_src[:, 4 + rep], v_dst[:, 4 + rep]], axis=1)
    b1p = b1[perm][None, :]
    w2p = W2[perm, :]
    v2sd = jnp.stack([w2p @ att_src2[0], w2p @ att_dst2[0]], axis=1)

    h0, h1f, as0, ad0, as1, ad1, mx1 = _k1(x, wbig)
    out0, out1, rec0, rec1 = _k23(as0, ad0, as1, ad1, mx1, h0, h1f, src, dst)

    h2, a2s_t, a2d_t, mx2 = _k5(out0, out1, rec0, rec1, b1p, w2p, v2sd)
    o2p0, o2p1, d20, d21 = _k78(a2s_t, a2d_t, mx2, h2, src, dst)
    return _k9(o2p0, o2p1, d20, d21, b2[None, :])

# --- scband reference (transcript-rebuilt; emitter-appended) ---
"""Pipeline reference for scband-gat-43112881717637 (READ-ONLY COPY).

The authoritative reference and input builder live on the scoring server;
editing this copy changes nothing except your own understanding.
"""

import jax, jax.numpy as jnp
import numpy as np

N_NODES = 10000
N_EDGES = 320000
IN_CH = 128
HID = 32
OUT_CH = 64
HEADS1 = 8
HEADS2 = 1


def _glorot(key, shape):
    fan_in, fan_out = shape[0], shape[-1]
    limit = 1.414 * np.sqrt(6.0 / (fan_in + fan_out))
    return jax.random.uniform(key, shape, dtype=jnp.float32, minval=-limit, maxval=limit)


def _gat_conv(x, edge_index, W, att_src, att_dst, bias, heads, out_ch, concat):
    # PyG-style GATConv, eval mode (no dropout)
    src = edge_index[0]
    dst = edge_index[1]
    n = x.shape[0]
    h = (x @ W).reshape(n, heads, out_ch)                      # [N, H, C]
    a_src = jnp.sum(h * att_src[None, :, :], axis=-1)          # [N, H]
    a_dst = jnp.sum(h * att_dst[None, :, :], axis=-1)          # [N, H]
    e = a_src[src] + a_dst[dst]                                # [E, H] gather
    e = jax.nn.leaky_relu(e, negative_slope=0.2)
    # softmax over incoming edges per destination node
    e_max = jax.ops.segment_max(e, dst, num_segments=n)
    e_max = jnp.where(jnp.isfinite(e_max), e_max, 0.0)
    ex = jnp.exp(e - e_max[dst])
    denom = jax.ops.segment_sum(ex, dst, num_segments=n)
    alpha = ex / (denom[dst] + 1e-16)                          # [E, H]
    msg = h[src] * alpha[:, :, None]                           # [E, H, C] gather
    out = jax.ops.segment_sum(msg, dst, num_segments=n)        # [N, H, C] scatter-add
    if concat:
        out = out.reshape(n, heads * out_ch)
    else:
        out = out.mean(axis=1)
    return out + bias


def setup_inputs(seed: int = 0) -> dict:
    key = jax.random.key(seed)
    ks = jax.random.split(key, 12)
    x = jax.random.normal(ks[0], (N_NODES, IN_CH), dtype=jnp.float32)
    edge_index = jax.random.randint(ks[1], (2, N_EDGES), 0, N_NODES, dtype=jnp.int32)
    W1 = _glorot(ks[2], (IN_CH, HEADS1 * HID))
    att_src1 = _glorot(ks[3], (HEADS1, HID))
    att_dst1 = _glorot(ks[4], (HEADS1, HID))
    b1 = jnp.zeros((HEADS1 * HID,), dtype=jnp.float32)
    W2 = _glorot(ks[5], (HEADS1 * HID, HEADS2 * OUT_CH))
    att_src2 = _glorot(ks[6], (HEADS2, OUT_CH))
    att_dst2 = _glorot(ks[7], (HEADS2, OUT_CH))
    b2 = jnp.zeros((OUT_CH,), dtype=jnp.float32)
    return {"x": x, "edge_index": edge_index, "W1": W1, "att_src1": att_src1,
            "att_dst1": att_dst1, "b1": b1, "W2": W2, "att_src2": att_src2,
            "att_dst2": att_dst2, "b2": b2}


def reference(x, edge_index, W1, att_src1, att_dst1, b1, W2, att_src2, att_dst2, b2):
    # eval-mode forward: F.dropout is identity when training=False
    h1 = _gat_conv(x, edge_index, W1, att_src1, att_dst1, b1, HEADS1, HID, True)
    h1 = jax.nn.elu(h1)
    h2 = _gat_conv(h1, edge_index, W2, att_src2, att_dst2, b2, HEADS2, OUT_CH, False)
    return jax.nn.log_softmax(h2, axis=1)

if __name__ == "__main__":
    import jax
    _d = setup_inputs()
    print(jax.jit(kernel)(*tuple(_d.values())))

</pallas_src>

<mosaic_0001>
#map = affine_map<(d0, d1) -> (0, 0)>
#map1 = affine_map<(d0, d1) -> (0)>
module attributes {stable_mosaic.version = 14 : i64} {
  func.func @_k78(%arg0: i32, %arg1: i32, %arg2: memref<10000x16xf32, #tpu.memory_space<hbm>>, %arg3: memref<10000x16xf32, #tpu.memory_space<hbm>>, %arg4: memref<8x16xf32, #tpu.memory_space<hbm>>, %arg5: memref<10000x64xf32, #tpu.memory_space<hbm>>, %arg6: memref<320000xi32, #tpu.memory_space<hbm>>, %arg7: memref<320000xi32, #tpu.memory_space<hbm>>, %arg8: memref<10240x64xf32, #tpu.memory_space<hbm>>, %arg9: memref<10240x64xf32, #tpu.memory_space<hbm>>, %arg10: memref<10240x16xf32, #tpu.memory_space<hbm>>, %arg11: memref<10240x16xf32, #tpu.memory_space<hbm>>, %arg12: memref<400xi32, #tpu.memory_space<vmem>>, %arg13: memref<400xi32, #tpu.memory_space<vmem>>, %arg14: memref<400x16xf32, #tpu.memory_space<vmem>>, %arg15: memref<400x16xf32, #tpu.memory_space<vmem>>, %arg16: memref<400x16xf32, #tpu.memory_space<vmem>>, %arg17: memref<400x64xf32, #tpu.memory_space<vmem>>, %arg18: memref<8x16xf32, #tpu.memory_space<vmem>>, %arg19: memref<10240x16xf32, #tpu.memory_space<vmem_shared>>, %arg20: memref<10240x64xf32, #tpu.memory_space<vmem_shared>>, %arg21: memref<!tpu.dma_semaphore, #tpu.memory_space<semaphore_mem>>) attributes {dimension_semantics = [#tpu.dimension_semantics<core_parallel>, #tpu.dimension_semantics<subcore_parallel>], iteration_bounds = array<i64: 2, 16>, scalar_prefetch = 0 : i64, scratch_operands = 10 : i64, tpu.core_type = #tpu.core_type<sc_vector_subcore>, window_params = [{transform_indices = #map}, {transform_indices = #map}, {transform_indices = #map}, {transform_indices = #map}, {transform_indices = #map1}, {transform_indices = #map1}, {transform_indices = #map}, {transform_indices = #map}, {transform_indices = #map}, {transform_indices = #map}]} {
    %broadcast_in_dim3A = arith.constant 0.000000e+00 : f32
    %broadcast_in_dim3A_0 = vector.broadcast %broadcast_in_dim3A : f32 to vector<16xf32>
    "tpu.region"() ({
      %run_scoped3A = tpu.sem_alloc : memref<!tpu.dma_semaphore, #tpu.memory_space<semaphore_mem>>
      tpu.enqueue_dma source(%arg4 : memref<8x16xf32, #tpu.memory_space<hbm>>) target(%arg18 : memref<8x16xf32, #tpu.memory_space<vmem>>) target_semaphore(%run_scoped3A : memref<!tpu.dma_semaphore, #tpu.memory_space<semaphore_mem>>)
      tpu.wait_dma2 semaphore(%run_scoped3A : memref<!tpu.dma_semaphore, #tpu.memory_space<semaphore_mem>>) src(%arg4 : memref<8x16xf32, #tpu.memory_space<hbm>>) dst(%arg18 : memref<8x16xf32, #tpu.memory_space<vmem>>)
      tpu.yield
    }) : () -> ()
    %get3A = arith.constant 0 : i32
    %get3A_1 = arith.index_cast %get3A : i32 to index
    %get3A_2 = arith.constant 0 : index
    %get3A_3 = tpu.vector_load %arg18[%get3A_1, %get3A_2] {strides = array<i32>} : memref<8x16xf32, #tpu.memory_space<vmem>>, vector<16xf32>,
    %get3A_4 = arith.constant 1 : i32
    %get3A_5 = arith.index_cast %get3A_4 : i32 to index
    %get3A_6 = arith.constant 0 : index
    %get3A_7 = tpu.vector_load %arg18[%get3A_5, %get3A_6] {strides = array<i32>} : memref<8x16xf32, #tpu.memory_space<vmem>>, vector<16xf32>,
    %add3A = arith.addf %get3A_3, %get3A_7 : vector<16xf32>
    %max3A = arith.constant 0.000000e+00 : f32
    %max3A_8 = vector.broadcast %max3A : f32 to vector<16xf32>
    %max3A_9 = arith.maximumf %add3A, %max3A_8 : vector<16xf32>
    %scan3A = arith.constant 0 : i32
    %scan3A_10 = arith.constant 0 : i32
    %scan3A_11 = arith.constant 80 : i32
    %scan3A_12 = arith.addi %scan3A_10, %scan3A_11 : i32
    %scan3A_13 = arith.constant 1 : i32
    %scan3A_14 = scf.for %scan3A_64 = %scan3A_10 to %scan3A_12 step %scan3A_13 iter_args(%scan3A_65 = %scan3A) -> (i32)  : i32 {
      %swap3A = arith.index_cast %scan3A_64 : i32 to index
      %swap3A_66 = arith.constant 0 : index
      %swap3A_67 = tpu.vector_load %arg16[%swap3A, %swap3A_66] {strides = array<i32>} : memref<400x16xf32, #tpu.memory_space<vmem>>, vector<16xf32>,
      tpu.vector_store %arg16[%swap3A, %swap3A_66], %broadcast_in_dim3A_0 {strides = array<i32>} : memref<400x16xf32, #tpu.memory_space<vmem>>, vector<16xf32>,
      %swap3A_68 = arith.index_cast %scan3A_64 : i32 to index
      %swap3A_69 = arith.constant 0 : index
      %swap3A_70 = tpu.vector_load %arg17[%swap3A_68, %swap3A_69] {strides = array<i32>} : memref<400x64xf32, #tpu.memory_space<vmem>>, vector<16xf32>,
      tpu.vector_store %arg17[%swap3A_68, %swap3A_69], %broadcast_in_dim3A_0 {strides = array<i32>} : memref<400x64xf32, #tpu.memory_space<vmem>>, vector<16xf32>,
      %swap3A_71 = arith.index_cast %scan3A_64 : i32 to index
      %swap3A_72 = arith.constant 16 : index
      %swap3A_73 = tpu.vector_load %arg17[%swap3A_71, %swap3A_72] {strides = array<i32>} : memref<400x64xf32, #tpu.memory_space<vmem>>, vector<16xf32>,
      tpu.vector_store %arg17[%swap3A_71, %swap3A_72], %broadcast_in_dim3A_0 {strides = array<i32>} : memref<400x64xf32, #tpu.memory_space<vmem>>, vector<16xf32>,
      %swap3A_74 = arith.index_cast %scan3A_64 : i32 to index
      %swap3A_75 = arith.constant 32 : index
      %swap3A_76 = tpu.vector_load %arg17[%swap3A_74, %swap3A_75] {strides = array<i32>} : memref<400x64xf32, #tpu.memory_space<vmem>>, vector<16xf32>,
      tpu.vector_store %arg17[%swap3A_74, %swap3A_75], %broadcast_in_dim3A_0 {strides = array<i32>} : memref<400x64xf32, #tpu.memory_space<vmem>>, vector<16xf32>,
      %swap3A_77 = arith.index_cast %scan3A_64 : i32 to index
      %swap3A_78 = arith.constant 48 : index
      %swap3A_79 = tpu.vector_load %arg17[%swap3A_77, %swap3A_78] {strides = array<i32>} : memref<400x64xf32, #tpu.memory_space<vmem>>, vector<16xf32>,
      tpu.vector_store %arg17[%swap3A_77, %swap3A_78], %broadcast_in_dim3A_0 {strides = array<i32>} : memref<400x64xf32, #tpu.memory_space<vmem>>, vector<16xf32>,
      %scan3A_80 = arith.constant 0 : i32
      scf.yield %scan3A_80 : i32
    }
    %scan3A_15 = arith.constant 80 : i32
    %mul3A = arith.constant 640 : i32
    %mul3A_16 = arith.muli %arg1, %mul3A : i32
    %add3A_17 = arith.constant 0 : i32
    %add3A_18 = arith.addi %mul3A_16, %add3A_17 : i32
    "tpu.region"() ({
      %run_scoped3A = tpu.sem_alloc : memref<!tpu.dma_semaphore, #tpu.memory_space<semaphore_mem>>
      %dma_start3A = arith.constant 0 : i32
      %dma_start3A_64 = arith.constant 0 : i32
      %dma_start3A_65 = tpu.memref_slice %arg16[%dma_start3A, %dma_start3A_64] : memref<400x16xf32, #tpu.memory_space<vmem>> -> memref<80x16xf32, #tpu.memory_space<vmem>>
      %dma_start3A_66 = arith.constant 0 : i32
      %dma_start3A_67 = tpu.memref_slice %arg19[%add3A_18, %dma_start3A_66] : memref<10240x16xf32, #tpu.memory_space<vmem_shared>> -> memref<80x16xf32, #tpu.memory_space<vmem_shared>>
      %dma_start3A_68 = arith.constant 0 : i32
      %dma_start3A_69 = tpu.memref_slice %arg19[%add3A_18, %dma_start3A_68] : memref<10240x16xf32, #tpu.memory_space<vmem_shared>> -> memref<80x16xf32, #tpu.memory_space<vmem_shared>>
      %dma_start3A_70 = arith.constant 0 : i32
      %dma_start3A_71 = arith.constant 0 : i32
      %dma_start3A_72 = tpu.memref_slice %arg16[%dma_start3A_70, %dma_start3A_71] : memref<400x16xf32, #tpu.memory_space<vmem>> -> memref<80x16xf32, #tpu.memory_space<vmem>>
      tpu.enqueue_dma source(%dma_start3A_72 : memref<80x16xf32, #tpu.memory_space<vmem>>) target(%dma_start3A_69 : memref<80x16xf32, #tpu.memory_space<vmem_shared>>) target_semaphore(%run_scoped3A : memref<!tpu.dma_semaphore, #tpu.memory_space<semaphore_mem>>)
      %dma_wait3A = arith.constant 0 : i32
      %dma_wait3A_73 = arith.constant 0 : i32
      %dma_wait3A_74 = tpu.memref_slice %arg16[%dma_wait3A, %dma_wait3A_73] : memref<400x16xf32, #tpu.memory_space<vmem>> -> memref<80x16xf32, #tpu.memory_space<vmem>>
      %dma_wait3A_75 = arith.constant 0 : i32
      %dma_wait3A_76 = tpu.memref_slice %arg19[%add3A_18, %dma_wait3A_75] : memref<10240x16xf32, #tpu.memory_space<vmem_shared>> -> memref<80x16xf32, #tpu.memory_space<vmem_shared>>
      %dma_wait3A_77 = arith.constant 0 : i32
      %dma_wait3A_78 = tpu.memref_slice %arg19[%add3A_18, %dma_wait3A_77] : memref<10240x16xf32, #tpu.memory_space<vmem_shared>> -> memref<80x16xf32, #tpu.memory_space<vmem_shared>>
      %dma_wait3A_79 = arith.constant 0 : i32
      %dma_wait3A_80 = arith.constant 0 : i32
      %dma_wait3A_81 = tpu.memref_slice %arg16[%dma_wait3A_79, %dma_wait3A_80] : memref<400x16xf32, #tpu.memory_space<vmem>> -> memref<80x16xf32, #tpu.memory_space<vmem>>
      tpu.wait_dma2 semaphore(%run_scoped3A : memref<!tpu.dma_semaphore, #tpu.memory_space<semaphore_mem>>) src(%dma_wait3A_81 : memref<80x16xf32, #tpu.memory_space<vmem>>) dst(%dma_wait3A_78 : memref<80x16xf32, #tpu.memory_space<vmem_shared>>)
      tpu.yield
    }) : () -> ()
    "tpu.region"() ({
      %run_scoped3A = tpu.sem_alloc : memref<!tpu.dma_semaphore, #tpu.memory_space<semaphore_mem>>
      %dma_start3A = arith.constant 0 : i32
      %dma_start3A_64 = arith.constant 0 : i32
      %dma_start3A_65 = tpu.memref_slice %arg17[%dma_start3A, %dma_start3A_64] : memref<400x64xf32, #tpu.memory_space<vmem>> -> memref<80x64xf32, #tpu.memory_space<vmem>>
      %dma_start3A_66 = arith.constant 0 : i32
      %dma_start3A_67 = tpu.memref_slice %arg20[%add3A_18, %dma_start3A_66] : memref<10240x64xf32, #tpu.memory_space<vmem_shared>> -> memref<80x64xf32, #tpu.memory_space<vmem_shared>>
      %dma_start3A_68 = arith.constant 0 : i32
      %dma_start3A_69 = tpu.memref_slice %arg20[%add3A_18, %dma_start3A_68] : memref<10240x64xf32, #tpu.memory_space<vmem_shared>> -> memref<80x64xf32, #tpu.memory_space<vmem_shared>>
      %dma_start3A_70 = arith.constant 0 : i32
      %dma_start3A_71 = arith.constant 0 : i32
      %dma_start3A_72 = tpu.memref_slice %arg17[%dma_start3A_70, %dma_start3A_71] : memref<400x64xf32, #tpu.memory_space<vmem>> -> memref<80x64xf32, #tpu.memory_space<vmem>>
      tpu.enqueue_dma source(%dma_start3A_72 : memref<80x64xf32, #tpu.memory_space<vmem>>) target(%dma_start3A_69 : memref<80x64xf32, #tpu.memory_space<vmem_shared>>) target_semaphore(%run_scoped3A : memref<!tpu.dma_semaphore, #tpu.memory_space<semaphore_mem>>)
      %dma_wait3A = arith.constant 0 : i32
      %dma_wait3A_73 = arith.constant 0 : i32
      %dma_wait3A_74 = tpu.memref_slice %arg17[%dma_wait3A, %dma_wait3A_73] : memref<400x64xf32, #tpu.memory_space<vmem>> -> memref<80x64xf32, #tpu.memory_space<vmem>>
      %dma_wait3A_75 = arith.constant 0 : i32
      %dma_wait3A_76 = tpu.memref_slice %arg20[%add3A_18, %dma_wait3A_75] : memref<10240x64xf32, #tpu.memory_space<vmem_shared>> -> memref<80x64xf32, #tpu.memory_space<vmem_shared>>
      %dma_wait3A_77 = arith.constant 0 : i32
      %dma_wait3A_78 = tpu.memref_slice %arg20[%add3A_18, %dma_wait3A_77] : memref<10240x64xf32, #tpu.memory_space<vmem_shared>> -> memref<80x64xf32, #tpu.memory_space<vmem_shared>>
      %dma_wait3A_79 = arith.constant 0 : i32
      %dma_wait3A_80 = arith.constant 0 : i32
      %dma_wait3A_81 = tpu.memref_slice %arg17[%dma_wait3A_79, %dma_wait3A_80] : memref<400x64xf32, #tpu.memory_space<vmem>> -> memref<80x64xf32, #tpu.memory_space<vmem>>
      tpu.wait_dma2 semaphore(%run_scoped3A : memref<!tpu.dma_semaphore, #tpu.memory_space<semaphore_mem>>) src(%dma_wait3A_81 : memref<80x64xf32, #tpu.memory_space<vmem>>) dst(%dma_wait3A_78 : memref<80x64xf32, #tpu.memory_space<vmem_shared>>)
      tpu.yield
    }) : () -> ()
    %mul3A_19 = arith.constant 640 : i32
    %mul3A_20 = arith.muli %arg1, %mul3A_19 : i32
    %add3A_21 = arith.constant 80 : i32
    %add3A_22 = arith.addi %mul3A_20, %add3A_21 : i32
    "tpu.region"() ({
      %run_scoped3A = tpu.sem_alloc : memref<!tpu.dma_semaphore, #tpu.memory_space<semaphore_mem>>
      %dma_start3A = arith.constant 0 : i32
      %dma_start3A_64 = arith.constant 0 : i32
      %dma_start3A_65 = tpu.memref_slice %arg16[%dma_start3A, %dma_start3A_64] : memref<400x16xf32, #tpu.memory_space<vmem>> -> memref<80x16xf32, #tpu.memory_space<vmem>>
      %dma_start3A_66 = arith.constant 0 : i32
      %dma_start3A_67 = tpu.memref_slice %arg19[%add3A_22, %dma_start3A_66] : memref<10240x16xf32, #tpu.memory_space<vmem_shared>> -> memref<80x16xf32, #tpu.memory_space<vmem_shared>>
      %dma_start3A_68 = arith.constant 0 : i32
      %dma_start3A_69 = tpu.memref_slice %arg19[%add3A_22, %dma_start3A_68] : memref<10240x16xf32, #tpu.memory_space<vmem_shared>> -> memref<80x16xf32, #tpu.memory_space<vmem_shared>>
      %dma_start3A_70 = arith.constant 0 : i32
      %dma_start3A_71 = arith.constant 0 : i32
      %dma_start3A_72 = tpu.memref_slice %arg16[%dma_start3A_70, %dma_start3A_71] : memref<400x16xf32, #tpu.memory_space<vmem>> -> memref<80x16xf32, #tpu.memory_space<vmem>>
      tpu.enqueue_dma source(%dma_start3A_72 : memref<80x16xf32, #tpu.memory_space<vmem>>) target(%dma_start3A_69 : memref<80x16xf32, #tpu.memory_space<vmem_shared>>) target_semaphore(%run_scoped3A : memref<!tpu.dma_semaphore, #tpu.memory_space<semaphore_mem>>)
      %dma_wait3A = arith.constant 0 : i32
      %dma_wait3A_73 = arith.constant 0 : i32
      %dma_wait3A_74 = tpu.memref_slice %arg16[%dma_wait3A, %dma_wait3A_73] : memref<400x16xf32, #tpu.memory_space<vmem>> -> memref<80x16xf32, #tpu.memory_space<vmem>>
      %dma_wait3A_75 = arith.constant 0 : i32
      %dma_wait3A_76 = tpu.memref_slice %arg19[%add3A_22, %dma_wait3A_75] : memref<10240x16xf32, #tpu.memory_space<vmem_shared>> -> memref<80x16xf32, #tpu.memory_space<vmem_shared>>
      %dma_wait3A_77 = arith.constant 0 : i32
      %dma_wait3A_78 = tpu.memref_slice %arg19[%add3A_22, %dma_wait3A_77] : memref<10240x16xf32, #tpu.memory_space<vmem_shared>> -> memref<80x16xf32, #tpu.memory_space<vmem_shared>>
      %dma_wait3A_79 = arith.constant 0 : i32
      %dma_wait3A_80 = arith.constant 0 : i32
      %dma_wait3A_81 = tpu.memref_slice %arg16[%dma_wait3A_79, %dma_wait3A_80] : memref<400x16xf32, #tpu.memory_space<vmem>> -> memref<80x16xf32, #tpu.memory_space<vmem>>
      tpu.wait_dma2 semaphore(%run_scoped3A : memref<!tpu.dma_semaphore, #tpu.memory_space<semaphore_mem>>) src(%dma_wait3A_81 : memref<80x16xf32, #tpu.memory_space<vmem>>) dst(%dma_wait3A_78 : memref<80x16xf32, #tpu.memory_space<vmem_shared>>)
      tpu.yield
    }) : () -> ()
    "tpu.region"() ({
      %run_scoped3A = tpu.sem_alloc : memref<!tpu.dma_semaphore, #tpu.memory_space<semaphore_mem>>
      %dma_start3A = arith.constant 0 : i32
      %dma_start3A_64 = arith.constant 0 : i32
      %dma_start3A_65 = tpu.memref_slice %arg17[%dma_start3A, %dma_start3A_64] : memref<400x64xf32, #tpu.memory_space<vmem>> -> memref<80x64xf32, #tpu.memory_space<vmem>>
      %dma_start3A_66 = arith.constant 0 : i32
      %dma_start3A_67 = tpu.memref_slice %arg20[%add3A_22, %dma_start3A_66] : memref<10240x64xf32, #tpu.memory_space<vmem_shared>> -> memref<80x64xf32, #tpu.memory_space<vmem_shared>>
      %dma_start3A_68 = arith.constant 0 : i32
      %dma_start3A_69 = tpu.memref_slice %arg20[%add3A_22, %dma_start3A_68] : memref<10240x64xf32, #tpu.memory_space<vmem_shared>> -> memref<80x64xf32, #tpu.memory_space<vmem_shared>>
      %dma_start3A_70 = arith.constant 0 : i32
      %dma_start3A_71 = arith.constant 0 : i32
      %dma_start3A_72 = tpu.memref_slice %arg17[%dma_start3A_70, %dma_start3A_71] : memref<400x64xf32, #tpu.memory_space<vmem>> -> memref<80x64xf32, #tpu.memory_space<vmem>>
      tpu.enqueue_dma source(%dma_start3A_72 : memref<80x64xf32, #tpu.memory_space<vmem>>) target(%dma_start3A_69 : memref<80x64xf32, #tpu.memory_space<vmem_shared>>) target_semaphore(%run_scoped3A : memref<!tpu.dma_semaphore, #tpu.memory_space<semaphore_mem>>)
      %dma_wait3A = arith.constant 0 : i32
      %dma_wait3A_73 = arith.constant 0 : i32
      %dma_wait3A_74 = tpu.memref_slice %arg17[%dma_wait3A, %dma_wait3A_73] : memref<400x64xf32, #tpu.memory_space<vmem>> -> memref<80x64xf32, #tpu.memory_space<vmem>>
      %dma_wait3A_75 = arith.constant 0 : i32
      %dma_wait3A_76 = tpu.memref_slice %arg20[%add3A_22, %dma_wait3A_75] : memref<10240x64xf32, #tpu.memory_space<vmem_shared>> -> memref<80x64xf32, #tpu.memory_space<vmem_shared>>
      %dma_wait3A_77 = arith.constant 0 : i32
      %dma_wait3A_78 = tpu.memref_slice %arg20[%add3A_22, %dma_wait3A_77] : memref<10240x64xf32, #tpu.memory_space<vmem_shared>> -> memref<80x64xf32, #tpu.memory_space<vmem_shared>>
      %dma_wait3A_79 = arith.constant 0 : i32
      %dma_wait3A_80 = arith.constant 0 : i32
      %dma_wait3A_81 = tpu.memref_slice %arg17[%dma_wait3A_79, %dma_wait3A_80] : memref<400x64xf32, #tpu.memory_space<vmem>> -> memref<80x64xf32, #tpu.memory_space<vmem>>
      tpu.wait_dma2 semaphore(%run_scoped3A : memref<!tpu.dma_semaphore, #tpu.memory_space<semaphore_mem>>) src(%dma_wait3A_81 : memref<80x64xf32, #tpu.memory_space<vmem>>) dst(%dma_wait3A_78 : memref<80x64xf32, #tpu.memory_space<vmem_shared>>)
      tpu.yield
    }) : () -> ()
    %mul3A_23 = arith.constant 640 : i32
    %mul3A_24 = arith.muli %arg1, %mul3A_23 : i32
    %add3A_25 = arith.constant 160 : i32
    %add3A_26 = arith.addi %mul3A_24, %add3A_25 : i32
    "tpu.region"() ({
      %run_scoped3A = tpu.sem_alloc : memref<!tpu.dma_semaphore, #tpu.memory_space<semaphore_mem>>
      %dma_start3A = arith.constant 0 : i32
      %dma_start3A_64 = arith.constant 0 : i32
      %dma_start3A_65 = tpu.memref_slice %arg16[%dma_start3A, %dma_start3A_64] : memref<400x16xf32, #tpu.memory_space<vmem>> -> memref<80x16xf32, #tpu.memory_space<vmem>>
      %dma_start3A_66 = arith.constant 0 : i32
      %dma_start3A_67 = tpu.memref_slice %arg19[%add3A_26, %dma_start3A_66] : memref<10240x16xf32, #tpu.memory_space<vmem_shared>> -> memref<80x16xf32, #tpu.memory_space<vmem_shared>>
      %dma_start3A_68 = arith.constant 0 : i32
      %dma_start3A_69 = tpu.memref_slice %arg19[%add3A_26, %dma_start3A_68] : memref<10240x16xf32, #tpu.memory_space<vmem_shared>> -> memref<80x16xf32, #tpu.memory_space<vmem_shared>>
      %dma_start3A_70 = arith.constant 0 : i32
      %dma_start3A_71 = arith.constant 0 : i32
      %dma_start3A_72 = tpu.memref_slice %arg16[%dma_start3A_70, %dma_start3A_71] : memref<400x16xf32, #tpu.memory_space<vmem>> -> memref<80x16xf32, #tpu.memory_space<vmem>>
      tpu.enqueue_dma source(%dma_start3A_72 : memref<80x16xf32, #tpu.memory_space<vmem>>) target(%dma_start3A_69 : memref<80x16xf32, #tpu.memory_space<vmem_shared>>) target_semaphore(%run_scoped3A : memref<!tpu.dma_semaphore, #tpu.memory_space<semaphore_mem>>)
      %dma_wait3A = arith.constant 0 : i32
      %dma_wait3A_73 = arith.constant 0 : i32
      %dma_wait3A_74 = tpu.memref_slice %arg16[%dma_wait3A, %dma_wait3A_73] : memref<400x16xf32, #tpu.memory_space<vmem>> -> memref<80x16xf32, #tpu.memory_space<vmem>>
      %dma_wait3A_75 = arith.constant 0 : i32
      %dma_wait3A_76 = tpu.memref_slice %arg19[%add3A_26, %dma_wait3A_75] : memref<10240x16xf32, #tpu.memory_space<vmem_shared>> -> memref<80x16xf32, #tpu.memory_space<vmem_shared>>
      %dma_wait3A_77 = arith.constant 0 : i32
      %dma_wait3A_78 = tpu.memref_slice %arg19[%add3A_26, %dma_wait3A_77] : memref<10240x16xf32, #tpu.memory_space<vmem_shared>> -> memref<80x16xf32, #tpu.memory_space<vmem_shared>>
      %dma_wait3A_79 = arith.constant 0 : i32
      %dma_wait3A_80 = arith.constant 0 : i32
      %dma_wait3A_81 = tpu.memref_slice %arg16[%dma_wait3A_79, %dma_wait3A_80] : memref<400x16xf32, #tpu.memory_space<vmem>> -> memref<80x16xf32, #tpu.memory_space<vmem>>
      tpu.wait_dma2 semaphore(%run_scoped3A : memref<!tpu.dma_semaphore, #tpu.memory_space<semaphore_mem>>) src(%dma_wait3A_81 : memref<80x16xf32, #tpu.memory_space<vmem>>) dst(%dma_wait3A_78 : memref<80x16xf32, #tpu.memory_space<vmem_shared>>)
      tpu.yield
    }) : () -> ()
    "tpu.region"() ({
      %run_scoped3A = tpu.sem_alloc : memref<!tpu.dma_semaphore, #tpu.memory_space<semaphore_mem>>
      %dma_start3A = arith.constant 0 : i32
      %dma_start3A_64 = arith.constant 0 : i32
      %dma_start3A_65 = tpu.memref_slice %arg17[%dma_start3A, %dma_start3A_64] : memref<400x64xf32, #tpu.memory_space<vmem>> -> memref<80x64xf32, #tpu.memory_space<vmem>>
      %dma_start3A_66 = arith.constant 0 : i32
      %dma_start3A_67 = tpu.memref_slice %arg20[%add3A_26, %dma_start3A_66] : memref<10240x64xf32, #tpu.memory_space<vmem_shared>> -> memref<80x64xf32, #tpu.memory_space<vmem_shared>>
      %dma_start3A_68 = arith.constant 0 : i32
      %dma_start3A_69 = tpu.memref_slice %arg20[%add3A_26, %dma_start3A_68] : memref<10240x64xf32, #tpu.memory_space<vmem_shared>> -> memref<80x64xf32, #tpu.memory_space<vmem_shared>>
      %dma_start3A_70 = arith.constant 0 : i32
      %dma_start3A_71 = arith.constant 0 : i32
      %dma_start3A_72 = tpu.memref_slice %arg17[%dma_start3A_70, %dma_start3A_71] : memref<400x64xf32, #tpu.memory_space<vmem>> -> memref<80x64xf32, #tpu.memory_space<vmem>>
      tpu.enqueue_dma source(%dma_start3A_72 : memref<80x64xf32, #tpu.memory_space<vmem>>) target(%dma_start3A_69 : memref<80x64xf32, #tpu.memory_space<vmem_shared>>) target_semaphore(%run_scoped3A : memref<!tpu.dma_semaphore, #tpu.memory_space<semaphore_mem>>)
      %dma_wait3A = arith.constant 0 : i32
      %dma_wait3A_73 = arith.constant 0 : i32
      %dma_wait3A_74 = tpu.memref_slice %arg17[%dma_wait3A, %dma_wait3A_73] : memref<400x64xf32, #tpu.memory_space<vmem>> -> memref<80x64xf32, #tpu.memory_space<vmem>>
      %dma_wait3A_75 = arith.constant 0 : i32
      %dma_wait3A_76 = tpu.memref_slice %arg20[%add3A_26, %dma_wait3A_75] : memref<10240x64xf32, #tpu.memory_space<vmem_shared>> -> memref<80x64xf32, #tpu.memory_space<vmem_shared>>
      %dma_wait3A_77 = arith.constant 0 : i32
      %dma_wait3A_78 = tpu.memref_slice %arg20[%add3A_26, %dma_wait3A_77] : memref<10240x64xf32, #tpu.memory_space<vmem_shared>> -> memref<80x64xf32, #tpu.memory_space<vmem_shared>>
      %dma_wait3A_79 = arith.constant 0 : i32
      %dma_wait3A_80 = arith.constant 0 : i32
      %dma_wait3A_81 = tpu.memref_slice %arg17[%dma_wait3A_79, %dma_wait3A_80] : memref<400x64xf32, #tpu.memory_space<vmem>> -> memref<80x64xf32, #tpu.memory_space<vmem>>
      tpu.wait_dma2 semaphore(%run_scoped3A : memref<!tpu.dma_semaphore, #tpu.memory_space<semaphore_mem>>) src(%dma_wait3A_81 : memref<80x64xf32, #tpu.memory_space<vmem>>) dst(%dma_wait3A_78 : memref<80x64xf32, #tpu.memory_space<vmem_shared>>)
      tpu.yield
    }) : () -> ()
    %mul3A_27 = arith.constant 640 : i32
    %mul3A_28 = arith.muli %arg1, %mul3A_27 : i32
    %add3A_29 = arith.constant 240 : i32
    %add3A_30 = arith.addi %mul3A_28, %add3A_29 : i32
    "tpu.region"() ({
      %run_scoped3A = tpu.sem_alloc : memref<!tpu.dma_semaphore, #tpu.memory_space<semaphore_mem>>
      %dma_start3A = arith.constant 0 : i32
      %dma_start3A_64 = arith.constant 0 : i32
      %dma_start3A_65 = tpu.memref_slice %arg16[%dma_start3A, %dma_start3A_64] : memref<400x16xf32, #tpu.memory_space<vmem>> -> memref<80x16xf32, #tpu.memory_space<vmem>>
      %dma_start3A_66 = arith.constant 0 : i32
      %dma_start3A_67 = tpu.memref_slice %arg19[%add3A_30, %dma_start3A_66] : memref<10240x16xf32, #tpu.memory_space<vmem_shared>> -> memref<80x16xf32, #tpu.memory_space<vmem_shared>>
      %dma_start3A_68 = arith.constant 0 : i32
      %dma_start3A_69 = tpu.memref_slice %arg19[%add3A_30, %dma_start3A_68] : memref<10240x16xf32, #tpu.memory_space<vmem_shared>> -> memref<80x16xf32, #tpu.memory_space<vmem_shared>>
      %dma_start3A_70 = arith.constant 0 : i32
      %dma_start3A_71 = arith.constant 0 : i32
      %dma_start3A_72 = tpu.memref_slice %arg16[%dma_start3A_70, %dma_start3A_71] : memref<400x16xf32, #tpu.memory_space<vmem>> -> memref<80x16xf32, #tpu.memory_space<vmem>>
      tpu.enqueue_dma source(%dma_start3A_72 : memref<80x16xf32, #tpu.memory_space<vmem>>) target(%dma_start3A_69 : memref<80x16xf32, #tpu.memory_space<vmem_shared>>) target_semaphore(%run_scoped3A : memref<!tpu.dma_semaphore, #tpu.memory_space<semaphore_mem>>)
      %dma_wait3A = arith.constant 0 : i32
      %dma_wait3A_73 = arith.constant 0 : i32
      %dma_wait3A_74 = tpu.memref_slice %arg16[%dma_wait3A, %dma_wait3A_73] : memref<400x16xf32, #tpu.memory_space<vmem>> -> memref<80x16xf32, #tpu.memory_space<vmem>>
      %dma_wait3A_75 = arith.constant 0 : i32
      %dma_wait3A_76 = tpu.memref_slice %arg19[%add3A_30, %dma_wait3A_75] : memref<10240x16xf32, #tpu.memory_space<vmem_shared>> -> memref<80x16xf32, #tpu.memory_space<vmem_shared>>
      %dma_wait3A_77 = arith.constant 0 : i32
      %dma_wait3A_78 = tpu.memref_slice %arg19[%add3A_30, %dma_wait3A_77] : memref<10240x16xf32, #tpu.memory_space<vmem_shared>> -> memref<80x16xf32, #tpu.memory_space<vmem_shared>>
      %dma_wait3A_79 = arith.constant 0 : i32
      %dma_wait3A_80 = arith.constant 0 : i32
      %dma_wait3A_81 = tpu.memref_slice %arg16[%dma_wait3A_79, %dma_wait3A_80] : memref<400x16xf32, #tpu.memory_space<vmem>> -> memref<80x16xf32, #tpu.memory_space<vmem>>
      tpu.wait_dma2 semaphore(%run_scoped3A : memref<!tpu.dma_semaphore, #tpu.memory_space<semaphore_mem>>) src(%dma_wait3A_81 : memref<80x16xf32, #tpu.memory_space<vmem>>) dst(%dma_wait3A_78 : memref<80x16xf32, #tpu.memory_space<vmem_shared>>)
      tpu.yield
    }) : () -> ()
    "tpu.region"() ({
      %run_scoped3A = tpu.sem_alloc : memref<!tpu.dma_semaphore, #tpu.memory_space<semaphore_mem>>
      %dma_start3A = arith.constant 0 : i32
      %dma_start3A_64 = arith.constant 0 : i32
      %dma_start3A_65 = tpu.memref_slice %arg17[%dma_start3A, %dma_start3A_64] : memref<400x64xf32, #tpu.memory_space<vmem>> -> memref<80x64xf32, #tpu.memory_space<vmem>>
      %dma_start3A_66 = arith.constant 0 : i32
      %dma_start3A_67 = tpu.memref_slice %arg20[%add3A_30, %dma_start3A_66] : memref<10240x64xf32, #tpu.memory_space<vmem_shared>> -> memref<80x64xf32, #tpu.memory_space<vmem_shared>>
      %dma_start3A_68 = arith.constant 0 : i32
      %dma_start3A_69 = tpu.memref_slice %arg20[%add3A_30, %dma_start3A_68] : memref<10240x64xf32, #tpu.memory_space<vmem_shared>> -> memref<80x64xf32, #tpu.memory_space<vmem_shared>>
      %dma_start3A_70 = arith.constant 0 : i32
      %dma_start3A_71 = arith.constant 0 : i32
      %dma_start3A_72 = tpu.memref_slice %arg17[%dma_start3A_70, %dma_start3A_71] : memref<400x64xf32, #tpu.memory_space<vmem>> -> memref<80x64xf32, #tpu.memory_space<vmem>>
      tpu.enqueue_dma source(%dma_start3A_72 : memref<80x64xf32, #tpu.memory_space<vmem>>) target(%dma_start3A_69 : memref<80x64xf32, #tpu.memory_space<vmem_shared>>) target_semaphore(%run_scoped3A : memref<!tpu.dma_semaphore, #tpu.memory_space<semaphore_mem>>)
      %dma_wait3A = arith.constant 0 : i32
      %dma_wait3A_73 = arith.constant 0 : i32
      %dma_wait3A_74 = tpu.memref_slice %arg17[%dma_wait3A, %dma_wait3A_73] : memref<400x64xf32, #tpu.memory_space<vmem>> -> memref<80x64xf32, #tpu.memory_space<vmem>>
      %dma_wait3A_75 = arith.constant 0 : i32
      %dma_wait3A_76 = tpu.memref_slice %arg20[%add3A_30, %dma_wait3A_75] : memref<10240x64xf32, #tpu.memory_space<vmem_shared>> -> memref<80x64xf32, #tpu.memory_space<vmem_shared>>
      %dma_wait3A_77 = arith.constant 0 : i32
      %dma_wait3A_78 = tpu.memref_slice %arg20[%add3A_30, %dma_wait3A_77] : memref<10240x64xf32, #tpu.memory_space<vmem_shared>> -> memref<80x64xf32, #tpu.memory_space<vmem_shared>>
      %dma_wait3A_79 = arith.constant 0 : i32
      %dma_wait3A_80 = arith.constant 0 : i32
      %dma_wait3A_81 = tpu.memref_slice %arg17[%dma_wait3A_79, %dma_wait3A_80] : memref<400x64xf32, #tpu.memory_space<vmem>> -> memref<80x64xf32, #tpu.memory_space<vmem>>
      tpu.wait_dma2 semaphore(%run_scoped3A : memref<!tpu.dma_semaphore, #tpu.memory_space<semaphore_mem>>) src(%dma_wait3A_81 : memref<80x64xf32, #tpu.memory_space<vmem>>) dst(%dma_wait3A_78 : memref<80x64xf32, #tpu.memory_space<vmem_shared>>)
      tpu.yield
    }) : () -> ()
    %mul3A_31 = arith.constant 640 : i32
    %mul3A_32 = arith.muli %arg1, %mul3A_31 : i32
    %add3A_33 = arith.constant 320 : i32
    %add3A_34 = arith.addi %mul3A_32, %add3A_33 : i32
    "tpu.region"() ({
      %run_scoped3A = tpu.sem_alloc : memref<!tpu.dma_semaphore, #tpu.memory_space<semaphore_mem>>
      %dma_start3A = arith.constant 0 : i32
      %dma_start3A_64 = arith.constant 0 : i32
      %dma_start3A_65 = tpu.memref_slice %arg16[%dma_start3A, %dma_start3A_64] : memref<400x16xf32, #tpu.memory_space<vmem>> -> memref<80x16xf32, #tpu.memory_space<vmem>>
      %dma_start3A_66 = arith.constant 0 : i32
      %dma_start3A_67 = tpu.memref_slice %arg19[%add3A_34, %dma_start3A_66] : memref<10240x16xf32, #tpu.memory_space<vmem_shared>> -> memref<80x16xf32, #tpu.memory_space<vmem_shared>>
      %dma_start3A_68 = arith.constant 0 : i32
      %dma_start3A_69 = tpu.memref_slice %arg19[%add3A_34, %dma_start3A_68] : memref<10240x16xf32, #tpu.memory_space<vmem_shared>> -> memref<80x16xf32, #tpu.memory_space<vmem_shared>>
      %dma_start3A_70 = arith.constant 0 : i32
      %dma_start3A_71 = arith.constant 0 : i32
      %dma_start3A_72 = tpu.memref_slice %arg16[%dma_start3A_70, %dma_start3A_71] : memref<400x16xf32, #tpu.memory_space<vmem>> -> memref<80x16xf32, #tpu.memory_space<vmem>>
      tpu.enqueue_dma source(%dma_start3A_72 : memref<80x16xf32, #tpu.memory_space<vmem>>) target(%dma_start3A_69 : memref<80x16xf32, #tpu.memory_space<vmem_shared>>) target_semaphore(%run_scoped3A : memref<!tpu.dma_semaphore, #tpu.memory_space<semaphore_mem>>)
      %dma_wait3A = arith.constant 0 : i32
      %dma_wait3A_73 = arith.constant 0 : i32
      %dma_wait3A_74 = tpu.memref_slice %arg16[%dma_wait3A, %dma_wait3A_73] : memref<400x16xf32, #tpu.memory_space<vmem>> -> memref<80x16xf32, #tpu.memory_space<vmem>>
      %dma_wait3A_75 = arith.constant 0 : i32
      %dma_wait3A_76 = tpu.memref_slice %arg19[%add3A_34, %dma_wait3A_75] : memref<10240x16xf32, #tpu.memory_space<vmem_shared>> -> memref<80x16xf32, #tpu.memory_space<vmem_shared>>
      %dma_wait3A_77 = arith.constant 0 : i32
      %dma_wait3A_78 = tpu.memref_slice %arg19[%add3A_34, %dma_wait3A_77] : memref<10240x16xf32, #tpu.memory_space<vmem_shared>> -> memref<80x16xf32, #tpu.memory_space<vmem_shared>>
      %dma_wait3A_79 = arith.constant 0 : i32
      %dma_wait3A_80 = arith.constant 0 : i32
      %dma_wait3A_81 = tpu.memref_slice %arg16[%dma_wait3A_79, %dma_wait3A_80] : memref<400x16xf32, #tpu.memory_space<vmem>> -> memref<80x16xf32, #tpu.memory_space<vmem>>
      tpu.wait_dma2 semaphore(%run_scoped3A : memref<!tpu.dma_semaphore, #tpu.memory_space<semaphore_mem>>) src(%dma_wait3A_81 : memref<80x16xf32, #tpu.memory_space<vmem>>) dst(%dma_wait3A_78 : memref<80x16xf32, #tpu.memory_space<vmem_shared>>)
      tpu.yield
    }) : () -> ()
    "tpu.region"() ({
      %run_scoped3A = tpu.sem_alloc : memref<!tpu.dma_semaphore, #tpu.memory_space<semaphore_mem>>
      %dma_start3A = arith.constant 0 : i32
      %dma_start3A_64 = arith.constant 0 : i32
      %dma_start3A_65 = tpu.memref_slice %arg17[%dma_start3A, %dma_start3A_64] : memref<400x64xf32, #tpu.memory_space<vmem>> -> memref<80x64xf32, #tpu.memory_space<vmem>>
      %dma_start3A_66 = arith.constant 0 : i32
      %dma_start3A_67 = tpu.memref_slice %arg20[%add3A_34, %dma_start3A_66] : memref<10240x64xf32, #tpu.memory_space<vmem_shared>> -> memref<80x64xf32, #tpu.memory_space<vmem_shared>>
      %dma_start3A_68 = arith.constant 0 : i32
      %dma_start3A_69 = tpu.memref_slice %arg20[%add3A_34, %dma_start3A_68] : memref<10240x64xf32, #tpu.memory_space<vmem_shared>> -> memref<80x64xf32, #tpu.memory_space<vmem_shared>>
      %dma_start3A_70 = arith.constant 0 : i32
      %dma_start3A_71 = arith.constant 0 : i32
      %dma_start3A_72 = tpu.memref_slice %arg17[%dma_start3A_70, %dma_start3A_71] : memref<400x64xf32, #tpu.memory_space<vmem>> -> memref<80x64xf32, #tpu.memory_space<vmem>>
      tpu.enqueue_dma source(%dma_start3A_72 : memref<80x64xf32, #tpu.memory_space<vmem>>) target(%dma_start3A_69 : memref<80x64xf32, #tpu.memory_space<vmem_shared>>) target_semaphore(%run_scoped3A : memref<!tpu.dma_semaphore, #tpu.memory_space<semaphore_mem>>)
      %dma_wait3A = arith.constant 0 : i32
      %dma_wait3A_73 = arith.constant 0 : i32
      %dma_wait3A_74 = tpu.memref_slice %arg17[%dma_wait3A, %dma_wait3A_73] : memref<400x64xf32, #tpu.memory_space<vmem>> -> memref<80x64xf32, #tpu.memory_space<vmem>>
      %dma_wait3A_75 = arith.constant 0 : i32
      %dma_wait3A_76 = tpu.memref_slice %arg20[%add3A_34, %dma_wait3A_75] : memref<10240x64xf32, #tpu.memory_space<vmem_shared>> -> memref<80x64xf32, #tpu.memory_space<vmem_shared>>
      %dma_wait3A_77 = arith.constant 0 : i32
      %dma_wait3A_78 = tpu.memref_slice %arg20[%add3A_34, %dma_wait3A_77] : memref<10240x64xf32, #tpu.memory_space<vmem_shared>> -> memref<80x64xf32, #tpu.memory_space<vmem_shared>>
      %dma_wait3A_79 = arith.constant 0 : i32
      %dma_wait3A_80 = arith.constant 0 : i32
      %dma_wait3A_81 = tpu.memref_slice %arg17[%dma_wait3A_79, %dma_wait3A_80] : memref<400x64xf32, #tpu.memory_space<vmem>> -> memref<80x64xf32, #tpu.memory_space<vmem>>
      tpu.wait_dma2 semaphore(%run_scoped3A : memref<!tpu.dma_semaphore, #tpu.memory_space<semaphore_mem>>) src(%dma_wait3A_81 : memref<80x64xf32, #tpu.memory_space<vmem>>) dst(%dma_wait3A_78 : memref<80x64xf32, #tpu.memory_space<vmem_shared>>)
      tpu.yield
    }) : () -> ()
    %mul3A_35 = arith.constant 640 : i32
    %mul3A_36 = arith.muli %arg1, %mul3A_35 : i32
    %add3A_37 = arith.constant 400 : i32
    %add3A_38 = arith.addi %mul3A_36, %add3A_37 : i32
    "tpu.region"() ({
      %run_scoped3A = tpu.sem_alloc : memref<!tpu.dma_semaphore, #tpu.memory_space<semaphore_mem>>
      %dma_start3A = arith.constant 0 : i32
      %dma_start3A_64 = arith.constant 0 : i32
      %dma_start3A_65 = tpu.memref_slice %arg16[%dma_start3A, %dma_start3A_64] : memref<400x16xf32, #tpu.memory_space<vmem>> -> memref<80x16xf32, #tpu.memory_space<vmem>>
      %dma_start3A_66 = arith.constant 0 : i32
      %dma_start3A_67 = tpu.memref_slice %arg19[%add3A_38, %dma_start3A_66] : memref<10240x16xf32, #tpu.memory_space<vmem_shared>> -> memref<80x16xf32, #tpu.memory_space<vmem_shared>>
      %dma_start3A_68 = arith.constant 0 : i32
      %dma_start3A_69 = tpu.memref_slice %arg19[%add3A_38, %dma_start3A_68] : memref<10240x16xf32, #tpu.memory_space<vmem_shared>> -> memref<80x16xf32, #tpu.memory_space<vmem_shared>>
      %dma_start3A_70 = arith.constant 0 : i32
      %dma_start3A_71 = arith.constant 0 : i32
      %dma_start3A_72 = tpu.memref_slice %arg16[%dma_start3A_70, %dma_start3A_71] : memref<400x16xf32, #tpu.memory_space<vmem>> -> memref<80x16xf32, #tpu.memory_space<vmem>>
      tpu.enqueue_dma source(%dma_start3A_72 : memref<80x16xf32, #tpu.memory_space<vmem>>) target(%dma_start3A_69 : memref<80x16xf32, #tpu.memory_space<vmem_shared>>) target_semaphore(%run_scoped3A : memref<!tpu.dma_semaphore, #tpu.memory_space<semaphore_mem>>)
      %dma_wait3A = arith.constant 0 : i32
      %dma_wait3A_73 = arith.constant 0 : i32
      %dma_wait3A_74 = tpu.memref_slice %arg16[%dma_wait3A, %dma_wait3A_73] : memref<400x16xf32, #tpu.memory_space<vmem>> -> memref<80x16xf32, #tpu.memory_space<vmem>>
      %dma_wait3A_75 = arith.constant 0 : i32
      %dma_wait3A_76 = tpu.memref_slice %arg19[%add3A_38, %dma_wait3A_75] : memref<10240x16xf32, #tpu.memory_space<vmem_shared>> -> memref<80x16xf32, #tpu.memory_space<vmem_shared>>
      %dma_wait3A_77 = arith.constant 0 : i32
      %dma_wait3A_78 = tpu.memref_slice %arg19[%add3A_38, %dma_wait3A_77] : memref<10240x16xf32, #tpu.memory_space<vmem_shared>> -> memref<80x16xf32, #tpu.memory_space<vmem_shared>>
      %dma_wait3A_79 = arith.constant 0 : i32
      %dma_wait3A_80 = arith.constant 0 : i32
      %dma_wait3A_81 = tpu.memref_slice %arg16[%dma_wait3A_79, %dma_wait3A_80] : memref<400x16xf32, #tpu.memory_space<vmem>> -> memref<80x16xf32, #tpu.memory_space<vmem>>
      tpu.wait_dma2 semaphore(%run_scoped3A : memref<!tpu.dma_semaphore, #tpu.memory_space<semaphore_mem>>) src(%dma_wait3A_81 : memref<80x16xf32, #tpu.memory_space<vmem>>) dst(%dma_wait3A_78 : memref<80x16xf32, #tpu.memory_space<vmem_shared>>)
      tpu.yield
    }) : () -> ()
    "tpu.region"() ({
      %run_scoped3A = tpu.sem_alloc : memref<!tpu.dma_semaphore, #tpu.memory_space<semaphore_mem>>
      %dma_start3A = arith.constant 0 : i32
      %dma_start3A_64 = arith.constant 0 : i32
      %dma_start3A_65 = tpu.memref_slice %arg17[%dma_start3A, %dma_start3A_64] : memref<400x64xf32, #tpu.memory_space<vmem>> -> memref<80x64xf32, #tpu.memory_space<vmem>>
      %dma_start3A_66 = arith.constant 0 : i32
      %dma_start3A_67 = tpu.memref_slice %arg20[%add3A_38, %dma_start3A_66] : memref<10240x64xf32, #tpu.memory_space<vmem_shared>> -> memref<80x64xf32, #tpu.memory_space<vmem_shared>>
      %dma_start3A_68 = arith.constant 0 : i32
      %dma_start3A_69 = tpu.memref_slice %arg20[%add3A_38, %dma_start3A_68] : memref<10240x64xf32, #tpu.memory_space<vmem_shared>> -> memref<80x64xf32, #tpu.memory_space<vmem_shared>>
      %dma_start3A_70 = arith.constant 0 : i32
      %dma_start3A_71 = arith.constant 0 : i32
      %dma_start3A_72 = tpu.memref_slice %arg17[%dma_start3A_70, %dma_start3A_71] : memref<400x64xf32, #tpu.memory_space<vmem>> -> memref<80x64xf32, #tpu.memory_space<vmem>>
      tpu.enqueue_dma source(%dma_start3A_72 : memref<80x64xf32, #tpu.memory_space<vmem>>) target(%dma_start3A_69 : memref<80x64xf32, #tpu.memory_space<vmem_shared>>) target_semaphore(%run_scoped3A : memref<!tpu.dma_semaphore, #tpu.memory_space<semaphore_mem>>)
      %dma_wait3A = arith.constant 0 : i32
      %dma_wait3A_73 = arith.constant 0 : i32
      %dma_wait3A_74 = tpu.memref_slice %arg17[%dma_wait3A, %dma_wait3A_73] : memref<400x64xf32, #tpu.memory_space<vmem>> -> memref<80x64xf32, #tpu.memory_space<vmem>>
      %dma_wait3A_75 = arith.constant 0 : i32
      %dma_wait3A_76 = tpu.memref_slice %arg20[%add3A_38, %dma_wait3A_75] : memref<10240x64xf32, #tpu.memory_space<vmem_shared>> -> memref<80x64xf32, #tpu.memory_space<vmem_shared>>
      %dma_wait3A_77 = arith.constant 0 : i32
      %dma_wait3A_78 = tpu.memref_slice %arg20[%add3A_38, %dma_wait3A_77] : memref<10240x64xf32, #tpu.memory_space<vmem_shared>> -> memref<80x64xf32, #tpu.memory_space<vmem_shared>>
      %dma_wait3A_79 = arith.constant 0 : i32
      %dma_wait3A_80 = arith.constant 0 : i32
      %dma_wait3A_81 = tpu.memref_slice %arg17[%dma_wait3A_79, %dma_wait3A_80] : memref<400x64xf32, #tpu.memory_space<vmem>> -> memref<80x64xf32, #tpu.memory_space<vmem>>
      tpu.wait_dma2 semaphore(%run_scoped3A : memref<!tpu.dma_semaphore, #tpu.memory_space<semaphore_mem>>) src(%dma_wait3A_81 : memref<80x64xf32, #tpu.memory_space<vmem>>) dst(%dma_wait3A_78 : memref<80x64xf32, #tpu.memory_space<vmem_shared>>)
      tpu.yield
    }) : () -> ()
    %mul3A_39 = arith.constant 640 : i32
    %mul3A_40 = arith.muli %arg1, %mul3A_39 : i32
    %add3A_41 = arith.constant 480 : i32
    %add3A_42 = arith.addi %mul3A_40, %add3A_41 : i32
    "tpu.region"() ({
      %run_scoped3A = tpu.sem_alloc : memref<!tpu.dma_semaphore, #tpu.memory_space<semaphore_mem>>
      %dma_start3A = arith.constant 0 : i32
      %dma_start3A_64 = arith.constant 0 : i32
      %dma_start3A_65 = tpu.memref_slice %arg16[%dma_start3A, %dma_start3A_64] : memref<400x16xf32, #tpu.memory_space<vmem>> -> memref<80x16xf32, #tpu.memory_space<vmem>>
      %dma_start3A_66 = arith.constant 0 : i32
      %dma_start3A_67 = tpu.memref_slice %arg19[%add3A_42, %dma_start3A_66] : memref<10240x16xf32, #tpu.memory_space<vmem_shared>> -> memref<80x16xf32, #tpu.memory_space<vmem_shared>>
      %dma_start3A_68 = arith.constant 0 : i32
      %dma_start3A_69 = tpu.memref_slice %arg19[%add3A_42, %dma_start3A_68] : memref<10240x16xf32, #tpu.memory_space<vmem_shared>> -> memref<80x16xf32, #tpu.memory_space<vmem_shared>>
      %dma_start3A_70 = arith.constant 0 : i32
      %dma_start3A_71 = arith.constant 0 : i32
      %dma_start3A_72 = tpu.memref_slice %arg16[%dma_start3A_70, %dma_start3A_71] : memref<400x16xf32, #tpu.memory_space<vmem>> -> memref<80x16xf32, #tpu.memory_space<vmem>>
      tpu.enqueue_dma source(%dma_start3A_72 : memref<80x16xf32, #tpu.memory_space<vmem>>) target(%dma_start3A_69 : memref<80x16xf32, #tpu.memory_space<vmem_shared>>) target_semaphore(%run_scoped3A : memref<!tpu.dma_semaphore, #tpu.memory_space<semaphore_mem>>)
      %dma_wait3A = arith.constant 0 : i32
      %dma_wait3A_73 = arith.constant 0 : i32
      %dma_wait3A_74 = tpu.memref_slice %arg16[%dma_wait3A, %dma_wait3A_73] : memref<400x16xf32, #tpu.memory_space<vmem>> -> memref<80x16xf32, #tpu.memory_space<vmem>>
      %dma_wait3A_75 = arith.constant 0 : i32
      %dma_wait3A_76 = tpu.memref_slice %arg19[%add3A_42, %dma_wait3A_75] : memref<10240x16xf32, #tpu.memory_space<vmem_shared>> -> memref<80x16xf32, #tpu.memory_space<vmem_shared>>
      %dma_wait3A_77 = arith.constant 0 : i32
      %dma_wait3A_78 = tpu.memref_slice %arg19[%add3A_42, %dma_wait3A_77] : memref<10240x16xf32, #tpu.memory_space<vmem_shared>> -> memref<80x16xf32, #tpu.memory_space<vmem_shared>>
      %dma_wait3A_79 = arith.constant 0 : i32
      %dma_wait3A_80 = arith.constant 0 : i32
      %dma_wait3A_81 = tpu.memref_slice %arg16[%dma_wait3A_79, %dma_wait3A_80] : memref<400x16xf32, #tpu.memory_space<vmem>> -> memref<80x16xf32, #tpu.memory_space<vmem>>
      tpu.wait_dma2 semaphore(%run_scoped3A : memref<!tpu.dma_semaphore, #tpu.memory_space<semaphore_mem>>) src(%dma_wait3A_81 : memref<80x16xf32, #tpu.memory_space<vmem>>) dst(%dma_wait3A_78 : memref<80x16xf32, #tpu.memory_space<vmem_shared>>)
      tpu.yield
    }) : () -> ()
    "tpu.region"() ({
      %run_scoped3A = tpu.sem_alloc : memref<!tpu.dma_semaphore, #tpu.memory_space<semaphore_mem>>
      %dma_start3A = arith.constant 0 : i32
      %dma_start3A_64 = arith.constant 0 : i32
      %dma_start3A_65 = tpu.memref_slice %arg17[%dma_start3A, %dma_start3A_64] : memref<400x64xf32, #tpu.memory_space<vmem>> -> memref<80x64xf32, #tpu.memory_space<vmem>>
      %dma_start3A_66 = arith.constant 0 : i32
      %dma_start3A_67 = tpu.memref_slice %arg20[%add3A_42, %dma_start3A_66] : memref<10240x64xf32, #tpu.memory_space<vmem_shared>> -> memref<80x64xf32, #tpu.memory_space<vmem_shared>>
      %dma_start3A_68 = arith.constant 0 : i32
      %dma_start3A_69 = tpu.memref_slice %arg20[%add3A_42, %dma_start3A_68] : memref<10240x64xf32, #tpu.memory_space<vmem_shared>> -> memref<80x64xf32, #tpu.memory_space<vmem_shared>>
      %dma_start3A_70 = arith.constant 0 : i32
      %dma_start3A_71 = arith.constant 0 : i32
      %dma_start3A_72 = tpu.memref_slice %arg17[%dma_start3A_70, %dma_start3A_71] : memref<400x64xf32, #tpu.memory_space<vmem>> -> memref<80x64xf32, #tpu.memory_space<vmem>>
      tpu.enqueue_dma source(%dma_start3A_72 : memref<80x64xf32, #tpu.memory_space<vmem>>) target(%dma_start3A_69 : memref<80x64xf32, #tpu.memory_space<vmem_shared>>) target_semaphore(%run_scoped3A : memref<!tpu.dma_semaphore, #tpu.memory_space<semaphore_mem>>)
      %dma_wait3A = arith.constant 0 : i32
      %dma_wait3A_73 = arith.constant 0 : i32
      %dma_wait3A_74 = tpu.memref_slice %arg17[%dma_wait3A, %dma_wait3A_73] : memref<400x64xf32, #tpu.memory_space<vmem>> -> memref<80x64xf32, #tpu.memory_space<vmem>>
      %dma_wait3A_75 = arith.constant 0 : i32
      %dma_wait3A_76 = tpu.memref_slice %arg20[%add3A_42, %dma_wait3A_75] : memref<10240x64xf32, #tpu.memory_space<vmem_shared>> -> memref<80x64xf32, #tpu.memory_space<vmem_shared>>
      %dma_wait3A_77 = arith.constant 0 : i32
      %dma_wait3A_78 = tpu.memref_slice %arg20[%add3A_42, %dma_wait3A_77] : memref<10240x64xf32, #tpu.memory_space<vmem_shared>> -> memref<80x64xf32, #tpu.memory_space<vmem_shared>>
      %dma_wait3A_79 = arith.constant 0 : i32
      %dma_wait3A_80 = arith.constant 0 : i32
      %dma_wait3A_81 = tpu.memref_slice %arg17[%dma_wait3A_79, %dma_wait3A_80] : memref<400x64xf32, #tpu.memory_space<vmem>> -> memref<80x64xf32, #tpu.memory_space<vmem>>
      tpu.wait_dma2 semaphore(%run_scoped3A : memref<!tpu.dma_semaphore, #tpu.memory_space<semaphore_mem>>) src(%dma_wait3A_81 : memref<80x64xf32, #tpu.memory_space<vmem>>) dst(%dma_wait3A_78 : memref<80x64xf32, #tpu.memory_space<vmem_shared>>)
      tpu.yield
    }) : () -> ()
    %mul3A_43 = arith.constant 640 : i32
    %mul3A_44 = arith.muli %arg1, %mul3A_43 : i32
    %add3A_45 = arith.constant 560 : i32
    %add3A_46 = arith.addi %mul3A_44, %add3A_45 : i32
    "tpu.region"() ({
      %run_scoped3A = tpu.sem_alloc : memref<!tpu.dma_semaphore, #tpu.memory_space<semaphore_mem>>
      %dma_start3A = arith.constant 0 : i32
      %dma_start3A_64 = arith.constant 0 : i32
      %dma_start3A_65 = tpu.memref_slice %arg16[%dma_start3A, %dma_start3A_64] : memref<400x16xf32, #tpu.memory_space<vmem>> -> memref<80x16xf32, #tpu.memory_space<vmem>>
      %dma_start3A_66 = arith.constant 0 : i32
      %dma_start3A_67 = tpu.memref_slice %arg19[%add3A_46, %dma_start3A_66] : memref<10240x16xf32, #tpu.memory_space<vmem_shared>> -> memref<80x16xf32, #tpu.memory_space<vmem_shared>>
      %dma_start3A_68 = arith.constant 0 : i32
      %dma_start3A_69 = tpu.memref_slice %arg19[%add3A_46, %dma_start3A_68] : memref<10240x16xf32, #tpu.memory_space<vmem_shared>> -> memref<80x16xf32, #tpu.memory_space<vmem_shared>>
      %dma_start3A_70 = arith.constant 0 : i32
      %dma_start3A_71 = arith.constant 0 : i32
      %dma_start3A_72 = tpu.memref_slice %arg16[%dma_start3A_70, %dma_start3A_71] : memref<400x16xf32, #tpu.memory_space<vmem>> -> memref<80x16xf32, #tpu.memory_space<vmem>>
      tpu.enqueue_dma source(%dma_start3A_72 : memref<80x16xf32, #tpu.memory_space<vmem>>) target(%dma_start3A_69 : memref<80x16xf32, #tpu.memory_space<vmem_shared>>) target_semaphore(%run_scoped3A : memref<!tpu.dma_semaphore, #tpu.memory_space<semaphore_mem>>)
      %dma_wait3A = arith.constant 0 : i32
      %dma_wait3A_73 = arith.constant 0 : i32
      %dma_wait3A_74 = tpu.memref_slice %arg16[%dma_wait3A, %dma_wait3A_73] : memref<400x16xf32, #tpu.memory_space<vmem>> -> memref<80x16xf32, #tpu.memory_space<vmem>>
      %dma_wait3A_75 = arith.constant 0 : i32
      %dma_wait3A_76 = tpu.memref_slice %arg19[%add3A_46, %dma_wait3A_75] : memref<10240x16xf32, #tpu.memory_space<vmem_shared>> -> memref<80x16xf32, #tpu.memory_space<vmem_shared>>
      %dma_wait3A_77 = arith.constant 0 : i32
      %dma_wait3A_78 = tpu.memref_slice %arg19[%add3A_46, %dma_wait3A_77] : memref<10240x16xf32, #tpu.memory_space<vmem_shared>> -> memref<80x16xf32, #tpu.memory_space<vmem_shared>>
      %dma_wait3A_79 = arith.constant 0 : i32
      %dma_wait3A_80 = arith.constant 0 : i32
      %dma_wait3A_81 = tpu.memref_slice %arg16[%dma_wait3A_79, %dma_wait3A_80] : memref<400x16xf32, #tpu.memory_space<vmem>> -> memref<80x16xf32, #tpu.memory_space<vmem>>
      tpu.wait_dma2 semaphore(%run_scoped3A : memref<!tpu.dma_semaphore, #tpu.memory_space<semaphore_mem>>) src(%dma_wait3A_81 : memref<80x16xf32, #tpu.memory_space<vmem>>) dst(%dma_wait3A_78 : memref<80x16xf32, #tpu.memory_space<vmem_shared>>)
      tpu.yield
    }) : () -> ()
    "tpu.region"() ({
      %run_scoped3A = tpu.sem_alloc : memref<!tpu.dma_semaphore, #tpu.memory_space<semaphore_mem>>
      %dma_start3A = arith.constant 0 : i32
      %dma_start3A_64 = arith.constant 0 : i32
      %dma_start3A_65 = tpu.memref_slice %arg17[%dma_start3A, %dma_start3A_64] : memref<400x64xf32, #tpu.memory_space<vmem>> -> memref<80x64xf32, #tpu.memory_space<vmem>>
      %dma_start3A_66 = arith.constant 0 : i32
      %dma_start3A_67 = tpu.memref_slice %arg20[%add3A_46, %dma_start3A_66] : memref<10240x64xf32, #tpu.memory_space<vmem_shared>> -> memref<80x64xf32, #tpu.memory_space<vmem_shared>>
      %dma_start3A_68 = arith.constant 0 : i32
      %dma_start3A_69 = tpu.memref_slice %arg20[%add3A_46, %dma_start3A_68] : memref<10240x64xf32, #tpu.memory_space<vmem_shared>> -> memref<80x64xf32, #tpu.memory_space<vmem_shared>>
      %dma_start3A_70 = arith.constant 0 : i32
      %dma_start3A_71 = arith.constant 0 : i32
      %dma_start3A_72 = tpu.memref_slice %arg17[%dma_start3A_70, %dma_start3A_71] : memref<400x64xf32, #tpu.memory_space<vmem>> -> memref<80x64xf32, #tpu.memory_space<vmem>>
      tpu.enqueue_dma source(%dma_start3A_72 : memref<80x64xf32, #tpu.memory_space<vmem>>) target(%dma_start3A_69 : memref<80x64xf32, #tpu.memory_space<vmem_shared>>) target_semaphore(%run_scoped3A : memref<!tpu.dma_semaphore, #tpu.memory_space<semaphore_mem>>)
      %dma_wait3A = arith.constant 0 : i32
      %dma_wait3A_73 = arith.constant 0 : i32
      %dma_wait3A_74 = tpu.memref_slice %arg17[%dma_wait3A, %dma_wait3A_73] : memref<400x64xf32, #tpu.memory_space<vmem>> -> memref<80x64xf32, #tpu.memory_space<vmem>>
      %dma_wait3A_75 = arith.constant 0 : i32
      %dma_wait3A_76 = tpu.memref_slice %arg20[%add3A_46, %dma_wait3A_75] : memref<10240x64xf32, #tpu.memory_space<vmem_shared>> -> memref<80x64xf32, #tpu.memory_space<vmem_shared>>
      %dma_wait3A_77 = arith.constant 0 : i32
      %dma_wait3A_78 = tpu.memref_slice %arg20[%add3A_46, %dma_wait3A_77] : memref<10240x64xf32, #tpu.memory_space<vmem_shared>> -> memref<80x64xf32, #tpu.memory_space<vmem_shared>>
      %dma_wait3A_79 = arith.constant 0 : i32
      %dma_wait3A_80 = arith.constant 0 : i32
      %dma_wait3A_81 = tpu.memref_slice %arg17[%dma_wait3A_79, %dma_wait3A_80] : memref<400x64xf32, #tpu.memory_space<vmem>> -> memref<80x64xf32, #tpu.memory_space<vmem>>
      tpu.wait_dma2 semaphore(%run_scoped3A : memref<!tpu.dma_semaphore, #tpu.memory_space<semaphore_mem>>) src(%dma_wait3A_81 : memref<80x64xf32, #tpu.memory_space<vmem>>) dst(%dma_wait3A_78 : memref<80x64xf32, #tpu.memory_space<vmem_shared>>)
      tpu.yield
    }) : () -> ()
    %barrier3A = arith.constant 0 : index
    tpu.barrier barrier_id(%barrier3A)
    %scan3A_47 = arith.constant 0 : i32
    %scan3A_48 = arith.constant 0 : i32
    %scan3A_49 = arith.constant 25 : i32
    %scan3A_50 = arith.addi %scan3A_48, %scan3A_49 : i32
    %scan3A_51 = arith.constant 1 : i32
    %scan3A_52 = scf.for %scan3A_64 = %scan3A_48 to %scan3A_50 step %scan3A_51 iter_args(%scan3A_65 = %scan3A_47) -> (i32)  : i32 {
      %mul3A_66 = arith.constant 160000 : i32
      %mul3A_67 = arith.muli %arg0, %mul3A_66 : i32
      %mul3A_68 = arith.constant 10000 : i32
      %mul3A_69 = arith.muli %arg1, %mul3A_68 : i32
      %add3A_70 = arith.addi %mul3A_67, %mul3A_69 : i32
      %mul3A_71 = arith.constant 400 : i32
      %mul3A_72 = arith.muli %scan3A_64, %mul3A_71 : i32
      %add3A_73 = arith.addi %add3A_70, %mul3A_72 : i32
      "tpu.region"() ({
        %run_scoped3A = tpu.sem_alloc : memref<!tpu.dma_semaphore, #tpu.memory_space<semaphore_mem>>
        %dma_start3A_93 = tpu.memref_slice %arg6[%add3A_73] : memref<320000xi32, #tpu.memory_space<hbm>> -> memref<400xi32, #tpu.memory_space<hbm>>
        %dma_start3A_94 = tpu.memref_slice %arg6[%add3A_73] : memref<320000xi32, #tpu.memory_space<hbm>> -> memref<400xi32, #tpu.memory_space<hbm>>
        tpu.enqueue_dma source(%dma_start3A_94 : memref<400xi32, #tpu.memory_space<hbm>>) target(%arg12 : memref<400xi32, #tpu.memory_space<vmem>>) target_semaphore(%run_scoped3A : memref<!tpu.dma_semaphore, #tpu.memory_space<semaphore_mem>>)
        %dma_wait3A_95 = tpu.memref_slice %arg6[%add3A_73] : memref<320000xi32, #tpu.memory_space<hbm>> -> memref<400xi32, #tpu.memory_space<hbm>>
        %dma_wait3A_96 = tpu.memref_slice %arg6[%add3A_73] : memref<320000xi32, #tpu.memory_space<hbm>> -> memref<400xi32, #tpu.memory_space<hbm>>
        tpu.wait_dma2 semaphore(%run_scoped3A : memref<!tpu.dma_semaphore, #tpu.memory_space<semaphore_mem>>) src(%dma_wait3A_96 : memref<400xi32, #tpu.memory_space<hbm>>) dst(%arg12 : memref<400xi32, #tpu.memory_space<vmem>>)
        tpu.yield
      }) : () -> ()
      %dma_start3A = arith.constant 0 : i32
      %dma_start3A_74 = arith.constant 0 : i32
      %dma_start3A_75 = tpu.memref_slice %arg2[%dma_start3A, %dma_start3A_74] : memref<10000x16xf32, #tpu.memory_space<hbm>> -> memref<10000x16xf32, #tpu.memory_space<hbm>>
      tpu.enqueue_indirect_dma source(%dma_start3A_75 : memref<10000x16xf32, #tpu.memory_space<hbm>>) target(%arg14 : memref<400x16xf32, #tpu.memory_space<vmem>>) offsets(%arg12 : memref<400xi32, #tpu.memory_space<vmem>>) semaphore(%arg21 : memref<!tpu.dma_semaphore, #tpu.memory_space<semaphore_mem>>)
      %dma_start3A_76 = arith.constant 0 : i32
      %dma_start3A_77 = arith.constant 0 : i32
      %dma_start3A_78 = tpu.memref_slice %arg5[%dma_start3A_76, %dma_start3A_77] : memref<10000x64xf32, #tpu.memory_space<hbm>> -> memref<10000x64xf32, #tpu.memory_space<hbm>>
      tpu.enqueue_indirect_dma source(%dma_start3A_78 : memref<10000x64xf32, #tpu.memory_space<hbm>>) target(%arg17 : memref<400x64xf32, #tpu.memory_space<vmem>>) offsets(%arg12 : memref<400xi32, #tpu.memory_space<vmem>>) semaphore(%arg21 : memref<!tpu.dma_semaphore, #tpu.memory_space<semaphore_mem>>)
      "tpu.region"() ({
        %run_scoped3A = tpu.sem_alloc : memref<!tpu.dma_semaphore, #tpu.memory_space<semaphore_mem>>
        %dma_start3A_93 = tpu.memref_slice %arg7[%add3A_73] : memref<320000xi32, #tpu.memory_space<hbm>> -> memref<400xi32, #tpu.memory_space<hbm>>
        %dma_start3A_94 = tpu.memref_slice %arg7[%add3A_73] : memref<320000xi32, #tpu.memory_space<hbm>> -> memref<400xi32, #tpu.memory_space<hbm>>
        tpu.enqueue_dma source(%dma_start3A_94 : memref<400xi32, #tpu.memory_space<hbm>>) target(%arg13 : memref<400xi32, #tpu.memory_space<vmem>>) target_semaphore(%run_scoped3A : memref<!tpu.dma_semaphore, #tpu.memory_space<semaphore_mem>>)
        %dma_wait3A_95 = tpu.memref_slice %arg7[%add3A_73] : memref<320000xi32, #tpu.memory_space<hbm>> -> memref<400xi32, #tpu.memory_space<hbm>>
        %dma_wait3A_96 = tpu.memref_slice %arg7[%add3A_73] : memref<320000xi32, #tpu.memory_space<hbm>> -> memref<400xi32, #tpu.memory_space<hbm>>
        tpu.wait_dma2 semaphore(%run_scoped3A : memref<!tpu.dma_semaphore, #tpu.memory_space<semaphore_mem>>) src(%dma_wait3A_96 : memref<400xi32, #tpu.memory_space<hbm>>) dst(%arg13 : memref<400xi32, #tpu.memory_space<vmem>>)
        tpu.yield
      }) : () -> ()
      %dma_start3A_79 = arith.constant 0 : i32
      %dma_start3A_80 = arith.constant 0 : i32
      %dma_start3A_81 = tpu.memref_slice %arg3[%dma_start3A_79, %dma_start3A_80] : memref<10000x16xf32, #tpu.memory_space<hbm>> -> memref<10000x16xf32, #tpu.memory_space<hbm>>
      tpu.enqueue_indirect_dma source(%dma_start3A_81 : memref<10000x16xf32, #tpu.memory_space<hbm>>) target(%arg15 : memref<400x16xf32, #tpu.memory_space<vmem>>) offsets(%arg13 : memref<400xi32, #tpu.memory_space<vmem>>) semaphore(%arg21 : memref<!tpu.dma_semaphore, #tpu.memory_space<semaphore_mem>>)
      %dma_wait3A = arith.constant 0 : i32
      %dma_wait3A_82 = arith.constant 0 : i32
      %dma_wait3A_83 = tpu.memref_slice %arg2[%dma_wait3A, %dma_wait3A_82] : memref<10000x16xf32, #tpu.memory_space<hbm>> -> memref<10000x16xf32, #tpu.memory_space<hbm>>
      tpu.wait_indirect_dma semaphore(%arg21 : memref<!tpu.dma_semaphore, #tpu.memory_space<semaphore_mem>>) src(%dma_wait3A_83 : memref<10000x16xf32, #tpu.memory_space<hbm>>) dst(%arg14 : memref<400x16xf32, #tpu.memory_space<vmem>>)
      %dma_wait3A_84 = arith.constant 0 : i32
      %dma_wait3A_85 = arith.constant 0 : i32
      %dma_wait3A_86 = tpu.memref_slice %arg3[%dma_wait3A_84, %dma_wait3A_85] : memref<10000x16xf32, #tpu.memory_space<hbm>> -> memref<10000x16xf32, #tpu.memory_space<hbm>>
      tpu.wait_indirect_dma semaphore(%arg21 : memref<!tpu.dma_semaphore, #tpu.memory_space<semaphore_mem>>) src(%dma_wait3A_86 : memref<10000x16xf32, #tpu.memory_space<hbm>>) dst(%arg15 : memref<400x16xf32, #tpu.memory_space<vmem>>)
      %dma_wait3A_87 = arith.constant 0 : i32
      %dma_wait3A_88 = arith.constant 0 : i32
      %dma_wait3A_89 = tpu.memref_slice %arg5[%dma_wait3A_87, %dma_wait3A_88] : memref<10000x64xf32, #tpu.memory_space<hbm>> -> memref<10000x64xf32, #tpu.memory_space<hbm>>
      tpu.wait_indirect_dma semaphore(%arg21 : memref<!tpu.dma_semaphore, #tpu.memory_space<semaphore_mem>>) src(%dma_wait3A_89 : memref<10000x64xf32, #tpu.memory_space<hbm>>) dst(%arg17 : memref<400x64xf32, #tpu.memory_space<vmem>>)
      %parallel_loop3A = arith.constant 0 : i32
      %parallel_loop3A_90 = arith.constant 400 : i32
      %parallel_loop3A_91 = arith.constant 1 : i32
      scf.for %parallel_loop3A_93 = %parallel_loop3A to %parallel_loop3A_90 step %parallel_loop3A_91  : i32 {
        %parallel_loop3A_94 = arith.index_cast %parallel_loop3A_93 : i32 to index
        %parallel_loop3A_95 = arith.constant 0 : index
        %parallel_loop3A_96 = tpu.vector_load %arg14[%parallel_loop3A_94, %parallel_loop3A_95] {strides = array<i32>} : memref<400x16xf32, #tpu.memory_space<vmem>>, vector<16xf32>,
        %parallel_loop3A_97 = arith.index_cast %parallel_loop3A_93 : i32 to index
        %parallel_loop3A_98 = arith.constant 0 : index
        %parallel_loop3A_99 = tpu.vector_load %arg15[%parallel_loop3A_97, %parallel_loop3A_98] {strides = array<i32>} : memref<400x16xf32, #tpu.memory_space<vmem>>, vector<16xf32>,
        %parallel_loop3A_100 = arith.addf %parallel_loop3A_96, %parallel_loop3A_99 : vector<16xf32>
        %parallel_loop3A_101 = arith.constant 0.000000e+00 : f32
        %parallel_loop3A_102 = vector.broadcast %parallel_loop3A_101 : f32 to vector<16xf32>
        %parallel_loop3A_103 = arith.cmpf oge, %parallel_loop3A_100, %parallel_loop3A_102 : vector<16xf32>
        %parallel_loop3A_104 = arith.constant 2.000000e-01 : f32
        %parallel_loop3A_105 = vector.broadcast %parallel_loop3A_104 : f32 to vector<16xf32>
        %parallel_loop3A_106 = arith.mulf %parallel_loop3A_105, %parallel_loop3A_100 : vector<16xf32>
        %parallel_loop3A_107 = arith.select %parallel_loop3A_103, %parallel_loop3A_100, %parallel_loop3A_106 : vector<16xi1>, vector<16xf32>
        %parallel_loop3A_108 = arith.subf %parallel_loop3A_107, %max3A_9 : vector<16xf32>
        %parallel_loop3A_109 = math.exp %parallel_loop3A_108 : vector<16xf32>
        %parallel_loop3A_110 = arith.index_cast %parallel_loop3A_93 : i32 to index
        %parallel_loop3A_111 = arith.constant 0 : index
        %parallel_loop3A_112 = tpu.vector_load %arg16[%parallel_loop3A_110, %parallel_loop3A_111] {strides = array<i32>} : memref<400x16xf32, #tpu.memory_space<vmem>>, vector<16xf32>,
        tpu.vector_store %arg16[%parallel_loop3A_110, %parallel_loop3A_111], %parallel_loop3A_109 {strides = array<i32>} : memref<400x16xf32, #tpu.memory_space<vmem>>, vector<16xf32>,
        %parallel_loop3A_113 = arith.index_cast %parallel_loop3A_93 : i32 to index
        %parallel_loop3A_114 = arith.constant 0 : index
        %parallel_loop3A_115 = tpu.vector_load %arg17[%parallel_loop3A_113, %parallel_loop3A_114] {strides = array<i32>} : memref<400x64xf32, #tpu.memory_space<vmem>>, vector<16xf32>,
        %parallel_loop3A_116 = arith.mulf %parallel_loop3A_115, %parallel_loop3A_109 : vector<16xf32>
        %parallel_loop3A_117 = arith.index_cast %parallel_loop3A_93 : i32 to index
        %parallel_loop3A_118 = arith.constant 0 : index
        %parallel_loop3A_119 = tpu.vector_load %arg17[%parallel_loop3A_117, %parallel_loop3A_118] {strides = array<i32>} : memref<400x64xf32, #tpu.memory_space<vmem>>, vector<16xf32>,
        tpu.vector_store %arg17[%parallel_loop3A_117, %parallel_loop3A_118], %parallel_loop3A_116 {strides = array<i32>} : memref<400x64xf32, #tpu.memory_space<vmem>>, vector<16xf32>,
        %parallel_loop3A_120 = arith.index_cast %parallel_loop3A_93 : i32 to index
        %parallel_loop3A_121 = arith.constant 16 : index
        %parallel_loop3A_122 = tpu.vector_load %arg17[%parallel_loop3A_120, %parallel_loop3A_121] {strides = array<i32>} : memref<400x64xf32, #tpu.memory_space<vmem>>, vector<16xf32>,
        %parallel_loop3A_123 = arith.mulf %parallel_loop3A_122, %parallel_loop3A_109 : vector<16xf32>
        %parallel_loop3A_124 = arith.index_cast %parallel_loop3A_93 : i32 to index
        %parallel_loop3A_125 = arith.constant 16 : index
        %parallel_loop3A_126 = tpu.vector_load %arg17[%parallel_loop3A_124, %parallel_loop3A_125] {strides = array<i32>} : memref<400x64xf32, #tpu.memory_space<vmem>>, vector<16xf32>,
        tpu.vector_store %arg17[%parallel_loop3A_124, %parallel_loop3A_125], %parallel_loop3A_123 {strides = array<i32>} : memref<400x64xf32, #tpu.memory_space<vmem>>, vector<16xf32>,
        %parallel_loop3A_127 = arith.index_cast %parallel_loop3A_93 : i32 to index
        %parallel_loop3A_128 = arith.constant 32 : index
        %parallel_loop3A_129 = tpu.vector_load %arg17[%parallel_loop3A_127, %parallel_loop3A_128] {strides = array<i32>} : memref<400x64xf32, #tpu.memory_space<vmem>>, vector<16xf32>,
        %parallel_loop3A_130 = arith.mulf %parallel_loop3A_129, %parallel_loop3A_109 : vector<16xf32>
        %parallel_loop3A_131 = arith.index_cast %parallel_loop3A_93 : i32 to index
        %parallel_loop3A_132 = arith.constant 32 : index
        %parallel_loop3A_133 = tpu.vector_load %arg17[%parallel_loop3A_131, %parallel_loop3A_132] {strides = array<i32>} : memref<400x64xf32, #tpu.memory_space<vmem>>, vector<16xf32>,
        tpu.vector_store %arg17[%parallel_loop3A_131, %parallel_loop3A_132], %parallel_loop3A_130 {strides = array<i32>} : memref<400x64xf32, #tpu.memory_space<vmem>>, vector<16xf32>,
        %parallel_loop3A_134 = arith.index_cast %parallel_loop3A_93 : i32 to index
        %parallel_loop3A_135 = arith.constant 48 : index
        %parallel_loop3A_136 = tpu.vector_load %arg17[%parallel_loop3A_134, %parallel_loop3A_135] {strides = array<i32>} : memref<400x64xf32, #tpu.memory_space<vmem>>, vector<16xf32>,
        %parallel_loop3A_137 = arith.mulf %parallel_loop3A_136, %parallel_loop3A_109 : vector<16xf32>
        %parallel_loop3A_138 = arith.index_cast %parallel_loop3A_93 : i32 to index
        %parallel_loop3A_139 = arith.constant 48 : index
        %parallel_loop3A_140 = tpu.vector_load %arg17[%parallel_loop3A_138, %parallel_loop3A_139] {strides = array<i32>} : memref<400x64xf32, #tpu.memory_space<vmem>>, vector<16xf32>,
        tpu.vector_store %arg17[%parallel_loop3A_138, %parallel_loop3A_139], %parallel_loop3A_137 {strides = array<i32>} : memref<400x64xf32, #tpu.memory_space<vmem>>, vector<16xf32>,
      } {sc.loop_unroll_factor = 4 : i64, sc.parallel_access}
      "tpu.region"() ({
        %run_scoped3A = tpu.sem_alloc : memref<!tpu.dma_semaphore, #tpu.memory_space<semaphore_mem>>
        %dma_start3A_93 = arith.constant 0 : i32
        %dma_start3A_94 = arith.constant 0 : i32
        %dma_start3A_95 = tpu.memref_slice %arg19[%dma_start3A_93, %dma_start3A_94] : memref<10240x16xf32, #tpu.memory_space<vmem_shared>> -> memref<10240x16xf32, #tpu.memory_space<vmem_shared>>
        tpu.enqueue_indirect_dma source(%arg16 : memref<400x16xf32, #tpu.memory_space<vmem>>) target(%dma_start3A_95 : memref<10240x16xf32, #tpu.memory_space<vmem_shared>>) offsets(%arg13 : memref<400xi32, #tpu.memory_space<vmem>>) semaphore(%run_scoped3A : memref<!tpu.dma_semaphore, #tpu.memory_space<semaphore_mem>>) {add = true}
        %dma_wait3A_96 = arith.constant 0 : i32
        %dma_wait3A_97 = arith.constant 0 : i32
        %dma_wait3A_98 = tpu.memref_slice %arg19[%dma_wait3A_96, %dma_wait3A_97] : memref<10240x16xf32, #tpu.memory_space<vmem_shared>> -> memref<10240x16xf32, #tpu.memory_space<vmem_shared>>
        tpu.wait_indirect_dma semaphore(%run_scoped3A : memref<!tpu.dma_semaphore, #tpu.memory_space<semaphore_mem>>) src(%arg16 : memref<400x16xf32, #tpu.memory_space<vmem>>) dst(%dma_wait3A_98 : memref<10240x16xf32, #tpu.memory_space<vmem_shared>>)
        tpu.yield
      }) : () -> ()
      "tpu.region"() ({
        %run_scoped3A = tpu.sem_alloc : memref<!tpu.dma_semaphore, #tpu.memory_space<semaphore_mem>>
        %dma_start3A_93 = arith.constant 0 : i32
        %dma_start3A_94 = arith.constant 0 : i32
        %dma_start3A_95 = tpu.memref_slice %arg20[%dma_start3A_93, %dma_start3A_94] : memref<10240x64xf32, #tpu.memory_space<vmem_shared>> -> memref<10240x64xf32, #tpu.memory_space<vmem_shared>>
        tpu.enqueue_indirect_dma source(%arg17 : memref<400x64xf32, #tpu.memory_space<vmem>>) target(%dma_start3A_95 : memref<10240x64xf32, #tpu.memory_space<vmem_shared>>) offsets(%arg13 : memref<400xi32, #tpu.memory_space<vmem>>) semaphore(%run_scoped3A : memref<!tpu.dma_semaphore, #tpu.memory_space<semaphore_mem>>) {add = true}
        %dma_wait3A_96 = arith.constant 0 : i32
        %dma_wait3A_97 = arith.constant 0 : i32
        %dma_wait3A_98 = tpu.memref_slice %arg20[%dma_wait3A_96, %dma_wait3A_97] : memref<10240x64xf32, #tpu.memory_space<vmem_shared>> -> memref<10240x64xf32, #tpu.memory_space<vmem_shared>>
        tpu.wait_indirect_dma semaphore(%run_scoped3A : memref<!tpu.dma_semaphore, #tpu.memory_space<semaphore_mem>>) src(%arg17 : memref<400x64xf32, #tpu.memory_space<vmem>>) dst(%dma_wait3A_98 : memref<10240x64xf32, #tpu.memory_space<vmem_shared>>)
        tpu.yield
      }) : () -> ()
      %scan3A_92 = arith.constant 0 : i32
      scf.yield %scan3A_92 : i32
    }
    %scan3A_53 = arith.constant 25 : i32
    %barrier3A_54 = arith.constant 0 : index
    tpu.barrier barrier_id(%barrier3A_54)
    %mul3A_55 = arith.constant 640 : i32
    %mul3A_56 = arith.muli %arg1, %mul3A_55 : i32
    %eq3A = arith.constant 0 : i32
    %eq3A_57 = arith.cmpi eq, %arg0, %eq3A : i32
    %convert_element_type3A = arith.extui %eq3A_57 : i1 to i32
    %cond3A = arith.constant 0 : i32
    %cond3A_58 = arith.cmpi ne, %convert_element_type3A, %cond3A : i32
    scf.if %cond3A_58 {
      "tpu.region"() ({
        %run_scoped3A = tpu.sem_alloc : memref<!tpu.dma_semaphore, #tpu.memory_space<semaphore_mem>>
        %dma_start3A = arith.constant 0 : i32
        %dma_start3A_64 = tpu.memref_slice %arg10[%mul3A_56, %dma_start3A] : memref<10240x16xf32, #tpu.memory_space<hbm>> -> memref<640x16xf32, #tpu.memory_space<hbm>>
        %dma_start3A_65 = arith.constant 0 : i32
        %dma_start3A_66 = tpu.memref_slice %arg19[%mul3A_56, %dma_start3A_65] : memref<10240x16xf32, #tpu.memory_space<vmem_shared>> -> memref<640x16xf32, #tpu.memory_space<vmem_shared>>
        tpu.enqueue_dma source(%dma_start3A_66 : memref<640x16xf32, #tpu.memory_space<vmem_shared>>) target(%dma_start3A_64 : memref<640x16xf32, #tpu.memory_space<hbm>>) target_semaphore(%run_scoped3A : memref<!tpu.dma_semaphore, #tpu.memory_space<semaphore_mem>>)
        %dma_wait3A = arith.constant 0 : i32
        %dma_wait3A_67 = tpu.memref_slice %arg10[%mul3A_56, %dma_wait3A] : memref<10240x16xf32, #tpu.memory_space<hbm>> -> memref<640x16xf32, #tpu.memory_space<hbm>>
        %dma_wait3A_68 = arith.constant 0 : i32
        %dma_wait3A_69 = tpu.memref_slice %arg19[%mul3A_56, %dma_wait3A_68] : memref<10240x16xf32, #tpu.memory_space<vmem_shared>> -> memref<640x16xf32, #tpu.memory_space<vmem_shared>>
        tpu.wait_dma2 semaphore(%run_scoped3A : memref<!tpu.dma_semaphore, #tpu.memory_space<semaphore_mem>>) src(%dma_wait3A_69 : memref<640x16xf32, #tpu.memory_space<vmem_shared>>) dst(%dma_wait3A_67 : memref<640x16xf32, #tpu.memory_space<hbm>>)
        tpu.yield
      }) : () -> ()
      "tpu.region"() ({
        %run_scoped3A = tpu.sem_alloc : memref<!tpu.dma_semaphore, #tpu.memory_space<semaphore_mem>>
        %dma_start3A = arith.constant 0 : i32
        %dma_start3A_64 = tpu.memref_slice %arg8[%mul3A_56, %dma_start3A] : memref<10240x64xf32, #tpu.memory_space<hbm>> -> memref<640x64xf32, #tpu.memory_space<hbm>>
        %dma_start3A_65 = arith.constant 0 : i32
        %dma_start3A_66 = tpu.memref_slice %arg20[%mul3A_56, %dma_start3A_65] : memref<10240x64xf32, #tpu.memory_space<vmem_shared>> -> memref<640x64xf32, #tpu.memory_space<vmem_shared>>
        tpu.enqueue_dma source(%dma_start3A_66 : memref<640x64xf32, #tpu.memory_space<vmem_shared>>) target(%dma_start3A_64 : memref<640x64xf32, #tpu.memory_space<hbm>>) target_semaphore(%run_scoped3A : memref<!tpu.dma_semaphore, #tpu.memory_space<semaphore_mem>>)
        %dma_wait3A = arith.constant 0 : i32
        %dma_wait3A_67 = tpu.memref_slice %arg8[%mul3A_56, %dma_wait3A] : memref<10240x64xf32, #tpu.memory_space<hbm>> -> memref<640x64xf32, #tpu.memory_space<hbm>>
        %dma_wait3A_68 = arith.constant 0 : i32
        %dma_wait3A_69 = tpu.memref_slice %arg20[%mul3A_56, %dma_wait3A_68] : memref<10240x64xf32, #tpu.memory_space<vmem_shared>> -> memref<640x64xf32, #tpu.memory_space<vmem_shared>>
        tpu.wait_dma2 semaphore(%run_scoped3A : memref<!tpu.dma_semaphore, #tpu.memory_space<semaphore_mem>>) src(%dma_wait3A_69 : memref<640x64xf32, #tpu.memory_space<vmem_shared>>) dst(%dma_wait3A_67 : memref<640x64xf32, #tpu.memory_space<hbm>>)
        tpu.yield
      }) : () -> ()
    } else {
    }
    %eq3A_59 = arith.constant 1 : i32
    %eq3A_60 = arith.cmpi eq, %arg0, %eq3A_59 : i32
    %convert_element_type3A_61 = arith.extui %eq3A_60 : i1 to i32
    %cond3A_62 = arith.constant 0 : i32
    %cond3A_63 = arith.cmpi ne, %convert_element_type3A_61, %cond3A_62 : i32
    scf.if %cond3A_63 {
      "tpu.region"() ({
        %run_scoped3A = tpu.sem_alloc : memref<!tpu.dma_semaphore, #tpu.memory_space<semaphore_mem>>
        %dma_start3A = arith.constant 0 : i32
        %dma_start3A_64 = tpu.memref_slice %arg11[%mul3A_56, %dma_start3A] : memref<10240x16xf32, #tpu.memory_space<hbm>> -> memref<640x16xf32, #tpu.memory_space<hbm>>
        %dma_start3A_65 = arith.constant 0 : i32
        %dma_start3A_66 = tpu.memref_slice %arg19[%mul3A_56, %dma_start3A_65] : memref<10240x16xf32, #tpu.memory_space<vmem_shared>> -> memref<640x16xf32, #tpu.memory_space<vmem_shared>>
        tpu.enqueue_dma source(%dma_start3A_66 : memref<640x16xf32, #tpu.memory_space<vmem_shared>>) target(%dma_start3A_64 : memref<640x16xf32, #tpu.memory_space<hbm>>) target_semaphore(%run_scoped3A : memref<!tpu.dma_semaphore, #tpu.memory_space<semaphore_mem>>)
        %dma_wait3A = arith.constant 0 : i32
        %dma_wait3A_67 = tpu.memref_slice %arg11[%mul3A_56, %dma_wait3A] : memref<10240x16xf32, #tpu.memory_space<hbm>> -> memref<640x16xf32, #tpu.memory_space<hbm>>
        %dma_wait3A_68 = arith.constant 0 : i32
        %dma_wait3A_69 = tpu.memref_slice %arg19[%mul3A_56, %dma_wait3A_68] : memref<10240x16xf32, #tpu.memory_space<vmem_shared>> -> memref<640x16xf32, #tpu.memory_space<vmem_shared>>
        tpu.wait_dma2 semaphore(%run_scoped3A : memref<!tpu.dma_semaphore, #tpu.memory_space<semaphore_mem>>) src(%dma_wait3A_69 : memref<640x16xf32, #tpu.memory_space<vmem_shared>>) dst(%dma_wait3A_67 : memref<640x16xf32, #tpu.memory_space<hbm>>)
        tpu.yield
      }) : () -> ()
      "tpu.region"() ({
        %run_scoped3A = tpu.sem_alloc : memref<!tpu.dma_semaphore, #tpu.memory_space<semaphore_mem>>
        %dma_start3A = arith.constant 0 : i32
        %dma_start3A_64 = tpu.memref_slice %arg9[%mul3A_56, %dma_start3A] : memref<10240x64xf32, #tpu.memory_space<hbm>> -> memref<640x64xf32, #tpu.memory_space<hbm>>
        %dma_start3A_65 = arith.constant 0 : i32
        %dma_start3A_66 = tpu.memref_slice %arg20[%mul3A_56, %dma_start3A_65] : memref<10240x64xf32, #tpu.memory_space<vmem_shared>> -> memref<640x64xf32, #tpu.memory_space<vmem_shared>>
        tpu.enqueue_dma source(%dma_start3A_66 : memref<640x64xf32, #tpu.memory_space<vmem_shared>>) target(%dma_start3A_64 : memref<640x64xf32, #tpu.memory_space<hbm>>) target_semaphore(%run_scoped3A : memref<!tpu.dma_semaphore, #tpu.memory_space<semaphore_mem>>)
        %dma_wait3A = arith.constant 0 : i32
        %dma_wait3A_67 = tpu.memref_slice %arg9[%mul3A_56, %dma_wait3A] : memref<10240x64xf32, #tpu.memory_space<hbm>> -> memref<640x64xf32, #tpu.memory_space<hbm>>
        %dma_wait3A_68 = arith.constant 0 : i32
        %dma_wait3A_69 = tpu.memref_slice %arg20[%mul3A_56, %dma_wait3A_68] : memref<10240x64xf32, #tpu.memory_space<vmem_shared>> -> memref<640x64xf32, #tpu.memory_space<vmem_shared>>
        tpu.wait_dma2 semaphore(%run_scoped3A : memref<!tpu.dma_semaphore, #tpu.memory_space<semaphore_mem>>) src(%dma_wait3A_69 : memref<640x64xf32, #tpu.memory_space<vmem_shared>>) dst(%dma_wait3A_67 : memref<640x64xf32, #tpu.memory_space<hbm>>)
        tpu.yield
      }) : () -> ()
    } else {
    }
    return
  }
}

#map = affine_map<(d0, d1) -> (0, 0)>
#map1 = affine_map<(d0, d1) -> (0)>
module attributes {stable_mosaic.version = 14 : i64} {
  func.func @_k23(%arg0: i32, %arg1: i32, %arg2: memref<10000x16xf32, #tpu.memory_space<hbm>>, %arg3: memref<10000x16xf32, #tpu.memory_space<hbm>>, %arg4: memref<10000x16xf32, #tpu.memory_space<hbm>>, %arg5: memref<10000x16xf32, #tpu.memory_space<hbm>>, %arg6: memref<8x16xf32, #tpu.memory_space<hbm>>, %arg7: memref<10000x128xf32, #tpu.memory_space<hbm>>, %arg8: memref<10000x128xf32, #tpu.memory_space<hbm>>, %arg9: memref<320000xi32, #tpu.memory_space<hbm>>, %arg10: memref<320000xi32, #tpu.memory_space<hbm>>, %arg11: memref<10240x128xf32, #tpu.memory_space<hbm>>, %arg12: memref<10240x128xf32, #tpu.memory_space<hbm>>, %arg13: memref<10240x16xf32, #tpu.memory_space<hbm>>, %arg14: memref<10240x16xf32, #tpu.memory_space<hbm>>, %arg15: memref<160xi32, #tpu.memory_space<vmem>>, %arg16: memref<160xi32, #tpu.memory_space<vmem>>, %arg17: memref<160x16xf32, #tpu.memory_space<vmem>>, %arg18: memref<160x16xf32, #tpu.memory_space<vmem>>, %arg19: memref<160x16xf32, #tpu.memory_space<vmem>>, %arg20: memref<160x128xf32, #tpu.memory_space<vmem>>, %arg21: memref<8x16xf32, #tpu.memory_space<vmem>>, %arg22: memref<10240x16xf32, #tpu.memory_space<vmem_shared>>, %arg23: memref<10240x128xf32, #tpu.memory_space<vmem_shared>>, %arg24: memref<!tpu.dma_semaphore, #tpu.memory_space<semaphore_mem>>) attributes {dimension_semantics = [#tpu.dimension_semantics<core_parallel>, #tpu.dimension_semantics<subcore_parallel>], iteration_bounds = array<i64: 2, 16>, scalar_prefetch = 0 : i64, scratch_operands = 10 : i64, tpu.core_type = #tpu.core_type<sc_vector_subcore>, window_params = [{transform_indices = #map}, {transform_indices = #map}, {transform_indices = #map}, {transform_indices = #map}, {transform_indices = #map}, {transform_indices = #map}, {transform_indices = #map}, {transform_indices = #map1}, {transform_indices = #map1}, {transform_indices = #map}, {transform_indices = #map}, {transform_indices = #map}, {transform_indices = #map}]} {
    %broadcast_in_dim3A = arith.constant 0.000000e+00 : f32
    %broadcast_in_dim3A_0 = vector.broadcast %broadcast_in_dim3A : f32 to vector<16xf32>
    "tpu.region"() ({
      %run_scoped3A = tpu.sem_alloc : memref<!tpu.dma_semaphore, #tpu.memory_space<semaphore_mem>>
      tpu.enqueue_dma source(%arg6 : memref<8x16xf32, #tpu.memory_space<hbm>>) target(%arg21 : memref<8x16xf32, #tpu.memory_space<vmem>>) target_semaphore(%run_scoped3A : memref<!tpu.dma_semaphore, #tpu.memory_space<semaphore_mem>>)
      tpu.wait_dma2 semaphore(%run_scoped3A : memref<!tpu.dma_semaphore, #tpu.memory_space<semaphore_mem>>) src(%arg6 : memref<8x16xf32, #tpu.memory_space<hbm>>) dst(%arg21 : memref<8x16xf32, #tpu.memory_space<vmem>>)
      tpu.yield
    }) : () -> ()
    %scan3A = arith.constant 0 : i32
    %scan3A_1 = arith.constant 0 : i32
    %scan3A_2 = arith.constant 80 : i32
    %scan3A_3 = arith.addi %scan3A_1, %scan3A_2 : i32
    %scan3A_4 = arith.constant 1 : i32
    %scan3A_5 = scf.for %scan3A_44 = %scan3A_1 to %scan3A_3 step %scan3A_4 iter_args(%scan3A_45 = %scan3A) -> (i32)  : i32 {
      %swap3A = arith.index_cast %scan3A_44 : i32 to index
      %swap3A_46 = arith.constant 0 : index
      %swap3A_47 = tpu.vector_load %arg19[%swap3A, %swap3A_46] {strides = array<i32>} : memref<160x16xf32, #tpu.memory_space<vmem>>, vector<16xf32>,
      tpu.vector_store %arg19[%swap3A, %swap3A_46], %broadcast_in_dim3A_0 {strides = array<i32>} : memref<160x16xf32, #tpu.memory_space<vmem>>, vector<16xf32>,
      %swap3A_48 = arith.index_cast %scan3A_44 : i32 to index
      %swap3A_49 = arith.constant 0 : index
      %swap3A_50 = tpu.vector_load %arg20[%swap3A_48, %swap3A_49] {strides = array<i32>} : memref<160x128xf32, #tpu.memory_space<vmem>>, vector<16xf32>,
      tpu.vector_store %arg20[%swap3A_48, %swap3A_49], %broadcast_in_dim3A_0 {strides = array<i32>} : memref<160x128xf32, #tpu.memory_space<vmem>>, vector<16xf32>,
      %swap3A_51 = arith.index_cast %scan3A_44 : i32 to index
      %swap3A_52 = arith.constant 16 : index
      %swap3A_53 = tpu.vector_load %arg20[%swap3A_51, %swap3A_52] {strides = array<i32>} : memref<160x128xf32, #tpu.memory_space<vmem>>, vector<16xf32>,
      tpu.vector_store %arg20[%swap3A_51, %swap3A_52], %broadcast_in_dim3A_0 {strides = array<i32>} : memref<160x128xf32, #tpu.memory_space<vmem>>, vector<16xf32>,
      %swap3A_54 = arith.index_cast %scan3A_44 : i32 to index
      %swap3A_55 = arith.constant 32 : index
      %swap3A_56 = tpu.vector_load %arg20[%swap3A_54, %swap3A_55] {strides = array<i32>} : memref<160x128xf32, #tpu.memory_space<vmem>>, vector<16xf32>,
      tpu.vector_store %arg20[%swap3A_54, %swap3A_55], %broadcast_in_dim3A_0 {strides = array<i32>} : memref<160x128xf32, #tpu.memory_space<vmem>>, vector<16xf32>,
      %swap3A_57 = arith.index_cast %scan3A_44 : i32 to index
      %swap3A_58 = arith.constant 48 : index
      %swap3A_59 = tpu.vector_load %arg20[%swap3A_57, %swap3A_58] {strides = array<i32>} : memref<160x128xf32, #tpu.memory_space<vmem>>, vector<16xf32>,
      tpu.vector_store %arg20[%swap3A_57, %swap3A_58], %broadcast_in_dim3A_0 {strides = array<i32>} : memref<160x128xf32, #tpu.memory_space<vmem>>, vector<16xf32>,
      %swap3A_60 = arith.index_cast %scan3A_44 : i32 to index
      %swap3A_61 = arith.constant 64 : index
      %swap3A_62 = tpu.vector_load %arg20[%swap3A_60, %swap3A_61] {strides = array<i32>} : memref<160x128xf32, #tpu.memory_space<vmem>>, vector<16xf32>,
      tpu.vector_store %arg20[%swap3A_60, %swap3A_61], %broadcast_in_dim3A_0 {strides = array<i32>} : memref<160x128xf32, #tpu.memory_space<vmem>>, vector<16xf32>,
      %swap3A_63 = arith.index_cast %scan3A_44 : i32 to index
      %swap3A_64 = arith.constant 80 : index
      %swap3A_65 = tpu.vector_load %arg20[%swap3A_63, %swap3A_64] {strides = array<i32>} : memref<160x128xf32, #tpu.memory_space<vmem>>, vector<16xf32>,
      tpu.vector_store %arg20[%swap3A_63, %swap3A_64], %broadcast_in_dim3A_0 {strides = array<i32>} : memref<160x128xf32, #tpu.memory_space<vmem>>, vector<16xf32>,
      %swap3A_66 = arith.index_cast %scan3A_44 : i32 to index
      %swap3A_67 = arith.constant 96 : index
      %swap3A_68 = tpu.vector_load %arg20[%swap3A_66, %swap3A_67] {strides = array<i32>} : memref<160x128xf32, #tpu.memory_space<vmem>>, vector<16xf32>,
      tpu.vector_store %arg20[%swap3A_66, %swap3A_67], %broadcast_in_dim3A_0 {strides = array<i32>} : memref<160x128xf32, #tpu.memory_space<vmem>>, vector<16xf32>,
      %swap3A_69 = arith.index_cast %scan3A_44 : i32 to index
      %swap3A_70 = arith.constant 112 : index
      %swap3A_71 = tpu.vector_load %arg20[%swap3A_69, %swap3A_70] {strides = array<i32>} : memref<160x128xf32, #tpu.memory_space<vmem>>, vector<16xf32>,
      tpu.vector_store %arg20[%swap3A_69, %swap3A_70], %broadcast_in_dim3A_0 {strides = array<i32>} : memref<160x128xf32, #tpu.memory_space<vmem>>, vector<16xf32>,
      %scan3A_72 = arith.constant 0 : i32
      scf.yield %scan3A_72 : i32
    }
    %scan3A_6 = arith.constant 80 : i32
    %mul3A = arith.constant 640 : i32
    %mul3A_7 = arith.muli %arg1, %mul3A : i32
    %add3A = arith.constant 0 : i32
    %add3A_8 = arith.addi %mul3A_7, %add3A : i32
    "tpu.region"() ({
      %run_scoped3A = tpu.sem_alloc : memref<!tpu.dma_semaphore, #tpu.memory_space<semaphore_mem>>
      %dma_start3A = arith.constant 0 : i32
      %dma_start3A_44 = arith.constant 0 : i32
      %dma_start3A_45 = tpu.memref_slice %arg19[%dma_start3A, %dma_start3A_44] : memref<160x16xf32, #tpu.memory_space<vmem>> -> memref<80x16xf32, #tpu.memory_space<vmem>>
      %dma_start3A_46 = arith.constant 0 : i32
      %dma_start3A_47 = tpu.memref_slice %arg22[%add3A_8, %dma_start3A_46] : memref<10240x16xf32, #tpu.memory_space<vmem_shared>> -> memref<80x16xf32, #tpu.memory_space<vmem_shared>>
      %dma_start3A_48 = arith.constant 0 : i32
      %dma_start3A_49 = tpu.memref_slice %arg22[%add3A_8, %dma_start3A_48] : memref<10240x16xf32, #tpu.memory_space<vmem_shared>> -> memref<80x16xf32, #tpu.memory_space<vmem_shared>>
      %dma_start3A_50 = arith.constant 0 : i32
      %dma_start3A_51 = arith.constant 0 : i32
      %dma_start3A_52 = tpu.memref_slice %arg19[%dma_start3A_50, %dma_start3A_51] : memref<160x16xf32, #tpu.memory_space<vmem>> -> memref<80x16xf32, #tpu.memory_space<vmem>>
      tpu.enqueue_dma source(%dma_start3A_52 : memref<80x16xf32, #tpu.memory_space<vmem>>) target(%dma_start3A_49 : memref<80x16xf32, #tpu.memory_space<vmem_shared>>) target_semaphore(%run_scoped3A : memref<!tpu.dma_semaphore, #tpu.memory_space<semaphore_mem>>)
      %dma_wait3A = arith.constant 0 : i32
      %dma_wait3A_53 = arith.constant 0 : i32
      %dma_wait3A_54 = tpu.memref_slice %arg19[%dma_wait3A, %dma_wait3A_53] : memref<160x16xf32, #tpu.memory_space<vmem>> -> memref<80x16xf32, #tpu.memory_space<vmem>>
      %dma_wait3A_55 = arith.constant 0 : i32
      %dma_wait3A_56 = tpu.memref_slice %arg22[%add3A_8, %dma_wait3A_55] : memref<10240x16xf32, #tpu.memory_space<vmem_shared>> -> memref<80x16xf32, #tpu.memory_space<vmem_shared>>
      %dma_wait3A_57 = arith.constant 0 : i32
      %dma_wait3A_58 = tpu.memref_slice %arg22[%add3A_8, %dma_wait3A_57] : memref<10240x16xf32, #tpu.memory_space<vmem_shared>> -> memref<80x16xf32, #tpu.memory_space<vmem_shared>>
      %dma_wait3A_59 = arith.constant 0 : i32
      %dma_wait3A_60 = arith.constant 0 : i32
      %dma_wait3A_61 = tpu.memref_slice %arg19[%dma_wait3A_59, %dma_wait3A_60] : memref<160x16xf32, #tpu.memory_space<vmem>> -> memref<80x16xf32, #tpu.memory_space<vmem>>
      tpu.wait_dma2 semaphore(%run_scoped3A : memref<!tpu.dma_semaphore, #tpu.memory_space<semaphore_mem>>) src(%dma_wait3A_61 : memref<80x16xf32, #tpu.memory_space<vmem>>) dst(%dma_wait3A_58 : memref<80x16xf32, #tpu.memory_space<vmem_shared>>)
      tpu.yield
    }) : () -> ()
    "tpu.region"() ({
      %run_scoped3A = tpu.sem_alloc : memref<!tpu.dma_semaphore, #tpu.memory_space<semaphore_mem>>
      %dma_start3A = arith.constant 0 : i32
      %dma_start3A_44 = arith.constant 0 : i32
      %dma_start3A_45 = tpu.memref_slice %arg20[%dma_start3A, %dma_start3A_44] : memref<160x128xf32, #tpu.memory_space<vmem>> -> memref<80x128xf32, #tpu.memory_space<vmem>>
      %dma_start3A_46 = arith.constant 0 : i32
      %dma_start3A_47 = tpu.memref_slice %arg23[%add3A_8, %dma_start3A_46] : memref<10240x128xf32, #tpu.memory_space<vmem_shared>> -> memref<80x128xf32, #tpu.memory_space<vmem_shared>>
      %dma_start3A_48 = arith.constant 0 : i32
      %dma_start3A_49 = tpu.memref_slice %arg23[%add3A_8, %dma_start3A_48] : memref<10240x128xf32, #tpu.memory_space<vmem_shared>> -> memref<80x128xf32, #tpu.memory_space<vmem_shared>>
      %dma_start3A_50 = arith.constant 0 : i32
      %dma_start3A_51 = arith.constant 0 : i32
      %dma_start3A_52 = tpu.memref_slice %arg20[%dma_start3A_50, %dma_start3A_51] : memref<160x128xf32, #tpu.memory_space<vmem>> -> memref<80x128xf32, #tpu.memory_space<vmem>>
      tpu.enqueue_dma source(%dma_start3A_52 : memref<80x128xf32, #tpu.memory_space<vmem>>) target(%dma_start3A_49 : memref<80x128xf32, #tpu.memory_space<vmem_shared>>) target_semaphore(%run_scoped3A : memref<!tpu.dma_semaphore, #tpu.memory_space<semaphore_mem>>)
      %dma_wait3A = arith.constant 0 : i32
      %dma_wait3A_53 = arith.constant 0 : i32
      %dma_wait3A_54 = tpu.memref_slice %arg20[%dma_wait3A, %dma_wait3A_53] : memref<160x128xf32, #tpu.memory_space<vmem>> -> memref<80x128xf32, #tpu.memory_space<vmem>>
      %dma_wait3A_55 = arith.constant 0 : i32
      %dma_wait3A_56 = tpu.memref_slice %arg23[%add3A_8, %dma_wait3A_55] : memref<10240x128xf32, #tpu.memory_space<vmem_shared>> -> memref<80x128xf32, #tpu.memory_space<vmem_shared>>
      %dma_wait3A_57 = arith.constant 0 : i32
      %dma_wait3A_58 = tpu.memref_slice %arg23[%add3A_8, %dma_wait3A_57] : memref<10240x128xf32, #tpu.memory_space<vmem_shared>> -> memref<80x128xf32, #tpu.memory_space<vmem_shared>>
      %dma_wait3A_59 = arith.constant 0 : i32
      %dma_wait3A_60 = arith.constant 0 : i32
      %dma_wait3A_61 = tpu.memref_slice %arg20[%dma_wait3A_59, %dma_wait3A_60] : memref<160x128xf32, #tpu.memory_space<vmem>> -> memref<80x128xf32, #tpu.memory_space<vmem>>
      tpu.wait_dma2 semaphore(%run_scoped3A : memref<!tpu.dma_semaphore, #tpu.memory_space<semaphore_mem>>) src(%dma_wait3A_61 : memref<80x128xf32, #tpu.memory_space<vmem>>) dst(%dma_wait3A_58 : memref<80x128xf32, #tpu.memory_space<vmem_shared>>)
      tpu.yield
    }) : () -> ()
    %mul3A_9 = arith.constant 640 : i32
    %mul3A_10 = arith.muli %arg1, %mul3A_9 : i32
    %add3A_11 = arith.constant 80 : i32
    %add3A_12 = arith.addi %mul3A_10, %add3A_11 : i32
    "tpu.region"() ({
      %run_scoped3A = tpu.sem_alloc : memref<!tpu.dma_semaphore, #tpu.memory_space<semaphore_mem>>
      %dma_start3A = arith.constant 0 : i32
      %dma_start3A_44 = arith.constant 0 : i32
      %dma_start3A_45 = tpu.memref_slice %arg19[%dma_start3A, %dma_start3A_44] : memref<160x16xf32, #tpu.memory_space<vmem>> -> memref<80x16xf32, #tpu.memory_space<vmem>>
      %dma_start3A_46 = arith.constant 0 : i32
      %dma_start3A_47 = tpu.memref_slice %arg22[%add3A_12, %dma_start3A_46] : memref<10240x16xf32, #tpu.memory_space<vmem_shared>> -> memref<80x16xf32, #tpu.memory_space<vmem_shared>>
      %dma_start3A_48 = arith.constant 0 : i32
      %dma_start3A_49 = tpu.memref_slice %arg22[%add3A_12, %dma_start3A_48] : memref<10240x16xf32, #tpu.memory_space<vmem_shared>> -> memref<80x16xf32, #tpu.memory_space<vmem_shared>>
      %dma_start3A_50 = arith.constant 0 : i32
      %dma_start3A_51 = arith.constant 0 : i32
      %dma_start3A_52 = tpu.memref_slice %arg19[%dma_start3A_50, %dma_start3A_51] : memref<160x16xf32, #tpu.memory_space<vmem>> -> memref<80x16xf32, #tpu.memory_space<vmem>>
      tpu.enqueue_dma source(%dma_start3A_52 : memref<80x16xf32, #tpu.memory_space<vmem>>) target(%dma_start3A_49 : memref<80x16xf32, #tpu.memory_space<vmem_shared>>) target_semaphore(%run_scoped3A : memref<!tpu.dma_semaphore, #tpu.memory_space<semaphore_mem>>)
      %dma_wait3A = arith.constant 0 : i32
      %dma_wait3A_53 = arith.constant 0 : i32
      %dma_wait3A_54 = tpu.memref_slice %arg19[%dma_wait3A, %dma_wait3A_53] : memref<160x16xf32, #tpu.memory_space<vmem>> -> memref<80x16xf32, #tpu.memory_space<vmem>>
      %dma_wait3A_55 = arith.constant 0 : i32
      %dma_wait3A_56 = tpu.memref_slice %arg22[%add3A_12, %dma_wait3A_55] : memref<10240x16xf32, #tpu.memory_space<vmem_shared>> -> memref<80x16xf32, #tpu.memory_space<vmem_shared>>
      %dma_wait3A_57 = arith.constant 0 : i32
      %dma_wait3A_58 = tpu.memref_slice %arg22[%add3A_12, %dma_wait3A_57] : memref<10240x16xf32, #tpu.memory_space<vmem_shared>> -> memref<80x16xf32, #tpu.memory_space<vmem_shared>>
      %dma_wait3A_59 = arith.constant 0 : i32
      %dma_wait3A_60 = arith.constant 0 : i32
      %dma_wait3A_61 = tpu.memref_slice %arg19[%dma_wait3A_59, %dma_wait3A_60] : memref<160x16xf32, #tpu.memory_space<vmem>> -> memref<80x16xf32, #tpu.memory_space<vmem>>
      tpu.wait_dma2 semaphore(%run_scoped3A : memref<!tpu.dma_semaphore, #tpu.memory_space<semaphore_mem>>) src(%dma_wait3A_61 : memref<80x16xf32, #tpu.memory_space<vmem>>) dst(%dma_wait3A_58 : memref<80x16xf32, #tpu.memory_space<vmem_shared>>)
      tpu.yield
    }) : () -> ()
    "tpu.region"() ({
      %run_scoped3A = tpu.sem_alloc : memref<!tpu.dma_semaphore, #tpu.memory_space<semaphore_mem>>
      %dma_start3A = arith.constant 0 : i32
      %dma_start3A_44 = arith.constant 0 : i32
      %dma_start3A_45 = tpu.memref_slice %arg20[%dma_start3A, %dma_start3A_44] : memref<160x128xf32, #tpu.memory_space<vmem>> -> memref<80x128xf32, #tpu.memory_space<vmem>>
      %dma_start3A_46 = arith.constant 0 : i32
      %dma_start3A_47 = tpu.memref_slice %arg23[%add3A_12, %dma_start3A_46] : memref<10240x128xf32, #tpu.memory_space<vmem_shared>> -> memref<80x128xf32, #tpu.memory_space<vmem_shared>>
      %dma_start3A_48 = arith.constant 0 : i32
      %dma_start3A_49 = tpu.memref_slice %arg23[%add3A_12, %dma_start3A_48] : memref<10240x128xf32, #tpu.memory_space<vmem_shared>> -> memref<80x128xf32, #tpu.memory_space<vmem_shared>>
      %dma_start3A_50 = arith.constant 0 : i32
      %dma_start3A_51 = arith.constant 0 : i32
      %dma_start3A_52 = tpu.memref_slice %arg20[%dma_start3A_50, %dma_start3A_51] : memref<160x128xf32, #tpu.memory_space<vmem>> -> memref<80x128xf32, #tpu.memory_space<vmem>>
      tpu.enqueue_dma source(%dma_start3A_52 : memref<80x128xf32, #tpu.memory_space<vmem>>) target(%dma_start3A_49 : memref<80x128xf32, #tpu.memory_space<vmem_shared>>) target_semaphore(%run_scoped3A : memref<!tpu.dma_semaphore, #tpu.memory_space<semaphore_mem>>)
      %dma_wait3A = arith.constant 0 : i32
      %dma_wait3A_53 = arith.constant 0 : i32
      %dma_wait3A_54 = tpu.memref_slice %arg20[%dma_wait3A, %dma_wait3A_53] : memref<160x128xf32, #tpu.memory_space<vmem>> -> memref<80x128xf32, #tpu.memory_space<vmem>>
      %dma_wait3A_55 = arith.constant 0 : i32
      %dma_wait3A_56 = tpu.memref_slice %arg23[%add3A_12, %dma_wait3A_55] : memref<10240x128xf32, #tpu.memory_space<vmem_shared>> -> memref<80x128xf32, #tpu.memory_space<vmem_shared>>
      %dma_wait3A_57 = arith.constant 0 : i32
      %dma_wait3A_58 = tpu.memref_slice %arg23[%add3A_12, %dma_wait3A_57] : memref<10240x128xf32, #tpu.memory_space<vmem_shared>> -> memref<80x128xf32, #tpu.memory_space<vmem_shared>>
      %dma_wait3A_59 = arith.constant 0 : i32
      %dma_wait3A_60 = arith.constant 0 : i32
      %dma_wait3A_61 = tpu.memref_slice %arg20[%dma_wait3A_59, %dma_wait3A_60] : memref<160x128xf32, #tpu.memory_space<vmem>> -> memref<80x128xf32, #tpu.memory_space<vmem>>
      tpu.wait_dma2 semaphore(%run_scoped3A : memref<!tpu.dma_semaphore, #tpu.memory_space<semaphore_mem>>) src(%dma_wait3A_61 : memref<80x128xf32, #tpu.memory_space<vmem>>) dst(%dma_wait3A_58 : memref<80x128xf32, #tpu.memory_space<vmem_shared>>)
      tpu.yield
    }) : () -> ()
    %mul3A_13 = arith.constant 640 : i32
    %mul3A_14 = arith.muli %arg1, %mul3A_13 : i32
    %add3A_15 = arith.constant 160 : i32
    %add3A_16 = arith.addi %mul3A_14, %add3A_15 : i32
    "tpu.region"() ({
      %run_scoped3A = tpu.sem_alloc : memref<!tpu.dma_semaphore, #tpu.memory_space<semaphore_mem>>
      %dma_start3A = arith.constant 0 : i32
      %dma_start3A_44 = arith.constant 0 : i32
      %dma_start3A_45 = tpu.memref_slice %arg19[%dma_start3A, %dma_start3A_44] : memref<160x16xf32, #tpu.memory_space<vmem>> -> memref<80x16xf32, #tpu.memory_space<vmem>>
      %dma_start3A_46 = arith.constant 0 : i32
      %dma_start3A_47 = tpu.memref_slice %arg22[%add3A_16, %dma_start3A_46] : memref<10240x16xf32, #tpu.memory_space<vmem_shared>> -> memref<80x16xf32, #tpu.memory_space<vmem_shared>>
      %dma_start3A_48 = arith.constant 0 : i32
      %dma_start3A_49 = tpu.memref_slice %arg22[%add3A_16, %dma_start3A_48] : memref<10240x16xf32, #tpu.memory_space<vmem_shared>> -> memref<80x16xf32, #tpu.memory_space<vmem_shared>>
      %dma_start3A_50 = arith.constant 0 : i32
      %dma_start3A_51 = arith.constant 0 : i32
      %dma_start3A_52 = tpu.memref_slice %arg19[%dma_start3A_50, %dma_start3A_51] : memref<160x16xf32, #tpu.memory_space<vmem>> -> memref<80x16xf32, #tpu.memory_space<vmem>>
      tpu.enqueue_dma source(%dma_start3A_52 : memref<80x16xf32, #tpu.memory_space<vmem>>) target(%dma_start3A_49 : memref<80x16xf32, #tpu.memory_space<vmem_shared>>) target_semaphore(%run_scoped3A : memref<!tpu.dma_semaphore, #tpu.memory_space<semaphore_mem>>)
      %dma_wait3A = arith.constant 0 : i32
      %dma_wait3A_53 = arith.constant 0 : i32
      %dma_wait3A_54 = tpu.memref_slice %arg19[%dma_wait3A, %dma_wait3A_53] : memref<160x16xf32, #tpu.memory_space<vmem>> -> memref<80x16xf32, #tpu.memory_space<vmem>>
      %dma_wait3A_55 = arith.constant 0 : i32
      %dma_wait3A_56 = tpu.memref_slice %arg22[%add3A_16, %dma_wait3A_55] : memref<10240x16xf32, #tpu.memory_space<vmem_shared>> -> memref<80x16xf32, #tpu.memory_space<vmem_shared>>
      %dma_wait3A_57 = arith.constant 0 : i32
      %dma_wait3A_58 = tpu.memref_slice %arg22[%add3A_16, %dma_wait3A_57] : memref<10240x16xf32, #tpu.memory_space<vmem_shared>> -> memref<80x16xf32, #tpu.memory_space<vmem_shared>>
      %dma_wait3A_59 = arith.constant 0 : i32
      %dma_wait3A_60 = arith.constant 0 : i32
      %dma_wait3A_61 = tpu.memref_slice %arg19[%dma_wait3A_59, %dma_wait3A_60] : memref<160x16xf32, #tpu.memory_space<vmem>> -> memref<80x16xf32, #tpu.memory_space<vmem>>
      tpu.wait_dma2 semaphore(%run_scoped3A : memref<!tpu.dma_semaphore, #tpu.memory_space<semaphore_mem>>) src(%dma_wait3A_61 : memref<80x16xf32, #tpu.memory_space<vmem>>) dst(%dma_wait3A_58 : memref<80x16xf32, #tpu.memory_space<vmem_shared>>)
      tpu.yield
    }) : () -> ()
    "tpu.region"() ({
      %run_scoped3A = tpu.sem_alloc : memref<!tpu.dma_semaphore, #tpu.memory_space<semaphore_mem>>
      %dma_start3A = arith.constant 0 : i32
      %dma_start3A_44 = arith.constant 0 : i32
      %dma_start3A_45 = tpu.memref_slice %arg20[%dma_start3A, %dma_start3A_44] : memref<160x128xf32, #tpu.memory_space<vmem>> -> memref<80x128xf32, #tpu.memory_space<vmem>>
      %dma_start3A_46 = arith.constant 0 : i32
      %dma_start3A_47 = tpu.memref_slice %arg23[%add3A_16, %dma_start3A_46] : memref<10240x128xf32, #tpu.memory_space<vmem_shared>> -> memref<80x128xf32, #tpu.memory_space<vmem_shared>>
      %dma_start3A_48 = arith.constant 0 : i32
      %dma_start3A_49 = tpu.memref_slice %arg23[%add3A_16, %dma_start3A_48] : memref<10240x128xf32, #tpu.memory_space<vmem_shared>> -> memref<80x128xf32, #tpu.memory_space<vmem_shared>>
      %dma_start3A_50 = arith.constant 0 : i32
      %dma_start3A_51 = arith.constant 0 : i32
      %dma_start3A_52 = tpu.memref_slice %arg20[%dma_start3A_50, %dma_start3A_51] : memref<160x128xf32, #tpu.memory_space<vmem>> -> memref<80x128xf32, #tpu.memory_space<vmem>>
      tpu.enqueue_dma source(%dma_start3A_52 : memref<80x128xf32, #tpu.memory_space<vmem>>) target(%dma_start3A_49 : memref<80x128xf32, #tpu.memory_space<vmem_shared>>) target_semaphore(%run_scoped3A : memref<!tpu.dma_semaphore, #tpu.memory_space<semaphore_mem>>)
      %dma_wait3A = arith.constant 0 : i32
      %dma_wait3A_53 = arith.constant 0 : i32
      %dma_wait3A_54 = tpu.memref_slice %arg20[%dma_wait3A, %dma_wait3A_53] : memref<160x128xf32, #tpu.memory_space<vmem>> -> memref<80x128xf32, #tpu.memory_space<vmem>>
      %dma_wait3A_55 = arith.constant 0 : i32
      %dma_wait3A_56 = tpu.memref_slice %arg23[%add3A_16, %dma_wait3A_55] : memref<10240x128xf32, #tpu.memory_space<vmem_shared>> -> memref<80x128xf32, #tpu.memory_space<vmem_shared>>
      %dma_wait3A_57 = arith.constant 0 : i32
      %dma_wait3A_58 = tpu.memref_slice %arg23[%add3A_16, %dma_wait3A_57] : memref<10240x128xf32, #tpu.memory_space<vmem_shared>> -> memref<80x128xf32, #tpu.memory_space<vmem_shared>>
      %dma_wait3A_59 = arith.constant 0 : i32
      %dma_wait3A_60 = arith.constant 0 : i32
      %dma_wait3A_61 = tpu.memref_slice %arg20[%dma_wait3A_59, %dma_wait3A_60] : memref<160x128xf32, #tpu.memory_space<vmem>> -> memref<80x128xf32, #tpu.memory_space<vmem>>
      tpu.wait_dma2 semaphore(%run_scoped3A : memref<!tpu.dma_semaphore, #tpu.memory_space<semaphore_mem>>) src(%dma_wait3A_61 : memref<80x128xf32, #tpu.memory_space<vmem>>) dst(%dma_wait3A_58 : memref<80x128xf32, #tpu.memory_space<vmem_shared>>)
      tpu.yield
    }) : () -> ()
    %mul3A_17 = arith.constant 640 : i32
    %mul3A_18 = arith.muli %arg1, %mul3A_17 : i32
    %add3A_19 = arith.constant 240 : i32
    %add3A_20 = arith.addi %mul3A_18, %add3A_19 : i32
    "tpu.region"() ({
      %run_scoped3A = tpu.sem_alloc : memref<!tpu.dma_semaphore, #tpu.memory_space<semaphore_mem>>
      %dma_start3A = arith.constant 0 : i32
      %dma_start3A_44 = arith.constant 0 : i32
      %dma_start3A_45 = tpu.memref_slice %arg19[%dma_start3A, %dma_start3A_44] : memref<160x16xf32, #tpu.memory_space<vmem>> -> memref<80x16xf32, #tpu.memory_space<vmem>>
      %dma_start3A_46 = arith.constant 0 : i32
      %dma_start3A_47 = tpu.memref_slice %arg22[%add3A_20, %dma_start3A_46] : memref<10240x16xf32, #tpu.memory_space<vmem_shared>> -> memref<80x16xf32, #tpu.memory_space<vmem_shared>>
      %dma_start3A_48 = arith.constant 0 : i32
      %dma_start3A_49 = tpu.memref_slice %arg22[%add3A_20, %dma_start3A_48] : memref<10240x16xf32, #tpu.memory_space<vmem_shared>> -> memref<80x16xf32, #tpu.memory_space<vmem_shared>>
      %dma_start3A_50 = arith.constant 0 : i32
      %dma_start3A_51 = arith.constant 0 : i32
      %dma_start3A_52 = tpu.memref_slice %arg19[%dma_start3A_50, %dma_start3A_51] : memref<160x16xf32, #tpu.memory_space<vmem>> -> memref<80x16xf32, #tpu.memory_space<vmem>>
      tpu.enqueue_dma source(%dma_start3A_52 : memref<80x16xf32, #tpu.memory_space<vmem>>) target(%dma_start3A_49 : memref<80x16xf32, #tpu.memory_space<vmem_shared>>) target_semaphore(%run_scoped3A : memref<!tpu.dma_semaphore, #tpu.memory_space<semaphore_mem>>)
      %dma_wait3A = arith.constant 0 : i32
      %dma_wait3A_53 = arith.constant 0 : i32
      %dma_wait3A_54 = tpu.memref_slice %arg19[%dma_wait3A, %dma_wait3A_53] : memref<160x16xf32, #tpu.memory_space<vmem>> -> memref<80x16xf32, #tpu.memory_space<vmem>>
      %dma_wait3A_55 = arith.constant 0 : i32
      %dma_wait3A_56 = tpu.memref_slice %arg22[%add3A_20, %dma_wait3A_55] : memref<10240x16xf32, #tpu.memory_space<vmem_shared>> -> memref<80x16xf32, #tpu.memory_space<vmem_shared>>
      %dma_wait3A_57 = arith.constant 0 : i32
      %dma_wait3A_58 = tpu.memref_slice %arg22[%add3A_20, %dma_wait3A_57] : memref<10240x16xf32, #tpu.memory_space<vmem_shared>> -> memref<80x16xf32, #tpu.memory_space<vmem_shared>>
      %dma_wait3A_59 = arith.constant 0 : i32
      %dma_wait3A_60 = arith.constant 0 : i32
      %dma_wait3A_61 = tpu.memref_slice %arg19[%dma_wait3A_59, %dma_wait3A_60] : memref<160x16xf32, #tpu.memory_space<vmem>> -> memref<80x16xf32, #tpu.memory_space<vmem>>
      tpu.wait_dma2 semaphore(%run_scoped3A : memref<!tpu.dma_semaphore, #tpu.memory_space<semaphore_mem>>) src(%dma_wait3A_61 : memref<80x16xf32, #tpu.memory_space<vmem>>) dst(%dma_wait3A_58 : memref<80x16xf32, #tpu.memory_space<vmem_shared>>)
      tpu.yield
    }) : () -> ()
    "tpu.region"() ({
      %run_scoped3A = tpu.sem_alloc : memref<!tpu.dma_semaphore, #tpu.memory_space<semaphore_mem>>
      %dma_start3A = arith.constant 0 : i32
      %dma_start3A_44 = arith.constant 0 : i32
      %dma_start3A_45 = tpu.memref_slice %arg20[%dma_start3A, %dma_start3A_44] : memref<160x128xf32, #tpu.memory_space<vmem>> -> memref<80x128xf32, #tpu.memory_space<vmem>>
      %dma_start3A_46 = arith.constant 0 : i32
      %dma_start3A_47 = tpu.memref_slice %arg23[%add3A_20, %dma_start3A_46] : memref<10240x128xf32, #tpu.memory_space<vmem_shared>> -> memref<80x128xf32, #tpu.memory_space<vmem_shared>>
      %dma_start3A_48 = arith.constant 0 : i32
      %dma_start3A_49 = tpu.memref_slice %arg23[%add3A_20, %dma_start3A_48] : memref<10240x128xf32, #tpu.memory_space<vmem_shared>> -> memref<80x128xf32, #tpu.memory_space<vmem_shared>>
      %dma_start3A_50 = arith.constant 0 : i32
      %dma_start3A_51 = arith.constant 0 : i32
      %dma_start3A_52 = tpu.memref_slice %arg20[%dma_start3A_50, %dma_start3A_51] : memref<160x128xf32, #tpu.memory_space<vmem>> -> memref<80x128xf32, #tpu.memory_space<vmem>>
      tpu.enqueue_dma source(%dma_start3A_52 : memref<80x128xf32, #tpu.memory_space<vmem>>) target(%dma_start3A_49 : memref<80x128xf32, #tpu.memory_space<vmem_shared>>) target_semaphore(%run_scoped3A : memref<!tpu.dma_semaphore, #tpu.memory_space<semaphore_mem>>)
      %dma_wait3A = arith.constant 0 : i32
      %dma_wait3A_53 = arith.constant 0 : i32
      %dma_wait3A_54 = tpu.memref_slice %arg20[%dma_wait3A, %dma_wait3A_53] : memref<160x128xf32, #tpu.memory_space<vmem>> -> memref<80x128xf32, #tpu.memory_space<vmem>>
      %dma_wait3A_55 = arith.constant 0 : i32
      %dma_wait3A_56 = tpu.memref_slice %arg23[%add3A_20, %dma_wait3A_55] : memref<10240x128xf32, #tpu.memory_space<vmem_shared>> -> memref<80x128xf32, #tpu.memory_space<vmem_shared>>
      %dma_wait3A_57 = arith.constant 0 : i32
      %dma_wait3A_58 = tpu.memref_slice %arg23[%add3A_20, %dma_wait3A_57] : memref<10240x128xf32, #tpu.memory_space<vmem_shared>> -> memref<80x128xf32, #tpu.memory_space<vmem_shared>>
      %dma_wait3A_59 = arith.constant 0 : i32
      %dma_wait3A_60 = arith.constant 0 : i32
      %dma_wait3A_61 = tpu.memref_slice %arg20[%dma_wait3A_59, %dma_wait3A_60] : memref<160x128xf32, #tpu.memory_space<vmem>> -> memref<80x128xf32, #tpu.memory_space<vmem>>
      tpu.wait_dma2 semaphore(%run_scoped3A : memref<!tpu.dma_semaphore, #tpu.memory_space<semaphore_mem>>) src(%dma_wait3A_61 : memref<80x128xf32, #tpu.memory_space<vmem>>) dst(%dma_wait3A_58 : memref<80x128xf32, #tpu.memory_space<vmem_shared>>)
      tpu.yield
    }) : () -> ()
    %mul3A_21 = arith.constant 640 : i32
    %mul3A_22 = arith.muli %arg1, %mul3A_21 : i32
    %add3A_23 = arith.constant 320 : i32
    %add3A_24 = arith.addi %mul3A_22, %add3A_23 : i32
    "tpu.region"() ({
      %run_scoped3A = tpu.sem_alloc : memref<!tpu.dma_semaphore, #tpu.memory_space<semaphore_mem>>
      %dma_start3A = arith.constant 0 : i32
      %dma_start3A_44 = arith.constant 0 : i32
      %dma_start3A_45 = tpu.memref_slice %arg19[%dma_start3A, %dma_start3A_44] : memref<160x16xf32, #tpu.memory_space<vmem>> -> memref<80x16xf32, #tpu.memory_space<vmem>>
      %dma_start3A_46 = arith.constant 0 : i32
      %dma_start3A_47 = tpu.memref_slice %arg22[%add3A_24, %dma_start3A_46] : memref<10240x16xf32, #tpu.memory_space<vmem_shared>> -> memref<80x16xf32, #tpu.memory_space<vmem_shared>>
      %dma_start3A_48 = arith.constant 0 : i32
      %dma_start3A_49 = tpu.memref_slice %arg22[%add3A_24, %dma_start3A_48] : memref<10240x16xf32, #tpu.memory_space<vmem_shared>> -> memref<80x16xf32, #tpu.memory_space<vmem_shared>>
      %dma_start3A_50 = arith.constant 0 : i32
      %dma_start3A_51 = arith.constant 0 : i32
      %dma_start3A_52 = tpu.memref_slice %arg19[%dma_start3A_50, %dma_start3A_51] : memref<160x16xf32, #tpu.memory_space<vmem>> -> memref<80x16xf32, #tpu.memory_space<vmem>>
      tpu.enqueue_dma source(%dma_start3A_52 : memref<80x16xf32, #tpu.memory_space<vmem>>) target(%dma_start3A_49 : memref<80x16xf32, #tpu.memory_space<vmem_shared>>) target_semaphore(%run_scoped3A : memref<!tpu.dma_semaphore, #tpu.memory_space<semaphore_mem>>)
      %dma_wait3A = arith.constant 0 : i32
      %dma_wait3A_53 = arith.constant 0 : i32
      %dma_wait3A_54 = tpu.memref_slice %arg19[%dma_wait3A, %dma_wait3A_53] : memref<160x16xf32, #tpu.memory_space<vmem>> -> memref<80x16xf32, #tpu.memory_space<vmem>>
      %dma_wait3A_55 = arith.constant 0 : i32
      %dma_wait3A_56 = tpu.memref_slice %arg22[%add3A_24, %dma_wait3A_55] : memref<10240x16xf32, #tpu.memory_space<vmem_shared>> -> memref<80x16xf32, #tpu.memory_space<vmem_shared>>
      %dma_wait3A_57 = arith.constant 0 : i32
      %dma_wait3A_58 = tpu.memref_slice %arg22[%add3A_24, %dma_wait3A_57] : memref<10240x16xf32, #tpu.memory_space<vmem_shared>> -> memref<80x16xf32, #tpu.memory_space<vmem_shared>>
      %dma_wait3A_59 = arith.constant 0 : i32
      %dma_wait3A_60 = arith.constant 0 : i32
      %dma_wait3A_61 = tpu.memref_slice %arg19[%dma_wait3A_59, %dma_wait3A_60] : memref<160x16xf32, #tpu.memory_space<vmem>> -> memref<80x16xf32, #tpu.memory_space<vmem>>
      tpu.wait_dma2 semaphore(%run_scoped3A : memref<!tpu.dma_semaphore, #tpu.memory_space<semaphore_mem>>) src(%dma_wait3A_61 : memref<80x16xf32, #tpu.memory_space<vmem>>) dst(%dma_wait3A_58 : memref<80x16xf32, #tpu.memory_space<vmem_shared>>)
      tpu.yield
    }) : () -> ()
    "tpu.region"() ({
      %run_scoped3A = tpu.sem_alloc : memref<!tpu.dma_semaphore, #tpu.memory_space<semaphore_mem>>
      %dma_start3A = arith.constant 0 : i32
      %dma_start3A_44 = arith.constant 0 : i32
      %dma_start3A_45 = tpu.memref_slice %arg20[%dma_start3A, %dma_start3A_44] : memref<160x128xf32, #tpu.memory_space<vmem>> -> memref<80x128xf32, #tpu.memory_space<vmem>>
      %dma_start3A_46 = arith.constant 0 : i32
      %dma_start3A_47 = tpu.memref_slice %arg23[%add3A_24, %dma_start3A_46] : memref<10240x128xf32, #tpu.memory_space<vmem_shared>> -> memref<80x128xf32, #tpu.memory_space<vmem_shared>>
      %dma_start3A_48 = arith.constant 0 : i32
      %dma_start3A_49 = tpu.memref_slice %arg23[%add3A_24, %dma_start3A_48] : memref<10240x128xf32, #tpu.memory_space<vmem_shared>> -> memref<80x128xf32, #tpu.memory_space<vmem_shared>>
      %dma_start3A_50 = arith.constant 0 : i32
      %dma_start3A_51 = arith.constant 0 : i32
      %dma_start3A_52 = tpu.memref_slice %arg20[%dma_start3A_50, %dma_start3A_51] : memref<160x128xf32, #tpu.memory_space<vmem>> -> memref<80x128xf32, #tpu.memory_space<vmem>>
      tpu.enqueue_dma source(%dma_start3A_52 : memref<80x128xf32, #tpu.memory_space<vmem>>) target(%dma_start3A_49 : memref<80x128xf32, #tpu.memory_space<vmem_shared>>) target_semaphore(%run_scoped3A : memref<!tpu.dma_semaphore, #tpu.memory_space<semaphore_mem>>)
      %dma_wait3A = arith.constant 0 : i32
      %dma_wait3A_53 = arith.constant 0 : i32
      %dma_wait3A_54 = tpu.memref_slice %arg20[%dma_wait3A, %dma_wait3A_53] : memref<160x128xf32, #tpu.memory_space<vmem>> -> memref<80x128xf32, #tpu.memory_space<vmem>>
      %dma_wait3A_55 = arith.constant 0 : i32
      %dma_wait3A_56 = tpu.memref_slice %arg23[%add3A_24, %dma_wait3A_55] : memref<10240x128xf32, #tpu.memory_space<vmem_shared>> -> memref<80x128xf32, #tpu.memory_space<vmem_shared>>
      %dma_wait3A_57 = arith.constant 0 : i32
      %dma_wait3A_58 = tpu.memref_slice %arg23[%add3A_24, %dma_wait3A_57] : memref<10240x128xf32, #tpu.memory_space<vmem_shared>> -> memref<80x128xf32, #tpu.memory_space<vmem_shared>>
      %dma_wait3A_59 = arith.constant 0 : i32
      %dma_wait3A_60 = arith.constant 0 : i32
      %dma_wait3A_61 = tpu.memref_slice %arg20[%dma_wait3A_59, %dma_wait3A_60] : memref<160x128xf32, #tpu.memory_space<vmem>> -> memref<80x128xf32, #tpu.memory_space<vmem>>
      tpu.wait_dma2 semaphore(%run_scoped3A : memref<!tpu.dma_semaphore, #tpu.memory_space<semaphore_mem>>) src(%dma_wait3A_61 : memref<80x128xf32, #tpu.memory_space<vmem>>) dst(%dma_wait3A_58 : memref<80x128xf32, #tpu.memory_space<vmem_shared>>)
      tpu.yield
    }) : () -> ()
    %mul3A_25 = arith.constant 640 : i32
    %mul3A_26 = arith.muli %arg1, %mul3A_25 : i32
    %add3A_27 = arith.constant 400 : i32
    %add3A_28 = arith.addi %mul3A_26, %add3A_27 : i32
    "tpu.region"() ({
      %run_scoped3A = tpu.sem_alloc : memref<!tpu.dma_semaphore, #tpu.memory_space<semaphore_mem>>
      %dma_start3A = arith.constant 0 : i32
      %dma_start3A_44 = arith.constant 0 : i32
      %dma_start3A_45 = tpu.memref_slice %arg19[%dma_start3A, %dma_start3A_44] : memref<160x16xf32, #tpu.memory_space<vmem>> -> memref<80x16xf32, #tpu.memory_space<vmem>>
      %dma_start3A_46 = arith.constant 0 : i32
      %dma_start3A_47 = tpu.memref_slice %arg22[%add3A_28, %dma_start3A_46] : memref<10240x16xf32, #tpu.memory_space<vmem_shared>> -> memref<80x16xf32, #tpu.memory_space<vmem_shared>>
      %dma_start3A_48 = arith.constant 0 : i32
      %dma_start3A_49 = tpu.memref_slice %arg22[%add3A_28, %dma_start3A_48] : memref<10240x16xf32, #tpu.memory_space<vmem_shared>> -> memref<80x16xf32, #tpu.memory_space<vmem_shared>>
      %dma_start3A_50 = arith.constant 0 : i32
      %dma_start3A_51 = arith.constant 0 : i32
      %dma_start3A_52 = tpu.memref_slice %arg19[%dma_start3A_50, %dma_start3A_51] : memref<160x16xf32, #tpu.memory_space<vmem>> -> memref<80x16xf32, #tpu.memory_space<vmem>>
      tpu.enqueue_dma source(%dma_start3A_52 : memref<80x16xf32, #tpu.memory_space<vmem>>) target(%dma_start3A_49 : memref<80x16xf32, #tpu.memory_space<vmem_shared>>) target_semaphore(%run_scoped3A : memref<!tpu.dma_semaphore, #tpu.memory_space<semaphore_mem>>)
      %dma_wait3A = arith.constant 0 : i32
      %dma_wait3A_53 = arith.constant 0 : i32
      %dma_wait3A_54 = tpu.memref_slice %arg19[%dma_wait3A, %dma_wait3A_53] : memref<160x16xf32, #tpu.memory_space<vmem>> -> memref<80x16xf32, #tpu.memory_space<vmem>>
      %dma_wait3A_55 = arith.constant 0 : i32
      %dma_wait3A_56 = tpu.memref_slice %arg22[%add3A_28, %dma_wait3A_55] : memref<10240x16xf32, #tpu.memory_space<vmem_shared>> -> memref<80x16xf32, #tpu.memory_space<vmem_shared>>
      %dma_wait3A_57 = arith.constant 0 : i32
      %dma_wait3A_58 = tpu.memref_slice %arg22[%add3A_28, %dma_wait3A_57] : memref<10240x16xf32, #tpu.memory_space<vmem_shared>> -> memref<80x16xf32, #tpu.memory_space<vmem_shared>>
      %dma_wait3A_59 = arith.constant 0 : i32
      %dma_wait3A_60 = arith.constant 0 : i32
      %dma_wait3A_61 = tpu.memref_slice %arg19[%dma_wait3A_59, %dma_wait3A_60] : memref<160x16xf32, #tpu.memory_space<vmem>> -> memref<80x16xf32, #tpu.memory_space<vmem>>
      tpu.wait_dma2 semaphore(%run_scoped3A : memref<!tpu.dma_semaphore, #tpu.memory_space<semaphore_mem>>) src(%dma_wait3A_61 : memref<80x16xf32, #tpu.memory_space<vmem>>) dst(%dma_wait3A_58 : memref<80x16xf32, #tpu.memory_space<vmem_shared>>)
      tpu.yield
    }) : () -> ()
    "tpu.region"() ({
      %run_scoped3A = tpu.sem_alloc : memref<!tpu.dma_semaphore, #tpu.memory_space<semaphore_mem>>
      %dma_start3A = arith.constant 0 : i32
      %dma_start3A_44 = arith.constant 0 : i32
      %dma_start3A_45 = tpu.memref_slice %arg20[%dma_start3A, %dma_start3A_44] : memref<160x128xf32, #tpu.memory_space<vmem>> -> memref<80x128xf32, #tpu.memory_space<vmem>>
      %dma_start3A_46 = arith.constant 0 : i32
      %dma_start3A_47 = tpu.memref_slice %arg23[%add3A_28, %dma_start3A_46] : memref<10240x128xf32, #tpu.memory_space<vmem_shared>> -> memref<80x128xf32, #tpu.memory_space<vmem_shared>>
      %dma_start3A_48 = arith.constant 0 : i32
      %dma_start3A_49 = tpu.memref_slice %arg23[%add3A_28, %dma_start3A_48] : memref<10240x128xf32, #tpu.memory_space<vmem_shared>> -> memref<80x128xf32, #tpu.memory_space<vmem_shared>>
      %dma_start3A_50 = arith.constant 0 : i32
      %dma_start3A_51 = arith.constant 0 : i32
      %dma_start3A_52 = tpu.memref_slice %arg20[%dma_start3A_50, %dma_start3A_51] : memref<160x128xf32, #tpu.memory_space<vmem>> -> memref<80x128xf32, #tpu.memory_space<vmem>>
      tpu.enqueue_dma source(%dma_start3A_52 : memref<80x128xf32, #tpu.memory_space<vmem>>) target(%dma_start3A_49 : memref<80x128xf32, #tpu.memory_space<vmem_shared>>) target_semaphore(%run_scoped3A : memref<!tpu.dma_semaphore, #tpu.memory_space<semaphore_mem>>)
      %dma_wait3A = arith.constant 0 : i32
      %dma_wait3A_53 = arith.constant 0 : i32
      %dma_wait3A_54 = tpu.memref_slice %arg20[%dma_wait3A, %dma_wait3A_53] : memref<160x128xf32, #tpu.memory_space<vmem>> -> memref<80x128xf32, #tpu.memory_space<vmem>>
      %dma_wait3A_55 = arith.constant 0 : i32
      %dma_wait3A_56 = tpu.memref_slice %arg23[%add3A_28, %dma_wait3A_55] : memref<10240x128xf32, #tpu.memory_space<vmem_shared>> -> memref<80x128xf32, #tpu.memory_space<vmem_shared>>
      %dma_wait3A_57 = arith.constant 0 : i32
      %dma_wait3A_58 = tpu.memref_slice %arg23[%add3A_28, %dma_wait3A_57] : memref<10240x128xf32, #tpu.memory_space<vmem_shared>> -> memref<80x128xf32, #tpu.memory_space<vmem_shared>>
      %dma_wait3A_59 = arith.constant 0 : i32
      %dma_wait3A_60 = arith.constant 0 : i32
      %dma_wait3A_61 = tpu.memref_slice %arg20[%dma_wait3A_59, %dma_wait3A_60] : memref<160x128xf32, #tpu.memory_space<vmem>> -> memref<80x128xf32, #tpu.memory_space<vmem>>
      tpu.wait_dma2 semaphore(%run_scoped3A : memref<!tpu.dma_semaphore, #tpu.memory_space<semaphore_mem>>) src(%dma_wait3A_61 : memref<80x128xf32, #tpu.memory_space<vmem>>) dst(%dma_wait3A_58 : memref<80x128xf32, #tpu.memory_space<vmem_shared>>)
      tpu.yield
    }) : () -> ()
    %mul3A_29 = arith.constant 640 : i32
    %mul3A_30 = arith.muli %arg1, %mul3A_29 : i32
    %add3A_31 = arith.constant 480 : i32
    %add3A_32 = arith.addi %mul3A_30, %add3A_31 : i32
    "tpu.region"() ({
      %run_scoped3A = tpu.sem_alloc : memref<!tpu.dma_semaphore, #tpu.memory_space<semaphore_mem>>
      %dma_start3A = arith.constant 0 : i32
      %dma_start3A_44 = arith.constant 0 : i32
      %dma_start3A_45 = tpu.memref_slice %arg19[%dma_start3A, %dma_start3A_44] : memref<160x16xf32, #tpu.memory_space<vmem>> -> memref<80x16xf32, #tpu.memory_space<vmem>>
      %dma_start3A_46 = arith.constant 0 : i32
      %dma_start3A_47 = tpu.memref_slice %arg22[%add3A_32, %dma_start3A_46] : memref<10240x16xf32, #tpu.memory_space<vmem_shared>> -> memref<80x16xf32, #tpu.memory_space<vmem_shared>>
      %dma_start3A_48 = arith.constant 0 : i32
      %dma_start3A_49 = tpu.memref_slice %arg22[%add3A_32, %dma_start3A_48] : memref<10240x16xf32, #tpu.memory_space<vmem_shared>> -> memref<80x16xf32, #tpu.memory_space<vmem_shared>>
      %dma_start3A_50 = arith.constant 0 : i32
      %dma_start3A_51 = arith.constant 0 : i32
      %dma_start3A_52 = tpu.memref_slice %arg19[%dma_start3A_50, %dma_start3A_51] : memref<160x16xf32, #tpu.memory_space<vmem>> -> memref<80x16xf32, #tpu.memory_space<vmem>>
      tpu.enqueue_dma source(%dma_start3A_52 : memref<80x16xf32, #tpu.memory_space<vmem>>) target(%dma_start3A_49 : memref<80x16xf32, #tpu.memory_space<vmem_shared>>) target_semaphore(%run_scoped3A : memref<!tpu.dma_semaphore, #tpu.memory_space<semaphore_mem>>)
      %dma_wait3A = arith.constant 0 : i32
      %dma_wait3A_53 = arith.constant 0 : i32
      %dma_wait3A_54 = tpu.memref_slice %arg19[%dma_wait3A, %dma_wait3A_53] : memref<160x16xf32, #tpu.memory_space<vmem>> -> memref<80x16xf32, #tpu.memory_space<vmem>>
      %dma_wait3A_55 = arith.constant 0 : i32
      %dma_wait3A_56 = tpu.memref_slice %arg22[%add3A_32, %dma_wait3A_55] : memref<10240x16xf32, #tpu.memory_space<vmem_shared>> -> memref<80x16xf32, #tpu.memory_space<vmem_shared>>
      %dma_wait3A_57 = arith.constant 0 : i32
      %dma_wait3A_58 = tpu.memref_slice %arg22[%add3A_32, %dma_wait3A_57] : memref<10240x16xf32, #tpu.memory_space<vmem_shared>> -> memref<80x16xf32, #tpu.memory_space<vmem_shared>>
      %dma_wait3A_59 = arith.constant 0 : i32
      %dma_wait3A_60 = arith.constant 0 : i32
      %dma_wait3A_61 = tpu.memref_slice %arg19[%dma_wait3A_59, %dma_wait3A_60] : memref<160x16xf32, #tpu.memory_space<vmem>> -> memref<80x16xf32, #tpu.memory_space<vmem>>
      tpu.wait_dma2 semaphore(%run_scoped3A : memref<!tpu.dma_semaphore, #tpu.memory_space<semaphore_mem>>) src(%dma_wait3A_61 : memref<80x16xf32, #tpu.memory_space<vmem>>) dst(%dma_wait3A_58 : memref<80x16xf32, #tpu.memory_space<vmem_shared>>)
      tpu.yield
    }) : () -> ()
    "tpu.region"() ({
      %run_scoped3A = tpu.sem_alloc : memref<!tpu.dma_semaphore, #tpu.memory_space<semaphore_mem>>
      %dma_start3A = arith.constant 0 : i32
      %dma_start3A_44 = arith.constant 0 : i32
      %dma_start3A_45 = tpu.memref_slice %arg20[%dma_start3A, %dma_start3A_44] : memref<160x128xf32, #tpu.memory_space<vmem>> -> memref<80x128xf32, #tpu.memory_space<vmem>>
      %dma_start3A_46 = arith.constant 0 : i32
      %dma_start3A_47 = tpu.memref_slice %arg23[%add3A_32, %dma_start3A_46] : memref<10240x128xf32, #tpu.memory_space<vmem_shared>> -> memref<80x128xf32, #tpu.memory_space<vmem_shared>>
      %dma_start3A_48 = arith.constant 0 : i32
      %dma_start3A_49 = tpu.memref_slice %arg23[%add3A_32, %dma_start3A_48] : memref<10240x128xf32, #tpu.memory_space<vmem_shared>> -> memref<80x128xf32, #tpu.memory_space<vmem_shared>>
      %dma_start3A_50 = arith.constant 0 : i32
      %dma_start3A_51 = arith.constant 0 : i32
      %dma_start3A_52 = tpu.memref_slice %arg20[%dma_start3A_50, %dma_start3A_51] : memref<160x128xf32, #tpu.memory_space<vmem>> -> memref<80x128xf32, #tpu.memory_space<vmem>>
      tpu.enqueue_dma source(%dma_start3A_52 : memref<80x128xf32, #tpu.memory_space<vmem>>) target(%dma_start3A_49 : memref<80x128xf32, #tpu.memory_space<vmem_shared>>) target_semaphore(%run_scoped3A : memref<!tpu.dma_semaphore, #tpu.memory_space<semaphore_mem>>)
      %dma_wait3A = arith.constant 0 : i32
      %dma_wait3A_53 = arith.constant 0 : i32
      %dma_wait3A_54 = tpu.memref_slice %arg20[%dma_wait3A, %dma_wait3A_53] : memref<160x128xf32, #tpu.memory_space<vmem>> -> memref<80x128xf32, #tpu.memory_space<vmem>>
      %dma_wait3A_55 = arith.constant 0 : i32
      %dma_wait3A_56 = tpu.memref_slice %arg23[%add3A_32, %dma_wait3A_55] : memref<10240x128xf32, #tpu.memory_space<vmem_shared>> -> memref<80x128xf32, #tpu.memory_space<vmem_shared>>
      %dma_wait3A_57 = arith.constant 0 : i32
      %dma_wait3A_58 = tpu.memref_slice %arg23[%add3A_32, %dma_wait3A_57] : memref<10240x128xf32, #tpu.memory_space<vmem_shared>> -> memref<80x128xf32, #tpu.memory_space<vmem_shared>>
      %dma_wait3A_59 = arith.constant 0 : i32
      %dma_wait3A_60 = arith.constant 0 : i32
      %dma_wait3A_61 = tpu.memref_slice %arg20[%dma_wait3A_59, %dma_wait3A_60] : memref<160x128xf32, #tpu.memory_space<vmem>> -> memref<80x128xf32, #tpu.memory_space<vmem>>
      tpu.wait_dma2 semaphore(%run_scoped3A : memref<!tpu.dma_semaphore, #tpu.memory_space<semaphore_mem>>) src(%dma_wait3A_61 : memref<80x128xf32, #tpu.memory_space<vmem>>) dst(%dma_wait3A_58 : memref<80x128xf32, #tpu.memory_space<vmem_shared>>)
      tpu.yield
    }) : () -> ()
    %mul3A_33 = arith.constant 640 : i32
    %mul3A_34 = arith.muli %arg1, %mul3A_33 : i32
    %add3A_35 = arith.constant 560 : i32
    %add3A_36 = arith.addi %mul3A_34, %add3A_35 : i32
    "tpu.region"() ({
      %run_scoped3A = tpu.sem_alloc : memref<!tpu.dma_semaphore, #tpu.memory_space<semaphore_mem>>
      %dma_start3A = arith.constant 0 : i32
      %dma_start3A_44 = arith.constant 0 : i32
      %dma_start3A_45 = tpu.memref_slice %arg19[%dma_start3A, %dma_start3A_44] : memref<160x16xf32, #tpu.memory_space<vmem>> -> memref<80x16xf32, #tpu.memory_space<vmem>>
      %dma_start3A_46 = arith.constant 0 : i32
      %dma_start3A_47 = tpu.memref_slice %arg22[%add3A_36, %dma_start3A_46] : memref<10240x16xf32, #tpu.memory_space<vmem_shared>> -> memref<80x16xf32, #tpu.memory_space<vmem_shared>>
      %dma_start3A_48 = arith.constant 0 : i32
      %dma_start3A_49 = tpu.memref_slice %arg22[%add3A_36, %dma_start3A_48] : memref<10240x16xf32, #tpu.memory_space<vmem_shared>> -> memref<80x16xf32, #tpu.memory_space<vmem_shared>>
      %dma_start3A_50 = arith.constant 0 : i32
      %dma_start3A_51 = arith.constant 0 : i32
      %dma_start3A_52 = tpu.memref_slice %arg19[%dma_start3A_50, %dma_start3A_51] : memref<160x16xf32, #tpu.memory_space<vmem>> -> memref<80x16xf32, #tpu.memory_space<vmem>>
      tpu.enqueue_dma source(%dma_start3A_52 : memref<80x16xf32, #tpu.memory_space<vmem>>) target(%dma_start3A_49 : memref<80x16xf32, #tpu.memory_space<vmem_shared>>) target_semaphore(%run_scoped3A : memref<!tpu.dma_semaphore, #tpu.memory_space<semaphore_mem>>)
      %dma_wait3A = arith.constant 0 : i32
      %dma_wait3A_53 = arith.constant 0 : i32
      %dma_wait3A_54 = tpu.memref_slice %arg19[%dma_wait3A, %dma_wait3A_53] : memref<160x16xf32, #tpu.memory_space<vmem>> -> memref<80x16xf32, #tpu.memory_space<vmem>>
      %dma_wait3A_55 = arith.constant 0 : i32
      %dma_wait3A_56 = tpu.memref_slice %arg22[%add3A_36, %dma_wait3A_55] : memref<10240x16xf32, #tpu.memory_space<vmem_shared>> -> memref<80x16xf32, #tpu.memory_space<vmem_shared>>
      %dma_wait3A_57 = arith.constant 0 : i32
      %dma_wait3A_58 = tpu.memref_slice %arg22[%add3A_36, %dma_wait3A_57] : memref<10240x16xf32, #tpu.memory_space<vmem_shared>> -> memref<80x16xf32, #tpu.memory_space<vmem_shared>>
      %dma_wait3A_59 = arith.constant 0 : i32
      %dma_wait3A_60 = arith.constant 0 : i32
      %dma_wait3A_61 = tpu.memref_slice %arg19[%dma_wait3A_59, %dma_wait3A_60] : memref<160x16xf32, #tpu.memory_space<vmem>> -> memref<80x16xf32, #tpu.memory_space<vmem>>
      tpu.wait_dma2 semaphore(%run_scoped3A : memref<!tpu.dma_semaphore, #tpu.memory_space<semaphore_mem>>) src(%dma_wait3A_61 : memref<80x16xf32, #tpu.memory_space<vmem>>) dst(%dma_wait3A_58 : memref<80x16xf32, #tpu.memory_space<vmem_shared>>)
      tpu.yield
    }) : () -> ()
    "tpu.region"() ({
      %run_scoped3A = tpu.sem_alloc : memref<!tpu.dma_semaphore, #tpu.memory_space<semaphore_mem>>
      %dma_start3A = arith.constant 0 : i32
      %dma_start3A_44 = arith.constant 0 : i32
      %dma_start3A_45 = tpu.memref_slice %arg20[%dma_start3A, %dma_start3A_44] : memref<160x128xf32, #tpu.memory_space<vmem>> -> memref<80x128xf32, #tpu.memory_space<vmem>>
      %dma_start3A_46 = arith.constant 0 : i32
      %dma_start3A_47 = tpu.memref_slice %arg23[%add3A_36, %dma_start3A_46] : memref<10240x128xf32, #tpu.memory_space<vmem_shared>> -> memref<80x128xf32, #tpu.memory_space<vmem_shared>>
      %dma_start3A_48 = arith.constant 0 : i32
      %dma_start3A_49 = tpu.memref_slice %arg23[%add3A_36, %dma_start3A_48] : memref<10240x128xf32, #tpu.memory_space<vmem_shared>> -> memref<80x128xf32, #tpu.memory_space<vmem_shared>>
      %dma_start3A_50 = arith.constant 0 : i32
      %dma_start3A_51 = arith.constant 0 : i32
      %dma_start3A_52 = tpu.memref_slice %arg20[%dma_start3A_50, %dma_start3A_51] : memref<160x128xf32, #tpu.memory_space<vmem>> -> memref<80x128xf32, #tpu.memory_space<vmem>>
      tpu.enqueue_dma source(%dma_start3A_52 : memref<80x128xf32, #tpu.memory_space<vmem>>) target(%dma_start3A_49 : memref<80x128xf32, #tpu.memory_space<vmem_shared>>) target_semaphore(%run_scoped3A : memref<!tpu.dma_semaphore, #tpu.memory_space<semaphore_mem>>)
      %dma_wait3A = arith.constant 0 : i32
      %dma_wait3A_53 = arith.constant 0 : i32
      %dma_wait3A_54 = tpu.memref_slice %arg20[%dma_wait3A, %dma_wait3A_53] : memref<160x128xf32, #tpu.memory_space<vmem>> -> memref<80x128xf32, #tpu.memory_space<vmem>>
      %dma_wait3A_55 = arith.constant 0 : i32
      %dma_wait3A_56 = tpu.memref_slice %arg23[%add3A_36, %dma_wait3A_55] : memref<10240x128xf32, #tpu.memory_space<vmem_shared>> -> memref<80x128xf32, #tpu.memory_space<vmem_shared>>
      %dma_wait3A_57 = arith.constant 0 : i32
      %dma_wait3A_58 = tpu.memref_slice %arg23[%add3A_36, %dma_wait3A_57] : memref<10240x128xf32, #tpu.memory_space<vmem_shared>> -> memref<80x128xf32, #tpu.memory_space<vmem_shared>>
      %dma_wait3A_59 = arith.constant 0 : i32
      %dma_wait3A_60 = arith.constant 0 : i32
      %dma_wait3A_61 = tpu.memref_slice %arg20[%dma_wait3A_59, %dma_wait3A_60] : memref<160x128xf32, #tpu.memory_space<vmem>> -> memref<80x128xf32, #tpu.memory_space<vmem>>
      tpu.wait_dma2 semaphore(%run_scoped3A : memref<!tpu.dma_semaphore, #tpu.memory_space<semaphore_mem>>) src(%dma_wait3A_61 : memref<80x128xf32, #tpu.memory_space<vmem>>) dst(%dma_wait3A_58 : memref<80x128xf32, #tpu.memory_space<vmem_shared>>)
      tpu.yield
    }) : () -> ()
    %barrier3A = arith.constant 0 : index
    tpu.barrier barrier_id(%barrier3A)
    %eq3A = arith.constant 0 : i32
    %eq3A_37 = arith.cmpi eq, %arg0, %eq3A : i32
    %convert_element_type3A = arith.extui %eq3A_37 : i1 to i32
    %cond3A = arith.constant 0 : i32
    %cond3A_38 = arith.cmpi ne, %convert_element_type3A, %cond3A : i32
    scf.if %cond3A_38 {
      %get3A = arith.constant 0 : i32
      %get3A_44 = arith.index_cast %get3A : i32 to index
      %get3A_45 = arith.constant 0 : index
      %get3A_46 = tpu.vector_load %arg21[%get3A_44, %get3A_45] {strides = array<i32>} : memref<8x16xf32, #tpu.memory_space<vmem>>, vector<16xf32>,
      %get3A_47 = arith.constant 1 : i32
      %get3A_48 = arith.index_cast %get3A_47 : i32 to index
      %get3A_49 = arith.constant 0 : index
      %get3A_50 = tpu.vector_load %arg21[%get3A_48, %get3A_49] {strides = array<i32>} : memref<8x16xf32, #tpu.memory_space<vmem>>, vector<16xf32>,
      %add3A_51 = arith.addf %get3A_46, %get3A_50 : vector<16xf32>
      %max3A = arith.constant 0.000000e+00 : f32
      %max3A_52 = vector.broadcast %max3A : f32 to vector<16xf32>
      %max3A_53 = arith.maximumf %add3A_51, %max3A_52 : vector<16xf32>
      %scan3A_54 = arith.constant 0 : i32
      %scan3A_55 = arith.constant 0 : i32
      %scan3A_56 = arith.constant 125 : i32
      %scan3A_57 = arith.addi %scan3A_55, %scan3A_56 : i32
      %scan3A_58 = arith.constant 1 : i32
      %scan3A_59 = scf.for %scan3A_103 = %scan3A_55 to %scan3A_57 step %scan3A_58 iter_args(%scan3A_104 = %scan3A_54) -> (i32)  : i32 {
        %mul3A_105 = arith.constant 20000 : i32
        %mul3A_106 = arith.muli %arg1, %mul3A_105 : i32
        %mul3A_107 = arith.constant 160 : i32
        %mul3A_108 = arith.muli %scan3A_103, %mul3A_107 : i32
        %add3A_109 = arith.addi %mul3A_106, %mul3A_108 : i32
        "tpu.region"() ({
          %run_scoped3A = tpu.sem_alloc : memref<!tpu.dma_semaphore, #tpu.memory_space<semaphore_mem>>
          %dma_start3A_130 = tpu.memref_slice %arg9[%add3A_109] : memref<320000xi32, #tpu.memory_space<hbm>> -> memref<160xi32, #tpu.memory_space<hbm>>
          %dma_start3A_131 = tpu.memref_slice %arg9[%add3A_109] : memref<320000xi32, #tpu.memory_space<hbm>> -> memref<160xi32, #tpu.memory_space<hbm>>
          tpu.enqueue_dma source(%dma_start3A_131 : memref<160xi32, #tpu.memory_space<hbm>>) target(%arg15 : memref<160xi32, #tpu.memory_space<vmem>>) target_semaphore(%run_scoped3A : memref<!tpu.dma_semaphore, #tpu.memory_space<semaphore_mem>>)
          %dma_wait3A_132 = tpu.memref_slice %arg9[%add3A_109] : memref<320000xi32, #tpu.memory_space<hbm>> -> memref<160xi32, #tpu.memory_space<hbm>>
          %dma_wait3A_133 = tpu.memref_slice %arg9[%add3A_109] : memref<320000xi32, #tpu.memory_space<hbm>> -> memref<160xi32, #tpu.memory_space<hbm>>
          tpu.wait_dma2 semaphore(%run_scoped3A : memref<!tpu.dma_semaphore, #tpu.memory_space<semaphore_mem>>) src(%dma_wait3A_133 : memref<160xi32, #tpu.memory_space<hbm>>) dst(%arg15 : memref<160xi32, #tpu.memory_space<vmem>>)
          tpu.yield
        }) : () -> ()
        %dma_start3A = arith.constant 0 : i32
        %dma_start3A_110 = arith.constant 0 : i32
        %dma_start3A_111 = tpu.memref_slice %arg2[%dma_start3A, %dma_start3A_110] : memref<10000x16xf32, #tpu.memory_space<hbm>> -> memref<10000x16xf32, #tpu.memory_space<hbm>>
        tpu.enqueue_indirect_dma source(%dma_start3A_111 : memref<10000x16xf32, #tpu.memory_space<hbm>>) target(%arg17 : memref<160x16xf32, #tpu.memory_space<vmem>>) offsets(%arg15 : memref<160xi32, #tpu.memory_space<vmem>>) semaphore(%arg24 : memref<!tpu.dma_semaphore, #tpu.memory_space<semaphore_mem>>)
        %dma_start3A_112 = arith.constant 0 : i32
        %dma_start3A_113 = arith.constant 0 : i32
        %dma_start3A_114 = tpu.memref_slice %arg7[%dma_start3A_112, %dma_start3A_113] : memref<10000x128xf32, #tpu.memory_space<hbm>> -> memref<10000x128xf32, #tpu.memory_space<hbm>>
        tpu.enqueue_indirect_dma source(%dma_start3A_114 : memref<10000x128xf32, #tpu.memory_space<hbm>>) target(%arg20 : memref<160x128xf32, #tpu.memory_space<vmem>>) offsets(%arg15 : memref<160xi32, #tpu.memory_space<vmem>>) semaphore(%arg24 : memref<!tpu.dma_semaphore, #tpu.memory_space<semaphore_mem>>)
        "tpu.region"() ({
          %run_scoped3A = tpu.sem_alloc : memref<!tpu.dma_semaphore, #tpu.memory_space<semaphore_mem>>
          %dma_start3A_130 = tpu.memref_slice %arg10[%add3A_109] : memref<320000xi32, #tpu.memory_space<hbm>> -> memref<160xi32, #tpu.memory_space<hbm>>
          %dma_start3A_131 = tpu.memref_slice %arg10[%add3A_109] : memref<320000xi32, #tpu.memory_space<hbm>> -> memref<160xi32, #tpu.memory_space<hbm>>
          tpu.enqueue_dma source(%dma_start3A_131 : memref<160xi32, #tpu.memory_space<hbm>>) target(%arg16 : memref<160xi32, #tpu.memory_space<vmem>>) target_semaphore(%run_scoped3A : memref<!tpu.dma_semaphore, #tpu.memory_space<semaphore_mem>>)
          %dma_wait3A_132 = tpu.memref_slice %arg10[%add3A_109] : memref<320000xi32, #tpu.memory_space<hbm>> -> memref<160xi32, #tpu.memory_space<hbm>>
          %dma_wait3A_133 = tpu.memref_slice %arg10[%add3A_109] : memref<320000xi32, #tpu.memory_space<hbm>> -> memref<160xi32, #tpu.memory_space<hbm>>
          tpu.wait_dma2 semaphore(%run_scoped3A : memref<!tpu.dma_semaphore, #tpu.memory_space<semaphore_mem>>) src(%dma_wait3A_133 : memref<160xi32, #tpu.memory_space<hbm>>) dst(%arg16 : memref<160xi32, #tpu.memory_space<vmem>>)
          tpu.yield
        }) : () -> ()
        %dma_start3A_115 = arith.constant 0 : i32
        %dma_start3A_116 = arith.constant 0 : i32
        %dma_start3A_117 = tpu.memref_slice %arg3[%dma_start3A_115, %dma_start3A_116] : memref<10000x16xf32, #tpu.memory_space<hbm>> -> memref<10000x16xf32, #tpu.memory_space<hbm>>
        tpu.enqueue_indirect_dma source(%dma_start3A_117 : memref<10000x16xf32, #tpu.memory_space<hbm>>) target(%arg18 : memref<160x16xf32, #tpu.memory_space<vmem>>) offsets(%arg16 : memref<160xi32, #tpu.memory_space<vmem>>) semaphore(%arg24 : memref<!tpu.dma_semaphore, #tpu.memory_space<semaphore_mem>>)
        %dma_wait3A = arith.constant 0 : i32
        %dma_wait3A_118 = arith.constant 0 : i32
        %dma_wait3A_119 = tpu.memref_slice %arg2[%dma_wait3A, %dma_wait3A_118] : memref<10000x16xf32, #tpu.memory_space<hbm>> -> memref<10000x16xf32, #tpu.memory_space<hbm>>
        tpu.wait_indirect_dma semaphore(%arg24 : memref<!tpu.dma_semaphore, #tpu.memory_space<semaphore_mem>>) src(%dma_wait3A_119 : memref<10000x16xf32, #tpu.memory_space<hbm>>) dst(%arg17 : memref<160x16xf32, #tpu.memory_space<vmem>>)
        %dma_wait3A_120 = arith.constant 0 : i32
        %dma_wait3A_121 = arith.constant 0 : i32
        %dma_wait3A_122 = tpu.memref_slice %arg3[%dma_wait3A_120, %dma_wait3A_121] : memref<10000x16xf32, #tpu.memory_space<hbm>> -> memref<10000x16xf32, #tpu.memory_space<hbm>>
        tpu.wait_indirect_dma semaphore(%arg24 : memref<!tpu.dma_semaphore, #tpu.memory_space<semaphore_mem>>) src(%dma_wait3A_122 : memref<10000x16xf32, #tpu.memory_space<hbm>>) dst(%arg18 : memref<160x16xf32, #tpu.memory_space<vmem>>)
        %dma_wait3A_123 = arith.constant 0 : i32
        %dma_wait3A_124 = arith.constant 0 : i32
        %dma_wait3A_125 = tpu.memref_slice %arg7[%dma_wait3A_123, %dma_wait3A_124] : memref<10000x128xf32, #tpu.memory_space<hbm>> -> memref<10000x128xf32, #tpu.memory_space<hbm>>
        tpu.wait_indirect_dma semaphore(%arg24 : memref<!tpu.dma_semaphore, #tpu.memory_space<semaphore_mem>>) src(%dma_wait3A_125 : memref<10000x128xf32, #tpu.memory_space<hbm>>) dst(%arg20 : memref<160x128xf32, #tpu.memory_space<vmem>>)
        %parallel_loop3A_126 = arith.constant 0 : i32
        %parallel_loop3A_127 = arith.constant 160 : i32
        %parallel_loop3A_128 = arith.constant 1 : i32
        scf.for %parallel_loop3A_130 = %parallel_loop3A_126 to %parallel_loop3A_127 step %parallel_loop3A_128  : i32 {
          %parallel_loop3A_131 = arith.index_cast %parallel_loop3A_130 : i32 to index
          %parallel_loop3A_132 = arith.constant 0 : index
          %parallel_loop3A_133 = tpu.vector_load %arg17[%parallel_loop3A_131, %parallel_loop3A_132] {strides = array<i32>} : memref<160x16xf32, #tpu.memory_space<vmem>>, vector<16xf32>,
          %parallel_loop3A_134 = arith.index_cast %parallel_loop3A_130 : i32 to index
          %parallel_loop3A_135 = arith.constant 0 : index
          %parallel_loop3A_136 = tpu.vector_load %arg18[%parallel_loop3A_134, %parallel_loop3A_135] {strides = array<i32>} : memref<160x16xf32, #tpu.memory_space<vmem>>, vector<16xf32>,
          %parallel_loop3A_137 = arith.addf %parallel_loop3A_133, %parallel_loop3A_136 : vector<16xf32>
          %parallel_loop3A_138 = arith.constant 0.000000e+00 : f32
          %parallel_loop3A_139 = vector.broadcast %parallel_loop3A_138 : f32 to vector<16xf32>
          %parallel_loop3A_140 = arith.cmpf oge, %parallel_loop3A_137, %parallel_loop3A_139 : vector<16xf32>
          %parallel_loop3A_141 = arith.constant 2.000000e-01 : f32
          %parallel_loop3A_142 = vector.broadcast %parallel_loop3A_141 : f32 to vector<16xf32>
          %parallel_loop3A_143 = arith.mulf %parallel_loop3A_142, %parallel_loop3A_137 : vector<16xf32>
          %parallel_loop3A_144 = arith.select %parallel_loop3A_140, %parallel_loop3A_137, %parallel_loop3A_143 : vector<16xi1>, vector<16xf32>
          %parallel_loop3A_145 = arith.subf %parallel_loop3A_144, %max3A_53 : vector<16xf32>
          %parallel_loop3A_146 = math.exp %parallel_loop3A_145 : vector<16xf32>
          %parallel_loop3A_147 = arith.index_cast %parallel_loop3A_130 : i32 to index
          %parallel_loop3A_148 = arith.constant 0 : index
          %parallel_loop3A_149 = tpu.vector_load %arg19[%parallel_loop3A_147, %parallel_loop3A_148] {strides = array<i32>} : memref<160x16xf32, #tpu.memory_space<vmem>>, vector<16xf32>,
          tpu.vector_store %arg19[%parallel_loop3A_147, %parallel_loop3A_148], %parallel_loop3A_146 {strides = array<i32>} : memref<160x16xf32, #tpu.memory_space<vmem>>, vector<16xf32>,
          %parallel_loop3A_150 = arith.index_cast %parallel_loop3A_130 : i32 to index
          %parallel_loop3A_151 = arith.constant 0 : index
          %parallel_loop3A_152 = tpu.vector_load %arg20[%parallel_loop3A_150, %parallel_loop3A_151] {strides = array<i32>} : memref<160x128xf32, #tpu.memory_space<vmem>>, vector<16xf32>,
          %parallel_loop3A_153 = arith.mulf %parallel_loop3A_152, %parallel_loop3A_146 : vector<16xf32>
          %parallel_loop3A_154 = arith.index_cast %parallel_loop3A_130 : i32 to index
          %parallel_loop3A_155 = arith.constant 0 : index
          %parallel_loop3A_156 = tpu.vector_load %arg20[%parallel_loop3A_154, %parallel_loop3A_155] {strides = array<i32>} : memref<160x128xf32, #tpu.memory_space<vmem>>, vector<16xf32>,
          tpu.vector_store %arg20[%parallel_loop3A_154, %parallel_loop3A_155], %parallel_loop3A_153 {strides = array<i32>} : memref<160x128xf32, #tpu.memory_space<vmem>>, vector<16xf32>,
          %parallel_loop3A_157 = arith.index_cast %parallel_loop3A_130 : i32 to index
          %parallel_loop3A_158 = arith.constant 16 : index
          %parallel_loop3A_159 = tpu.vector_load %arg20[%parallel_loop3A_157, %parallel_loop3A_158] {strides = array<i32>} : memref<160x128xf32, #tpu.memory_space<vmem>>, vector<16xf32>,
          %parallel_loop3A_160 = arith.mulf %parallel_loop3A_159, %parallel_loop3A_146 : vector<16xf32>
          %parallel_loop3A_161 = arith.index_cast %parallel_loop3A_130 : i32 to index
          %parallel_loop3A_162 = arith.constant 16 : index
          %parallel_loop3A_163 = tpu.vector_load %arg20[%parallel_loop3A_161, %parallel_loop3A_162] {strides = array<i32>} : memref<160x128xf32, #tpu.memory_space<vmem>>, vector<16xf32>,
          tpu.vector_store %arg20[%parallel_loop3A_161, %parallel_loop3A_162], %parallel_loop3A_160 {strides = array<i32>} : memref<160x128xf32, #tpu.memory_space<vmem>>, vector<16xf32>,
          %parallel_loop3A_164 = arith.index_cast %parallel_loop3A_130 : i32 to index
          %parallel_loop3A_165 = arith.constant 32 : index
          %parallel_loop3A_166 = tpu.vector_load %arg20[%parallel_loop3A_164, %parallel_loop3A_165] {strides = array<i32>} : memref<160x128xf32, #tpu.memory_space<vmem>>, vector<16xf32>,
          %parallel_loop3A_167 = arith.mulf %parallel_loop3A_166, %parallel_loop3A_146 : vector<16xf32>
          %parallel_loop3A_168 = arith.index_cast %parallel_loop3A_130 : i32 to index
          %parallel_loop3A_169 = arith.constant 32 : index
          %parallel_loop3A_170 = tpu.vector_load %arg20[%parallel_loop3A_168, %parallel_loop3A_169] {strides = array<i32>} : memref<160x128xf32, #tpu.memory_space<vmem>>, vector<16xf32>,
          tpu.vector_store %arg20[%parallel_loop3A_168, %parallel_loop3A_169], %parallel_loop3A_167 {strides = array<i32>} : memref<160x128xf32, #tpu.memory_space<vmem>>, vector<16xf32>,
          %parallel_loop3A_171 = arith.index_cast %parallel_loop3A_130 : i32 to index
          %parallel_loop3A_172 = arith.constant 48 : index
          %parallel_loop3A_173 = tpu.vector_load %arg20[%parallel_loop3A_171, %parallel_loop3A_172] {strides = array<i32>} : memref<160x128xf32, #tpu.memory_space<vmem>>, vector<16xf32>,
          %parallel_loop3A_174 = arith.mulf %parallel_loop3A_173, %parallel_loop3A_146 : vector<16xf32>
          %parallel_loop3A_175 = arith.index_cast %parallel_loop3A_130 : i32 to index
          %parallel_loop3A_176 = arith.constant 48 : index
          %parallel_loop3A_177 = tpu.vector_load %arg20[%parallel_loop3A_175, %parallel_loop3A_176] {strides = array<i32>} : memref<160x128xf32, #tpu.memory_space<vmem>>, vector<16xf32>,
          tpu.vector_store %arg20[%parallel_loop3A_175, %parallel_loop3A_176], %parallel_loop3A_174 {strides = array<i32>} : memref<160x128xf32, #tpu.memory_space<vmem>>, vector<16xf32>,
          %parallel_loop3A_178 = arith.index_cast %parallel_loop3A_130 : i32 to index
          %parallel_loop3A_179 = arith.constant 64 : index
          %parallel_loop3A_180 = tpu.vector_load %arg20[%parallel_loop3A_178, %parallel_loop3A_179] {strides = array<i32>} : memref<160x128xf32, #tpu.memory_space<vmem>>, vector<16xf32>,
          %parallel_loop3A_181 = arith.mulf %parallel_loop3A_180, %parallel_loop3A_146 : vector<16xf32>
          %parallel_loop3A_182 = arith.index_cast %parallel_loop3A_130 : i32 to index
          %parallel_loop3A_183 = arith.constant 64 : index
          %parallel_loop3A_184 = tpu.vector_load %arg20[%parallel_loop3A_182, %parallel_loop3A_183] {strides = array<i32>} : memref<160x128xf32, #tpu.memory_space<vmem>>, vector<16xf32>,
          tpu.vector_store %arg20[%parallel_loop3A_182, %parallel_loop3A_183], %parallel_loop3A_181 {strides = array<i32>} : memref<160x128xf32, #tpu.memory_space<vmem>>, vector<16xf32>,
          %parallel_loop3A_185 = arith.index_cast %parallel_loop3A_130 : i32 to index
          %parallel_loop3A_186 = arith.constant 80 : index
          %parallel_loop3A_187 = tpu.vector_load %arg20[%parallel_loop3A_185, %parallel_loop3A_186] {strides = array<i32>} : memref<160x128xf32, #tpu.memory_space<vmem>>, vector<16xf32>,
          %parallel_loop3A_188 = arith.mulf %parallel_loop3A_187, %parallel_loop3A_146 : vector<16xf32>
          %parallel_loop3A_189 = arith.index_cast %parallel_loop3A_130 : i32 to index
          %parallel_loop3A_190 = arith.constant 80 : index
          %parallel_loop3A_191 = tpu.vector_load %arg20[%parallel_loop3A_189, %parallel_loop3A_190] {strides = array<i32>} : memref<160x128xf32, #tpu.memory_space<vmem>>, vector<16xf32>,
          tpu.vector_store %arg20[%parallel_loop3A_189, %parallel_loop3A_190], %parallel_loop3A_188 {strides = array<i32>} : memref<160x128xf32, #tpu.memory_space<vmem>>, vector<16xf32>,
          %parallel_loop3A_192 = arith.index_cast %parallel_loop3A_130 : i32 to index
          %parallel_loop3A_193 = arith.constant 96 : index
          %parallel_loop3A_194 = tpu.vector_load %arg20[%parallel_loop3A_192, %parallel_loop3A_193] {strides = array<i32>} : memref<160x128xf32, #tpu.memory_space<vmem>>, vector<16xf32>,
          %parallel_loop3A_195 = arith.mulf %parallel_loop3A_194, %parallel_loop3A_146 : vector<16xf32>
          %parallel_loop3A_196 = arith.index_cast %parallel_loop3A_130 : i32 to index
          %parallel_loop3A_197 = arith.constant 96 : index
          %parallel_loop3A_198 = tpu.vector_load %arg20[%parallel_loop3A_196, %parallel_loop3A_197] {strides = array<i32>} : memref<160x128xf32, #tpu.memory_space<vmem>>, vector<16xf32>,
          tpu.vector_store %arg20[%parallel_loop3A_196, %parallel_loop3A_197], %parallel_loop3A_195 {strides = array<i32>} : memref<160x128xf32, #tpu.memory_space<vmem>>, vector<16xf32>,
          %parallel_loop3A_199 = arith.index_cast %parallel_loop3A_130 : i32 to index
          %parallel_loop3A_200 = arith.constant 112 : index
          %parallel_loop3A_201 = tpu.vector_load %arg20[%parallel_loop3A_199, %parallel_loop3A_200] {strides = array<i32>} : memref<160x128xf32, #tpu.memory_space<vmem>>, vector<16xf32>,
          %parallel_loop3A_202 = arith.mulf %parallel_loop3A_201, %parallel_loop3A_146 : vector<16xf32>
          %parallel_loop3A_203 = arith.index_cast %parallel_loop3A_130 : i32 to index
          %parallel_loop3A_204 = arith.constant 112 : index
          %parallel_loop3A_205 = tpu.vector_load %arg20[%parallel_loop3A_203, %parallel_loop3A_204] {strides = array<i32>} : memref<160x128xf32, #tpu.memory_space<vmem>>, vector<16xf32>,
          tpu.vector_store %arg20[%parallel_loop3A_203, %parallel_loop3A_204], %parallel_loop3A_202 {strides = array<i32>} : memref<160x128xf32, #tpu.memory_space<vmem>>, vector<16xf32>,
        } {sc.loop_unroll_factor = 4 : i64, sc.parallel_access}
        "tpu.region"() ({
          %run_scoped3A = tpu.sem_alloc : memref<!tpu.dma_semaphore, #tpu.memory_space<semaphore_mem>>
          %dma_start3A_130 = arith.constant 0 : i32
          %dma_start3A_131 = arith.constant 0 : i32
          %dma_start3A_132 = tpu.memref_slice %arg22[%dma_start3A_130, %dma_start3A_131] : memref<10240x16xf32, #tpu.memory_space<vmem_shared>> -> memref<10240x16xf32, #tpu.memory_space<vmem_shared>>
          tpu.enqueue_indirect_dma source(%arg19 : memref<160x16xf32, #tpu.memory_space<vmem>>) target(%dma_start3A_132 : memref<10240x16xf32, #tpu.memory_space<vmem_shared>>) offsets(%arg16 : memref<160xi32, #tpu.memory_space<vmem>>) semaphore(%run_scoped3A : memref<!tpu.dma_semaphore, #tpu.memory_space<semaphore_mem>>) {add = true}
          %dma_wait3A_133 = arith.constant 0 : i32
          %dma_wait3A_134 = arith.constant 0 : i32
          %dma_wait3A_135 = tpu.memref_slice %arg22[%dma_wait3A_133, %dma_wait3A_134] : memref<10240x16xf32, #tpu.memory_space<vmem_shared>> -> memref<10240x16xf32, #tpu.memory_space<vmem_shared>>
          tpu.wait_indirect_dma semaphore(%run_scoped3A : memref<!tpu.dma_semaphore, #tpu.memory_space<semaphore_mem>>) src(%arg19 : memref<160x16xf32, #tpu.memory_space<vmem>>) dst(%dma_wait3A_135 : memref<10240x16xf32, #tpu.memory_space<vmem_shared>>)
          tpu.yield
        }) : () -> ()
        "tpu.region"() ({
          %run_scoped3A = tpu.sem_alloc : memref<!tpu.dma_semaphore, #tpu.memory_space<semaphore_mem>>
          %dma_start3A_130 = arith.constant 0 : i32
          %dma_start3A_131 = arith.constant 0 : i32
          %dma_start3A_132 = tpu.memref_slice %arg23[%dma_start3A_130, %dma_start3A_131] : memref<10240x128xf32, #tpu.memory_space<vmem_shared>> -> memref<10240x128xf32, #tpu.memory_space<vmem_shared>>
          tpu.enqueue_indirect_dma source(%arg20 : memref<160x128xf32, #tpu.memory_space<vmem>>) target(%dma_start3A_132 : memref<10240x128xf32, #tpu.memory_space<vmem_shared>>) offsets(%arg16 : memref<160xi32, #tpu.memory_space<vmem>>) semaphore(%run_scoped3A : memref<!tpu.dma_semaphore, #tpu.memory_space<semaphore_mem>>) {add = true}
          %dma_wait3A_133 = arith.constant 0 : i32
          %dma_wait3A_134 = arith.constant 0 : i32
          %dma_wait3A_135 = tpu.memref_slice %arg23[%dma_wait3A_133, %dma_wait3A_134] : memref<10240x128xf32, #tpu.memory_space<vmem_shared>> -> memref<10240x128xf32, #tpu.memory_space<vmem_shared>>
          tpu.wait_indirect_dma semaphore(%run_scoped3A : memref<!tpu.dma_semaphore, #tpu.memory_space<semaphore_mem>>) src(%arg20 : memref<160x128xf32, #tpu.memory_space<vmem>>) dst(%dma_wait3A_135 : memref<10240x128xf32, #tpu.memory_space<vmem_shared>>)
          tpu.yield
        }) : () -> ()
        %scan3A_129 = arith.constant 0 : i32
        scf.yield %scan3A_129 : i32
      }
      %scan3A_60 = arith.constant 125 : i32
      %barrier3A_61 = arith.constant 0 : index
      tpu.barrier barrier_id(%barrier3A_61)
      %mul3A_62 = arith.constant 640 : i32
      %mul3A_63 = arith.muli %arg1, %mul3A_62 : i32
      "tpu.region"() ({
        %run_scoped3A = tpu.sem_alloc : memref<!tpu.dma_semaphore, #tpu.memory_space<semaphore_mem>>
        %dma_start3A = arith.constant 0 : i32
        %dma_start3A_103 = tpu.memref_slice %arg11[%mul3A_63, %dma_start3A] : memref<10240x128xf32, #tpu.memory_space<hbm>> -> memref<640x128xf32, #tpu.memory_space<hbm>>
        %dma_start3A_104 = arith.constant 0 : i32
        %dma_start3A_105 = tpu.memref_slice %arg23[%mul3A_63, %dma_start3A_104] : memref<10240x128xf32, #tpu.memory_space<vmem_shared>> -> memref<640x128xf32, #tpu.memory_space<vmem_shared>>
        tpu.enqueue_dma source(%dma_start3A_105 : memref<640x128xf32, #tpu.memory_space<vmem_shared>>) target(%dma_start3A_103 : memref<640x128xf32, #tpu.memory_space<hbm>>) target_semaphore(%run_scoped3A : memref<!tpu.dma_semaphore, #tpu.memory_space<semaphore_mem>>)
        %dma_wait3A = arith.constant 0 : i32
        %dma_wait3A_106 = tpu.memref_slice %arg11[%mul3A_63, %dma_wait3A] : memref<10240x128xf32, #tpu.memory_space<hbm>> -> memref<640x128xf32, #tpu.memory_space<hbm>>
        %dma_wait3A_107 = arith.constant 0 : i32
        %dma_wait3A_108 = tpu.memref_slice %arg23[%mul3A_63, %dma_wait3A_107] : memref<10240x128xf32, #tpu.memory_space<vmem_shared>> -> memref<640x128xf32, #tpu.memory_space<vmem_shared>>
        tpu.wait_dma2 semaphore(%run_scoped3A : memref<!tpu.dma_semaphore, #tpu.memory_space<semaphore_mem>>) src(%dma_wait3A_108 : memref<640x128xf32, #tpu.memory_space<vmem_shared>>) dst(%dma_wait3A_106 : memref<640x128xf32, #tpu.memory_space<hbm>>)
        tpu.yield
      }) : () -> ()
      %add3A_64 = arith.constant 0 : i32
      %add3A_65 = arith.addi %mul3A_63, %add3A_64 : i32
      "tpu.region"() ({
        %run_scoped3A = tpu.sem_alloc : memref<!tpu.dma_semaphore, #tpu.memory_space<semaphore_mem>>
        %dma_start3A = arith.constant 0 : i32
        %dma_start3A_103 = arith.constant 0 : i32
        %dma_start3A_104 = tpu.memref_slice %arg19[%dma_start3A, %dma_start3A_103] : memref<160x16xf32, #tpu.memory_space<vmem>> -> memref<80x16xf32, #tpu.memory_space<vmem>>
        %dma_start3A_105 = arith.constant 0 : i32
        %dma_start3A_106 = tpu.memref_slice %arg22[%add3A_65, %dma_start3A_105] : memref<10240x16xf32, #tpu.memory_space<vmem_shared>> -> memref<80x16xf32, #tpu.memory_space<vmem_shared>>
        %dma_start3A_107 = arith.constant 0 : i32
        %dma_start3A_108 = arith.constant 0 : i32
        %dma_start3A_109 = tpu.memref_slice %arg19[%dma_start3A_107, %dma_start3A_108] : memref<160x16xf32, #tpu.memory_space<vmem>> -> memref<80x16xf32, #tpu.memory_space<vmem>>
        %dma_start3A_110 = arith.constant 0 : i32
        %dma_start3A_111 = tpu.memref_slice %arg22[%add3A_65, %dma_start3A_110] : memref<10240x16xf32, #tpu.memory_space<vmem_shared>> -> memref<80x16xf32, #tpu.memory_space<vmem_shared>>
        tpu.enqueue_dma source(%dma_start3A_111 : memref<80x16xf32, #tpu.memory_space<vmem_shared>>) target(%dma_start3A_109 : memref<80x16xf32, #tpu.memory_space<vmem>>) target_semaphore(%run_scoped3A : memref<!tpu.dma_semaphore, #tpu.memory_space<semaphore_mem>>)
        %dma_wait3A = arith.constant 0 : i32
        %dma_wait3A_112 = arith.constant 0 : i32
        %dma_wait3A_113 = tpu.memref_slice %arg19[%dma_wait3A, %dma_wait3A_112] : memref<160x16xf32, #tpu.memory_space<vmem>> -> memref<80x16xf32, #tpu.memory_space<vmem>>
        %dma_wait3A_114 = arith.constant 0 : i32
        %dma_wait3A_115 = tpu.memref_slice %arg22[%add3A_65, %dma_wait3A_114] : memref<10240x16xf32, #tpu.memory_space<vmem_shared>> -> memref<80x16xf32, #tpu.memory_space<vmem_shared>>
        %dma_wait3A_116 = arith.constant 0 : i32
        %dma_wait3A_117 = arith.constant 0 : i32
        %dma_wait3A_118 = tpu.memref_slice %arg19[%dma_wait3A_116, %dma_wait3A_117] : memref<160x16xf32, #tpu.memory_space<vmem>> -> memref<80x16xf32, #tpu.memory_space<vmem>>
        %dma_wait3A_119 = arith.constant 0 : i32
        %dma_wait3A_120 = tpu.memref_slice %arg22[%add3A_65, %dma_wait3A_119] : memref<10240x16xf32, #tpu.memory_space<vmem_shared>> -> memref<80x16xf32, #tpu.memory_space<vmem_shared>>
        tpu.wait_dma2 semaphore(%run_scoped3A : memref<!tpu.dma_semaphore, #tpu.memory_space<semaphore_mem>>) src(%dma_wait3A_120 : memref<80x16xf32, #tpu.memory_space<vmem_shared>>) dst(%dma_wait3A_118 : memref<80x16xf32, #tpu.memory_space<vmem>>)
        tpu.yield
      }) : () -> ()
      %parallel_loop3A = arith.constant 0 : i32
      %parallel_loop3A_66 = arith.constant 80 : i32
      %parallel_loop3A_67 = arith.constant 1 : i32
      scf.for %parallel_loop3A_103 = %parallel_loop3A to %parallel_loop3A_66 step %parallel_loop3A_67  : i32 {
        %parallel_loop3A_104 = arith.index_cast %parallel_loop3A_103 : i32 to index
        %parallel_loop3A_105 = arith.constant 0 : index
        %parallel_loop3A_106 = tpu.vector_load %arg19[%parallel_loop3A_104, %parallel_loop3A_105] {strides = array<i32>} : memref<160x16xf32, #tpu.memory_space<vmem>>, vector<16xf32>,
        %parallel_loop3A_107 = arith.constant 1.000000e-16 : f32
        %parallel_loop3A_108 = vector.broadcast %parallel_loop3A_107 : f32 to vector<16xf32>
        %parallel_loop3A_109 = arith.addf %parallel_loop3A_106, %parallel_loop3A_108 : vector<16xf32>
        %parallel_loop3A_110 = arith.constant 1.000000e+00 : f32
        %parallel_loop3A_111 = vector.broadcast %parallel_loop3A_110 : f32 to vector<16xf32>
        %parallel_loop3A_112 = arith.divf %parallel_loop3A_111, %parallel_loop3A_109 : vector<16xf32>
        %parallel_loop3A_113 = arith.index_cast %parallel_loop3A_103 : i32 to index
        %parallel_loop3A_114 = arith.constant 0 : index
        %parallel_loop3A_115 = tpu.vector_load %arg19[%parallel_loop3A_113, %parallel_loop3A_114] {strides = array<i32>} : memref<160x16xf32, #tpu.memory_space<vmem>>, vector<16xf32>,
        tpu.vector_store %arg19[%parallel_loop3A_113, %parallel_loop3A_114], %parallel_loop3A_112 {strides = array<i32>} : memref<160x16xf32, #tpu.memory_space<vmem>>, vector<16xf32>,
      } {sc.loop_unroll_factor = 4 : i64, sc.parallel_access}
      "tpu.region"() ({
        %run_scoped3A = tpu.sem_alloc : memref<!tpu.dma_semaphore, #tpu.memory_space<semaphore_mem>>
        %dma_start3A = arith.constant 0 : i32
        %dma_start3A_103 = arith.constant 0 : i32
        %dma_start3A_104 = tpu.memref_slice %arg19[%dma_start3A, %dma_start3A_103] : memref<160x16xf32, #tpu.memory_space<vmem>> -> memref<80x16xf32, #tpu.memory_space<vmem>>
        %dma_start3A_105 = arith.constant 0 : i32
        %dma_start3A_106 = tpu.memref_slice %arg13[%add3A_65, %dma_start3A_105] : memref<10240x16xf32, #tpu.memory_space<hbm>> -> memref<80x16xf32, #tpu.memory_space<hbm>>
        %dma_start3A_107 = arith.constant 0 : i32
        %dma_start3A_108 = tpu.memref_slice %arg13[%add3A_65, %dma_start3A_107] : memref<10240x16xf32, #tpu.memory_space<hbm>> -> memref<80x16xf32, #tpu.memory_space<hbm>>
        %dma_start3A_109 = arith.constant 0 : i32
        %dma_start3A_110 = arith.constant 0 : i32
        %dma_start3A_111 = tpu.memref_slice %arg19[%dma_start3A_109, %dma_start3A_110] : memref<160x16xf32, #tpu.memory_space<vmem>> -> memref<80x16xf32, #tpu.memory_space<vmem>>
        tpu.enqueue_dma source(%dma_start3A_111 : memref<80x16xf32, #tpu.memory_space<vmem>>) target(%dma_start3A_108 : memref<80x16xf32, #tpu.memory_space<hbm>>) target_semaphore(%run_scoped3A : memref<!tpu.dma_semaphore, #tpu.memory_space<semaphore_mem>>)
        %dma_wait3A = arith.constant 0 : i32
        %dma_wait3A_112 = arith.constant 0 : i32
        %dma_wait3A_113 = tpu.memref_slice %arg19[%dma_wait3A, %dma_wait3A_112] : memref<160x16xf32, #tpu.memory_space<vmem>> -> memref<80x16xf32, #tpu.memory_space<vmem>>
        %dma_wait3A_114 = arith.constant 0 : i32
        %dma_wait3A_115 = tpu.memref_slice %arg13[%add3A_65, %dma_wait3A_114] : memref<10240x16xf32, #tpu.memory_space<hbm>> -> memref<80x16xf32, #tpu.memory_space<hbm>>
        %dma_wait3A_116 = arith.constant 0 : i32
        %dma_wait3A_117 = tpu.memref_slice %arg13[%add3A_65, %dma_wait3A_116] : memref<10240x16xf32, #tpu.memory_space<hbm>> -> memref<80x16xf32, #tpu.memory_space<hbm>>
        %dma_wait3A_118 = arith.constant 0 : i32
        %dma_wait3A_119 = arith.constant 0 : i32
        %dma_wait3A_120 = tpu.memref_slice %arg19[%dma_wait3A_118, %dma_wait3A_119] : memref<160x16xf32, #tpu.memory_space<vmem>> -> memref<80x16xf32, #tpu.memory_space<vmem>>
        tpu.wait_dma2 semaphore(%run_scoped3A : memref<!tpu.dma_semaphore, #tpu.memory_space<semaphore_mem>>) src(%dma_wait3A_120 : memref<80x16xf32, #tpu.memory_space<vmem>>) dst(%dma_wait3A_117 : memref<80x16xf32, #tpu.memory_space<hbm>>)
        tpu.yield
      }) : () -> ()
      %add3A_68 = arith.constant 80 : i32
      %add3A_69 = arith.addi %mul3A_63, %add3A_68 : i32
      "tpu.region"() ({
        %run_scoped3A = tpu.sem_alloc : memref<!tpu.dma_semaphore, #tpu.memory_space<semaphore_mem>>
        %dma_start3A = arith.constant 0 : i32
        %dma_start3A_103 = arith.constant 0 : i32
        %dma_start3A_104 = tpu.memref_slice %arg19[%dma_start3A, %dma_start3A_103] : memref<160x16xf32, #tpu.memory_space<vmem>> -> memref<80x16xf32, #tpu.memory_space<vmem>>
        %dma_start3A_105 = arith.constant 0 : i32
        %dma_start3A_106 = tpu.memref_slice %arg22[%add3A_69, %dma_start3A_105] : memref<10240x16xf32, #tpu.memory_space<vmem_shared>> -> memref<80x16xf32, #tpu.memory_space<vmem_shared>>
        %dma_start3A_107 = arith.constant 0 : i32
        %dma_start3A_108 = arith.constant 0 : i32
        %dma_start3A_109 = tpu.memref_slice %arg19[%dma_start3A_107, %dma_start3A_108] : memref<160x16xf32, #tpu.memory_space<vmem>> -> memref<80x16xf32, #tpu.memory_space<vmem>>
        %dma_start3A_110 = arith.constant 0 : i32
        %dma_start3A_111 = tpu.memref_slice %arg22[%add3A_69, %dma_start3A_110] : memref<10240x16xf32, #tpu.memory_space<vmem_shared>> -> memref<80x16xf32, #tpu.memory_space<vmem_shared>>
        tpu.enqueue_dma source(%dma_start3A_111 : memref<80x16xf32, #tpu.memory_space<vmem_shared>>) target(%dma_start3A_109 : memref<80x16xf32, #tpu.memory_space<vmem>>) target_semaphore(%run_scoped3A : memref<!tpu.dma_semaphore, #tpu.memory_space<semaphore_mem>>)
        %dma_wait3A = arith.constant 0 : i32
        %dma_wait3A_112 = arith.constant 0 : i32
        %dma_wait3A_113 = tpu.memref_slice %arg19[%dma_wait3A, %dma_wait3A_112] : memref<160x16xf32, #tpu.memory_space<vmem>> -> memref<80x16xf32, #tpu.memory_space<vmem>>
        %dma_wait3A_114 = arith.constant 0 : i32
        %dma_wait3A_115 = tpu.memref_slice %arg22[%add3A_69, %dma_wait3A_114] : memref<10240x16xf32, #tpu.memory_space<vmem_shared>> -> memref<80x16xf32, #tpu.memory_space<vmem_shared>>
        %dma_wait3A_116 = arith.constant 0 : i32
        %dma_wait3A_117 = arith.constant 0 : i32
        %dma_wait3A_118 = tpu.memref_slice %arg19[%dma_wait3A_116, %dma_wait3A_117] : memref<160x16xf32, #tpu.memory_space<vmem>> -> memref<80x16xf32, #tpu.memory_space<vmem>>
        %dma_wait3A_119 = arith.constant 0 : i32
        %dma_wait3A_120 = tpu.memref_slice %arg22[%add3A_69, %dma_wait3A_119] : memref<10240x16xf32, #tpu.memory_space<vmem_shared>> -> memref<80x16xf32, #tpu.memory_space<vmem_shared>>
        tpu.wait_dma2 semaphore(%run_scoped3A : memref<!tpu.dma_semaphore, #tpu.memory_space<semaphore_mem>>) src(%dma_wait3A_120 : memref<80x16xf32, #tpu.memory_space<vmem_shared>>) dst(%dma_wait3A_118 : memref<80x16xf32, #tpu.memory_space<vmem>>)
        tpu.yield
      }) : () -> ()
      %parallel_loop3A_70 = arith.constant 0 : i32
      %parallel_loop3A_71 = arith.constant 80 : i32
      %parallel_loop3A_72 = arith.constant 1 : i32
      scf.for %parallel_loop3A_103 = %parallel_loop3A_70 to %parallel_loop3A_71 step %parallel_loop3A_72  : i32 {
        %parallel_loop3A_104 = arith.index_cast %parallel_loop3A_103 : i32 to index
        %parallel_loop3A_105 = arith.constant 0 : index
        %parallel_loop3A_106 = tpu.vector_load %arg19[%parallel_loop3A_104, %parallel_loop3A_105] {strides = array<i32>} : memref<160x16xf32, #tpu.memory_space<vmem>>, vector<16xf32>,
        %parallel_loop3A_107 = arith.constant 1.000000e-16 : f32
        %parallel_loop3A_108 = vector.broadcast %parallel_loop3A_107 : f32 to vector<16xf32>
        %parallel_loop3A_109 = arith.addf %parallel_loop3A_106, %parallel_loop3A_108 : vector<16xf32>
        %parallel_loop3A_110 = arith.constant 1.000000e+00 : f32
        %parallel_loop3A_111 = vector.broadcast %parallel_loop3A_110 : f32 to vector<16xf32>
        %parallel_loop3A_112 = arith.divf %parallel_loop3A_111, %parallel_loop3A_109 : vector<16xf32>
        %parallel_loop3A_113 = arith.index_cast %parallel_loop3A_103 : i32 to index
        %parallel_loop3A_114 = arith.constant 0 : index
        %parallel_loop3A_115 = tpu.vector_load %arg19[%parallel_loop3A_113, %parallel_loop3A_114] {strides = array<i32>} : memref<160x16xf32, #tpu.memory_space<vmem>>, vector<16xf32>,
        tpu.vector_store %arg19[%parallel_loop3A_113, %parallel_loop3A_114], %parallel_loop3A_112 {strides = array<i32>} : memref<160x16xf32, #tpu.memory_space<vmem>>, vector<16xf32>,
      } {sc.loop_unroll_factor = 4 : i64, sc.parallel_access}
      "tpu.region"() ({
        %run_scoped3A = tpu.sem_alloc : memref<!tpu.dma_semaphore, #tpu.memory_space<semaphore_mem>>
        %dma_start3A = arith.constant 0 : i32
        %dma_start3A_103 = arith.constant 0 : i32
        %dma_start3A_104 = tpu.memref_slice %arg19[%dma_start3A, %dma_start3A_103] : memref<160x16xf32, #tpu.memory_space<vmem>> -> memref<80x16xf32, #tpu.memory_space<vmem>>
        %dma_start3A_105 = arith.constant 0 : i32
        %dma_start3A_106 = tpu.memref_slice %arg13[%add3A_69, %dma_start3A_105] : memref<10240x16xf32, #tpu.memory_space<hbm>> -> memref<80x16xf32, #tpu.memory_space<hbm>>
        %dma_start3A_107 = arith.constant 0 : i32
        %dma_start3A_108 = tpu.memref_slice %arg13[%add3A_69, %dma_start3A_107] : memref<10240x16xf32, #tpu.memory_space<hbm>> -> memref<80x16xf32, #tpu.memory_space<hbm>>
        %dma_start3A_109 = arith.constant 0 : i32
        %dma_start3A_110 = arith.constant 0 : i32
        %dma_start3A_111 = tpu.memref_slice %arg19[%dma_start3A_109, %dma_start3A_110] : memref<160x16xf32, #tpu.memory_space<vmem>> -> memref<80x16xf32, #tpu.memory_space<vmem>>
        tpu.enqueue_dma source(%dma_start3A_111 : memref<80x16xf32, #tpu.memory_space<vmem>>) target(%dma_start3A_108 : memref<80x16xf32, #tpu.memory_space<hbm>>) target_semaphore(%run_scoped3A : memref<!tpu.dma_semaphore, #tpu.memory_space<semaphore_mem>>)
        %dma_wait3A = arith.constant 0 : i32
        %dma_wait3A_112 = arith.constant 0 : i32
        %dma_wait3A_113 = tpu.memref_slice %arg19[%dma_wait3A, %dma_wait3A_112] : memref<160x16xf32, #tpu.memory_space<vmem>> -> memref<80x16xf32, #tpu.memory_space<vmem>>
        %dma_wait3A_114 = arith.constant 0 : i32
        %dma_wait3A_115 = tpu.memref_slice %arg13[%add3A_69, %dma_wait3A_114] : memref<10240x16xf32, #tpu.memory_space<hbm>> -> memref<80x16xf32, #tpu.memory_space<hbm>>
        %dma_wait3A_116 = arith.constant 0 : i32
        %dma_wait3A_117 = tpu.memref_slice %arg13[%add3A_69, %dma_wait3A_116] : memref<10240x16xf32, #tpu.memory_space<hbm>> -> memref<80x16xf32, #tpu.memory_space<hbm>>
        %dma_wait3A_118 = arith.constant 0 : i32
        %dma_wait3A_119 = arith.constant 0 : i32
        %dma_wait3A_120 = tpu.memref_slice %arg19[%dma_wait3A_118, %dma_wait3A_119] : memref<160x16xf32, #tpu.memory_space<vmem>> -> memref<80x16xf32, #tpu.memory_space<vmem>>
        tpu.wait_dma2 semaphore(%run_scoped3A : memref<!tpu.dma_semaphore, #tpu.memory_space<semaphore_mem>>) src(%dma_wait3A_120 : memref<80x16xf32, #tpu.memory_space<vmem>>) dst(%dma_wait3A_117 : memref<80x16xf32, #tpu.memory_space<hbm>>)
        tpu.yield
      }) : () -> ()
      %add3A_73 = arith.constant 160 : i32
      %add3A_74 = arith.addi %mul3A_63, %add3A_73 : i32
      "tpu.region"() ({
        %run_scoped3A = tpu.sem_alloc : memref<!tpu.dma_semaphore, #tpu.memory_space<semaphore_mem>>
        %dma_start3A = arith.constant 0 : i32
        %dma_start3A_103 = arith.constant 0 : i32
        %dma_start3A_104 = tpu.memref_slice %arg19[%dma_start3A, %dma_start3A_103] : memref<160x16xf32, #tpu.memory_space<vmem>> -> memref<80x16xf32, #tpu.memory_space<vmem>>
        %dma_start3A_105 = arith.constant 0 : i32
        %dma_start3A_106 = tpu.memref_slice %arg22[%add3A_74, %dma_start3A_105] : memref<10240x16xf32, #tpu.memory_space<vmem_shared>> -> memref<80x16xf32, #tpu.memory_space<vmem_shared>>
        %dma_start3A_107 = arith.constant 0 : i32
        %dma_start3A_108 = arith.constant 0 : i32
        %dma_start3A_109 = tpu.memref_slice %arg19[%dma_start3A_107, %dma_start3A_108] : memref<160x16xf32, #tpu.memory_space<vmem>> -> memref<80x16xf32, #tpu.memory_space<vmem>>
        %dma_start3A_110 = arith.constant 0 : i32
        %dma_start3A_111 = tpu.memref_slice %arg22[%add3A_74, %dma_start3A_110] : memref<10240x16xf32, #tpu.memory_space<vmem_shared>> -> memref<80x16xf32, #tpu.memory_space<vmem_shared>>
        tpu.enqueue_dma source(%dma_start3A_111 : memref<80x16xf32, #tpu.memory_space<vmem_shared>>) target(%dma_start3A_109 : memref<80x16xf32, #tpu.memory_space<vmem>>) target_semaphore(%run_scoped3A : memref<!tpu.dma_semaphore, #tpu.memory_space<semaphore_mem>>)
        %dma_wait3A = arith.constant 0 : i32
        %dma_wait3A_112 = arith.constant 0 : i32
        %dma_wait3A_113 = tpu.memref_slice %arg19[%dma_wait3A, %dma_wait3A_112] : memref<160x16xf32, #tpu.memory_space<vmem>> -> memref<80x16xf32, #tpu.memory_space<vmem>>
        %dma_wait3A_114 = arith.constant 0 : i32
        %dma_wait3A_115 = tpu.memref_slice %arg22[%add3A_74, %dma_wait3A_114] : memref<10240x16xf32, #tpu.memory_space<vmem_shared>> -> memref<80x16xf32, #tpu.memory_space<vmem_shared>>
        %dma_wait3A_116 = arith.constant 0 : i32
        %dma_wait3A_117 = arith.constant 0 : i32
        %dma_wait3A_118 = tpu.memref_slice %arg19[%dma_wait3A_116, %dma_wait3A_117] : memref<160x16xf32, #tpu.memory_space<vmem>> -> memref<80x16xf32, #tpu.memory_space<vmem>>
        %dma_wait3A_119 = arith.constant 0 : i32
        %dma_wait3A_120 = tpu.memref_slice %arg22[%add3A_74, %dma_wait3A_119] : memref<10240x16xf32, #tpu.memory_space<vmem_shared>> -> memref<80x16xf32, #tpu.memory_space<vmem_shared>>
        tpu.wait_dma2 semaphore(%run_scoped3A : memref<!tpu.dma_semaphore, #tpu.memory_space<semaphore_mem>>) src(%dma_wait3A_120 : memref<80x16xf32, #tpu.memory_space<vmem_shared>>) dst(%dma_wait3A_118 : memref<80x16xf32, #tpu.memory_space<vmem>>)
        tpu.yield
      }) : () -> ()
      %parallel_loop3A_75 = arith.constant 0 : i32
      %parallel_loop3A_76 = arith.constant 80 : i32
      %parallel_loop3A_77 = arith.constant 1 : i32
      scf.for %parallel_loop3A_103 = %parallel_loop3A_75 to %parallel_loop3A_76 step %parallel_loop3A_77  : i32 {
        %parallel_loop3A_104 = arith.index_cast %parallel_loop3A_103 : i32 to index
        %parallel_loop3A_105 = arith.constant 0 : index
        %parallel_loop3A_106 = tpu.vector_load %arg19[%parallel_loop3A_104, %parallel_loop3A_105] {strides = array<i32>} : memref<160x16xf32, #tpu.memory_space<vmem>>, vector<16xf32>,
        %parallel_loop3A_107 = arith.constant 1.000000e-16 : f32
        %parallel_loop3A_108 = vector.broadcast %parallel_loop3A_107 : f32 to vector<16xf32>
        %parallel_loop3A_109 = arith.addf %parallel_loop3A_106, %parallel_loop3A_108 : vector<16xf32>
        %parallel_loop3A_110 = arith.constant 1.000000e+00 : f32
        %parallel_loop3A_111 = vector.broadcast %parallel_loop3A_110 : f32 to vector<16xf32>
        %parallel_loop3A_112 = arith.divf %parallel_loop3A_111, %parallel_loop3A_109 : vector<16xf32>
        %parallel_loop3A_113 = arith.index_cast %parallel_loop3A_103 : i32 to index
        %parallel_loop3A_114 = arith.constant 0 : index
        %parallel_loop3A_115 = tpu.vector_load %arg19[%parallel_loop3A_113, %parallel_loop3A_114] {strides = array<i32>} : memref<160x16xf32, #tpu.memory_space<vmem>>, vector<16xf32>,
        tpu.vector_store %arg19[%parallel_loop3A_113, %parallel_loop3A_114], %parallel_loop3A_112 {strides = array<i32>} : memref<160x16xf32, #tpu.memory_space<vmem>>, vector<16xf32>,
      } {sc.loop_unroll_factor = 4 : i64, sc.parallel_access}
      "tpu.region"() ({
        %run_scoped3A = tpu.sem_alloc : memref<!tpu.dma_semaphore, #tpu.memory_space<semaphore_mem>>
        %dma_start3A = arith.constant 0 : i32
        %dma_start3A_103 = arith.constant 0 : i32
        %dma_start3A_104 = tpu.memref_slice %arg19[%dma_start3A, %dma_start3A_103] : memref<160x16xf32, #tpu.memory_space<vmem>> -> memref<80x16xf32, #tpu.memory_space<vmem>>
        %dma_start3A_105 = arith.constant 0 : i32
        %dma_start3A_106 = tpu.memref_slice %arg13[%add3A_74, %dma_start3A_105] : memref<10240x16xf32, #tpu.memory_space<hbm>> -> memref<80x16xf32, #tpu.memory_space<hbm>>
        %dma_start3A_107 = arith.constant 0 : i32
        %dma_start3A_108 = tpu.memref_slice %arg13[%add3A_74, %dma_start3A_107] : memref<10240x16xf32, #tpu.memory_space<hbm>> -> memref<80x16xf32, #tpu.memory_space<hbm>>
        %dma_start3A_109 = arith.constant 0 : i32
        %dma_start3A_110 = arith.constant 0 : i32
        %dma_start3A_111 = tpu.memref_slice %arg19[%dma_start3A_109, %dma_start3A_110] : memref<160x16xf32, #tpu.memory_space<vmem>> -> memref<80x16xf32, #tpu.memory_space<vmem>>
        tpu.enqueue_dma source(%dma_start3A_111 : memref<80x16xf32, #tpu.memory_space<vmem>>) target(%dma_start3A_108 : memref<80x16xf32, #tpu.memory_space<hbm>>) target_semaphore(%run_scoped3A : memref<!tpu.dma_semaphore, #tpu.memory_space<semaphore_mem>>)
        %dma_wait3A = arith.constant 0 : i32
        %dma_wait3A_112 = arith.constant 0 : i32
        %dma_wait3A_113 = tpu.memref_slice %arg19[%dma_wait3A, %dma_wait3A_112] : memref<160x16xf32, #tpu.memory_space<vmem>> -> memref<80x16xf32, #tpu.memory_space<vmem>>
        %dma_wait3A_114 = arith.constant 0 : i32
        %dma_wait3A_115 = tpu.memref_slice %arg13[%add3A_74, %dma_wait3A_114] : memref<10240x16xf32, #tpu.memory_space<hbm>> -> memref<80x16xf32, #tpu.memory_space<hbm>>
        %dma_wait3A_116 = arith.constant 0 : i32
        %dma_wait3A_117 = tpu.memref_slice %arg13[%add3A_74, %dma_wait3A_116] : memref<10240x16xf32, #tpu.memory_space<hbm>> -> memref<80x16xf32, #tpu.memory_space<hbm>>
        %dma_wait3A_118 = arith.constant 0 : i32
        %dma_wait3A_119 = arith.constant 0 : i32
        %dma_wait3A_120 = tpu.memref_slice %arg19[%dma_wait3A_118, %dma_wait3A_119] : memref<160x16xf32, #tpu.memory_space<vmem>> -> memref<80x16xf32, #tpu.memory_space<vmem>>
        tpu.wait_dma2 semaphore(%run_scoped3A : memref<!tpu.dma_semaphore, #tpu.memory_space<semaphore_mem>>) src(%dma_wait3A_120 : memref<80x16xf32, #tpu.memory_space<vmem>>) dst(%dma_wait3A_117 : memref<80x16xf32, #tpu.memory_space<hbm>>)
        tpu.yield
      }) : () -> ()
      %add3A_78 = arith.constant 240 : i32
      %add3A_79 = arith.addi %mul3A_63, %add3A_78 : i32
      "tpu.region"() ({
        %run_scoped3A = tpu.sem_alloc : memref<!tpu.dma_semaphore, #tpu.memory_space<semaphore_mem>>
        %dma_start3A = arith.constant 0 : i32
        %dma_start3A_103 = arith.constant 0 : i32
        %dma_start3A_104 = tpu.memref_slice %arg19[%dma_start3A, %dma_start3A_103] : memref<160x16xf32, #tpu.memory_space<vmem>> -> memref<80x16xf32, #tpu.memory_space<vmem>>
        %dma_start3A_105 = arith.constant 0 : i32
        %dma_start3A_106 = tpu.memref_slice %arg22[%add3A_79, %dma_start3A_105] : memref<10240x16xf32, #tpu.memory_space<vmem_shared>> -> memref<80x16xf32, #tpu.memory_space<vmem_shared>>
        %dma_start3A_107 = arith.constant 0 : i32
        %dma_start3A_108 = arith.constant 0 : i32
        %dma_start3A_109 = tpu.memref_slice %arg19[%dma_start3A_107, %dma_start3A_108] : memref<160x16xf32, #tpu.memory_space<vmem>> -> memref<80x16xf32, #tpu.memory_space<vmem>>
        %dma_start3A_110 = arith.constant 0 : i32
        %dma_start3A_111 = tpu.memref_slice %arg22[%add3A_79, %dma_start3A_110] : memref<10240x16xf32, #tpu.memory_space<vmem_shared>> -> memref<80x16xf32, #tpu.memory_space<vmem_shared>>
        tpu.enqueue_dma source(%dma_start3A_111 : memref<80x16xf32, #tpu.memory_space<vmem_shared>>) target(%dma_start3A_109 : memref<80x16xf32, #tpu.memory_space<vmem>>) target_semaphore(%run_scoped3A : memref<!tpu.dma_semaphore, #tpu.memory_space<semaphore_mem>>)
        %dma_wait3A = arith.constant 0 : i32
        %dma_wait3A_112 = arith.constant 0 : i32
        %dma_wait3A_113 = tpu.memref_slice %arg19[%dma_wait3A, %dma_wait3A_112] : memref<160x16xf32, #tpu.memory_space<vmem>> -> memref<80x16xf32, #tpu.memory_space<vmem>>
        %dma_wait3A_114 = arith.constant 0 : i32
        %dma_wait3A_115 = tpu.memref_slice %arg22[%add3A_79, %dma_wait3A_114] : memref<10240x16xf32, #tpu.memory_space<vmem_shared>> -> memref<80x16xf32, #tpu.memory_space<vmem_shared>>
        %dma_wait3A_116 = arith.constant 0 : i32
        %dma_wait3A_117 = arith.constant 0 : i32
        %dma_wait3A_118 = tpu.memref_slice %arg19[%dma_wait3A_116, %dma_wait3A_117] : memref<160x16xf32, #tpu.memory_space<vmem>> -> memref<80x16xf32, #tpu.memory_space<vmem>>
        %dma_wait3A_119 = arith.constant 0 : i32
        %dma_wait3A_120 = tpu.memref_slice %arg22[%add3A_79, %dma_wait3A_119] : memref<10240x16xf32, #tpu.memory_space<vmem_shared>> -> memref<80x16xf32, #tpu.memory_space<vmem_shared>>
        tpu.wait_dma2 semaphore(%run_scoped3A : memref<!tpu.dma_semaphore, #tpu.memory_space<semaphore_mem>>) src(%dma_wait3A_120 : memref<80x16xf32, #tpu.memory_space<vmem_shared>>) dst(%dma_wait3A_118 : memref<80x16xf32, #tpu.memory_space<vmem>>)
        tpu.yield
      }) : () -> ()
      %parallel_loop3A_80 = arith.constant 0 : i32
      %parallel_loop3A_81 = arith.constant 80 : i32
      %parallel_loop3A_82 = arith.constant 1 : i32
      scf.for %parallel_loop3A_103 = %parallel_loop3A_80 to %parallel_loop3A_81 step %parallel_loop3A_82  : i32 {
        %parallel_loop3A_104 = arith.index_cast %parallel_loop3A_103 : i32 to index
        %parallel_loop3A_105 = arith.constant 0 : index
        %parallel_loop3A_106 = tpu.vector_load %arg19[%parallel_loop3A_104, %parallel_loop3A_105] {strides = array<i32>} : memref<160x16xf32, #tpu.memory_space<vmem>>, vector<16xf32>,
        %parallel_loop3A_107 = arith.constant 1.000000e-16 : f32
        %parallel_loop3A_108 = vector.broadcast %parallel_loop3A_107 : f32 to vector<16xf32>
        %parallel_loop3A_109 = arith.addf %parallel_loop3A_106, %parallel_loop3A_108 : vector<16xf32>
        %parallel_loop3A_110 = arith.constant 1.000000e+00 : f32
        %parallel_loop3A_111 = vector.broadcast %parallel_loop3A_110 : f32 to vector<16xf32>
        %parallel_loop3A_112 = arith.divf %parallel_loop3A_111, %parallel_loop3A_109 : vector<16xf32>
        %parallel_loop3A_113 = arith.index_cast %parallel_loop3A_103 : i32 to index
        %parallel_loop3A_114 = arith.constant 0 : index
        %parallel_loop3A_115 = tpu.vector_load %arg19[%parallel_loop3A_113, %parallel_loop3A_114] {strides = array<i32>} : memref<160x16xf32, #tpu.memory_space<vmem>>, vector<16xf32>,
        tpu.vector_store %arg19[%parallel_loop3A_113, %parallel_loop3A_114], %parallel_loop3A_112 {strides = array<i32>} : memref<160x16xf32, #tpu.memory_space<vmem>>, vector<16xf32>,
      } {sc.loop_unroll_factor = 4 : i64, sc.parallel_access}
      "tpu.region"() ({
        %run_scoped3A = tpu.sem_alloc : memref<!tpu.dma_semaphore, #tpu.memory_space<semaphore_mem>>
        %dma_start3A = arith.constant 0 : i32
        %dma_start3A_103 = arith.constant 0 : i32
        %dma_start3A_104 = tpu.memref_slice %arg19[%dma_start3A, %dma_start3A_103] : memref<160x16xf32, #tpu.memory_space<vmem>> -> memref<80x16xf32, #tpu.memory_space<vmem>>
        %dma_start3A_105 = arith.constant 0 : i32
        %dma_start3A_106 = tpu.memref_slice %arg13[%add3A_79, %dma_start3A_105] : memref<10240x16xf32, #tpu.memory_space<hbm>> -> memref<80x16xf32, #tpu.memory_space<hbm>>
        %dma_start3A_107 = arith.constant 0 : i32
        %dma_start3A_108 = tpu.memref_slice %arg13[%add3A_79, %dma_start3A_107] : memref<10240x16xf32, #tpu.memory_space<hbm>> -> memref<80x16xf32, #tpu.memory_space<hbm>>
        %dma_start3A_109 = arith.constant 0 : i32
        %dma_start3A_110 = arith.constant 0 : i32
        %dma_start3A_111 = tpu.memref_slice %arg19[%dma_start3A_109, %dma_start3A_110] : memref<160x16xf32, #tpu.memory_space<vmem>> -> memref<80x16xf32, #tpu.memory_space<vmem>>
        tpu.enqueue_dma source(%dma_start3A_111 : memref<80x16xf32, #tpu.memory_space<vmem>>) target(%dma_start3A_108 : memref<80x16xf32, #tpu.memory_space<hbm>>) target_semaphore(%run_scoped3A : memref<!tpu.dma_semaphore, #tpu.memory_space<semaphore_mem>>)
        %dma_wait3A = arith.constant 0 : i32
        %dma_wait3A_112 = arith.constant 0 : i32
        %dma_wait3A_113 = tpu.memref_slice %arg19[%dma_wait3A, %dma_wait3A_112] : memref<160x16xf32, #tpu.memory_space<vmem>> -> memref<80x16xf32, #tpu.memory_space<vmem>>
        %dma_wait3A_114 = arith.constant 0 : i32
        %dma_wait3A_115 = tpu.memref_slice %arg13[%add3A_79, %dma_wait3A_114] : memref<10240x16xf32, #tpu.memory_space<hbm>> -> memref<80x16xf32, #tpu.memory_space<hbm>>
        %dma_wait3A_116 = arith.constant 0 : i32
        %dma_wait3A_117 = tpu.memref_slice %arg13[%add3A_79, %dma_wait3A_116] : memref<10240x16xf32, #tpu.memory_space<hbm>> -> memref<80x16xf32, #tpu.memory_space<hbm>>
        %dma_wait3A_118 = arith.constant 0 : i32
        %dma_wait3A_119 = arith.constant 0 : i32
        %dma_wait3A_120 = tpu.memref_slice %arg19[%dma_wait3A_118, %dma_wait3A_119] : memref<160x16xf32, #tpu.memory_space<vmem>> -> memref<80x16xf32, #tpu.memory_space<vmem>>
        tpu.wait_dma2 semaphore(%run_scoped3A : memref<!tpu.dma_semaphore, #tpu.memory_space<semaphore_mem>>) src(%dma_wait3A_120 : memref<80x16xf32, #tpu.memory_space<vmem>>) dst(%dma_wait3A_117 : memref<80x16xf32, #tpu.memory_space<hbm>>)
        tpu.yield
      }) : () -> ()
      %add3A_83 = arith.constant 320 : i32
      %add3A_84 = arith.addi %mul3A_63, %add3A_83 : i32
      "tpu.region"() ({
        %run_scoped3A = tpu.sem_alloc : memref<!tpu.dma_semaphore, #tpu.memory_space<semaphore_mem>>
        %dma_start3A = arith.constant 0 : i32
        %dma_start3A_103 = arith.constant 0 : i32
        %dma_start3A_104 = tpu.memref_slice %arg19[%dma_start3A, %dma_start3A_103] : memref<160x16xf32, #tpu.memory_space<vmem>> -> memref<80x16xf32, #tpu.memory_space<vmem>>
        %dma_start3A_105 = arith.constant 0 : i32
        %dma_start3A_106 = tpu.memref_slice %arg22[%add3A_84, %dma_start3A_105] : memref<10240x16xf32, #tpu.memory_space<vmem_shared>> -> memref<80x16xf32, #tpu.memory_space<vmem_shared>>
        %dma_start3A_107 = arith.constant 0 : i32
        %dma_start3A_108 = arith.constant 0 : i32
        %dma_start3A_109 = tpu.memref_slice %arg19[%dma_start3A_107, %dma_start3A_108] : memref<160x16xf32, #tpu.memory_space<vmem>> -> memref<80x16xf32, #tpu.memory_space<vmem>>
        %dma_start3A_110 = arith.constant 0 : i32
        %dma_start3A_111 = tpu.memref_slice %arg22[%add3A_84, %dma_start3A_110] : memref<10240x16xf32, #tpu.memory_space<vmem_shared>> -> memref<80x16xf32, #tpu.memory_space<vmem_shared>>
        tpu.enqueue_dma source(%dma_start3A_111 : memref<80x16xf32, #tpu.memory_space<vmem_shared>>) target(%dma_start3A_109 : memref<80x16xf32, #tpu.memory_space<vmem>>) target_semaphore(%run_scoped3A : memref<!tpu.dma_semaphore, #tpu.memory_space<semaphore_mem>>)
        %dma_wait3A = arith.constant 0 : i32
        %dma_wait3A_112 = arith.constant 0 : i32
        %dma_wait3A_113 = tpu.memref_slice %arg19[%dma_wait3A, %dma_wait3A_112] : memref<160x16xf32, #tpu.memory_space<vmem>> -> memref<80x16xf32, #tpu.memory_space<vmem>>
        %dma_wait3A_114 = arith.constant 0 : i32
        %dma_wait3A_115 = tpu.memref_slice %arg22[%add3A_84, %dma_wait3A_114] : memref<10240x16xf32, #tpu.memory_space<vmem_shared>> -> memref<80x16xf32, #tpu.memory_space<vmem_shared>>
        %dma_wait3A_116 = arith.constant 0 : i32
        %dma_wait3A_117 = arith.constant 0 : i32
        %dma_wait3A_118 = tpu.memref_slice %arg19[%dma_wait3A_116, %dma_wait3A_117] : memref<160x16xf32, #tpu.memory_space<vmem>> -> memref<80x16xf32, #tpu.memory_space<vmem>>
        %dma_wait3A_119 = arith.constant 0 : i32
        %dma_wait3A_120 = tpu.memref_slice %arg22[%add3A_84, %dma_wait3A_119] : memref<10240x16xf32, #tpu.memory_space<vmem_shared>> -> memref<80x16xf32, #tpu.memory_space<vmem_shared>>
        tpu.wait_dma2 semaphore(%run_scoped3A : memref<!tpu.dma_semaphore, #tpu.memory_space<semaphore_mem>>) src(%dma_wait3A_120 : memref<80x16xf32, #tpu.memory_space<vmem_shared>>) dst(%dma_wait3A_118 : memref<80x16xf32, #tpu.memory_space<vmem>>)
        tpu.yield
      }) : () -> ()
      %parallel_loop3A_85 = arith.constant 0 : i32
      %parallel_loop3A_86 = arith.constant 80 : i32
      %parallel_loop3A_87 = arith.constant 1 : i32
      scf.for %parallel_loop3A_103 = %parallel_loop3A_85 to %parallel_loop3A_86 step %parallel_loop3A_87  : i32 {
        %parallel_loop3A_104 = arith.index_cast %parallel_loop3A_103 : i32 to index
        %parallel_loop3A_105 = arith.constant 0 : index
        %parallel_loop3A_106 = tpu.vector_load %arg19[%parallel_loop3A_104, %parallel_loop3A_105] {strides = array<i32>} : memref<160x16xf32, #tpu.memory_space<vmem>>, vector<16xf32>,
        %parallel_loop3A_107 = arith.constant 1.000000e-16 : f32
        %parallel_loop3A_108 = vector.broadcast %parallel_loop3A_107 : f32 to vector<16xf32>
        %parallel_loop3A_109 = arith.addf %parallel_loop3A_106, %parallel_loop3A_108 : vector<16xf32>
        %parallel_loop3A_110 = arith.constant 1.000000e+00 : f32
        %parallel_loop3A_111 = vector.broadcast %parallel_loop3A_110 : f32 to vector<16xf32>
        %parallel_loop3A_112 = arith.divf %parallel_loop3A_111, %parallel_loop3A_109 : vector<16xf32>
        %parallel_loop3A_113 = arith.index_cast %parallel_loop3A_103 : i32 to index
        %parallel_loop3A_114 = arith.constant 0 : index
        %parallel_loop3A_115 = tpu.vector_load %arg19[%parallel_loop3A_113, %parallel_loop3A_114] {strides = array<i32>} : memref<160x16xf32, #tpu.memory_space<vmem>>, vector<16xf32>,
        tpu.vector_store %arg19[%parallel_loop3A_113, %parallel_loop3A_114], %parallel_loop3A_112 {strides = array<i32>} : memref<160x16xf32, #tpu.memory_space<vmem>>, vector<16xf32>,
      } {sc.loop_unroll_factor = 4 : i64, sc.parallel_access}
      "tpu.region"() ({
        %run_scoped3A = tpu.sem_alloc : memref<!tpu.dma_semaphore, #tpu.memory_space<semaphore_mem>>
        %dma_start3A = arith.constant 0 : i32
        %dma_start3A_103 = arith.constant 0 : i32
        %dma_start3A_104 = tpu.memref_slice %arg19[%dma_start3A, %dma_start3A_103] : memref<160x16xf32, #tpu.memory_space<vmem>> -> memref<80x16xf32, #tpu.memory_space<vmem>>
        %dma_start3A_105 = arith.constant 0 : i32
        %dma_start3A_106 = tpu.memref_slice %arg13[%add3A_84, %dma_start3A_105] : memref<10240x16xf32, #tpu.memory_space<hbm>> -> memref<80x16xf32, #tpu.memory_space<hbm>>
        %dma_start3A_107 = arith.constant 0 : i32
        %dma_start3A_108 = tpu.memref_slice %arg13[%add3A_84, %dma_start3A_107] : memref<10240x16xf32, #tpu.memory_space<hbm>> -> memref<80x16xf32, #tpu.memory_space<hbm>>
        %dma_start3A_109 = arith.constant 0 : i32
        %dma_start3A_110 = arith.constant 0 : i32
        %dma_start3A_111 = tpu.memref_slice %arg19[%dma_start3A_109, %dma_start3A_110] : memref<160x16xf32, #tpu.memory_space<vmem>> -> memref<80x16xf32, #tpu.memory_space<vmem>>
        tpu.enqueue_dma source(%dma_start3A_111 : memref<80x16xf32, #tpu.memory_space<vmem>>) target(%dma_start3A_108 : memref<80x16xf32, #tpu.memory_space<hbm>>) target_semaphore(%run_scoped3A : memref<!tpu.dma_semaphore, #tpu.memory_space<semaphore_mem>>)
        %dma_wait3A = arith.constant 0 : i32
        %dma_wait3A_112 = arith.constant 0 : i32
        %dma_wait3A_113 = tpu.memref_slice %arg19[%dma_wait3A, %dma_wait3A_112] : memref<160x16xf32, #tpu.memory_space<vmem>> -> memref<80x16xf32, #tpu.memory_space<vmem>>
        %dma_wait3A_114 = arith.constant 0 : i32
        %dma_wait3A_115 = tpu.memref_slice %arg13[%add3A_84, %dma_wait3A_114] : memref<10240x16xf32, #tpu.memory_space<hbm>> -> memref<80x16xf32, #tpu.memory_space<hbm>>
        %dma_wait3A_116 = arith.constant 0 : i32
        %dma_wait3A_117 = tpu.memref_slice %arg13[%add3A_84, %dma_wait3A_116] : memref<10240x16xf32, #tpu.memory_space<hbm>> -> memref<80x16xf32, #tpu.memory_space<hbm>>
        %dma_wait3A_118 = arith.constant 0 : i32
        %dma_wait3A_119 = arith.constant 0 : i32
        %dma_wait3A_120 = tpu.memref_slice %arg19[%dma_wait3A_118, %dma_wait3A_119] : memref<160x16xf32, #tpu.memory_space<vmem>> -> memref<80x16xf32, #tpu.memory_space<vmem>>
        tpu.wait_dma2 semaphore(%run_scoped3A : memref<!tpu.dma_semaphore, #tpu.memory_space<semaphore_mem>>) src(%dma_wait3A_120 : memref<80x16xf32, #tpu.memory_space<vmem>>) dst(%dma_wait3A_117 : memref<80x16xf32, #tpu.memory_space<hbm>>)
        tpu.yield
      }) : () -> ()
      %add3A_88 = arith.constant 400 : i32
      %add3A_89 = arith.addi %mul3A_63, %add3A_88 : i32
      "tpu.region"() ({
        %run_scoped3A = tpu.sem_alloc : memref<!tpu.dma_semaphore, #tpu.memory_space<semaphore_mem>>
        %dma_start3A = arith.constant 0 : i32
        %dma_start3A_103 = arith.constant 0 : i32
        %dma_start3A_104 = tpu.memref_slice %arg19[%dma_start3A, %dma_start3A_103] : memref<160x16xf32, #tpu.memory_space<vmem>> -> memref<80x16xf32, #tpu.memory_space<vmem>>
        %dma_start3A_105 = arith.constant 0 : i32
        %dma_start3A_106 = tpu.memref_slice %arg22[%add3A_89, %dma_start3A_105] : memref<10240x16xf32, #tpu.memory_space<vmem_shared>> -> memref<80x16xf32, #tpu.memory_space<vmem_shared>>
        %dma_start3A_107 = arith.constant 0 : i32
        %dma_start3A_108 = arith.constant 0 : i32
        %dma_start3A_109 = tpu.memref_slice %arg19[%dma_start3A_107, %dma_start3A_108] : memref<160x16xf32, #tpu.memory_space<vmem>> -> memref<80x16xf32, #tpu.memory_space<vmem>>
        %dma_start3A_110 = arith.constant 0 : i32
        %dma_start3A_111 = tpu.memref_slice %arg22[%add3A_89, %dma_start3A_110] : memref<10240x16xf32, #tpu.memory_space<vmem_shared>> -> memref<80x16xf32, #tpu.memory_space<vmem_shared>>
        tpu.enqueue_dma source(%dma_start3A_111 : memref<80x16xf32, #tpu.memory_space<vmem_shared>>) target(%dma_start3A_109 : memref<80x16xf32, #tpu.memory_space<vmem>>) target_semaphore(%run_scoped3A : memref<!tpu.dma_semaphore, #tpu.memory_space<semaphore_mem>>)
        %dma_wait3A = arith.constant 0 : i32
        %dma_wait3A_112 = arith.constant 0 : i32
        %dma_wait3A_113 = tpu.memref_slice %arg19[%dma_wait3A, %dma_wait3A_112] : memref<160x16xf32, #tpu.memory_space<vmem>> -> memref<80x16xf32, #tpu.memory_space<vmem>>
        %dma_wait3A_114 = arith.constant 0 : i32
        %dma_wait3A_115 = tpu.memref_slice %arg22[%add3A_89, %dma_wait3A_114] : memref<10240x16xf32, #tpu.memory_space<vmem_shared>> -> memref<80x16xf32, #tpu.memory_space<vmem_shared>>
        %dma_wait3A_116 = arith.constant 0 : i32
        %dma_wait3A_117 = arith.constant 0 : i32
        %dma_wait3A_118 = tpu.memref_slice %arg19[%dma_wait3A_116, %dma_wait3A_117] : memref<160x16xf32, #tpu.memory_space<vmem>> -> memref<80x16xf32, #tpu.memory_space<vmem>>
        %dma_wait3A_119 = arith.constant 0 : i32
        %dma_wait3A_120 = tpu.memref_slice %arg22[%add3A_89, %dma_wait3A_119] : memref<10240x16xf32, #tpu.memory_space<vmem_shared>> -> memref<80x16xf32, #tpu.memory_space<vmem_shared>>
        tpu.wait_dma2 semaphore(%run_scoped3A : memref<!tpu.dma_semaphore, #tpu.memory_space<semaphore_mem>>) src(%dma_wait3A_120 : memref<80x16xf32, #tpu.memory_space<vmem_shared>>) dst(%dma_wait3A_118 : memref<80x16xf32, #tpu.memory_space<vmem>>)
        tpu.yield
      }) : () -> ()
      %parallel_loop3A_90 = arith.constant 0 : i32
      %parallel_loop3A_91 = arith.constant 80 : i32
      %parallel_loop3A_92 = arith.constant 1 : i32
      scf.for %parallel_loop3A_103 = %parallel_loop3A_90 to %parallel_loop3A_91 step %parallel_loop3A_92  : i32 {
        %parallel_loop3A_104 = arith.index_cast %parallel_loop3A_103 : i32 to index
        %parallel_loop3A_105 = arith.constant 0 : index
        %parallel_loop3A_106 = tpu.vector_load %arg19[%parallel_loop3A_104, %parallel_loop3A_105] {strides = array<i32>} : memref<160x16xf32, #tpu.memory_space<vmem>>, vector<16xf32>,
        %parallel_loop3A_107 = arith.constant 1.000000e-16 : f32
        %parallel_loop3A_108 = vector.broadcast %parallel_loop3A_107 : f32 to vector<16xf32>
        %parallel_loop3A_109 = arith.addf %parallel_loop3A_106, %parallel_loop3A_108 : vector<16xf32>
        %parallel_loop3A_110 = arith.constant 1.000000e+00 : f32
        %parallel_loop3A_111 = vector.broadcast %parallel_loop3A_110 : f32 to vector<16xf32>
        %parallel_loop3A_112 = arith.divf %parallel_loop3A_111, %parallel_loop3A_109 : vector<16xf32>
        %parallel_loop3A_113 = arith.index_cast %parallel_loop3A_103 : i32 to index
        %parallel_loop3A_114 = arith.constant 0 : index
        %parallel_loop3A_115 = tpu.vector_load %arg19[%parallel_loop3A_113, %parallel_loop3A_114] {strides = array<i32>} : memref<160x16xf32, #tpu.memory_space<vmem>>, vector<16xf32>,
        tpu.vector_store %arg19[%parallel_loop3A_113, %parallel_loop3A_114], %parallel_loop3A_112 {strides = array<i32>} : memref<160x16xf32, #tpu.memory_space<vmem>>, vector<16xf32>,
      } {sc.loop_unroll_factor = 4 : i64, sc.parallel_access}
      "tpu.region"() ({
        %run_scoped3A = tpu.sem_alloc : memref<!tpu.dma_semaphore, #tpu.memory_space<semaphore_mem>>
        %dma_start3A = arith.constant 0 : i32
        %dma_start3A_103 = arith.constant 0 : i32
        %dma_start3A_104 = tpu.memref_slice %arg19[%dma_start3A, %dma_start3A_103] : memref<160x16xf32, #tpu.memory_space<vmem>> -> memref<80x16xf32, #tpu.memory_space<vmem>>
        %dma_start3A_105 = arith.constant 0 : i32
        %dma_start3A_106 = tpu.memref_slice %arg13[%add3A_89, %dma_start3A_105] : memref<10240x16xf32, #tpu.memory_space<hbm>> -> memref<80x16xf32, #tpu.memory_space<hbm>>
        %dma_start3A_107 = arith.constant 0 : i32
        %dma_start3A_108 = tpu.memref_slice %arg13[%add3A_89, %dma_start3A_107] : memref<10240x16xf32, #tpu.memory_space<hbm>> -> memref<80x16xf32, #tpu.memory_space<hbm>>
        %dma_start3A_109 = arith.constant 0 : i32
        %dma_start3A_110 = arith.constant 0 : i32
        %dma_start3A_111 = tpu.memref_slice %arg19[%dma_start3A_109, %dma_start3A_110] : memref<160x16xf32, #tpu.memory_space<vmem>> -> memref<80x16xf32, #tpu.memory_space<vmem>>
        tpu.enqueue_dma source(%dma_start3A_111 : memref<80x16xf32, #tpu.memory_space<vmem>>) target(%dma_start3A_108 : memref<80x16xf32, #tpu.memory_space<hbm>>) target_semaphore(%run_scoped3A : memref<!tpu.dma_semaphore, #tpu.memory_space<semaphore_mem>>)
        %dma_wait3A = arith.constant 0 : i32
        %dma_wait3A_112 = arith.constant 0 : i32
        %dma_wait3A_113 = tpu.memref_slice %arg19[%dma_wait3A, %dma_wait3A_112] : memref<160x16xf32, #tpu.memory_space<vmem>> -> memref<80x16xf32, #tpu.memory_space<vmem>>
        %dma_wait3A_114 = arith.constant 0 : i32
        %dma_wait3A_115 = tpu.memref_slice %arg13[%add3A_89, %dma_wait3A_114] : memref<10240x16xf32, #tpu.memory_space<hbm>> -> memref<80x16xf32, #tpu.memory_space<hbm>>
        %dma_wait3A_116 = arith.constant 0 : i32
        %dma_wait3A_117 = tpu.memref_slice %arg13[%add3A_89, %dma_wait3A_116] : memref<10240x16xf32, #tpu.memory_space<hbm>> -> memref<80x16xf32, #tpu.memory_space<hbm>>
        %dma_wait3A_118 = arith.constant 0 : i32
        %dma_wait3A_119 = arith.constant 0 : i32
        %dma_wait3A_120 = tpu.memref_slice %arg19[%dma_wait3A_118, %dma_wait3A_119] : memref<160x16xf32, #tpu.memory_space<vmem>> -> memref<80x16xf32, #tpu.memory_space<vmem>>
        tpu.wait_dma2 semaphore(%run_scoped3A : memref<!tpu.dma_semaphore, #tpu.memory_space<semaphore_mem>>) src(%dma_wait3A_120 : memref<80x16xf32, #tpu.memory_space<vmem>>) dst(%dma_wait3A_117 : memref<80x16xf32, #tpu.memory_space<hbm>>)
        tpu.yield
      }) : () -> ()
      %add3A_93 = arith.constant 480 : i32
      %add3A_94 = arith.addi %mul3A_63, %add3A_93 : i32
      "tpu.region"() ({
        %run_scoped3A = tpu.sem_alloc : memref<!tpu.dma_semaphore, #tpu.memory_space<semaphore_mem>>
        %dma_start3A = arith.constant 0 : i32
        %dma_start3A_103 = arith.constant 0 : i32
        %dma_start3A_104 = tpu.memref_slice %arg19[%dma_start3A, %dma_start3A_103] : memref<160x16xf32, #tpu.memory_space<vmem>> -> memref<80x16xf32, #tpu.memory_space<vmem>>
        %dma_start3A_105 = arith.constant 0 : i32
        %dma_start3A_106 = tpu.memref_slice %arg22[%add3A_94, %dma_start3A_105] : memref<10240x16xf32, #tpu.memory_space<vmem_shared>> -> memref<80x16xf32, #tpu.memory_space<vmem_shared>>
        %dma_start3A_107 = arith.constant 0 : i32
        %dma_start3A_108 = arith.constant 0 : i32
        %dma_start3A_109 = tpu.memref_slice %arg19[%dma_start3A_107, %dma_start3A_108] : memref<160x16xf32, #tpu.memory_space<vmem>> -> memref<80x16xf32, #tpu.memory_space<vmem>>
        %dma_start3A_110 = arith.constant 0 : i32
        %dma_start3A_111 = tpu.memref_slice %arg22[%add3A_94, %dma_start3A_110] : memref<10240x16xf32, #tpu.memory_space<vmem_shared>> -> memref<80x16xf32, #tpu.memory_space<vmem_shared>>
        tpu.enqueue_dma source(%dma_start3A_111 : memref<80x16xf32, #tpu.memory_space<vmem_shared>>) target(%dma_start3A_109 : memref<80x16xf32, #tpu.memory_space<vmem>>) target_semaphore(%run_scoped3A : memref<!tpu.dma_semaphore, #tpu.memory_space<semaphore_mem>>)
        %dma_wait3A = arith.constant 0 : i32
        %dma_wait3A_112 = arith.constant 0 : i32
        %dma_wait3A_113 = tpu.memref_slice %arg19[%dma_wait3A, %dma_wait3A_112] : memref<160x16xf32, #tpu.memory_space<vmem>> -> memref<80x16xf32, #tpu.memory_space<vmem>>
        %dma_wait3A_114 = arith.constant 0 : i32
        %dma_wait3A_115 = tpu.memref_slice %arg22[%add3A_94, %dma_wait3A_114] : memref<10240x16xf32, #tpu.memory_space<vmem_shared>> -> memref<80x16xf32, #tpu.memory_space<vmem_shared>>
        %dma_wait3A_116 = arith.constant 0 : i32
        %dma_wait3A_117 = arith.constant 0 : i32
        %dma_wait3A_118 = tpu.memref_slice %arg19[%dma_wait3A_116, %dma_wait3A_117] : memref<160x16xf32, #tpu.memory_space<vmem>> -> memref<80x16xf32, #tpu.memory_space<vmem>>
        %dma_wait3A_119 = arith.constant 0 : i32
        %dma_wait3A_120 = tpu.memref_slice %arg22[%add3A_94, %dma_wait3A_119] : memref<10240x16xf32, #tpu.memory_space<vmem_shared>> -> memref<80x16xf32, #tpu.memory_space<vmem_shared>>
        tpu.wait_dma2 semaphore(%run_scoped3A : memref<!tpu.dma_semaphore, #tpu.memory_space<semaphore_mem>>) src(%dma_wait3A_120 : memref<80x16xf32, #tpu.memory_space<vmem_shared>>) dst(%dma_wait3A_118 : memref<80x16xf32, #tpu.memory_space<vmem>>)
        tpu.yield
      }) : () -> ()
      %parallel_loop3A_95 = arith.constant 0 : i32
      %parallel_loop3A_96 = arith.constant 80 : i32
      %parallel_loop3A_97 = arith.constant 1 : i32
      scf.for %parallel_loop3A_103 = %parallel_loop3A_95 to %parallel_loop3A_96 step %parallel_loop3A_97  : i32 {
        %parallel_loop3A_104 = arith.index_cast %parallel_loop3A_103 : i32 to index
        %parallel_loop3A_105 = arith.constant 0 : index
        %parallel_loop3A_106 = tpu.vector_load %arg19[%parallel_loop3A_104, %parallel_loop3A_105] {strides = array<i32>} : memref<160x16xf32, #tpu.memory_space<vmem>>, vector<16xf32>,
        %parallel_loop3A_107 = arith.constant 1.000000e-16 : f32
        %parallel_loop3A_108 = vector.broadcast %parallel_loop3A_107 : f32 to vector<16xf32>
        %parallel_loop3A_109 = arith.addf %parallel_loop3A_106, %parallel_loop3A_108 : vector<16xf32>
        %parallel_loop3A_110 = arith.constant 1.000000e+00 : f32
        %parallel_loop3A_111 = vector.broadcast %parallel_loop3A_110 : f32 to vector<16xf32>
        %parallel_loop3A_112 = arith.divf %parallel_loop3A_111, %parallel_loop3A_109 : vector<16xf32>
        %parallel_loop3A_113 = arith.index_cast %parallel_loop3A_103 : i32 to index
        %parallel_loop3A_114 = arith.constant 0 : index
        %parallel_loop3A_115 = tpu.vector_load %arg19[%parallel_loop3A_113, %parallel_loop3A_114] {strides = array<i32>} : memref<160x16xf32, #tpu.memory_space<vmem>>, vector<16xf32>,
        tpu.vector_store %arg19[%parallel_loop3A_113, %parallel_loop3A_114], %parallel_loop3A_112 {strides = array<i32>} : memref<160x16xf32, #tpu.memory_space<vmem>>, vector<16xf32>,
      } {sc.loop_unroll_factor = 4 : i64, sc.parallel_access}
      "tpu.region"() ({
        %run_scoped3A = tpu.sem_alloc : memref<!tpu.dma_semaphore, #tpu.memory_space<semaphore_mem>>
        %dma_start3A = arith.constant 0 : i32
        %dma_start3A_103 = arith.constant 0 : i32
        %dma_start3A_104 = tpu.memref_slice %arg19[%dma_start3A, %dma_start3A_103] : memref<160x16xf32, #tpu.memory_space<vmem>> -> memref<80x16xf32, #tpu.memory_space<vmem>>
        %dma_start3A_105 = arith.constant 0 : i32
        %dma_start3A_106 = tpu.memref_slice %arg13[%add3A_94, %dma_start3A_105] : memref<10240x16xf32, #tpu.memory_space<hbm>> -> memref<80x16xf32, #tpu.memory_space<hbm>>
        %dma_start3A_107 = arith.constant 0 : i32
        %dma_start3A_108 = tpu.memref_slice %arg13[%add3A_94, %dma_start3A_107] : memref<10240x16xf32, #tpu.memory_space<hbm>> -> memref<80x16xf32, #tpu.memory_space<hbm>>
        %dma_start3A_109 = arith.constant 0 : i32
        %dma_start3A_110 = arith.constant 0 : i32
        %dma_start3A_111 = tpu.memref_slice %arg19[%dma_start3A_109, %dma_start3A_110] : memref<160x16xf32, #tpu.memory_space<vmem>> -> memref<80x16xf32, #tpu.memory_space<vmem>>
        tpu.enqueue_dma source(%dma_start3A_111 : memref<80x16xf32, #tpu.memory_space<vmem>>) target(%dma_start3A_108 : memref<80x16xf32, #tpu.memory_space<hbm>>) target_semaphore(%run_scoped3A : memref<!tpu.dma_semaphore, #tpu.memory_space<semaphore_mem>>)
        %dma_wait3A = arith.constant 0 : i32
        %dma_wait3A_112 = arith.constant 0 : i32
        %dma_wait3A_113 = tpu.memref_slice %arg19[%dma_wait3A, %dma_wait3A_112] : memref<160x16xf32, #tpu.memory_space<vmem>> -> memref<80x16xf32, #tpu.memory_space<vmem>>
        %dma_wait3A_114 = arith.constant 0 : i32
        %dma_wait3A_115 = tpu.memref_slice %arg13[%add3A_94, %dma_wait3A_114] : memref<10240x16xf32, #tpu.memory_space<hbm>> -> memref<80x16xf32, #tpu.memory_space<hbm>>
        %dma_wait3A_116 = arith.constant 0 : i32
        %dma_wait3A_117 = tpu.memref_slice %arg13[%add3A_94, %dma_wait3A_116] : memref<10240x16xf32, #tpu.memory_space<hbm>> -> memref<80x16xf32, #tpu.memory_space<hbm>>
        %dma_wait3A_118 = arith.constant 0 : i32
        %dma_wait3A_119 = arith.constant 0 : i32
        %dma_wait3A_120 = tpu.memref_slice %arg19[%dma_wait3A_118, %dma_wait3A_119] : memref<160x16xf32, #tpu.memory_space<vmem>> -> memref<80x16xf32, #tpu.memory_space<vmem>>
        tpu.wait_dma2 semaphore(%run_scoped3A : memref<!tpu.dma_semaphore, #tpu.memory_space<semaphore_mem>>) src(%dma_wait3A_120 : memref<80x16xf32, #tpu.memory_space<vmem>>) dst(%dma_wait3A_117 : memref<80x16xf32, #tpu.memory_space<hbm>>)
        tpu.yield
      }) : () -> ()
      %add3A_98 = arith.constant 560 : i32
      %add3A_99 = arith.addi %mul3A_63, %add3A_98 : i32
      "tpu.region"() ({
        %run_scoped3A = tpu.sem_alloc : memref<!tpu.dma_semaphore, #tpu.memory_space<semaphore_mem>>
        %dma_start3A = arith.constant 0 : i32
        %dma_start3A_103 = arith.constant 0 : i32
        %dma_start3A_104 = tpu.memref_slice %arg19[%dma_start3A, %dma_start3A_103] : memref<160x16xf32, #tpu.memory_space<vmem>> -> memref<80x16xf32, #tpu.memory_space<vmem>>
        %dma_start3A_105 = arith.constant 0 : i32
        %dma_start3A_106 = tpu.memref_slice %arg22[%add3A_99, %dma_start3A_105] : memref<10240x16xf32, #tpu.memory_space<vmem_shared>> -> memref<80x16xf32, #tpu.memory_space<vmem_shared>>
        %dma_start3A_107 = arith.constant 0 : i32
        %dma_start3A_108 = arith.constant 0 : i32
        %dma_start3A_109 = tpu.memref_slice %arg19[%dma_start3A_107, %dma_start3A_108] : memref<160x16xf32, #tpu.memory_space<vmem>> -> memref<80x16xf32, #tpu.memory_space<vmem>>
        %dma_start3A_110 = arith.constant 0 : i32
        %dma_start3A_111 = tpu.memref_slice %arg22[%add3A_99, %dma_start3A_110] : memref<10240x16xf32, #tpu.memory_space<vmem_shared>> -> memref<80x16xf32, #tpu.memory_space<vmem_shared>>
        tpu.enqueue_dma source(%dma_start3A_111 : memref<80x16xf32, #tpu.memory_space<vmem_shared>>) target(%dma_start3A_109 : memref<80x16xf32, #tpu.memory_space<vmem>>) target_semaphore(%run_scoped3A : memref<!tpu.dma_semaphore, #tpu.memory_space<semaphore_mem>>)
        %dma_wait3A = arith.constant 0 : i32
        %dma_wait3A_112 = arith.constant 0 : i32
        %dma_wait3A_113 = tpu.memref_slice %arg19[%dma_wait3A, %dma_wait3A_112] : memref<160x16xf32, #tpu.memory_space<vmem>> -> memref<80x16xf32, #tpu.memory_space<vmem>>
        %dma_wait3A_114 = arith.constant 0 : i32
        %dma_wait3A_115 = tpu.memref_slice %arg22[%add3A_99, %dma_wait3A_114] : memref<10240x16xf32, #tpu.memory_space<vmem_shared>> -> memref<80x16xf32, #tpu.memory_space<vmem_shared>>
        %dma_wait3A_116 = arith.constant 0 : i32
        %dma_wait3A_117 = arith.constant 0 : i32
        %dma_wait3A_118 = tpu.memref_slice %arg19[%dma_wait3A_116, %dma_wait3A_117] : memref<160x16xf32, #tpu.memory_space<vmem>> -> memref<80x16xf32, #tpu.memory_space<vmem>>
        %dma_wait3A_119 = arith.constant 0 : i32
        %dma_wait3A_120 = tpu.memref_slice %arg22[%add3A_99, %dma_wait3A_119] : memref<10240x16xf32, #tpu.memory_space<vmem_shared>> -> memref<80x16xf32, #tpu.memory_space<vmem_shared>>
        tpu.wait_dma2 semaphore(%run_scoped3A : memref<!tpu.dma_semaphore, #tpu.memory_space<semaphore_mem>>) src(%dma_wait3A_120 : memref<80x16xf32, #tpu.memory_space<vmem_shared>>) dst(%dma_wait3A_118 : memref<80x16xf32, #tpu.memory_space<vmem>>)
        tpu.yield
      }) : () -> ()
      %parallel_loop3A_100 = arith.constant 0 : i32
      %parallel_loop3A_101 = arith.constant 80 : i32
      %parallel_loop3A_102 = arith.constant 1 : i32
      scf.for %parallel_loop3A_103 = %parallel_loop3A_100 to %parallel_loop3A_101 step %parallel_loop3A_102  : i32 {
        %parallel_loop3A_104 = arith.index_cast %parallel_loop3A_103 : i32 to index
        %parallel_loop3A_105 = arith.constant 0 : index
        %parallel_loop3A_106 = tpu.vector_load %arg19[%parallel_loop3A_104, %parallel_loop3A_105] {strides = array<i32>} : memref<160x16xf32, #tpu.memory_space<vmem>>, vector<16xf32>,
        %parallel_loop3A_107 = arith.constant 1.000000e-16 : f32
        %parallel_loop3A_108 = vector.broadcast %parallel_loop3A_107 : f32 to vector<16xf32>
        %parallel_loop3A_109 = arith.addf %parallel_loop3A_106, %parallel_loop3A_108 : vector<16xf32>
        %parallel_loop3A_110 = arith.constant 1.000000e+00 : f32
        %parallel_loop3A_111 = vector.broadcast %parallel_loop3A_110 : f32 to vector<16xf32>
        %parallel_loop3A_112 = arith.divf %parallel_loop3A_111, %parallel_loop3A_109 : vector<16xf32>
        %parallel_loop3A_113 = arith.index_cast %parallel_loop3A_103 : i32 to index
        %parallel_loop3A_114 = arith.constant 0 : index
        %parallel_loop3A_115 = tpu.vector_load %arg19[%parallel_loop3A_113, %parallel_loop3A_114] {strides = array<i32>} : memref<160x16xf32, #tpu.memory_space<vmem>>, vector<16xf32>,
        tpu.vector_store %arg19[%parallel_loop3A_113, %parallel_loop3A_114], %parallel_loop3A_112 {strides = array<i32>} : memref<160x16xf32, #tpu.memory_space<vmem>>, vector<16xf32>,
      } {sc.loop_unroll_factor = 4 : i64, sc.parallel_access}
      "tpu.region"() ({
        %run_scoped3A = tpu.sem_alloc : memref<!tpu.dma_semaphore, #tpu.memory_space<semaphore_mem>>
        %dma_start3A = arith.constant 0 : i32
        %dma_start3A_103 = arith.constant 0 : i32
        %dma_start3A_104 = tpu.memref_slice %arg19[%dma_start3A, %dma_start3A_103] : memref<160x16xf32, #tpu.memory_space<vmem>> -> memref<80x16xf32, #tpu.memory_space<vmem>>
        %dma_start3A_105 = arith.constant 0 : i32
        %dma_start3A_106 = tpu.memref_slice %arg13[%add3A_99, %dma_start3A_105] : memref<10240x16xf32, #tpu.memory_space<hbm>> -> memref<80x16xf32, #tpu.memory_space<hbm>>
        %dma_start3A_107 = arith.constant 0 : i32
        %dma_start3A_108 = tpu.memref_slice %arg13[%add3A_99, %dma_start3A_107] : memref<10240x16xf32, #tpu.memory_space<hbm>> -> memref<80x16xf32, #tpu.memory_space<hbm>>
        %dma_start3A_109 = arith.constant 0 : i32
        %dma_start3A_110 = arith.constant 0 : i32
        %dma_start3A_111 = tpu.memref_slice %arg19[%dma_start3A_109, %dma_start3A_110] : memref<160x16xf32, #tpu.memory_space<vmem>> -> memref<80x16xf32, #tpu.memory_space<vmem>>
        tpu.enqueue_dma source(%dma_start3A_111 : memref<80x16xf32, #tpu.memory_space<vmem>>) target(%dma_start3A_108 : memref<80x16xf32, #tpu.memory_space<hbm>>) target_semaphore(%run_scoped3A : memref<!tpu.dma_semaphore, #tpu.memory_space<semaphore_mem>>)
        %dma_wait3A = arith.constant 0 : i32
        %dma_wait3A_112 = arith.constant 0 : i32
        %dma_wait3A_113 = tpu.memref_slice %arg19[%dma_wait3A, %dma_wait3A_112] : memref<160x16xf32, #tpu.memory_space<vmem>> -> memref<80x16xf32, #tpu.memory_space<vmem>>
        %dma_wait3A_114 = arith.constant 0 : i32
        %dma_wait3A_115 = tpu.memref_slice %arg13[%add3A_99, %dma_wait3A_114] : memref<10240x16xf32, #tpu.memory_space<hbm>> -> memref<80x16xf32, #tpu.memory_space<hbm>>
        %dma_wait3A_116 = arith.constant 0 : i32
        %dma_wait3A_117 = tpu.memref_slice %arg13[%add3A_99, %dma_wait3A_116] : memref<10240x16xf32, #tpu.memory_space<hbm>> -> memref<80x16xf32, #tpu.memory_space<hbm>>
        %dma_wait3A_118 = arith.constant 0 : i32
        %dma_wait3A_119 = arith.constant 0 : i32
        %dma_wait3A_120 = tpu.memref_slice %arg19[%dma_wait3A_118, %dma_wait3A_119] : memref<160x16xf32, #tpu.memory_space<vmem>> -> memref<80x16xf32, #tpu.memory_space<vmem>>
        tpu.wait_dma2 semaphore(%run_scoped3A : memref<!tpu.dma_semaphore, #tpu.memory_space<semaphore_mem>>) src(%dma_wait3A_120 : memref<80x16xf32, #tpu.memory_space<vmem>>) dst(%dma_wait3A_117 : memref<80x16xf32, #tpu.memory_space<hbm>>)
        tpu.yield
      }) : () -> ()
    } else {
    }
    %eq3A_39 = arith.constant 1 : i32
    %eq3A_40 = arith.cmpi eq, %arg0, %eq3A_39 : i32
    %convert_element_type3A_41 = arith.extui %eq3A_40 : i1 to i32
    %cond3A_42 = arith.constant 0 : i32
    %cond3A_43 = arith.cmpi ne, %convert_element_type3A_41, %cond3A_42 : i32
    scf.if %cond3A_43 {
      %get3A = arith.constant 2 : i32
      %get3A_44 = arith.index_cast %get3A : i32 to index
      %get3A_45 = arith.constant 0 : index
      %get3A_46 = tpu.vector_load %arg21[%get3A_44, %get3A_45] {strides = array<i32>} : memref<8x16xf32, #tpu.memory_space<vmem>>, vector<16xf32>,
      %get3A_47 = arith.constant 3 : i32
      %get3A_48 = arith.index_cast %get3A_47 : i32 to index
      %get3A_49 = arith.constant 0 : index
      %get3A_50 = tpu.vector_load %arg21[%get3A_48, %get3A_49] {strides = array<i32>} : memref<8x16xf32, #tpu.memory_space<vmem>>, vector<16xf32>,
      %add3A_51 = arith.addf %get3A_46, %get3A_50 : vector<16xf32>
      %max3A = arith.constant 0.000000e+00 : f32
      %max3A_52 = vector.broadcast %max3A : f32 to vector<16xf32>
      %max3A_53 = arith.maximumf %add3A_51, %max3A_52 : vector<16xf32>
      %scan3A_54 = arith.constant 0 : i32
      %scan3A_55 = arith.constant 0 : i32
      %scan3A_56 = arith.constant 125 : i32
      %scan3A_57 = arith.addi %scan3A_55, %scan3A_56 : i32
      %scan3A_58 = arith.constant 1 : i32
      %scan3A_59 = scf.for %scan3A_103 = %scan3A_55 to %scan3A_57 step %scan3A_58 iter_args(%scan3A_104 = %scan3A_54) -> (i32)  : i32 {
        %mul3A_105 = arith.constant 20000 : i32
        %mul3A_106 = arith.muli %arg1, %mul3A_105 : i32
        %mul3A_107 = arith.constant 160 : i32
        %mul3A_108 = arith.muli %scan3A_103, %mul3A_107 : i32
        %add3A_109 = arith.addi %mul3A_106, %mul3A_108 : i32
        "tpu.region"() ({
          %run_scoped3A = tpu.sem_alloc : memref<!tpu.dma_semaphore, #tpu.memory_space<semaphore_mem>>
          %dma_start3A_130 = tpu.memref_slice %arg9[%add3A_109] : memref<320000xi32, #tpu.memory_space<hbm>> -> memref<160xi32, #tpu.memory_space<hbm>>
          %dma_start3A_131 = tpu.memref_slice %arg9[%add3A_109] : memref<320000xi32, #tpu.memory_space<hbm>> -> memref<160xi32, #tpu.memory_space<hbm>>
          tpu.enqueue_dma source(%dma_start3A_131 : memref<160xi32, #tpu.memory_space<hbm>>) target(%arg15 : memref<160xi32, #tpu.memory_space<vmem>>) target_semaphore(%run_scoped3A : memref<!tpu.dma_semaphore, #tpu.memory_space<semaphore_mem>>)
          %dma_wait3A_132 = tpu.memref_slice %arg9[%add3A_109] : memref<320000xi32, #tpu.memory_space<hbm>> -> memref<160xi32, #tpu.memory_space<hbm>>
          %dma_wait3A_133 = tpu.memref_slice %arg9[%add3A_109] : memref<320000xi32, #tpu.memory_space<hbm>> -> memref<160xi32, #tpu.memory_space<hbm>>
          tpu.wait_dma2 semaphore(%run_scoped3A : memref<!tpu.dma_semaphore, #tpu.memory_space<semaphore_mem>>) src(%dma_wait3A_133 : memref<160xi32, #tpu.memory_space<hbm>>) dst(%arg15 : memref<160xi32, #tpu.memory_space<vmem>>)
          tpu.yield
        }) : () -> ()
        %dma_start3A = arith.constant 0 : i32
        %dma_start3A_110 = arith.constant 0 : i32
        %dma_start3A_111 = tpu.memref_slice %arg4[%dma_start3A, %dma_start3A_110] : memref<10000x16xf32, #tpu.memory_space<hbm>> -> memref<10000x16xf32, #tpu.memory_space<hbm>>
        tpu.enqueue_indirect_dma source(%dma_start3A_111 : memref<10000x16xf32, #tpu.memory_space<hbm>>) target(%arg17 : memref<160x16xf32, #tpu.memory_space<vmem>>) offsets(%arg15 : memref<160xi32, #tpu.memory_space<vmem>>) semaphore(%arg24 : memref<!tpu.dma_semaphore, #tpu.memory_space<semaphore_mem>>)
        %dma_start3A_112 = arith.constant 0 : i32
        %dma_start3A_113 = arith.constant 0 : i32
        %dma_start3A_114 = tpu.memref_slice %arg8[%dma_start3A_112, %dma_start3A_113] : memref<10000x128xf32, #tpu.memory_space<hbm>> -> memref<10000x128xf32, #tpu.memory_space<hbm>>
        tpu.enqueue_indirect_dma source(%dma_start3A_114 : memref<10000x128xf32, #tpu.memory_space<hbm>>) target(%arg20 : memref<160x128xf32, #tpu.memory_space<vmem>>) offsets(%arg15 : memref<160xi32, #tpu.memory_space<vmem>>) semaphore(%arg24 : memref<!tpu.dma_semaphore, #tpu.memory_space<semaphore_mem>>)
        "tpu.region"() ({
          %run_scoped3A = tpu.sem_alloc : memref<!tpu.dma_semaphore, #tpu.memory_space<semaphore_mem>>
          %dma_start3A_130 = tpu.memref_slice %arg10[%add3A_109] : memref<320000xi32, #tpu.memory_space<hbm>> -> memref<160xi32, #tpu.memory_space<hbm>>
          %dma_start3A_131 = tpu.memref_slice %arg10[%add3A_109] : memref<320000xi32, #tpu.memory_space<hbm>> -> memref<160xi32, #tpu.memory_space<hbm>>
          tpu.enqueue_dma source(%dma_start3A_131 : memref<160xi32, #tpu.memory_space<hbm>>) target(%arg16 : memref<160xi32, #tpu.memory_space<vmem>>) target_semaphore(%run_scoped3A : memref<!tpu.dma_semaphore, #tpu.memory_space<semaphore_mem>>)
          %dma_wait3A_132 = tpu.memref_slice %arg10[%add3A_109] : memref<320000xi32, #tpu.memory_space<hbm>> -> memref<160xi32, #tpu.memory_space<hbm>>
          %dma_wait3A_133 = tpu.memref_slice %arg10[%add3A_109] : memref<320000xi32, #tpu.memory_space<hbm>> -> memref<160xi32, #tpu.memory_space<hbm>>
          tpu.wait_dma2 semaphore(%run_scoped3A : memref<!tpu.dma_semaphore, #tpu.memory_space<semaphore_mem>>) src(%dma_wait3A_133 : memref<160xi32, #tpu.memory_space<hbm>>) dst(%arg16 : memref<160xi32, #tpu.memory_space<vmem>>)
          tpu.yield
        }) : () -> ()
        %dma_start3A_115 = arith.constant 0 : i32
        %dma_start3A_116 = arith.constant 0 : i32
        %dma_start3A_117 = tpu.memref_slice %arg5[%dma_start3A_115, %dma_start3A_116] : memref<10000x16xf32, #tpu.memory_space<hbm>> -> memref<10000x16xf32, #tpu.memory_space<hbm>>
        tpu.enqueue_indirect_dma source(%dma_start3A_117 : memref<10000x16xf32, #tpu.memory_space<hbm>>) target(%arg18 : memref<160x16xf32, #tpu.memory_space<vmem>>) offsets(%arg16 : memref<160xi32, #tpu.memory_space<vmem>>) semaphore(%arg24 : memref<!tpu.dma_semaphore, #tpu.memory_space<semaphore_mem>>)
        %dma_wait3A = arith.constant 0 : i32
        %dma_wait3A_118 = arith.constant 0 : i32
        %dma_wait3A_119 = tpu.memref_slice %arg4[%dma_wait3A, %dma_wait3A_118] : memref<10000x16xf32, #tpu.memory_space<hbm>> -> memref<10000x16xf32, #tpu.memory_space<hbm>>
        tpu.wait_indirect_dma semaphore(%arg24 : memref<!tpu.dma_semaphore, #tpu.memory_space<semaphore_mem>>) src(%dma_wait3A_119 : memref<10000x16xf32, #tpu.memory_space<hbm>>) dst(%arg17 : memref<160x16xf32, #tpu.memory_space<vmem>>)
        %dma_wait3A_120 = arith.constant 0 : i32
        %dma_wait3A_121 = arith.constant 0 : i32
        %dma_wait3A_122 = tpu.memref_slice %arg5[%dma_wait3A_120, %dma_wait3A_121] : memref<10000x16xf32, #tpu.memory_space<hbm>> -> memref<10000x16xf32, #tpu.memory_space<hbm>>
        tpu.wait_indirect_dma semaphore(%arg24 : memref<!tpu.dma_semaphore, #tpu.memory_space<semaphore_mem>>) src(%dma_wait3A_122 : memref<10000x16xf32, #tpu.memory_space<hbm>>) dst(%arg18 : memref<160x16xf32, #tpu.memory_space<vmem>>)
        %dma_wait3A_123 = arith.constant 0 : i32
        %dma_wait3A_124 = arith.constant 0 : i32
        %dma_wait3A_125 = tpu.memref_slice %arg8[%dma_wait3A_123, %dma_wait3A_124] : memref<10000x128xf32, #tpu.memory_space<hbm>> -> memref<10000x128xf32, #tpu.memory_space<hbm>>
        tpu.wait_indirect_dma semaphore(%arg24 : memref<!tpu.dma_semaphore, #tpu.memory_space<semaphore_mem>>) src(%dma_wait3A_125 : memref<10000x128xf32, #tpu.memory_space<hbm>>) dst(%arg20 : memref<160x128xf32, #tpu.memory_space<vmem>>)
        %parallel_loop3A_126 = arith.constant 0 : i32
        %parallel_loop3A_127 = arith.constant 160 : i32
        %parallel_loop3A_128 = arith.constant 1 : i32
        scf.for %parallel_loop3A_130 = %parallel_loop3A_126 to %parallel_loop3A_127 step %parallel_loop3A_128  : i32 {
          %parallel_loop3A_131 = arith.index_cast %parallel_loop3A_130 : i32 to index
          %parallel_loop3A_132 = arith.constant 0 : index
          %parallel_loop3A_133 = tpu.vector_load %arg17[%parallel_loop3A_131, %parallel_loop3A_132] {strides = array<i32>} : memref<160x16xf32, #tpu.memory_space<vmem>>, vector<16xf32>,
          %parallel_loop3A_134 = arith.index_cast %parallel_loop3A_130 : i32 to index
          %parallel_loop3A_135 = arith.constant 0 : index
          %parallel_loop3A_136 = tpu.vector_load %arg18[%parallel_loop3A_134, %parallel_loop3A_135] {strides = array<i32>} : memref<160x16xf32, #tpu.memory_space<vmem>>, vector<16xf32>,
          %parallel_loop3A_137 = arith.addf %parallel_loop3A_133, %parallel_loop3A_136 : vector<16xf32>
          %parallel_loop3A_138 = arith.constant 0.000000e+00 : f32
          %parallel_loop3A_139 = vector.broadcast %parallel_loop3A_138 : f32 to vector<16xf32>
          %parallel_loop3A_140 = arith.cmpf oge, %parallel_loop3A_137, %parallel_loop3A_139 : vector<16xf32>
          %parallel_loop3A_141 = arith.constant 2.000000e-01 : f32
          %parallel_loop3A_142 = vector.broadcast %parallel_loop3A_141 : f32 to vector<16xf32>
          %parallel_loop3A_143 = arith.mulf %parallel_loop3A_142, %parallel_loop3A_137 : vector<16xf32>
          %parallel_loop3A_144 = arith.select %parallel_loop3A_140, %parallel_loop3A_137, %parallel_loop3A_143 : vector<16xi1>, vector<16xf32>
          %parallel_loop3A_145 = arith.subf %parallel_loop3A_144, %max3A_53 : vector<16xf32>
          %parallel_loop3A_146 = math.exp %parallel_loop3A_145 : vector<16xf32>
          %parallel_loop3A_147 = arith.index_cast %parallel_loop3A_130 : i32 to index
          %parallel_loop3A_148 = arith.constant 0 : index
          %parallel_loop3A_149 = tpu.vector_load %arg19[%parallel_loop3A_147, %parallel_loop3A_148] {strides = array<i32>} : memref<160x16xf32, #tpu.memory_space<vmem>>, vector<16xf32>,
          tpu.vector_store %arg19[%parallel_loop3A_147, %parallel_loop3A_148], %parallel_loop3A_146 {strides = array<i32>} : memref<160x16xf32, #tpu.memory_space<vmem>>, vector<16xf32>,
          %parallel_loop3A_150 = arith.index_cast %parallel_loop3A_130 : i32 to index
          %parallel_loop3A_151 = arith.constant 0 : index
          %parallel_loop3A_152 = tpu.vector_load %arg20[%parallel_loop3A_150, %parallel_loop3A_151] {strides = array<i32>} : memref<160x128xf32, #tpu.memory_space<vmem>>, vector<16xf32>,
          %parallel_loop3A_153 = arith.mulf %parallel_loop3A_152, %parallel_loop3A_146 : vector<16xf32>
          %parallel_loop3A_154 = arith.index_cast %parallel_loop3A_130 : i32 to index
          %parallel_loop3A_155 = arith.constant 0 : index
          %parallel_loop3A_156 = tpu.vector_load %arg20[%parallel_loop3A_154, %parallel_loop3A_155] {strides = array<i32>} : memref<160x128xf32, #tpu.memory_space<vmem>>, vector<16xf32>,
          tpu.vector_store %arg20[%parallel_loop3A_154, %parallel_loop3A_155], %parallel_loop3A_153 {strides = array<i32>} : memref<160x128xf32, #tpu.memory_space<vmem>>, vector<16xf32>,
          %parallel_loop3A_157 = arith.index_cast %parallel_loop3A_130 : i32 to index
          %parallel_loop3A_158 = arith.constant 16 : index
          %parallel_loop3A_159 = tpu.vector_load %arg20[%parallel_loop3A_157, %parallel_loop3A_158] {strides = array<i32>} : memref<160x128xf32, #tpu.memory_space<vmem>>, vector<16xf32>,
          %parallel_loop3A_160 = arith.mulf %parallel_loop3A_159, %parallel_loop3A_146 : vector<16xf32>
          %parallel_loop3A_161 = arith.index_cast %parallel_loop3A_130 : i32 to index
          %parallel_loop3A_162 = arith.constant 16 : index
          %parallel_loop3A_163 = tpu.vector_load %arg20[%parallel_loop3A_161, %parallel_loop3A_162] {strides = array<i32>} : memref<160x128xf32, #tpu.memory_space<vmem>>, vector<16xf32>,
          tpu.vector_store %arg20[%parallel_loop3A_161, %parallel_loop3A_162], %parallel_loop3A_160 {strides = array<i32>} : memref<160x128xf32, #tpu.memory_space<vmem>>, vector<16xf32>,
          %parallel_loop3A_164 = arith.index_cast %parallel_loop3A_130 : i32 to index
          %parallel_loop3A_165 = arith.constant 32 : index
          %parallel_loop3A_166 = tpu.vector_load %arg20[%parallel_loop3A_164, %parallel_loop3A_165] {strides = array<i32>} : memref<160x128xf32, #tpu.memory_space<vmem>>, vector<16xf32>,
          %parallel_loop3A_167 = arith.mulf %parallel_loop3A_166, %parallel_loop3A_146 : vector<16xf32>
          %parallel_loop3A_168 = arith.index_cast %parallel_loop3A_130 : i32 to index
          %parallel_loop3A_169 = arith.constant 32 : index
          %parallel_loop3A_170 = tpu.vector_load %arg20[%parallel_loop3A_168, %parallel_loop3A_169] {strides = array<i32>} : memref<160x128xf32, #tpu.memory_space<vmem>>, vector<16xf32>,
          tpu.vector_store %arg20[%parallel_loop3A_168, %parallel_loop3A_169], %parallel_loop3A_167 {strides = array<i32>} : memref<160x128xf32, #tpu.memory_space<vmem>>, vector<16xf32>,
          %parallel_loop3A_171 = arith.index_cast %parallel_loop3A_130 : i32 to index
          %parallel_loop3A_172 = arith.constant 48 : index
          %parallel_loop3A_173 = tpu.vector_load %arg20[%parallel_loop3A_171, %parallel_loop3A_172] {strides = array<i32>} : memref<160x128xf32, #tpu.memory_space<vmem>>, vector<16xf32>,
          %parallel_loop3A_174 = arith.mulf %parallel_loop3A_173, %parallel_loop3A_146 : vector<16xf32>
          %parallel_loop3A_175 = arith.index_cast %parallel_loop3A_130 : i32 to index
          %parallel_loop3A_176 = arith.constant 48 : index
          %parallel_loop3A_177 = tpu.vector_load %arg20[%parallel_loop3A_175, %parallel_loop3A_176] {strides = array<i32>} : memref<160x128xf32, #tpu.memory_space<vmem>>, vector<16xf32>,
          tpu.vector_store %arg20[%parallel_loop3A_175, %parallel_loop3A_176], %parallel_loop3A_174 {strides = array<i32>} : memref<160x128xf32, #tpu.memory_space<vmem>>, vector<16xf32>,
          %parallel_loop3A_178 = arith.index_cast %parallel_loop3A_130 : i32 to index
          %parallel_loop3A_179 = arith.constant 64 : index
          %parallel_loop3A_180 = tpu.vector_load %arg20[%parallel_loop3A_178, %parallel_loop3A_179] {strides = array<i32>} : memref<160x128xf32, #tpu.memory_space<vmem>>, vector<16xf32>,
          %parallel_loop3A_181 = arith.mulf %parallel_loop3A_180, %parallel_loop3A_146 : vector<16xf32>
          %parallel_loop3A_182 = arith.index_cast %parallel_loop3A_130 : i32 to index
          %parallel_loop3A_183 = arith.constant 64 : index
          %parallel_loop3A_184 = tpu.vector_load %arg20[%parallel_loop3A_182, %parallel_loop3A_183] {strides = array<i32>} : memref<160x128xf32, #tpu.memory_space<vmem>>, vector<16xf32>,
          tpu.vector_store %arg20[%parallel_loop3A_182, %parallel_loop3A_183], %parallel_loop3A_181 {strides = array<i32>} : memref<160x128xf32, #tpu.memory_space<vmem>>, vector<16xf32>,
          %parallel_loop3A_185 = arith.index_cast %parallel_loop3A_130 : i32 to index
          %parallel_loop3A_186 = arith.constant 80 : index
          %parallel_loop3A_187 = tpu.vector_load %arg20[%parallel_loop3A_185, %parallel_loop3A_186] {strides = array<i32>} : memref<160x128xf32, #tpu.memory_space<vmem>>, vector<16xf32>,
          %parallel_loop3A_188 = arith.mulf %parallel_loop3A_187, %parallel_loop3A_146 : vector<16xf32>
          %parallel_loop3A_189 = arith.index_cast %parallel_loop3A_130 : i32 to index
          %parallel_loop3A_190 = arith.constant 80 : index
          %parallel_loop3A_191 = tpu.vector_load %arg20[%parallel_loop3A_189, %parallel_loop3A_190] {strides = array<i32>} : memref<160x128xf32, #tpu.memory_space<vmem>>, vector<16xf32>,
          tpu.vector_store %arg20[%parallel_loop3A_189, %parallel_loop3A_190], %parallel_loop3A_188 {strides = array<i32>} : memref<160x128xf32, #tpu.memory_space<vmem>>, vector<16xf32>,
          %parallel_loop3A_192 = arith.index_cast %parallel_loop3A_130 : i32 to index
          %parallel_loop3A_193 = arith.constant 96 : index
          %parallel_loop3A_194 = tpu.vector_load %arg20[%parallel_loop3A_192, %parallel_loop3A_193] {strides = array<i32>} : memref<160x128xf32, #tpu.memory_space<vmem>>, vector<16xf32>,
          %parallel_loop3A_195 = arith.mulf %parallel_loop3A_194, %parallel_loop3A_146 : vector<16xf32>
          %parallel_loop3A_196 = arith.index_cast %parallel_loop3A_130 : i32 to index
          %parallel_loop3A_197 = arith.constant 96 : index
          %parallel_loop3A_198 = tpu.vector_load %arg20[%parallel_loop3A_196, %parallel_loop3A_197] {strides = array<i32>} : memref<160x128xf32, #tpu.memory_space<vmem>>, vector<16xf32>,
          tpu.vector_store %arg20[%parallel_loop3A_196, %parallel_loop3A_197], %parallel_loop3A_195 {strides = array<i32>} : memref<160x128xf32, #tpu.memory_space<vmem>>, vector<16xf32>,
          %parallel_loop3A_199 = arith.index_cast %parallel_loop3A_130 : i32 to index
          %parallel_loop3A_200 = arith.constant 112 : index
          %parallel_loop3A_201 = tpu.vector_load %arg20[%parallel_loop3A_199, %parallel_loop3A_200] {strides = array<i32>} : memref<160x128xf32, #tpu.memory_space<vmem>>, vector<16xf32>,
          %parallel_loop3A_202 = arith.mulf %parallel_loop3A_201, %parallel_loop3A_146 : vector<16xf32>
          %parallel_loop3A_203 = arith.index_cast %parallel_loop3A_130 : i32 to index
          %parallel_loop3A_204 = arith.constant 112 : index
          %parallel_loop3A_205 = tpu.vector_load %arg20[%parallel_loop3A_203, %parallel_loop3A_204] {strides = array<i32>} : memref<160x128xf32, #tpu.memory_space<vmem>>, vector<16xf32>,
          tpu.vector_store %arg20[%parallel_loop3A_203, %parallel_loop3A_204], %parallel_loop3A_202 {strides = array<i32>} : memref<160x128xf32, #tpu.memory_space<vmem>>, vector<16xf32>,
        } {sc.loop_unroll_factor = 4 : i64, sc.parallel_access}
        "tpu.region"() ({
          %run_scoped3A = tpu.sem_alloc : memref<!tpu.dma_semaphore, #tpu.memory_space<semaphore_mem>>
          %dma_start3A_130 = arith.constant 0 : i32
          %dma_start3A_131 = arith.constant 0 : i32
          %dma_start3A_132 = tpu.memref_slice %arg22[%dma_start3A_130, %dma_start3A_131] : memref<10240x16xf32, #tpu.memory_space<vmem_shared>> -> memref<10240x16xf32, #tpu.memory_space<vmem_shared>>
          tpu.enqueue_indirect_dma source(%arg19 : memref<160x16xf32, #tpu.memory_space<vmem>>) target(%dma_start3A_132 : memref<10240x16xf32, #tpu.memory_space<vmem_shared>>) offsets(%arg16 : memref<160xi32, #tpu.memory_space<vmem>>) semaphore(%run_scoped3A : memref<!tpu.dma_semaphore, #tpu.memory_space<semaphore_mem>>) {add = true}
          %dma_wait3A_133 = arith.constant 0 : i32
          %dma_wait3A_134 = arith.constant 0 : i32
          %dma_wait3A_135 = tpu.memref_slice %arg22[%dma_wait3A_133, %dma_wait3A_134] : memref<10240x16xf32, #tpu.memory_space<vmem_shared>> -> memref<10240x16xf32, #tpu.memory_space<vmem_shared>>
          tpu.wait_indirect_dma semaphore(%run_scoped3A : memref<!tpu.dma_semaphore, #tpu.memory_space<semaphore_mem>>) src(%arg19 : memref<160x16xf32, #tpu.memory_space<vmem>>) dst(%dma_wait3A_135 : memref<10240x16xf32, #tpu.memory_space<vmem_shared>>)
          tpu.yield
        }) : () -> ()
        "tpu.region"() ({
          %run_scoped3A = tpu.sem_alloc : memref<!tpu.dma_semaphore, #tpu.memory_space<semaphore_mem>>
          %dma_start3A_130 = arith.constant 0 : i32
          %dma_start3A_131 = arith.constant 0 : i32
          %dma_start3A_132 = tpu.memref_slice %arg23[%dma_start3A_130, %dma_start3A_131] : memref<10240x128xf32, #tpu.memory_space<vmem_shared>> -> memref<10240x128xf32, #tpu.memory_space<vmem_shared>>
          tpu.enqueue_indirect_dma source(%arg20 : memref<160x128xf32, #tpu.memory_space<vmem>>) target(%dma_start3A_132 : memref<10240x128xf32, #tpu.memory_space<vmem_shared>>) offsets(%arg16 : memref<160xi32, #tpu.memory_space<vmem>>) semaphore(%run_scoped3A : memref<!tpu.dma_semaphore, #tpu.memory_space<semaphore_mem>>) {add = true}
          %dma_wait3A_133 = arith.constant 0 : i32
          %dma_wait3A_134 = arith.constant 0 : i32
          %dma_wait3A_135 = tpu.memref_slice %arg23[%dma_wait3A_133, %dma_wait3A_134] : memref<10240x128xf32, #tpu.memory_space<vmem_shared>> -> memref<10240x128xf32, #tpu.memory_space<vmem_shared>>
          tpu.wait_indirect_dma semaphore(%run_scoped3A : memref<!tpu.dma_semaphore, #tpu.memory_space<semaphore_mem>>) src(%arg20 : memref<160x128xf32, #tpu.memory_space<vmem>>) dst(%dma_wait3A_135 : memref<10240x128xf32, #tpu.memory_space<vmem_shared>>)
          tpu.yield
        }) : () -> ()
        %scan3A_129 = arith.constant 0 : i32
        scf.yield %scan3A_129 : i32
      }
      %scan3A_60 = arith.constant 125 : i32
      %barrier3A_61 = arith.constant 0 : index
      tpu.barrier barrier_id(%barrier3A_61)
      %mul3A_62 = arith.constant 640 : i32
      %mul3A_63 = arith.muli %arg1, %mul3A_62 : i32
      "tpu.region"() ({
        %run_scoped3A = tpu.sem_alloc : memref<!tpu.dma_semaphore, #tpu.memory_space<semaphore_mem>>
        %dma_start3A = arith.constant 0 : i32
        %dma_start3A_103 = tpu.memref_slice %arg12[%mul3A_63, %dma_start3A] : memref<10240x128xf32, #tpu.memory_space<hbm>> -> memref<640x128xf32, #tpu.memory_space<hbm>>
        %dma_start3A_104 = arith.constant 0 : i32
        %dma_start3A_105 = tpu.memref_slice %arg23[%mul3A_63, %dma_start3A_104] : memref<10240x128xf32, #tpu.memory_space<vmem_shared>> -> memref<640x128xf32, #tpu.memory_space<vmem_shared>>
        tpu.enqueue_dma source(%dma_start3A_105 : memref<640x128xf32, #tpu.memory_space<vmem_shared>>) target(%dma_start3A_103 : memref<640x128xf32, #tpu.memory_space<hbm>>) target_semaphore(%run_scoped3A : memref<!tpu.dma_semaphore, #tpu.memory_space<semaphore_mem>>)
        %dma_wait3A = arith.constant 0 : i32
        %dma_wait3A_106 = tpu.memref_slice %arg12[%mul3A_63, %dma_wait3A] : memref<10240x128xf32, #tpu.memory_space<hbm>> -> memref<640x128xf32, #tpu.memory_space<hbm>>
        %dma_wait3A_107 = arith.constant 0 : i32
        %dma_wait3A_108 = tpu.memref_slice %arg23[%mul3A_63, %dma_wait3A_107] : memref<10240x128xf32, #tpu.memory_space<vmem_shared>> -> memref<640x128xf32, #tpu.memory_space<vmem_shared>>
        tpu.wait_dma2 semaphore(%run_scoped3A : memref<!tpu.dma_semaphore, #tpu.memory_space<semaphore_mem>>) src(%dma_wait3A_108 : memref<640x128xf32, #tpu.memory_space<vmem_shared>>) dst(%dma_wait3A_106 : memref<640x128xf32, #tpu.memory_space<hbm>>)
        tpu.yield
      }) : () -> ()
      %add3A_64 = arith.constant 0 : i32
      %add3A_65 = arith.addi %mul3A_63, %add3A_64 : i32
      "tpu.region"() ({
        %run_scoped3A = tpu.sem_alloc : memref<!tpu.dma_semaphore, #tpu.memory_space<semaphore_mem>>
        %dma_start3A = arith.constant 0 : i32
        %dma_start3A_103 = arith.constant 0 : i32
        %dma_start3A_104 = tpu.memref_slice %arg19[%dma_start3A, %dma_start3A_103] : memref<160x16xf32, #tpu.memory_space<vmem>> -> memref<80x16xf32, #tpu.memory_space<vmem>>
        %dma_start3A_105 = arith.constant 0 : i32
        %dma_start3A_106 = tpu.memref_slice %arg22[%add3A_65, %dma_start3A_105] : memref<10240x16xf32, #tpu.memory_space<vmem_shared>> -> memref<80x16xf32, #tpu.memory_space<vmem_shared>>
        %dma_start3A_107 = arith.constant 0 : i32
        %dma_start3A_108 = arith.constant 0 : i32
        %dma_start3A_109 = tpu.memref_slice %arg19[%dma_start3A_107, %dma_start3A_108] : memref<160x16xf32, #tpu.memory_space<vmem>> -> memref<80x16xf32, #tpu.memory_space<vmem>>
        %dma_start3A_110 = arith.constant 0 : i32
        %dma_start3A_111 = tpu.memref_slice %arg22[%add3A_65, %dma_start3A_110] : memref<10240x16xf32, #tpu.memory_space<vmem_shared>> -> memref<80x16xf32, #tpu.memory_space<vmem_shared>>
        tpu.enqueue_dma source(%dma_start3A_111 : memref<80x16xf32, #tpu.memory_space<vmem_shared>>) target(%dma_start3A_109 : memref<80x16xf32, #tpu.memory_space<vmem>>) target_semaphore(%run_scoped3A : memref<!tpu.dma_semaphore, #tpu.memory_space<semaphore_mem>>)
        %dma_wait3A = arith.constant 0 : i32
        %dma_wait3A_112 = arith.constant 0 : i32
        %dma_wait3A_113 = tpu.memref_slice %arg19[%dma_wait3A, %dma_wait3A_112] : memref<160x16xf32, #tpu.memory_space<vmem>> -> memref<80x16xf32, #tpu.memory_space<vmem>>
        %dma_wait3A_114 = arith.constant 0 : i32
        %dma_wait3A_115 = tpu.memref_slice %arg22[%add3A_65, %dma_wait3A_114] : memref<10240x16xf32, #tpu.memory_space<vmem_shared>> -> memref<80x16xf32, #tpu.memory_space<vmem_shared>>
        %dma_wait3A_116 = arith.constant 0 : i32
        %dma_wait3A_117 = arith.constant 0 : i32
        %dma_wait3A_118 = tpu.memref_slice %arg19[%dma_wait3A_116, %dma_wait3A_117] : memref<160x16xf32, #tpu.memory_space<vmem>> -> memref<80x16xf32, #tpu.memory_space<vmem>>
        %dma_wait3A_119 = arith.constant 0 : i32
        %dma_wait3A_120 = tpu.memref_slice %arg22[%add3A_65, %dma_wait3A_119] : memref<10240x16xf32, #tpu.memory_space<vmem_shared>> -> memref<80x16xf32, #tpu.memory_space<vmem_shared>>
        tpu.wait_dma2 semaphore(%run_scoped3A : memref<!tpu.dma_semaphore, #tpu.memory_space<semaphore_mem>>) src(%dma_wait3A_120 : memref<80x16xf32, #tpu.memory_space<vmem_shared>>) dst(%dma_wait3A_118 : memref<80x16xf32, #tpu.memory_space<vmem>>)
        tpu.yield
      }) : () -> ()
      %parallel_loop3A = arith.constant 0 : i32
      %parallel_loop3A_66 = arith.constant 80 : i32
      %parallel_loop3A_67 = arith.constant 1 : i32
      scf.for %parallel_loop3A_103 = %parallel_loop3A to %parallel_loop3A_66 step %parallel_loop3A_67  : i32 {
        %parallel_loop3A_104 = arith.index_cast %parallel_loop3A_103 : i32 to index
        %parallel_loop3A_105 = arith.constant 0 : index
        %parallel_loop3A_106 = tpu.vector_load %arg19[%parallel_loop3A_104, %parallel_loop3A_105] {strides = array<i32>} : memref<160x16xf32, #tpu.memory_space<vmem>>, vector<16xf32>,
        %parallel_loop3A_107 = arith.constant 1.000000e-16 : f32
        %parallel_loop3A_108 = vector.broadcast %parallel_loop3A_107 : f32 to vector<16xf32>
        %parallel_loop3A_109 = arith.addf %parallel_loop3A_106, %parallel_loop3A_108 : vector<16xf32>
        %parallel_loop3A_110 = arith.constant 1.000000e+00 : f32
        %parallel_loop3A_111 = vector.broadcast %parallel_loop3A_110 : f32 to vector<16xf32>
        %parallel_loop3A_112 = arith.divf %parallel_loop3A_111, %parallel_loop3A_109 : vector<16xf32>
        %parallel_loop3A_113 = arith.index_cast %parallel_loop3A_103 : i32 to index
        %parallel_loop3A_114 = arith.constant 0 : index
        %parallel_loop3A_115 = tpu.vector_load %arg19[%parallel_loop3A_113, %parallel_loop3A_114] {strides = array<i32>} : memref<160x16xf32, #tpu.memory_space<vmem>>, vector<16xf32>,
        tpu.vector_store %arg19[%parallel_loop3A_113, %parallel_loop3A_114], %parallel_loop3A_112 {strides = array<i32>} : memref<160x16xf32, #tpu.memory_space<vmem>>, vector<16xf32>,
      } {sc.loop_unroll_factor = 4 : i64, sc.parallel_access}
      "tpu.region"() ({
        %run_scoped3A = tpu.sem_alloc : memref<!tpu.dma_semaphore, #tpu.memory_space<semaphore_mem>>
        %dma_start3A = arith.constant 0 : i32
        %dma_start3A_103 = arith.constant 0 : i32
        %dma_start3A_104 = tpu.memref_slice %arg19[%dma_start3A, %dma_start3A_103] : memref<160x16xf32, #tpu.memory_space<vmem>> -> memref<80x16xf32, #tpu.memory_space<vmem>>
        %dma_start3A_105 = arith.constant 0 : i32
        %dma_start3A_106 = tpu.memref_slice %arg14[%add3A_65, %dma_start3A_105] : memref<10240x16xf32, #tpu.memory_space<hbm>> -> memref<80x16xf32, #tpu.memory_space<hbm>>
        %dma_start3A_107 = arith.constant 0 : i32
        %dma_start3A_108 = tpu.memref_slice %arg14[%add3A_65, %dma_start3A_107] : memref<10240x16xf32, #tpu.memory_space<hbm>> -> memref<80x16xf32, #tpu.memory_space<hbm>>
        %dma_start3A_109 = arith.constant 0 : i32
        %dma_start3A_110 = arith.constant 0 : i32
        %dma_start3A_111 = tpu.memref_slice %arg19[%dma_start3A_109, %dma_start3A_110] : memref<160x16xf32, #tpu.memory_space<vmem>> -> memref<80x16xf32, #tpu.memory_space<vmem>>
        tpu.enqueue_dma source(%dma_start3A_111 : memref<80x16xf32, #tpu.memory_space<vmem>>) target(%dma_start3A_108 : memref<80x16xf32, #tpu.memory_space<hbm>>) target_semaphore(%run_scoped3A : memref<!tpu.dma_semaphore, #tpu.memory_space<semaphore_mem>>)
        %dma_wait3A = arith.constant 0 : i32
        %dma_wait3A_112 = arith.constant 0 : i32
        %dma_wait3A_113 = tpu.memref_slice %arg19[%dma_wait3A, %dma_wait3A_112] : memref<160x16xf32, #tpu.memory_space<vmem>> -> memref<80x16xf32, #tpu.memory_space<vmem>>
        %dma_wait3A_114 = arith.constant 0 : i32
        %dma_wait3A_115 = tpu.memref_slice %arg14[%add3A_65, %dma_wait3A_114] : memref<10240x16xf32, #tpu.memory_space<hbm>> -> memref<80x16xf32, #tpu.memory_space<hbm>>
        %dma_wait3A_116 = arith.constant 0 : i32
        %dma_wait3A_117 = tpu.memref_slice %arg14[%add3A_65, %dma_wait3A_116] : memref<10240x16xf32, #tpu.memory_space<hbm>> -> memref<80x16xf32, #tpu.memory_space<hbm>>
        %dma_wait3A_118 = arith.constant 0 : i32
        %dma_wait3A_119 = arith.constant 0 : i32
        %dma_wait3A_120 = tpu.memref_slice %arg19[%dma_wait3A_118, %dma_wait3A_119] : memref<160x16xf32, #tpu.memory_space<vmem>> -> memref<80x16xf32, #tpu.memory_space<vmem>>
        tpu.wait_dma2 semaphore(%run_scoped3A : memref<!tpu.dma_semaphore, #tpu.memory_space<semaphore_mem>>) src(%dma_wait3A_120 : memref<80x16xf32, #tpu.memory_space<vmem>>) dst(%dma_wait3A_117 : memref<80x16xf32, #tpu.memory_space<hbm>>)
        tpu.yield
      }) : () -> ()
      %add3A_68 = arith.constant 80 : i32
      %add3A_69 = arith.addi %mul3A_63, %add3A_68 : i32
      "tpu.region"() ({
        %run_scoped3A = tpu.sem_alloc : memref<!tpu.dma_semaphore, #tpu.memory_space<semaphore_mem>>
        %dma_start3A = arith.constant 0 : i32
        %dma_start3A_103 = arith.constant 0 : i32
        %dma_start3A_104 = tpu.memref_slice %arg19[%dma_start3A, %dma_start3A_103] : memref<160x16xf32, #tpu.memory_space<vmem>> -> memref<80x16xf32, #tpu.memory_space<vmem>>
        %dma_start3A_105 = arith.constant 0 : i32
        %dma_start3A_106 = tpu.memref_slice %arg22[%add3A_69, %dma_start3A_105] : memref<10240x16xf32, #tpu.memory_space<vmem_shared>> -> memref<80x16xf32, #tpu.memory_space<vmem_shared>>
        %dma_start3A_107 = arith.constant 0 : i32
        %dma_start3A_108 = arith.constant 0 : i32
        %dma_start3A_109 = tpu.memref_slice %arg19[%dma_start3A_107, %dma_start3A_108] : memref<160x16xf32, #tpu.memory_space<vmem>> -> memref<80x16xf32, #tpu.memory_space<vmem>>
        %dma_start3A_110 = arith.constant 0 : i32
        %dma_start3A_111 = tpu.memref_slice %arg22[%add3A_69, %dma_start3A_110] : memref<10240x16xf32, #tpu.memory_space<vmem_shared>> -> memref<80x16xf32, #tpu.memory_space<vmem_shared>>
        tpu.enqueue_dma source(%dma_start3A_111 : memref<80x16xf32, #tpu.memory_space<vmem_shared>>) target(%dma_start3A_109 : memref<80x16xf32, #tpu.memory_space<vmem>>) target_semaphore(%run_scoped3A : memref<!tpu.dma_semaphore, #tpu.memory_space<semaphore_mem>>)
        %dma_wait3A = arith.constant 0 : i32
        %dma_wait3A_112 = arith.constant 0 : i32
        %dma_wait3A_113 = tpu.memref_slice %arg19[%dma_wait3A, %dma_wait3A_112] : memref<160x16xf32, #tpu.memory_space<vmem>> -> memref<80x16xf32, #tpu.memory_space<vmem>>
        %dma_wait3A_114 = arith.constant 0 : i32
        %dma_wait3A_115 = tpu.memref_slice %arg22[%add3A_69, %dma_wait3A_114] : memref<10240x16xf32, #tpu.memory_space<vmem_shared>> -> memref<80x16xf32, #tpu.memory_space<vmem_shared>>
        %dma_wait3A_116 = arith.constant 0 : i32
        %dma_wait3A_117 = arith.constant 0 : i32
        %dma_wait3A_118 = tpu.memref_slice %arg19[%dma_wait3A_116, %dma_wait3A_117] : memref<160x16xf32, #tpu.memory_space<vmem>> -> memref<80x16xf32, #tpu.memory_space<vmem>>
        %dma_wait3A_119 = arith.constant 0 : i32
        %dma_wait3A_120 = tpu.memref_slice %arg22[%add3A_69, %dma_wait3A_119] : memref<10240x16xf32, #tpu.memory_space<vmem_shared>> -> memref<80x16xf32, #tpu.memory_space<vmem_shared>>
        tpu.wait_dma2 semaphore(%run_scoped3A : memref<!tpu.dma_semaphore, #tpu.memory_space<semaphore_mem>>) src(%dma_wait3A_120 : memref<80x16xf32, #tpu.memory_space<vmem_shared>>) dst(%dma_wait3A_118 : memref<80x16xf32, #tpu.memory_space<vmem>>)
        tpu.yield
      }) : () -> ()
      %parallel_loop3A_70 = arith.constant 0 : i32
      %parallel_loop3A_71 = arith.constant 80 : i32
      %parallel_loop3A_72 = arith.constant 1 : i32
      scf.for %parallel_loop3A_103 = %parallel_loop3A_70 to %parallel_loop3A_71 step %parallel_loop3A_72  : i32 {
        %parallel_loop3A_104 = arith.index_cast %parallel_loop3A_103 : i32 to index
        %parallel_loop3A_105 = arith.constant 0 : index
        %parallel_loop3A_106 = tpu.vector_load %arg19[%parallel_loop3A_104, %parallel_loop3A_105] {strides = array<i32>} : memref<160x16xf32, #tpu.memory_space<vmem>>, vector<16xf32>,
        %parallel_loop3A_107 = arith.constant 1.000000e-16 : f32
        %parallel_loop3A_108 = vector.broadcast %parallel_loop3A_107 : f32 to vector<16xf32>
        %parallel_loop3A_109 = arith.addf %parallel_loop3A_106, %parallel_loop3A_108 : vector<16xf32>
        %parallel_loop3A_110 = arith.constant 1.000000e+00 : f32
        %parallel_loop3A_111 = vector.broadcast %parallel_loop3A_110 : f32 to vector<16xf32>
        %parallel_loop3A_112 = arith.divf %parallel_loop3A_111, %parallel_loop3A_109 : vector<16xf32>
        %parallel_loop3A_113 = arith.index_cast %parallel_loop3A_103 : i32 to index
        %parallel_loop3A_114 = arith.constant 0 : index
        %parallel_loop3A_115 = tpu.vector_load %arg19[%parallel_loop3A_113, %parallel_loop3A_114] {strides = array<i32>} : memref<160x16xf32, #tpu.memory_space<vmem>>, vector<16xf32>,
        tpu.vector_store %arg19[%parallel_loop3A_113, %parallel_loop3A_114], %parallel_loop3A_112 {strides = array<i32>} : memref<160x16xf32, #tpu.memory_space<vmem>>, vector<16xf32>,
      } {sc.loop_unroll_factor = 4 : i64, sc.parallel_access}
      "tpu.region"() ({
        %run_scoped3A = tpu.sem_alloc : memref<!tpu.dma_semaphore, #tpu.memory_space<semaphore_mem>>
        %dma_start3A = arith.constant 0 : i32
        %dma_start3A_103 = arith.constant 0 : i32
        %dma_start3A_104 = tpu.memref_slice %arg19[%dma_start3A, %dma_start3A_103] : memref<160x16xf32, #tpu.memory_space<vmem>> -> memref<80x16xf32, #tpu.memory_space<vmem>>
        %dma_start3A_105 = arith.constant 0 : i32
        %dma_start3A_106 = tpu.memref_slice %arg14[%add3A_69, %dma_start3A_105] : memref<10240x16xf32, #tpu.memory_space<hbm>> -> memref<80x16xf32, #tpu.memory_space<hbm>>
        %dma_start3A_107 = arith.constant 0 : i32
        %dma_start3A_108 = tpu.memref_slice %arg14[%add3A_69, %dma_start3A_107] : memref<10240x16xf32, #tpu.memory_space<hbm>> -> memref<80x16xf32, #tpu.memory_space<hbm>>
        %dma_start3A_109 = arith.constant 0 : i32
        %dma_start3A_110 = arith.constant 0 : i32
        %dma_start3A_111 = tpu.memref_slice %arg19[%dma_start3A_109, %dma_start3A_110] : memref<160x16xf32, #tpu.memory_space<vmem>> -> memref<80x16xf32, #tpu.memory_space<vmem>>
        tpu.enqueue_dma source(%dma_start3A_111 : memref<80x16xf32, #tpu.memory_space<vmem>>) target(%dma_start3A_108 : memref<80x16xf32, #tpu.memory_space<hbm>>) target_semaphore(%run_scoped3A : memref<!tpu.dma_semaphore, #tpu.memory_space<semaphore_mem>>)
        %dma_wait3A = arith.constant 0 : i32
        %dma_wait3A_112 = arith.constant 0 : i32
        %dma_wait3A_113 = tpu.memref_slice %arg19[%dma_wait3A, %dma_wait3A_112] : memref<160x16xf32, #tpu.memory_space<vmem>> -> memref<80x16xf32, #tpu.memory_space<vmem>>
        %dma_wait3A_114 = arith.constant 0 : i32
        %dma_wait3A_115 = tpu.memref_slice %arg14[%add3A_69, %dma_wait3A_114] : memref<10240x16xf32, #tpu.memory_space<hbm>> -> memref<80x16xf32, #tpu.memory_space<hbm>>
        %dma_wait3A_116 = arith.constant 0 : i32
        %dma_wait3A_117 = tpu.memref_slice %arg14[%add3A_69, %dma_wait3A_116] : memref<10240x16xf32, #tpu.memory_space<hbm>> -> memref<80x16xf32, #tpu.memory_space<hbm>>
        %dma_wait3A_118 = arith.constant 0 : i32
        %dma_wait3A_119 = arith.constant 0 : i32
        %dma_wait3A_120 = tpu.memref_slice %arg19[%dma_wait3A_118, %dma_wait3A_119] : memref<160x16xf32, #tpu.memory_space<vmem>> -> memref<80x16xf32, #tpu.memory_space<vmem>>
        tpu.wait_dma2 semaphore(%run_scoped3A : memref<!tpu.dma_semaphore, #tpu.memory_space<semaphore_mem>>) src(%dma_wait3A_120 : memref<80x16xf32, #tpu.memory_space<vmem>>) dst(%dma_wait3A_117 : memref<80x16xf32, #tpu.memory_space<hbm>>)
        tpu.yield
      }) : () -> ()
      %add3A_73 = arith.constant 160 : i32
      %add3A_74 = arith.addi %mul3A_63, %add3A_73 : i32
      "tpu.region"() ({
        %run_scoped3A = tpu.sem_alloc : memref<!tpu.dma_semaphore, #tpu.memory_space<semaphore_mem>>
        %dma_start3A = arith.constant 0 : i32
        %dma_start3A_103 = arith.constant 0 : i32
        %dma_start3A_104 = tpu.memref_slice %arg19[%dma_start3A, %dma_start3A_103] : memref<160x16xf32, #tpu.memory_space<vmem>> -> memref<80x16xf32, #tpu.memory_space<vmem>>
        %dma_start3A_105 = arith.constant 0 : i32
        %dma_start3A_106 = tpu.memref_slice %arg22[%add3A_74, %dma_start3A_105] : memref<10240x16xf32, #tpu.memory_space<vmem_shared>> -> memref<80x16xf32, #tpu.memory_space<vmem_shared>>
        %dma_start3A_107 = arith.constant 0 : i32
        %dma_start3A_108 = arith.constant 0 : i32
        %dma_start3A_109 = tpu.memref_slice %arg19[%dma_start3A_107, %dma_start3A_108] : memref<160x16xf32, #tpu.memory_space<vmem>> -> memref<80x16xf32, #tpu.memory_space<vmem>>
        %dma_start3A_110 = arith.constant 0 : i32
        %dma_start3A_111 = tpu.memref_slice %arg22[%add3A_74, %dma_start3A_110] : memref<10240x16xf32, #tpu.memory_space<vmem_shared>> -> memref<80x16xf32, #tpu.memory_space<vmem_shared>>
        tpu.enqueue_dma source(%dma_start3A_111 : memref<80x16xf32, #tpu.memory_space<vmem_shared>>) target(%dma_start3A_109 : memref<80x16xf32, #tpu.memory_space<vmem>>) target_semaphore(%run_scoped3A : memref<!tpu.dma_semaphore, #tpu.memory_space<semaphore_mem>>)
        %dma_wait3A = arith.constant 0 : i32
        %dma_wait3A_112 = arith.constant 0 : i32
        %dma_wait3A_113 = tpu.memref_slice %arg19[%dma_wait3A, %dma_wait3A_112] : memref<160x16xf32, #tpu.memory_space<vmem>> -> memref<80x16xf32, #tpu.memory_space<vmem>>
        %dma_wait3A_114 = arith.constant 0 : i32
        %dma_wait3A_115 = tpu.memref_slice %arg22[%add3A_74, %dma_wait3A_114] : memref<10240x16xf32, #tpu.memory_space<vmem_shared>> -> memref<80x16xf32, #tpu.memory_space<vmem_shared>>
        %dma_wait3A_116 = arith.constant 0 : i32
        %dma_wait3A_117 = arith.constant 0 : i32
        %dma_wait3A_118 = tpu.memref_slice %arg19[%dma_wait3A_116, %dma_wait3A_117] : memref<160x16xf32, #tpu.memory_space<vmem>> -> memref<80x16xf32, #tpu.memory_space<vmem>>
        %dma_wait3A_119 = arith.constant 0 : i32
        %dma_wait3A_120 = tpu.memref_slice %arg22[%add3A_74, %dma_wait3A_119] : memref<10240x16xf32, #tpu.memory_space<vmem_shared>> -> memref<80x16xf32, #tpu.memory_space<vmem_shared>>
        tpu.wait_dma2 semaphore(%run_scoped3A : memref<!tpu.dma_semaphore, #tpu.memory_space<semaphore_mem>>) src(%dma_wait3A_120 : memref<80x16xf32, #tpu.memory_space<vmem_shared>>) dst(%dma_wait3A_118 : memref<80x16xf32, #tpu.memory_space<vmem>>)
        tpu.yield
      }) : () -> ()
      %parallel_loop3A_75 = arith.constant 0 : i32
      %parallel_loop3A_76 = arith.constant 80 : i32
      %parallel_loop3A_77 = arith.constant 1 : i32
      scf.for %parallel_loop3A_103 = %parallel_loop3A_75 to %parallel_loop3A_76 step %parallel_loop3A_77  : i32 {
        %parallel_loop3A_104 = arith.index_cast %parallel_loop3A_103 : i32 to index
        %parallel_loop3A_105 = arith.constant 0 : index
        %parallel_loop3A_106 = tpu.vector_load %arg19[%parallel_loop3A_104, %parallel_loop3A_105] {strides = array<i32>} : memref<160x16xf32, #tpu.memory_space<vmem>>, vector<16xf32>,
        %parallel_loop3A_107 = arith.constant 1.000000e-16 : f32
        %parallel_loop3A_108 = vector.broadcast %parallel_loop3A_107 : f32 to vector<16xf32>
        %parallel_loop3A_109 = arith.addf %parallel_loop3A_106, %parallel_loop3A_108 : vector<16xf32>
        %parallel_loop3A_110 = arith.constant 1.000000e+00 : f32
        %parallel_loop3A_111 = vector.broadcast %parallel_loop3A_110 : f32 to vector<16xf32>
        %parallel_loop3A_112 = arith.divf %parallel_loop3A_111, %parallel_loop3A_109 : vector<16xf32>
        %parallel_loop3A_113 = arith.index_cast %parallel_loop3A_103 : i32 to index
        %parallel_loop3A_114 = arith.constant 0 : index
        %parallel_loop3A_115 = tpu.vector_load %arg19[%parallel_loop3A_113, %parallel_loop3A_114] {strides = array<i32>} : memref<160x16xf32, #tpu.memory_space<vmem>>, vector<16xf32>,
        tpu.vector_store %arg19[%parallel_loop3A_113, %parallel_loop3A_114], %parallel_loop3A_112 {strides = array<i32>} : memref<160x16xf32, #tpu.memory_space<vmem>>, vector<16xf32>,
      } {sc.loop_unroll_factor = 4 : i64, sc.parallel_access}
      "tpu.region"() ({
        %run_scoped3A = tpu.sem_alloc : memref<!tpu.dma_semaphore, #tpu.memory_space<semaphore_mem>>
        %dma_start3A = arith.constant 0 : i32
        %dma_start3A_103 = arith.constant 0 : i32
        %dma_start3A_104 = tpu.memref_slice %arg19[%dma_start3A, %dma_start3A_103] : memref<160x16xf32, #tpu.memory_space<vmem>> -> memref<80x16xf32, #tpu.memory_space<vmem>>
        %dma_start3A_105 = arith.constant 0 : i32
        %dma_start3A_106 = tpu.memref_slice %arg14[%add3A_74, %dma_start3A_105] : memref<10240x16xf32, #tpu.memory_space<hbm>> -> memref<80x16xf32, #tpu.memory_space<hbm>>
        %dma_start3A_107 = arith.constant 0 : i32
        %dma_start3A_108 = tpu.memref_slice %arg14[%add3A_74, %dma_start3A_107] : memref<10240x16xf32, #tpu.memory_space<hbm>> -> memref<80x16xf32, #tpu.memory_space<hbm>>
        %dma_start3A_109 = arith.constant 0 : i32
        %dma_start3A_110 = arith.constant 0 : i32
        %dma_start3A_111 = tpu.memref_slice %arg19[%dma_start3A_109, %dma_start3A_110] : memref<160x16xf32, #tpu.memory_space<vmem>> -> memref<80x16xf32, #tpu.memory_space<vmem>>
        tpu.enqueue_dma source(%dma_start3A_111 : memref<80x16xf32, #tpu.memory_space<vmem>>) target(%dma_start3A_108 : memref<80x16xf32, #tpu.memory_space<hbm>>) target_semaphore(%run_scoped3A : memref<!tpu.dma_semaphore, #tpu.memory_space<semaphore_mem>>)
        %dma_wait3A = arith.constant 0 : i32
        %dma_wait3A_112 = arith.constant 0 : i32
        %dma_wait3A_113 = tpu.memref_slice %arg19[%dma_wait3A, %dma_wait3A_112] : memref<160x16xf32, #tpu.memory_space<vmem>> -> memref<80x16xf32, #tpu.memory_space<vmem>>
        %dma_wait3A_114 = arith.constant 0 : i32
        %dma_wait3A_115 = tpu.memref_slice %arg14[%add3A_74, %dma_wait3A_114] : memref<10240x16xf32, #tpu.memory_space<hbm>> -> memref<80x16xf32, #tpu.memory_space<hbm>>
        %dma_wait3A_116 = arith.constant 0 : i32
        %dma_wait3A_117 = tpu.memref_slice %arg14[%add3A_74, %dma_wait3A_116] : memref<10240x16xf32, #tpu.memory_space<hbm>> -> memref<80x16xf32, #tpu.memory_space<hbm>>
        %dma_wait3A_118 = arith.constant 0 : i32
        %dma_wait3A_119 = arith.constant 0 : i32
        %dma_wait3A_120 = tpu.memref_slice %arg19[%dma_wait3A_118, %dma_wait3A_119] : memref<160x16xf32, #tpu.memory_space<vmem>> -> memref<80x16xf32, #tpu.memory_space<vmem>>
        tpu.wait_dma2 semaphore(%run_scoped3A : memref<!tpu.dma_semaphore, #tpu.memory_space<semaphore_mem>>) src(%dma_wait3A_120 : memref<80x16xf32, #tpu.memory_space<vmem>>) dst(%dma_wait3A_117 : memref<80x16xf32, #tpu.memory_space<hbm>>)
        tpu.yield
      }) : () -> ()
      %add3A_78 = arith.constant 240 : i32
      %add3A_79 = arith.addi %mul3A_63, %add3A_78 : i32
      "tpu.region"() ({
        %run_scoped3A = tpu.sem_alloc : memref<!tpu.dma_semaphore, #tpu.memory_space<semaphore_mem>>
        %dma_start3A = arith.constant 0 : i32
        %dma_start3A_103 = arith.constant 0 : i32
        %dma_start3A_104 = tpu.memref_slice %arg19[%dma_start3A, %dma_start3A_103] : memref<160x16xf32, #tpu.memory_space<vmem>> -> memref<80x16xf32, #tpu.memory_space<vmem>>
        %dma_start3A_105 = arith.constant 0 : i32
        %dma_start3A_106 = tpu.memref_slice %arg22[%add3A_79, %dma_start3A_105] : memref<10240x16xf32, #tpu.memory_space<vmem_shared>> -> memref<80x16xf32, #tpu.memory_space<vmem_shared>>
        %dma_start3A_107 = arith.constant 0 : i32
        %dma_start3A_108 = arith.constant 0 : i32
        %dma_start3A_109 = tpu.memref_slice %arg19[%dma_start3A_107, %dma_start3A_108] : memref<160x16xf32, #tpu.memory_space<vmem>> -> memref<80x16xf32, #tpu.memory_space<vmem>>
        %dma_start3A_110 = arith.constant 0 : i32
        %dma_start3A_111 = tpu.memref_slice %arg22[%add3A_79, %dma_start3A_110] : memref<10240x16xf32, #tpu.memory_space<vmem_shared>> -> memref<80x16xf32, #tpu.memory_space<vmem_shared>>
        tpu.enqueue_dma source(%dma_start3A_111 : memref<80x16xf32, #tpu.memory_space<vmem_shared>>) target(%dma_start3A_109 : memref<80x16xf32, #tpu.memory_space<vmem>>) target_semaphore(%run_scoped3A : memref<!tpu.dma_semaphore, #tpu.memory_space<semaphore_mem>>)
        %dma_wait3A = arith.constant 0 : i32
        %dma_wait3A_112 = arith.constant 0 : i32
        %dma_wait3A_113 = tpu.memref_slice %arg19[%dma_wait3A, %dma_wait3A_112] : memref<160x16xf32, #tpu.memory_space<vmem>> -> memref<80x16xf32, #tpu.memory_space<vmem>>
        %dma_wait3A_114 = arith.constant 0 : i32
        %dma_wait3A_115 = tpu.memref_slice %arg22[%add3A_79, %dma_wait3A_114] : memref<10240x16xf32, #tpu.memory_space<vmem_shared>> -> memref<80x16xf32, #tpu.memory_space<vmem_shared>>
        %dma_wait3A_116 = arith.constant 0 : i32
        %dma_wait3A_117 = arith.constant 0 : i32
        %dma_wait3A_118 = tpu.memref_slice %arg19[%dma_wait3A_116, %dma_wait3A_117] : memref<160x16xf32, #tpu.memory_space<vmem>> -> memref<80x16xf32, #tpu.memory_space<vmem>>
        %dma_wait3A_119 = arith.constant 0 : i32
        %dma_wait3A_120 = tpu.memref_slice %arg22[%add3A_79, %dma_wait3A_119] : memref<10240x16xf32, #tpu.memory_space<vmem_shared>> -> memref<80x16xf32, #tpu.memory_space<vmem_shared>>
        tpu.wait_dma2 semaphore(%run_scoped3A : memref<!tpu.dma_semaphore, #tpu.memory_space<semaphore_mem>>) src(%dma_wait3A_120 : memref<80x16xf32, #tpu.memory_space<vmem_shared>>) dst(%dma_wait3A_118 : memref<80x16xf32, #tpu.memory_space<vmem>>)
        tpu.yield
      }) : () -> ()
      %parallel_loop3A_80 = arith.constant 0 : i32
      %parallel_loop3A_81 = arith.constant 80 : i32
      %parallel_loop3A_82 = arith.constant 1 : i32
      scf.for %parallel_loop3A_103 = %parallel_loop3A_80 to %parallel_loop3A_81 step %parallel_loop3A_82  : i32 {
        %parallel_loop3A_104 = arith.index_cast %parallel_loop3A_103 : i32 to index
        %parallel_loop3A_105 = arith.constant 0 : index
        %parallel_loop3A_106 = tpu.vector_load %arg19[%parallel_loop3A_104, %parallel_loop3A_105] {strides = array<i32>} : memref<160x16xf32, #tpu.memory_space<vmem>>, vector<16xf32>,
        %parallel_loop3A_107 = arith.constant 1.000000e-16 : f32
        %parallel_loop3A_108 = vector.broadcast %parallel_loop3A_107 : f32 to vector<16xf32>
        %parallel_loop3A_109 = arith.addf %parallel_loop3A_106, %parallel_loop3A_108 : vector<16xf32>
        %parallel_loop3A_110 = arith.constant 1.000000e+00 : f32
        %parallel_loop3A_111 = vector.broadcast %parallel_loop3A_110 : f32 to vector<16xf32>
        %parallel_loop3A_112 = arith.divf %parallel_loop3A_111, %parallel_loop3A_109 : vector<16xf32>
        %parallel_loop3A_113 = arith.index_cast %parallel_loop3A_103 : i32 to index
        %parallel_loop3A_114 = arith.constant 0 : index
        %parallel_loop3A_115 = tpu.vector_load %arg19[%parallel_loop3A_113, %parallel_loop3A_114] {strides = array<i32>} : memref<160x16xf32, #tpu.memory_space<vmem>>, vector<16xf32>,
        tpu.vector_store %arg19[%parallel_loop3A_113, %parallel_loop3A_114], %parallel_loop3A_112 {strides = array<i32>} : memref<160x16xf32, #tpu.memory_space<vmem>>, vector<16xf32>,
      } {sc.loop_unroll_factor = 4 : i64, sc.parallel_access}
      "tpu.region"() ({
        %run_scoped3A = tpu.sem_alloc : memref<!tpu.dma_semaphore, #tpu.memory_space<semaphore_mem>>
        %dma_start3A = arith.constant 0 : i32
        %dma_start3A_103 = arith.constant 0 : i32
        %dma_start3A_104 = tpu.memref_slice %arg19[%dma_start3A, %dma_start3A_103] : memref<160x16xf32, #tpu.memory_space<vmem>> -> memref<80x16xf32, #tpu.memory_space<vmem>>
        %dma_start3A_105 = arith.constant 0 : i32
        %dma_start3A_106 = tpu.memref_slice %arg14[%add3A_79, %dma_start3A_105] : memref<10240x16xf32, #tpu.memory_space<hbm>> -> memref<80x16xf32, #tpu.memory_space<hbm>>
        %dma_start3A_107 = arith.constant 0 : i32
        %dma_start3A_108 = tpu.memref_slice %arg14[%add3A_79, %dma_start3A_107] : memref<10240x16xf32, #tpu.memory_space<hbm>> -> memref<80x16xf32, #tpu.memory_space<hbm>>
        %dma_start3A_109 = arith.constant 0 : i32
        %dma_start3A_110 = arith.constant 0 : i32
        %dma_start3A_111 = tpu.memref_slice %arg19[%dma_start3A_109, %dma_start3A_110] : memref<160x16xf32, #tpu.memory_space<vmem>> -> memref<80x16xf32, #tpu.memory_space<vmem>>
        tpu.enqueue_dma source(%dma_start3A_111 : memref<80x16xf32, #tpu.memory_space<vmem>>) target(%dma_start3A_108 : memref<80x16xf32, #tpu.memory_space<hbm>>) target_semaphore(%run_scoped3A : memref<!tpu.dma_semaphore, #tpu.memory_space<semaphore_mem>>)
        %dma_wait3A = arith.constant 0 : i32
        %dma_wait3A_112 = arith.constant 0 : i32
        %dma_wait3A_113 = tpu.memref_slice %arg19[%dma_wait3A, %dma_wait3A_112] : memref<160x16xf32, #tpu.memory_space<vmem>> -> memref<80x16xf32, #tpu.memory_space<vmem>>
        %dma_wait3A_114 = arith.constant 0 : i32
        %dma_wait3A_115 = tpu.memref_slice %arg14[%add3A_79, %dma_wait3A_114] : memref<10240x16xf32, #tpu.memory_space<hbm>> -> memref<80x16xf32, #tpu.memory_space<hbm>>
        %dma_wait3A_116 = arith.constant 0 : i32
        %dma_wait3A_117 = tpu.memref_slice %arg14[%add3A_79, %dma_wait3A_116] : memref<10240x16xf32, #tpu.memory_space<hbm>> -> memref<80x16xf32, #tpu.memory_space<hbm>>
        %dma_wait3A_118 = arith.constant 0 : i32
        %dma_wait3A_119 = arith.constant 0 : i32
        %dma_wait3A_120 = tpu.memref_slice %arg19[%dma_wait3A_118, %dma_wait3A_119] : memref<160x16xf32, #tpu.memory_space<vmem>> -> memref<80x16xf32, #tpu.memory_space<vmem>>
        tpu.wait_dma2 semaphore(%run_scoped3A : memref<!tpu.dma_semaphore, #tpu.memory_space<semaphore_mem>>) src(%dma_wait3A_120 : memref<80x16xf32, #tpu.memory_space<vmem>>) dst(%dma_wait3A_117 : memref<80x16xf32, #tpu.memory_space<hbm>>)
        tpu.yield
      }) : () -> ()
      %add3A_83 = arith.constant 320 : i32
      %add3A_84 = arith.addi %mul3A_63, %add3A_83 : i32
      "tpu.region"() ({
        %run_scoped3A = tpu.sem_alloc : memref<!tpu.dma_semaphore, #tpu.memory_space<semaphore_mem>>
        %dma_start3A = arith.constant 0 : i32
        %dma_start3A_103 = arith.constant 0 : i32
        %dma_start3A_104 = tpu.memref_slice %arg19[%dma_start3A, %dma_start3A_103] : memref<160x16xf32, #tpu.memory_space<vmem>> -> memref<80x16xf32, #tpu.memory_space<vmem>>
        %dma_start3A_105 = arith.constant 0 : i32
        %dma_start3A_106 = tpu.memref_slice %arg22[%add3A_84, %dma_start3A_105] : memref<10240x16xf32, #tpu.memory_space<vmem_shared>> -> memref<80x16xf32, #tpu.memory_space<vmem_shared>>
        %dma_start3A_107 = arith.constant 0 : i32
        %dma_start3A_108 = arith.constant 0 : i32
        %dma_start3A_109 = tpu.memref_slice %arg19[%dma_start3A_107, %dma_start3A_108] : memref<160x16xf32, #tpu.memory_space<vmem>> -> memref<80x16xf32, #tpu.memory_space<vmem>>
        %dma_start3A_110 = arith.constant 0 : i32
        %dma_start3A_111 = tpu.memref_slice %arg22[%add3A_84, %dma_start3A_110] : memref<10240x16xf32, #tpu.memory_space<vmem_shared>> -> memref<80x16xf32, #tpu.memory_space<vmem_shared>>
        tpu.enqueue_dma source(%dma_start3A_111 : memref<80x16xf32, #tpu.memory_space<vmem_shared>>) target(%dma_start3A_109 : memref<80x16xf32, #tpu.memory_space<vmem>>) target_semaphore(%run_scoped3A : memref<!tpu.dma_semaphore, #tpu.memory_space<semaphore_mem>>)
        %dma_wait3A = arith.constant 0 : i32
        %dma_wait3A_112 = arith.constant 0 : i32
        %dma_wait3A_113 = tpu.memref_slice %arg19[%dma_wait3A, %dma_wait3A_112] : memref<160x16xf32, #tpu.memory_space<vmem>> -> memref<80x16xf32, #tpu.memory_space<vmem>>
        %dma_wait3A_114 = arith.constant 0 : i32
        %dma_wait3A_115 = tpu.memref_slice %arg22[%add3A_84, %dma_wait3A_114] : memref<10240x16xf32, #tpu.memory_space<vmem_shared>> -> memref<80x16xf32, #tpu.memory_space<vmem_shared>>
        %dma_wait3A_116 = arith.constant 0 : i32
        %dma_wait3A_117 = arith.constant 0 : i32
        %dma_wait3A_118 = tpu.memref_slice %arg19[%dma_wait3A_116, %dma_wait3A_117] : memref<160x16xf32, #tpu.memory_space<vmem>> -> memref<80x16xf32, #tpu.memory_space<vmem>>
        %dma_wait3A_119 = arith.constant 0 : i32
        %dma_wait3A_120 = tpu.memref_slice %arg22[%add3A_84, %dma_wait3A_119] : memref<10240x16xf32, #tpu.memory_space<vmem_shared>> -> memref<80x16xf32, #tpu.memory_space<vmem_shared>>
        tpu.wait_dma2 semaphore(%run_scoped3A : memref<!tpu.dma_semaphore, #tpu.memory_space<semaphore_mem>>) src(%dma_wait3A_120 : memref<80x16xf32, #tpu.memory_space<vmem_shared>>) dst(%dma_wait3A_118 : memref<80x16xf32, #tpu.memory_space<vmem>>)
        tpu.yield
      }) : () -> ()
      %parallel_loop3A_85 = arith.constant 0 : i32
      %parallel_loop3A_86 = arith.constant 80 : i32
      %parallel_loop3A_87 = arith.constant 1 : i32
      scf.for %parallel_loop3A_103 = %parallel_loop3A_85 to %parallel_loop3A_86 step %parallel_loop3A_87  : i32 {
        %parallel_loop3A_104 = arith.index_cast %parallel_loop3A_103 : i32 to index
        %parallel_loop3A_105 = arith.constant 0 : index
        %parallel_loop3A_106 = tpu.vector_load %arg19[%parallel_loop3A_104, %parallel_loop3A_105] {strides = array<i32>} : memref<160x16xf32, #tpu.memory_space<vmem>>, vector<16xf32>,
        %parallel_loop3A_107 = arith.constant 1.000000e-16 : f32
        %parallel_loop3A_108 = vector.broadcast %parallel_loop3A_107 : f32 to vector<16xf32>
        %parallel_loop3A_109 = arith.addf %parallel_loop3A_106, %parallel_loop3A_108 : vector<16xf32>
        %parallel_loop3A_110 = arith.constant 1.000000e+00 : f32
        %parallel_loop3A_111 = vector.broadcast %parallel_loop3A_110 : f32 to vector<16xf32>
        %parallel_loop3A_112 = arith.divf %parallel_loop3A_111, %parallel_loop3A_109 : vector<16xf32>
        %parallel_loop3A_113 = arith.index_cast %parallel_loop3A_103 : i32 to index
        %parallel_loop3A_114 = arith.constant 0 : index
        %parallel_loop3A_115 = tpu.vector_load %arg19[%parallel_loop3A_113, %parallel_loop3A_114] {strides = array<i32>} : memref<160x16xf32, #tpu.memory_space<vmem>>, vector<16xf32>,
        tpu.vector_store %arg19[%parallel_loop3A_113, %parallel_loop3A_114], %parallel_loop3A_112 {strides = array<i32>} : memref<160x16xf32, #tpu.memory_space<vmem>>, vector<16xf32>,
      } {sc.loop_unroll_factor = 4 : i64, sc.parallel_access}
      "tpu.region"() ({
        %run_scoped3A = tpu.sem_alloc : memref<!tpu.dma_semaphore, #tpu.memory_space<semaphore_mem>>
        %dma_start3A = arith.constant 0 : i32
        %dma_start3A_103 = arith.constant 0 : i32
        %dma_start3A_104 = tpu.memref_slice %arg19[%dma_start3A, %dma_start3A_103] : memref<160x16xf32, #tpu.memory_space<vmem>> -> memref<80x16xf32, #tpu.memory_space<vmem>>
        %dma_start3A_105 = arith.constant 0 : i32
        %dma_start3A_106 = tpu.memref_slice %arg14[%add3A_84, %dma_start3A_105] : memref<10240x16xf32, #tpu.memory_space<hbm>> -> memref<80x16xf32, #tpu.memory_space<hbm>>
        %dma_start3A_107 = arith.constant 0 : i32
        %dma_start3A_108 = tpu.memref_slice %arg14[%add3A_84, %dma_start3A_107] : memref<10240x16xf32, #tpu.memory_space<hbm>> -> memref<80x16xf32, #tpu.memory_space<hbm>>
        %dma_start3A_109 = arith.constant 0 : i32
        %dma_start3A_110 = arith.constant 0 : i32
        %dma_start3A_111 = tpu.memref_slice %arg19[%dma_start3A_109, %dma_start3A_110] : memref<160x16xf32, #tpu.memory_space<vmem>> -> memref<80x16xf32, #tpu.memory_space<vmem>>
        tpu.enqueue_dma source(%dma_start3A_111 : memref<80x16xf32, #tpu.memory_space<vmem>>) target(%dma_start3A_108 : memref<80x16xf32, #tpu.memory_space<hbm>>) target_semaphore(%run_scoped3A : memref<!tpu.dma_semaphore, #tpu.memory_space<semaphore_mem>>)
        %dma_wait3A = arith.constant 0 : i32
        %dma_wait3A_112 = arith.constant 0 : i32
        %dma_wait3A_113 = tpu.memref_slice %arg19[%dma_wait3A, %dma_wait3A_112] : memref<160x16xf32, #tpu.memory_space<vmem>> -> memref<80x16xf32, #tpu.memory_space<vmem>>
        %dma_wait3A_114 = arith.constant 0 : i32
        %dma_wait3A_115 = tpu.memref_slice %arg14[%add3A_84, %dma_wait3A_114] : memref<10240x16xf32, #tpu.memory_space<hbm>> -> memref<80x16xf32, #tpu.memory_space<hbm>>
        %dma_wait3A_116 = arith.constant 0 : i32
        %dma_wait3A_117 = tpu.memref_slice %arg14[%add3A_84, %dma_wait3A_116] : memref<10240x16xf32, #tpu.memory_space<hbm>> -> memref<80x16xf32, #tpu.memory_space<hbm>>
        %dma_wait3A_118 = arith.constant 0 : i32
        %dma_wait3A_119 = arith.constant 0 : i32
        %dma_wait3A_120 = tpu.memref_slice %arg19[%dma_wait3A_118, %dma_wait3A_119] : memref<160x16xf32, #tpu.memory_space<vmem>> -> memref<80x16xf32, #tpu.memory_space<vmem>>
        tpu.wait_dma2 semaphore(%run_scoped3A : memref<!tpu.dma_semaphore, #tpu.memory_space<semaphore_mem>>) src(%dma_wait3A_120 : memref<80x16xf32, #tpu.memory_space<vmem>>) dst(%dma_wait3A_117 : memref<80x16xf32, #tpu.memory_space<hbm>>)
        tpu.yield
      }) : () -> ()
      %add3A_88 = arith.constant 400 : i32
      %add3A_89 = arith.addi %mul3A_63, %add3A_88 : i32
      "tpu.region"() ({
        %run_scoped3A = tpu.sem_alloc : memref<!tpu.dma_semaphore, #tpu.memory_space<semaphore_mem>>
        %dma_start3A = arith.constant 0 : i32
        %dma_start3A_103 = arith.constant 0 : i32
        %dma_start3A_104 = tpu.memref_slice %arg19[%dma_start3A, %dma_start3A_103] : memref<160x16xf32, #tpu.memory_space<vmem>> -> memref<80x16xf32, #tpu.memory_space<vmem>>
        %dma_start3A_105 = arith.constant 0 : i32
        %dma_start3A_106 = tpu.memref_slice %arg22[%add3A_89, %dma_start3A_105] : memref<10240x16xf32, #tpu.memory_space<vmem_shared>> -> memref<80x16xf32, #tpu.memory_space<vmem_shared>>
        %dma_start3A_107 = arith.constant 0 : i32
        %dma_start3A_108 = arith.constant 0 : i32
        %dma_start3A_109 = tpu.memref_slice %arg19[%dma_start3A_107, %dma_start3A_108] : memref<160x16xf32, #tpu.memory_space<vmem>> -> memref<80x16xf32, #tpu.memory_space<vmem>>
        %dma_start3A_110 = arith.constant 0 : i32
        %dma_start3A_111 = tpu.memref_slice %arg22[%add3A_89, %dma_start3A_110] : memref<10240x16xf32, #tpu.memory_space<vmem_shared>> -> memref<80x16xf32, #tpu.memory_space<vmem_shared>>
        tpu.enqueue_dma source(%dma_start3A_111 : memref<80x16xf32, #tpu.memory_space<vmem_shared>>) target(%dma_start3A_109 : memref<80x16xf32, #tpu.memory_space<vmem>>) target_semaphore(%run_scoped3A : memref<!tpu.dma_semaphore, #tpu.memory_space<semaphore_mem>>)
        %dma_wait3A = arith.constant 0 : i32
        %dma_wait3A_112 = arith.constant 0 : i32
        %dma_wait3A_113 = tpu.memref_slice %arg19[%dma_wait3A, %dma_wait3A_112] : memref<160x16xf32, #tpu.memory_space<vmem>> -> memref<80x16xf32, #tpu.memory_space<vmem>>
        %dma_wait3A_114 = arith.constant 0 : i32
        %dma_wait3A_115 = tpu.memref_slice %arg22[%add3A_89, %dma_wait3A_114] : memref<10240x16xf32, #tpu.memory_space<vmem_shared>> -> memref<80x16xf32, #tpu.memory_space<vmem_shared>>
        %dma_wait3A_116 = arith.constant 0 : i32
        %dma_wait3A_117 = arith.constant 0 : i32
        %dma_wait3A_118 = tpu.memref_slice %arg19[%dma_wait3A_116, %dma_wait3A_117] : memref<160x16xf32, #tpu.memory_space<vmem>> -> memref<80x16xf32, #tpu.memory_space<vmem>>
        %dma_wait3A_119 = arith.constant 0 : i32
        %dma_wait3A_120 = tpu.memref_slice %arg22[%add3A_89, %dma_wait3A_119] : memref<10240x16xf32, #tpu.memory_space<vmem_shared>> -> memref<80x16xf32, #tpu.memory_space<vmem_shared>>
        tpu.wait_dma2 semaphore(%run_scoped3A : memref<!tpu.dma_semaphore, #tpu.memory_space<semaphore_mem>>) src(%dma_wait3A_120 : memref<80x16xf32, #tpu.memory_space<vmem_shared>>) dst(%dma_wait3A_118 : memref<80x16xf32, #tpu.memory_space<vmem>>)
        tpu.yield
      }) : () -> ()
      %parallel_loop3A_90 = arith.constant 0 : i32
      %parallel_loop3A_91 = arith.constant 80 : i32
      %parallel_loop3A_92 = arith.constant 1 : i32
      scf.for %parallel_loop3A_103 = %parallel_loop3A_90 to %parallel_loop3A_91 step %parallel_loop3A_92  : i32 {
        %parallel_loop3A_104 = arith.index_cast %parallel_loop3A_103 : i32 to index
        %parallel_loop3A_105 = arith.constant 0 : index
        %parallel_loop3A_106 = tpu.vector_load %arg19[%parallel_loop3A_104, %parallel_loop3A_105] {strides = array<i32>} : memref<160x16xf32, #tpu.memory_space<vmem>>, vector<16xf32>,
        %parallel_loop3A_107 = arith.constant 1.000000e-16 : f32
        %parallel_loop3A_108 = vector.broadcast %parallel_loop3A_107 : f32 to vector<16xf32>
        %parallel_loop3A_109 = arith.addf %parallel_loop3A_106, %parallel_loop3A_108 : vector<16xf32>
        %parallel_loop3A_110 = arith.constant 1.000000e+00 : f32
        %parallel_loop3A_111 = vector.broadcast %parallel_loop3A_110 : f32 to vector<16xf32>
        %parallel_loop3A_112 = arith.divf %parallel_loop3A_111, %parallel_loop3A_109 : vector<16xf32>
        %parallel_loop3A_113 = arith.index_cast %parallel_loop3A_103 : i32 to index
        %parallel_loop3A_114 = arith.constant 0 : index
        %parallel_loop3A_115 = tpu.vector_load %arg19[%parallel_loop3A_113, %parallel_loop3A_114] {strides = array<i32>} : memref<160x16xf32, #tpu.memory_space<vmem>>, vector<16xf32>,
        tpu.vector_store %arg19[%parallel_loop3A_113, %parallel_loop3A_114], %parallel_loop3A_112 {strides = array<i32>} : memref<160x16xf32, #tpu.memory_space<vmem>>, vector<16xf32>,
      } {sc.loop_unroll_factor = 4 : i64, sc.parallel_access}
      "tpu.region"() ({
        %run_scoped3A = tpu.sem_alloc : memref<!tpu.dma_semaphore, #tpu.memory_space<semaphore_mem>>
        %dma_start3A = arith.constant 0 : i32
        %dma_start3A_103 = arith.constant 0 : i32
        %dma_start3A_104 = tpu.memref_slice %arg19[%dma_start3A, %dma_start3A_103] : memref<160x16xf32, #tpu.memory_space<vmem>> -> memref<80x16xf32, #tpu.memory_space<vmem>>
        %dma_start3A_105 = arith.constant 0 : i32
        %dma_start3A_106 = tpu.memref_slice %arg14[%add3A_89, %dma_start3A_105] : memref<10240x16xf32, #tpu.memory_space<hbm>> -> memref<80x16xf32, #tpu.memory_space<hbm>>
        %dma_start3A_107 = arith.constant 0 : i32
        %dma_start3A_108 = tpu.memref_slice %arg14[%add3A_89, %dma_start3A_107] : memref<10240x16xf32, #tpu.memory_space<hbm>> -> memref<80x16xf32, #tpu.memory_space<hbm>>
        %dma_start3A_109 = arith.constant 0 : i32
        %dma_start3A_110 = arith.constant 0 : i32
        %dma_start3A_111 = tpu.memref_slice %arg19[%dma_start3A_109, %dma_start3A_110] : memref<160x16xf32, #tpu.memory_space<vmem>> -> memref<80x16xf32, #tpu.memory_space<vmem>>
        tpu.enqueue_dma source(%dma_start3A_111 : memref<80x16xf32, #tpu.memory_space<vmem>>) target(%dma_start3A_108 : memref<80x16xf32, #tpu.memory_space<hbm>>) target_semaphore(%run_scoped3A : memref<!tpu.dma_semaphore, #tpu.memory_space<semaphore_mem>>)
        %dma_wait3A = arith.constant 0 : i32
        %dma_wait3A_112 = arith.constant 0 : i32
        %dma_wait3A_113 = tpu.memref_slice %arg19[%dma_wait3A, %dma_wait3A_112] : memref<160x16xf32, #tpu.memory_space<vmem>> -> memref<80x16xf32, #tpu.memory_space<vmem>>
        %dma_wait3A_114 = arith.constant 0 : i32
        %dma_wait3A_115 = tpu.memref_slice %arg14[%add3A_89, %dma_wait3A_114] : memref<10240x16xf32, #tpu.memory_space<hbm>> -> memref<80x16xf32, #tpu.memory_space<hbm>>
        %dma_wait3A_116 = arith.constant 0 : i32
        %dma_wait3A_117 = tpu.memref_slice %arg14[%add3A_89, %dma_wait3A_116] : memref<10240x16xf32, #tpu.memory_space<hbm>> -> memref<80x16xf32, #tpu.memory_space<hbm>>
        %dma_wait3A_118 = arith.constant 0 : i32
        %dma_wait3A_119 = arith.constant 0 : i32
        %dma_wait3A_120 = tpu.memref_slice %arg19[%dma_wait3A_118, %dma_wait3A_119] : memref<160x16xf32, #tpu.memory_space<vmem>> -> memref<80x16xf32, #tpu.memory_space<vmem>>
        tpu.wait_dma2 semaphore(%run_scoped3A : memref<!tpu.dma_semaphore, #tpu.memory_space<semaphore_mem>>) src(%dma_wait3A_120 : memref<80x16xf32, #tpu.memory_space<vmem>>) dst(%dma_wait3A_117 : memref<80x16xf32, #tpu.memory_space<hbm>>)
        tpu.yield
      }) : () -> ()
      %add3A_93 = arith.constant 480 : i32
      %add3A_94 = arith.addi %mul3A_63, %add3A_93 : i32
      "tpu.region"() ({
        %run_scoped3A = tpu.sem_alloc : memref<!tpu.dma_semaphore, #tpu.memory_space<semaphore_mem>>
        %dma_start3A = arith.constant 0 : i32
        %dma_start3A_103 = arith.constant 0 : i32
        %dma_start3A_104 = tpu.memref_slice %arg19[%dma_start3A, %dma_start3A_103] : memref<160x16xf32, #tpu.memory_space<vmem>> -> memref<80x16xf32, #tpu.memory_space<vmem>>
        %dma_start3A_105 = arith.constant 0 : i32
        %dma_start3A_106 = tpu.memref_slice %arg22[%add3A_94, %dma_start3A_105] : memref<10240x16xf32, #tpu.memory_space<vmem_shared>> -> memref<80x16xf32, #tpu.memory_space<vmem_shared>>
        %dma_start3A_107 = arith.constant 0 : i32
        %dma_start3A_108 = arith.constant 0 : i32
        %dma_start3A_109 = tpu.memref_slice %arg19[%dma_start3A_107, %dma_start3A_108] : memref<160x16xf32, #tpu.memory_space<vmem>> -> memref<80x16xf32, #tpu.memory_space<vmem>>
        %dma_start3A_110 = arith.constant 0 : i32
        %dma_start3A_111 = tpu.memref_slice %arg22[%add3A_94, %dma_start3A_110] : memref<10240x16xf32, #tpu.memory_space<vmem_shared>> -> memref<80x16xf32, #tpu.memory_space<vmem_shared>>
        tpu.enqueue_dma source(%dma_start3A_111 : memref<80x16xf32, #tpu.memory_space<vmem_shared>>) target(%dma_start3A_109 : memref<80x16xf32, #tpu.memory_space<vmem>>) target_semaphore(%run_scoped3A : memref<!tpu.dma_semaphore, #tpu.memory_space<semaphore_mem>>)
        %dma_wait3A = arith.constant 0 : i32
        %dma_wait3A_112 = arith.constant 0 : i32
        %dma_wait3A_113 = tpu.memref_slice %arg19[%dma_wait3A, %dma_wait3A_112] : memref<160x16xf32, #tpu.memory_space<vmem>> -> memref<80x16xf32, #tpu.memory_space<vmem>>
        %dma_wait3A_114 = arith.constant 0 : i32
        %dma_wait3A_115 = tpu.memref_slice %arg22[%add3A_94, %dma_wait3A_114] : memref<10240x16xf32, #tpu.memory_space<vmem_shared>> -> memref<80x16xf32, #tpu.memory_space<vmem_shared>>
        %dma_wait3A_116 = arith.constant 0 : i32
        %dma_wait3A_117 = arith.constant 0 : i32
        %dma_wait3A_118 = tpu.memref_slice %arg19[%dma_wait3A_116, %dma_wait3A_117] : memref<160x16xf32, #tpu.memory_space<vmem>> -> memref<80x16xf32, #tpu.memory_space<vmem>>
        %dma_wait3A_119 = arith.constant 0 : i32
        %dma_wait3A_120 = tpu.memref_slice %arg22[%add3A_94, %dma_wait3A_119] : memref<10240x16xf32, #tpu.memory_space<vmem_shared>> -> memref<80x16xf32, #tpu.memory_space<vmem_shared>>
        tpu.wait_dma2 semaphore(%run_scoped3A : memref<!tpu.dma_semaphore, #tpu.memory_space<semaphore_mem>>) src(%dma_wait3A_120 : memref<80x16xf32, #tpu.memory_space<vmem_shared>>) dst(%dma_wait3A_118 : memref<80x16xf32, #tpu.memory_space<vmem>>)
        tpu.yield
      }) : () -> ()
      %parallel_loop3A_95 = arith.constant 0 : i32
      %parallel_loop3A_96 = arith.constant 80 : i32
      %parallel_loop3A_97 = arith.constant 1 : i32
      scf.for %parallel_loop3A_103 = %parallel_loop3A_95 to %parallel_loop3A_96 step %parallel_loop3A_97  : i32 {
        %parallel_loop3A_104 = arith.index_cast %parallel_loop3A_103 : i32 to index
        %parallel_loop3A_105 = arith.constant 0 : index
        %parallel_loop3A_106 = tpu.vector_load %arg19[%parallel_loop3A_104, %parallel_loop3A_105] {strides = array<i32>} : memref<160x16xf32, #tpu.memory_space<vmem>>, vector<16xf32>,
        %parallel_loop3A_107 = arith.constant 1.000000e-16 : f32
        %parallel_loop3A_108 = vector.broadcast %parallel_loop3A_107 : f32 to vector<16xf32>
        %parallel_loop3A_109 = arith.addf %parallel_loop3A_106, %parallel_loop3A_108 : vector<16xf32>
        %parallel_loop3A_110 = arith.constant 1.000000e+00 : f32
        %parallel_loop3A_111 = vector.broadcast %parallel_loop3A_110 : f32 to vector<16xf32>
        %parallel_loop3A_112 = arith.divf %parallel_loop3A_111, %parallel_loop3A_109 : vector<16xf32>
        %parallel_loop3A_113 = arith.index_cast %parallel_loop3A_103 : i32 to index
        %parallel_loop3A_114 = arith.constant 0 : index
        %parallel_loop3A_115 = tpu.vector_load %arg19[%parallel_loop3A_113, %parallel_loop3A_114] {strides = array<i32>} : memref<160x16xf32, #tpu.memory_space<vmem>>, vector<16xf32>,
        tpu.vector_store %arg19[%parallel_loop3A_113, %parallel_loop3A_114], %parallel_loop3A_112 {strides = array<i32>} : memref<160x16xf32, #tpu.memory_space<vmem>>, vector<16xf32>,
      } {sc.loop_unroll_factor = 4 : i64, sc.parallel_access}
      "tpu.region"() ({
        %run_scoped3A = tpu.sem_alloc : memref<!tpu.dma_semaphore, #tpu.memory_space<semaphore_mem>>
        %dma_start3A = arith.constant 0 : i32
        %dma_start3A_103 = arith.constant 0 : i32
        %dma_start3A_104 = tpu.memref_slice %arg19[%dma_start3A, %dma_start3A_103] : memref<160x16xf32, #tpu.memory_space<vmem>> -> memref<80x16xf32, #tpu.memory_space<vmem>>
        %dma_start3A_105 = arith.constant 0 : i32
        %dma_start3A_106 = tpu.memref_slice %arg14[%add3A_94, %dma_start3A_105] : memref<10240x16xf32, #tpu.memory_space<hbm>> -> memref<80x16xf32, #tpu.memory_space<hbm>>
        %dma_start3A_107 = arith.constant 0 : i32
        %dma_start3A_108 = tpu.memref_slice %arg14[%add3A_94, %dma_start3A_107] : memref<10240x16xf32, #tpu.memory_space<hbm>> -> memref<80x16xf32, #tpu.memory_space<hbm>>
        %dma_start3A_109 = arith.constant 0 : i32
        %dma_start3A_110 = arith.constant 0 : i32
        %dma_start3A_111 = tpu.memref_slice %arg19[%dma_start3A_109, %dma_start3A_110] : memref<160x16xf32, #tpu.memory_space<vmem>> -> memref<80x16xf32, #tpu.memory_space<vmem>>
        tpu.enqueue_dma source(%dma_start3A_111 : memref<80x16xf32, #tpu.memory_space<vmem>>) target(%dma_start3A_108 : memref<80x16xf32, #tpu.memory_space<hbm>>) target_semaphore(%run_scoped3A : memref<!tpu.dma_semaphore, #tpu.memory_space<semaphore_mem>>)
        %dma_wait3A = arith.constant 0 : i32
        %dma_wait3A_112 = arith.constant 0 : i32
        %dma_wait3A_113 = tpu.memref_slice %arg19[%dma_wait3A, %dma_wait3A_112] : memref<160x16xf32, #tpu.memory_space<vmem>> -> memref<80x16xf32, #tpu.memory_space<vmem>>
        %dma_wait3A_114 = arith.constant 0 : i32
        %dma_wait3A_115 = tpu.memref_slice %arg14[%add3A_94, %dma_wait3A_114] : memref<10240x16xf32, #tpu.memory_space<hbm>> -> memref<80x16xf32, #tpu.memory_space<hbm>>
        %dma_wait3A_116 = arith.constant 0 : i32
        %dma_wait3A_117 = tpu.memref_slice %arg14[%add3A_94, %dma_wait3A_116] : memref<10240x16xf32, #tpu.memory_space<hbm>> -> memref<80x16xf32, #tpu.memory_space<hbm>>
        %dma_wait3A_118 = arith.constant 0 : i32
        %dma_wait3A_119 = arith.constant 0 : i32
        %dma_wait3A_120 = tpu.memref_slice %arg19[%dma_wait3A_118, %dma_wait3A_119] : memref<160x16xf32, #tpu.memory_space<vmem>> -> memref<80x16xf32, #tpu.memory_space<vmem>>
        tpu.wait_dma2 semaphore(%run_scoped3A : memref<!tpu.dma_semaphore, #tpu.memory_space<semaphore_mem>>) src(%dma_wait3A_120 : memref<80x16xf32, #tpu.memory_space<vmem>>) dst(%dma_wait3A_117 : memref<80x16xf32, #tpu.memory_space<hbm>>)
        tpu.yield
      }) : () -> ()
      %add3A_98 = arith.constant 560 : i32
      %add3A_99 = arith.addi %mul3A_63, %add3A_98 : i32
      "tpu.region"() ({
        %run_scoped3A = tpu.sem_alloc : memref<!tpu.dma_semaphore, #tpu.memory_space<semaphore_mem>>
        %dma_start3A = arith.constant 0 : i32
        %dma_start3A_103 = arith.constant 0 : i32
        %dma_start3A_104 = tpu.memref_slice %arg19[%dma_start3A, %dma_start3A_103] : memref<160x16xf32, #tpu.memory_space<vmem>> -> memref<80x16xf32, #tpu.memory_space<vmem>>
        %dma_start3A_105 = arith.constant 0 : i32
        %dma_start3A_106 = tpu.memref_slice %arg22[%add3A_99, %dma_start3A_105] : memref<10240x16xf32, #tpu.memory_space<vmem_shared>> -> memref<80x16xf32, #tpu.memory_space<vmem_shared>>
        %dma_start3A_107 = arith.constant 0 : i32
        %dma_start3A_108 = arith.constant 0 : i32
        %dma_start3A_109 = tpu.memref_slice %arg19[%dma_start3A_107, %dma_start3A_108] : memref<160x16xf32, #tpu.memory_space<vmem>> -> memref<80x16xf32, #tpu.memory_space<vmem>>
        %dma_start3A_110 = arith.constant 0 : i32
        %dma_start3A_111 = tpu.memref_slice %arg22[%add3A_99, %dma_start3A_110] : memref<10240x16xf32, #tpu.memory_space<vmem_shared>> -> memref<80x16xf32, #tpu.memory_space<vmem_shared>>
        tpu.enqueue_dma source(%dma_start3A_111 : memref<80x16xf32, #tpu.memory_space<vmem_shared>>) target(%dma_start3A_109 : memref<80x16xf32, #tpu.memory_space<vmem>>) target_semaphore(%run_scoped3A : memref<!tpu.dma_semaphore, #tpu.memory_space<semaphore_mem>>)
        %dma_wait3A = arith.constant 0 : i32
        %dma_wait3A_112 = arith.constant 0 : i32
        %dma_wait3A_113 = tpu.memref_slice %arg19[%dma_wait3A, %dma_wait3A_112] : memref<160x16xf32, #tpu.memory_space<vmem>> -> memref<80x16xf32, #tpu.memory_space<vmem>>
        %dma_wait3A_114 = arith.constant 0 : i32
        %dma_wait3A_115 = tpu.memref_slice %arg22[%add3A_99, %dma_wait3A_114] : memref<10240x16xf32, #tpu.memory_space<vmem_shared>> -> memref<80x16xf32, #tpu.memory_space<vmem_shared>>
        %dma_wait3A_116 = arith.constant 0 : i32
        %dma_wait3A_117 = arith.constant 0 : i32
        %dma_wait3A_118 = tpu.memref_slice %arg19[%dma_wait3A_116, %dma_wait3A_117] : memref<160x16xf32, #tpu.memory_space<vmem>> -> memref<80x16xf32, #tpu.memory_space<vmem>>
        %dma_wait3A_119 = arith.constant 0 : i32
        %dma_wait3A_120 = tpu.memref_slice %arg22[%add3A_99, %dma_wait3A_119] : memref<10240x16xf32, #tpu.memory_space<vmem_shared>> -> memref<80x16xf32, #tpu.memory_space<vmem_shared>>
        tpu.wait_dma2 semaphore(%run_scoped3A : memref<!tpu.dma_semaphore, #tpu.memory_space<semaphore_mem>>) src(%dma_wait3A_120 : memref<80x16xf32, #tpu.memory_space<vmem_shared>>) dst(%dma_wait3A_118 : memref<80x16xf32, #tpu.memory_space<vmem>>)
        tpu.yield
      }) : () -> ()
      %parallel_loop3A_100 = arith.constant 0 : i32
      %parallel_loop3A_101 = arith.constant 80 : i32
      %parallel_loop3A_102 = arith.constant 1 : i32
      scf.for %parallel_loop3A_103 = %parallel_loop3A_100 to %parallel_loop3A_101 step %parallel_loop3A_102  : i32 {
        %parallel_loop3A_104 = arith.index_cast %parallel_loop3A_103 : i32 to index
        %parallel_loop3A_105 = arith.constant 0 : index
        %parallel_loop3A_106 = tpu.vector_load %arg19[%parallel_loop3A_104, %parallel_loop3A_105] {strides = array<i32>} : memref<160x16xf32, #tpu.memory_space<vmem>>, vector<16xf32>,
        %parallel_loop3A_107 = arith.constant 1.000000e-16 : f32
        %parallel_loop3A_108 = vector.broadcast %parallel_loop3A_107 : f32 to vector<16xf32>
        %parallel_loop3A_109 = arith.addf %parallel_loop3A_106, %parallel_loop3A_108 : vector<16xf32>
        %parallel_loop3A_110 = arith.constant 1.000000e+00 : f32
        %parallel_loop3A_111 = vector.broadcast %parallel_loop3A_110 : f32 to vector<16xf32>
        %parallel_loop3A_112 = arith.divf %parallel_loop3A_111, %parallel_loop3A_109 : vector<16xf32>
        %parallel_loop3A_113 = arith.index_cast %parallel_loop3A_103 : i32 to index
        %parallel_loop3A_114 = arith.constant 0 : index
        %parallel_loop3A_115 = tpu.vector_load %arg19[%parallel_loop3A_113, %parallel_loop3A_114] {strides = array<i32>} : memref<160x16xf32, #tpu.memory_space<vmem>>, vector<16xf32>,
        tpu.vector_store %arg19[%parallel_loop3A_113, %parallel_loop3A_114], %parallel_loop3A_112 {strides = array<i32>} : memref<160x16xf32, #tpu.memory_space<vmem>>, vector<16xf32>,
      } {sc.loop_unroll_factor = 4 : i64, sc.parallel_access}
      "tpu.region"() ({
        %run_scoped3A = tpu.sem_alloc : memref<!tpu.dma_semaphore, #tpu.memory_space<semaphore_mem>>
        %dma_start3A = arith.constant 0 : i32
        %dma_start3A_103 = arith.constant 0 : i32
        %dma_start3A_104 = tpu.memref_slice %arg19[%dma_start3A, %dma_start3A_103] : memref<160x16xf32, #tpu.memory_space<vmem>> -> memref<80x16xf32, #tpu.memory_space<vmem>>
        %dma_start3A_105 = arith.constant 0 : i32
        %dma_start3A_106 = tpu.memref_slice %arg14[%add3A_99, %dma_start3A_105] : memref<10240x16xf32, #tpu.memory_space<hbm>> -> memref<80x16xf32, #tpu.memory_space<hbm>>
        %dma_start3A_107 = arith.constant 0 : i32
        %dma_start3A_108 = tpu.memref_slice %arg14[%add3A_99, %dma_start3A_107] : memref<10240x16xf32, #tpu.memory_space<hbm>> -> memref<80x16xf32, #tpu.memory_space<hbm>>
        %dma_start3A_109 = arith.constant 0 : i32
        %dma_start3A_110 = arith.constant 0 : i32
        %dma_start3A_111 = tpu.memref_slice %arg19[%dma_start3A_109, %dma_start3A_110] : memref<160x16xf32, #tpu.memory_space<vmem>> -> memref<80x16xf32, #tpu.memory_space<vmem>>
        tpu.enqueue_dma source(%dma_start3A_111 : memref<80x16xf32, #tpu.memory_space<vmem>>) target(%dma_start3A_108 : memref<80x16xf32, #tpu.memory_space<hbm>>) target_semaphore(%run_scoped3A : memref<!tpu.dma_semaphore, #tpu.memory_space<semaphore_mem>>)
        %dma_wait3A = arith.constant 0 : i32
        %dma_wait3A_112 = arith.constant 0 : i32
        %dma_wait3A_113 = tpu.memref_slice %arg19[%dma_wait3A, %dma_wait3A_112] : memref<160x16xf32, #tpu.memory_space<vmem>> -> memref<80x16xf32, #tpu.memory_space<vmem>>
        %dma_wait3A_114 = arith.constant 0 : i32
        %dma_wait3A_115 = tpu.memref_slice %arg14[%add3A_99, %dma_wait3A_114] : memref<10240x16xf32, #tpu.memory_space<hbm>> -> memref<80x16xf32, #tpu.memory_space<hbm>>
        %dma_wait3A_116 = arith.constant 0 : i32
        %dma_wait3A_117 = tpu.memref_slice %arg14[%add3A_99, %dma_wait3A_116] : memref<10240x16xf32, #tpu.memory_space<hbm>> -> memref<80x16xf32, #tpu.memory_space<hbm>>
        %dma_wait3A_118 = arith.constant 0 : i32
        %dma_wait3A_119 = arith.constant 0 : i32
        %dma_wait3A_120 = tpu.memref_slice %arg19[%dma_wait3A_118, %dma_wait3A_119] : memref<160x16xf32, #tpu.memory_space<vmem>> -> memref<80x16xf32, #tpu.memory_space<vmem>>
        tpu.wait_dma2 semaphore(%run_scoped3A : memref<!tpu.dma_semaphore, #tpu.memory_space<semaphore_mem>>) src(%dma_wait3A_120 : memref<80x16xf32, #tpu.memory_space<vmem>>) dst(%dma_wait3A_117 : memref<80x16xf32, #tpu.memory_space<hbm>>)
        tpu.yield
      }) : () -> ()
    } else {
    }
    return
  }
}

module attributes {stable_mosaic.version = 14 : i64} {
  func.func @_k1_body(%arg0: i32, %arg1: memref<400x128xf32, #tpu.memory_space<vmem>>, %arg2: memref<128x320xf32, #tpu.memory_space<vmem>>, %arg3: memref<400x128xf32, #tpu.memory_space<vmem>>, %arg4: memref<400x128xf32, #tpu.memory_space<vmem>>, %arg5: memref<400x16xf32, #tpu.memory_space<vmem>>, %arg6: memref<400x16xf32, #tpu.memory_space<vmem>>, %arg7: memref<400x16xf32, #tpu.memory_space<vmem>>, %arg8: memref<400x16xf32, #tpu.memory_space<vmem>>, %arg9: memref<8x16xf32, #tpu.memory_space<vmem>>) attributes {dimension_semantics = [#tpu.dimension_semantics<arbitrary>], iteration_bounds = array<i64: 25>, scalar_prefetch = 0 : i64, scratch_operands = 0 : i64, tpu.core_type = #tpu.core_type<tc>, window_params = [{transform_indices = @transform_0, window_bounds = array<i64: 400, 128>}, {pipeline_mode = #tpu.pipeline_mode<synchronous>, transform_indices = @transform_1, window_bounds = array<i64: 128, 320>}, {transform_indices = @transform_2, window_bounds = array<i64: 400, 128>}, {transform_indices = @transform_3, window_bounds = array<i64: 400, 128>}, {transform_indices = @transform_4, window_bounds = array<i64: 400, 16>}, {transform_indices = @transform_5, window_bounds = array<i64: 400, 16>}, {transform_indices = @transform_6, window_bounds = array<i64: 400, 16>}, {transform_indices = @transform_7, window_bounds = array<i64: 400, 16>}, {pipeline_mode = #tpu.pipeline_mode<synchronous>, transform_indices = @transform_8, window_bounds = array<i64: 8, 16>}]} {
    %get3A = arith.constant 0 : index
    %get3A_0 = arith.constant 0 : index
    %get3A_1 = vector.load %arg1[%get3A, %get3A_0] : memref<400x128xf32, #tpu.memory_space<vmem>>, vector<400x128xf32>
    %get3A_2 = arith.constant 0 : index
    %get3A_3 = arith.constant 0 : index
    %get3A_4 = vector.load %arg2[%get3A_2, %get3A_3] : memref<128x320xf32, #tpu.memory_space<vmem>>, vector<128x320xf32>
    %dot_general3A = arith.constant dense<0.000000e+00> : vector<400x320xf32>
    %dot_general3A_5 = tpu.matmul %get3A_1, %get3A_4, %dot_general3A {dimension_numbers = #tpu.dot_dimension_numbers<[1], [0], [0], [1], [0, 0, 1, 1], [], []>, transpose_lhs_hint = false} : vector<400x128xf32>, vector<128x320xf32>, vector<400x320xf32> -> vector<400x320xf32>
    %slice3A = vector.extract_strided_slice %dot_general3A_5 {offsets = [0, 0], sizes = [400, 128], strides = [1, 1]} : vector<400x320xf32> to vector<400x128xf32>
    %swap3A = arith.constant 0 : index
    %swap3A_6 = arith.constant 0 : index
    %swap3A_7 = vector.load %arg3[%swap3A, %swap3A_6] : memref<400x128xf32, #tpu.memory_space<vmem>>, vector<400x128xf32>
    tpu.vector_store %arg3[%swap3A, %swap3A_6], %slice3A {strides = array<i32>} : memref<400x128xf32, #tpu.memory_space<vmem>>, vector<400x128xf32>,
    %slice3A_8 = vector.extract_strided_slice %dot_general3A_5 {offsets = [0, 128], sizes = [400, 128], strides = [1, 1]} : vector<400x320xf32> to vector<400x128xf32>
    %swap3A_9 = arith.constant 0 : index
    %swap3A_10 = arith.constant 0 : index
    %swap3A_11 = vector.load %arg4[%swap3A_9, %swap3A_10] : memref<400x128xf32, #tpu.memory_space<vmem>>, vector<400x128xf32>
    tpu.vector_store %arg4[%swap3A_9, %swap3A_10], %slice3A_8 {strides = array<i32>} : memref<400x128xf32, #tpu.memory_space<vmem>>, vector<400x128xf32>,
    %slice3A_12 = vector.extract_strided_slice %dot_general3A_5 {offsets = [0, 256], sizes = [400, 16], strides = [1, 1]} : vector<400x320xf32> to vector<400x16xf32>
    %swap3A_13 = arith.constant 0 : index
    %swap3A_14 = arith.constant 0 : index
    %swap3A_15 = vector.load %arg5[%swap3A_13, %swap3A_14] : memref<400x16xf32, #tpu.memory_space<vmem>>, vector<400x16xf32>
    tpu.vector_store %arg5[%swap3A_13, %swap3A_14], %slice3A_12 {strides = array<i32>} : memref<400x16xf32, #tpu.memory_space<vmem>>, vector<400x16xf32>,
    %slice3A_16 = vector.extract_strided_slice %dot_general3A_5 {offsets = [0, 272], sizes = [400, 16], strides = [1, 1]} : vector<400x320xf32> to vector<400x16xf32>
    %swap3A_17 = arith.constant 0 : index
    %swap3A_18 = arith.constant 0 : index
    %swap3A_19 = vector.load %arg6[%swap3A_17, %swap3A_18] : memref<400x16xf32, #tpu.memory_space<vmem>>, vector<400x16xf32>
    tpu.vector_store %arg6[%swap3A_17, %swap3A_18], %slice3A_16 {strides = array<i32>} : memref<400x16xf32, #tpu.memory_space<vmem>>, vector<400x16xf32>,
    %slice3A_20 = vector.extract_strided_slice %dot_general3A_5 {offsets = [0, 288], sizes = [400, 16], strides = [1, 1]} : vector<400x320xf32> to vector<400x16xf32>
    %swap3A_21 = arith.constant 0 : index
    %swap3A_22 = arith.constant 0 : index
    %swap3A_23 = vector.load %arg7[%swap3A_21, %swap3A_22] : memref<400x16xf32, #tpu.memory_space<vmem>>, vector<400x16xf32>
    tpu.vector_store %arg7[%swap3A_21, %swap3A_22], %slice3A_20 {strides = array<i32>} : memref<400x16xf32, #tpu.memory_space<vmem>>, vector<400x16xf32>,
    %slice3A_24 = vector.extract_strided_slice %dot_general3A_5 {offsets = [0, 304], sizes = [400, 16], strides = [1, 1]} : vector<400x320xf32> to vector<400x16xf32>
    %swap3A_25 = arith.constant 0 : index
    %swap3A_26 = arith.constant 0 : index
    %swap3A_27 = vector.load %arg8[%swap3A_25, %swap3A_26] : memref<400x16xf32, #tpu.memory_space<vmem>>, vector<400x16xf32>
    tpu.vector_store %arg8[%swap3A_25, %swap3A_26], %slice3A_24 {strides = array<i32>} : memref<400x16xf32, #tpu.memory_space<vmem>>, vector<400x16xf32>,
    %slice3A_28 = vector.extract_strided_slice %dot_general3A_5 {offsets = [0, 256], sizes = [400, 16], strides = [1, 1]} : vector<400x320xf32> to vector<400x16xf32>
    %reduce_max3A = arith.constant dense<0xFF800000> : vector<16xf32>
    %reduce_max3A_29 = vector.multi_reduction <maximumf>, %slice3A_28, %reduce_max3A [0] : vector<400x16xf32> to vector<16xf32>
    %broadcast_in_dim3A = vector.shape_cast %reduce_max3A_29 : vector<16xf32> to vector<1x16xf32>
    %slice3A_30 = vector.extract_strided_slice %dot_general3A_5 {offsets = [0, 272], sizes = [400, 16], strides = [1, 1]} : vector<400x320xf32> to vector<400x16xf32>
    %reduce_max3A_31 = arith.constant dense<0xFF800000> : vector<16xf32>
    %reduce_max3A_32 = vector.multi_reduction <maximumf>, %slice3A_30, %reduce_max3A_31 [0] : vector<400x16xf32> to vector<16xf32>
    %broadcast_in_dim3A_33 = vector.shape_cast %reduce_max3A_32 : vector<16xf32> to vector<1x16xf32>
    %slice3A_34 = vector.extract_strided_slice %dot_general3A_5 {offsets = [0, 288], sizes = [400, 16], strides = [1, 1]} : vector<400x320xf32> to vector<400x16xf32>
    %reduce_max3A_35 = arith.constant dense<0xFF800000> : vector<16xf32>
    %reduce_max3A_36 = vector.multi_reduction <maximumf>, %slice3A_34, %reduce_max3A_35 [0] : vector<400x16xf32> to vector<16xf32>
    %broadcast_in_dim3A_37 = vector.shape_cast %reduce_max3A_36 : vector<16xf32> to vector<1x16xf32>
    %slice3A_38 = vector.extract_strided_slice %dot_general3A_5 {offsets = [0, 304], sizes = [400, 16], strides = [1, 1]} : vector<400x320xf32> to vector<400x16xf32>
    %reduce_max3A_39 = arith.constant dense<0xFF800000> : vector<16xf32>
    %reduce_max3A_40 = vector.multi_reduction <maximumf>, %slice3A_38, %reduce_max3A_39 [0] : vector<400x16xf32> to vector<16xf32>
    %broadcast_in_dim3A_41 = vector.shape_cast %reduce_max3A_40 : vector<16xf32> to vector<1x16xf32>
    %broadcast_in_dim3A_42 = arith.constant -3.000000e+38 : f32
    %broadcast_in_dim3A_43 = vector.broadcast %broadcast_in_dim3A_42 : f32 to vector<4x16xf32>
    %concatenate3A = tpu.concatenate %broadcast_in_dim3A, %broadcast_in_dim3A_33, %broadcast_in_dim3A_37, %broadcast_in_dim3A_41, %broadcast_in_dim3A_43 in 0 : vector<1x16xf32>, vector<1x16xf32>, vector<1x16xf32>, vector<1x16xf32>, vector<4x16xf32> -> vector<8x16xf32>
    %eq3A = arith.constant 0 : i32
    %eq3A_44 = arith.cmpi eq, %arg0, %eq3A : i32
    %convert_element_type3A = arith.extui %eq3A_44 : i1 to i32
    %cond3A = arith.constant 0 : i32
    %cond3A_45 = arith.cmpi ne, %convert_element_type3A, %cond3A : i32
    scf.if %cond3A_45 {
      %broadcast_in_dim3A_52 = arith.constant -3.000000e+38 : f32
      %broadcast_in_dim3A_53 = vector.broadcast %broadcast_in_dim3A_52 : f32 to vector<8x16xf32>
      %swap3A_54 = arith.constant 0 : index
      %swap3A_55 = arith.constant 0 : index
      %swap3A_56 = vector.load %arg9[%swap3A_54, %swap3A_55] : memref<8x16xf32, #tpu.memory_space<vmem>>, vector<8x16xf32>
      tpu.vector_store %arg9[%swap3A_54, %swap3A_55], %broadcast_in_dim3A_53 {strides = array<i32>} : memref<8x16xf32, #tpu.memory_space<vmem>>, vector<8x16xf32>,
    } else {
    }
    %get3A_46 = arith.constant 0 : index
    %get3A_47 = arith.constant 0 : index
    %get3A_48 = vector.load %arg9[%get3A_46, %get3A_47] : memref<8x16xf32, #tpu.memory_space<vmem>>, vector<8x16xf32>
    %max3A = arith.maximumf %get3A_48, %concatenate3A : vector<8x16xf32>
    %swap3A_49 = arith.constant 0 : index
    %swap3A_50 = arith.constant 0 : index
    %swap3A_51 = vector.load %arg9[%swap3A_49, %swap3A_50] : memref<8x16xf32, #tpu.memory_space<vmem>>, vector<8x16xf32>
    tpu.vector_store %arg9[%swap3A_49, %swap3A_50], %max3A {strides = array<i32>} : memref<8x16xf32, #tpu.memory_space<vmem>>, vector<8x16xf32>,
    return
  }
  func.func @transform_0(%arg0: i32) -> (i32, i32) {
    %c0_i32 = arith.constant 0 : i32
    %c0_i32_0 = arith.constant 0 : i32
    return %arg0, %c0_i32 : i32, i32
  }
  func.func @transform_1(%arg0: i32) -> (i32, i32) {
    %c0_i32 = arith.constant 0 : i32
    %c0_i32_0 = arith.constant 0 : i32
    %c0_i32_1 = arith.constant 0 : i32
    return %c0_i32, %c0_i32_0 : i32, i32
  }
  func.func @transform_2(%arg0: i32) -> (i32, i32) {
    %c0_i32 = arith.constant 0 : i32
    %c0_i32_0 = arith.constant 0 : i32
    return %arg0, %c0_i32 : i32, i32
  }
  func.func @transform_3(%arg0: i32) -> (i32, i32) {
    %c0_i32 = arith.constant 0 : i32
    %c0_i32_0 = arith.constant 0 : i32
    return %arg0, %c0_i32 : i32, i32
  }
  func.func @transform_4(%arg0: i32) -> (i32, i32) {
    %c0_i32 = arith.constant 0 : i32
    %c0_i32_0 = arith.constant 0 : i32
    return %arg0, %c0_i32 : i32, i32
  }
  func.func @transform_5(%arg0: i32) -> (i32, i32) {
    %c0_i32 = arith.constant 0 : i32
    %c0_i32_0 = arith.constant 0 : i32
    return %arg0, %c0_i32 : i32, i32
  }
  func.func @transform_6(%arg0: i32) -> (i32, i32) {
    %c0_i32 = arith.constant 0 : i32
    %c0_i32_0 = arith.constant 0 : i32
    return %arg0, %c0_i32 : i32, i32
  }
  func.func @transform_7(%arg0: i32) -> (i32, i32) {
    %c0_i32 = arith.constant 0 : i32
    %c0_i32_0 = arith.constant 0 : i32
    return %arg0, %c0_i32 : i32, i32
  }
  func.func @transform_8(%arg0: i32) -> (i32, i32) {
    %c0_i32 = arith.constant 0 : i32
    %c0_i32_0 = arith.constant 0 : i32
    %c0_i32_1 = arith.constant 0 : i32
    return %c0_i32, %c0_i32_0 : i32, i32
  }
}

module attributes {stable_mosaic.version = 14 : i64} {
  func.func @_k5_body(%arg0: i32, %arg1: memref<400x128xf32, #tpu.memory_space<vmem>>, %arg2: memref<400x128xf32, #tpu.memory_space<vmem>>, %arg3: memref<400x16xf32, #tpu.memory_space<vmem>>, %arg4: memref<400x16xf32, #tpu.memory_space<vmem>>, %arg5: memref<1x256xf32, #tpu.memory_space<vmem>>, %arg6: memref<256x64xf32, #tpu.memory_space<vmem>>, %arg7: memref<256x2xf32, #tpu.memory_space<vmem>>, %arg8: memref<400x64xf32, #tpu.memory_space<vmem>>, %arg9: memref<400x16xf32, #tpu.memory_space<vmem>>, %arg10: memref<400x16xf32, #tpu.memory_space<vmem>>, %arg11: memref<8x16xf32, #tpu.memory_space<vmem>>) attributes {dimension_semantics = [#tpu.dimension_semantics<arbitrary>], iteration_bounds = array<i64: 25>, scalar_prefetch = 0 : i64, scratch_operands = 0 : i64, tpu.core_type = #tpu.core_type<tc>, window_params = [{transform_indices = @transform_0, window_bounds = array<i64: 400, 128>}, {transform_indices = @transform_1, window_bounds = array<i64: 400, 128>}, {transform_indices = @transform_2, window_bounds = array<i64: 400, 16>}, {transform_indices = @transform_3, window_bounds = array<i64: 400, 16>}, {pipeline_mode = #tpu.pipeline_mode<synchronous>, transform_indices = @transform_4, window_bounds = array<i64: 1, 256>}, {pipeline_mode = #tpu.pipeline_mode<synchronous>, transform_indices = @transform_5, window_bounds = array<i64: 256, 64>}, {pipeline_mode = #tpu.pipeline_mode<synchronous>, transform_indices = @transform_6, window_bounds = array<i64: 256, 2>}, {transform_indices = @transform_7, window_bounds = array<i64: 400, 64>}, {transform_indices = @transform_8, window_bounds = array<i64: 400, 16>}, {transform_indices = @transform_9, window_bounds = array<i64: 400, 16>}, {pipeline_mode = #tpu.pipeline_mode<synchronous>, transform_indices = @transform_10, window_bounds = array<i64: 8, 16>}]} {
    %get3A = arith.constant 0 : index
    %get3A_0 = arith.constant 0 : index
    %get3A_1 = vector.load %arg3[%get3A, %get3A_0] : memref<400x16xf32, #tpu.memory_space<vmem>>, vector<400x16xf32>
    %concatenate3A = tpu.concatenate %get3A_1, %get3A_1, %get3A_1, %get3A_1, %get3A_1, %get3A_1, %get3A_1, %get3A_1 in 1 : vector<400x16xf32>, vector<400x16xf32>, vector<400x16xf32>, vector<400x16xf32>, vector<400x16xf32>, vector<400x16xf32>, vector<400x16xf32>, vector<400x16xf32> -> vector<400x128xf32>
    %get3A_2 = arith.constant 0 : index
    %get3A_3 = arith.constant 0 : index
    %get3A_4 = vector.load %arg4[%get3A_2, %get3A_3] : memref<400x16xf32, #tpu.memory_space<vmem>>, vector<400x16xf32>
    %concatenate3A_5 = tpu.concatenate %get3A_4, %get3A_4, %get3A_4, %get3A_4, %get3A_4, %get3A_4, %get3A_4, %get3A_4 in 1 : vector<400x16xf32>, vector<400x16xf32>, vector<400x16xf32>, vector<400x16xf32>, vector<400x16xf32>, vector<400x16xf32>, vector<400x16xf32>, vector<400x16xf32> -> vector<400x128xf32>
    %get3A_6 = arith.constant 0 : index
    %get3A_7 = arith.constant 0 : index
    %get3A_8 = vector.load %arg1[%get3A_6, %get3A_7] : memref<400x128xf32, #tpu.memory_space<vmem>>, vector<400x128xf32>
    %mul3A = arith.mulf %get3A_8, %concatenate3A : vector<400x128xf32>
    %get3A_9 = arith.constant 0 : index
    %get3A_10 = arith.constant 0 : index
    %get3A_11 = vector.load %arg2[%get3A_9, %get3A_10] : memref<400x128xf32, #tpu.memory_space<vmem>>, vector<400x128xf32>
    %mul3A_12 = arith.mulf %get3A_11, %concatenate3A_5 : vector<400x128xf32>
    %concatenate3A_13 = tpu.concatenate %mul3A, %mul3A_12 in 1 : vector<400x128xf32>, vector<400x128xf32> -> vector<400x256xf32>
    %get3A_14 = arith.constant 0 : index
    %get3A_15 = arith.constant 0 : index
    %get3A_16 = vector.load %arg5[%get3A_14, %get3A_15] : memref<1x256xf32, #tpu.memory_space<vmem>>, vector<1x256xf32>
    %add3A = vector.broadcast %get3A_16 : vector<1x256xf32> to vector<400x256xf32>
    %add3A_17 = arith.addf %concatenate3A_13, %add3A : vector<400x256xf32>
    %gt3A = arith.constant 0.000000e+00 : f32
    %gt3A_18 = vector.broadcast %gt3A : f32 to vector<400x256xf32>
    %gt3A_19 = arith.cmpf ogt, %add3A_17, %gt3A_18 : vector<400x256xf32>
    %min3A = arith.constant 0.000000e+00 : f32
    %min3A_20 = vector.broadcast %min3A : f32 to vector<400x256xf32>
    %min3A_21 = arith.minimumf %add3A_17, %min3A_20 : vector<400x256xf32>
    %exp3A = math.exp %min3A_21 : vector<400x256xf32>
    %sub3A = arith.constant 1.000000e+00 : f32
    %sub3A_22 = vector.broadcast %sub3A : f32 to vector<400x256xf32>
    %sub3A_23 = arith.subf %exp3A, %sub3A_22 : vector<400x256xf32>
    %select_n3A = arith.select %gt3A_19, %add3A_17, %sub3A_23 : vector<400x256xi1>, vector<400x256xf32>
    %get3A_24 = arith.constant 0 : index
    %get3A_25 = arith.constant 0 : index
    %get3A_26 = vector.load %arg6[%get3A_24, %get3A_25] : memref<256x64xf32, #tpu.memory_space<vmem>>, vector<256x64xf32>
    %dot_general3A = arith.constant dense<0.000000e+00> : vector<400x64xf32>
    %dot_general3A_27 = tpu.matmul %select_n3A, %get3A_26, %dot_general3A {dimension_numbers = #tpu.dot_dimension_numbers<[1], [0], [0], [1], [0, 0, 1, 1], [], []>, transpose_lhs_hint = false} : vector<400x256xf32>, vector<256x64xf32>, vector<400x64xf32> -> vector<400x64xf32>
    %swap3A = arith.constant 0 : index
    %swap3A_28 = arith.constant 0 : index
    %swap3A_29 = vector.load %arg8[%swap3A, %swap3A_28] : memref<400x64xf32, #tpu.memory_space<vmem>>, vector<400x64xf32>
    tpu.vector_store %arg8[%swap3A, %swap3A_28], %dot_general3A_27 {strides = array<i32>} : memref<400x64xf32, #tpu.memory_space<vmem>>, vector<400x64xf32>,
    %get3A_30 = arith.constant 0 : index
    %get3A_31 = arith.constant 0 : index
    %get3A_32 = vector.load %arg7[%get3A_30, %get3A_31] : memref<256x2xf32, #tpu.memory_space<vmem>>, vector<256x2xf32>
    %dot_general3A_33 = arith.constant dense<0.000000e+00> : vector<400x2xf32>
    %dot_general3A_34 = tpu.matmul %select_n3A, %get3A_32, %dot_general3A_33 {dimension_numbers = #tpu.dot_dimension_numbers<[1], [0], [0], [1], [0, 0, 1, 1], [], []>, transpose_lhs_hint = false} : vector<400x256xf32>, vector<256x2xf32>, vector<400x2xf32> -> vector<400x2xf32>
    %slice3A = vector.extract_strided_slice %dot_general3A_34 {offsets = [0, 0], sizes = [400, 1], strides = [1, 1]} : vector<400x2xf32> to vector<400x1xf32>
    %broadcast_in_dim3A = vector.shape_cast %slice3A : vector<400x1xf32> to vector<400x1xf32>
    %broadcast_in_dim3A_35 = vector.broadcast %broadcast_in_dim3A : vector<400x1xf32> to vector<400x16xf32>
    %slice3A_36 = vector.extract_strided_slice %dot_general3A_34 {offsets = [0, 1], sizes = [400, 1], strides = [1, 1]} : vector<400x2xf32> to vector<400x1xf32>
    %broadcast_in_dim3A_37 = vector.shape_cast %slice3A_36 : vector<400x1xf32> to vector<400x1xf32>
    %broadcast_in_dim3A_38 = vector.broadcast %broadcast_in_dim3A_37 : vector<400x1xf32> to vector<400x16xf32>
    %swap3A_39 = arith.constant 0 : index
    %swap3A_40 = arith.constant 0 : index
    %swap3A_41 = vector.load %arg9[%swap3A_39, %swap3A_40] : memref<400x16xf32, #tpu.memory_space<vmem>>, vector<400x16xf32>
    tpu.vector_store %arg9[%swap3A_39, %swap3A_40], %broadcast_in_dim3A_35 {strides = array<i32>} : memref<400x16xf32, #tpu.memory_space<vmem>>, vector<400x16xf32>,
    %swap3A_42 = arith.constant 0 : index
    %swap3A_43 = arith.constant 0 : index
    %swap3A_44 = vector.load %arg10[%swap3A_42, %swap3A_43] : memref<400x16xf32, #tpu.memory_space<vmem>>, vector<400x16xf32>
    tpu.vector_store %arg10[%swap3A_42, %swap3A_43], %broadcast_in_dim3A_38 {strides = array<i32>} : memref<400x16xf32, #tpu.memory_space<vmem>>, vector<400x16xf32>,
    %reduce_max3A = arith.constant dense<0xFF800000> : vector<16xf32>
    %reduce_max3A_45 = vector.multi_reduction <maximumf>, %broadcast_in_dim3A_35, %reduce_max3A [0] : vector<400x16xf32> to vector<16xf32>
    %broadcast_in_dim3A_46 = vector.shape_cast %reduce_max3A_45 : vector<16xf32> to vector<1x16xf32>
    %reduce_max3A_47 = arith.constant dense<0xFF800000> : vector<16xf32>
    %reduce_max3A_48 = vector.multi_reduction <maximumf>, %broadcast_in_dim3A_38, %reduce_max3A_47 [0] : vector<400x16xf32> to vector<16xf32>
    %broadcast_in_dim3A_49 = vector.shape_cast %reduce_max3A_48 : vector<16xf32> to vector<1x16xf32>
    %broadcast_in_dim3A_50 = arith.constant -3.000000e+38 : f32
    %broadcast_in_dim3A_51 = vector.broadcast %broadcast_in_dim3A_50 : f32 to vector<6x16xf32>
    %concatenate3A_52 = tpu.concatenate %broadcast_in_dim3A_46, %broadcast_in_dim3A_49, %broadcast_in_dim3A_51 in 0 : vector<1x16xf32>, vector<1x16xf32>, vector<6x16xf32> -> vector<8x16xf32>
    %eq3A = arith.constant 0 : i32
    %eq3A_53 = arith.cmpi eq, %arg0, %eq3A : i32
    %convert_element_type3A = arith.extui %eq3A_53 : i1 to i32
    %cond3A = arith.constant 0 : i32
    %cond3A_54 = arith.cmpi ne, %convert_element_type3A, %cond3A : i32
    scf.if %cond3A_54 {
      %broadcast_in_dim3A_61 = arith.constant -3.000000e+38 : f32
      %broadcast_in_dim3A_62 = vector.broadcast %broadcast_in_dim3A_61 : f32 to vector<8x16xf32>
      %swap3A_63 = arith.constant 0 : index
      %swap3A_64 = arith.constant 0 : index
      %swap3A_65 = vector.load %arg11[%swap3A_63, %swap3A_64] : memref<8x16xf32, #tpu.memory_space<vmem>>, vector<8x16xf32>
      tpu.vector_store %arg11[%swap3A_63, %swap3A_64], %broadcast_in_dim3A_62 {strides = array<i32>} : memref<8x16xf32, #tpu.memory_space<vmem>>, vector<8x16xf32>,
    } else {
    }
    %get3A_55 = arith.constant 0 : index
    %get3A_56 = arith.constant 0 : index
    %get3A_57 = vector.load %arg11[%get3A_55, %get3A_56] : memref<8x16xf32, #tpu.memory_space<vmem>>, vector<8x16xf32>
    %max3A = arith.maximumf %get3A_57, %concatenate3A_52 : vector<8x16xf32>
    %swap3A_58 = arith.constant 0 : index
    %swap3A_59 = arith.constant 0 : index
    %swap3A_60 = vector.load %arg11[%swap3A_58, %swap3A_59] : memref<8x16xf32, #tpu.memory_space<vmem>>, vector<8x16xf32>
    tpu.vector_store %arg11[%swap3A_58, %swap3A_59], %max3A {strides = array<i32>} : memref<8x16xf32, #tpu.memory_space<vmem>>, vector<8x16xf32>,
    return
  }
  func.func @transform_0(%arg0: i32) -> (i32, i32) {
    %c0_i32 = arith.constant 0 : i32
    %c0_i32_0 = arith.constant 0 : i32
    return %arg0, %c0_i32 : i32, i32
  }
  func.func @transform_1(%arg0: i32) -> (i32, i32) {
    %c0_i32 = arith.constant 0 : i32
    %c0_i32_0 = arith.constant 0 : i32
    return %arg0, %c0_i32 : i32, i32
  }
  func.func @transform_2(%arg0: i32) -> (i32, i32) {
    %c0_i32 = arith.constant 0 : i32
    %c0_i32_0 = arith.constant 0 : i32
    return %arg0, %c0_i32 : i32, i32
  }
  func.func @transform_3(%arg0: i32) -> (i32, i32) {
    %c0_i32 = arith.constant 0 : i32
    %c0_i32_0 = arith.constant 0 : i32
    return %arg0, %c0_i32 : i32, i32
  }
  func.func @transform_4(%arg0: i32) -> (i32, i32) {
    %c0_i32 = arith.constant 0 : i32
    %c0_i32_0 = arith.constant 0 : i32
    %c0_i32_1 = arith.constant 0 : i32
    return %c0_i32, %c0_i32_0 : i32, i32
  }
  func.func @transform_5(%arg0: i32) -> (i32, i32) {
    %c0_i32 = arith.constant 0 : i32
    %c0_i32_0 = arith.constant 0 : i32
    %c0_i32_1 = arith.constant 0 : i32
    return %c0_i32, %c0_i32_0 : i32, i32
  }
  func.func @transform_6(%arg0: i32) -> (i32, i32) {
    %c0_i32 = arith.constant 0 : i32
    %c0_i32_0 = arith.constant 0 : i32
    %c0_i32_1 = arith.constant 0 : i32
    return %c0_i32, %c0_i32_0 : i32, i32
  }
  func.func @transform_7(%arg0: i32) -> (i32, i32) {
    %c0_i32 = arith.constant 0 : i32
    %c0_i32_0 = arith.constant 0 : i32
    return %arg0, %c0_i32 : i32, i32
  }
  func.func @transform_8(%arg0: i32) -> (i32, i32) {
    %c0_i32 = arith.constant 0 : i32
    %c0_i32_0 = arith.constant 0 : i32
    return %arg0, %c0_i32 : i32, i32
  }
  func.func @transform_9(%arg0: i32) -> (i32, i32) {
    %c0_i32 = arith.constant 0 : i32
    %c0_i32_0 = arith.constant 0 : i32
    return %arg0, %c0_i32 : i32, i32
  }
  func.func @transform_10(%arg0: i32) -> (i32, i32) {
    %c0_i32 = arith.constant 0 : i32
    %c0_i32_0 = arith.constant 0 : i32
    %c0_i32_1 = arith.constant 0 : i32
    return %c0_i32, %c0_i32_0 : i32, i32
  }
}

module attributes {stable_mosaic.version = 14 : i64} {
  func.func @_k9_body(%arg0: i32, %arg1: memref<400x64xf32, #tpu.memory_space<vmem>>, %arg2: memref<400x64xf32, #tpu.memory_space<vmem>>, %arg3: memref<400x16xf32, #tpu.memory_space<vmem>>, %arg4: memref<400x16xf32, #tpu.memory_space<vmem>>, %arg5: memref<1x64xf32, #tpu.memory_space<vmem>>, %arg6: memref<400x64xf32, #tpu.memory_space<vmem>>) attributes {dimension_semantics = [#tpu.dimension_semantics<arbitrary>], iteration_bounds = array<i64: 25>, scalar_prefetch = 0 : i64, scratch_operands = 0 : i64, tpu.core_type = #tpu.core_type<tc>, window_params = [{transform_indices = @transform_0, window_bounds = array<i64: 400, 64>}, {transform_indices = @transform_1, window_bounds = array<i64: 400, 64>}, {transform_indices = @transform_2, window_bounds = array<i64: 400, 16>}, {transform_indices = @transform_3, window_bounds = array<i64: 400, 16>}, {pipeline_mode = #tpu.pipeline_mode<synchronous>, transform_indices = @transform_4, window_bounds = array<i64: 1, 64>}, {transform_indices = @transform_5, window_bounds = array<i64: 400, 64>}]} {
    %get3A = arith.constant 0 : index
    %get3A_0 = arith.constant 0 : index
    %get3A_1 = vector.load %arg3[%get3A, %get3A_0] : memref<400x16xf32, #tpu.memory_space<vmem>>, vector<400x16xf32>
    %get3A_2 = arith.constant 0 : index
    %get3A_3 = arith.constant 0 : index
    %get3A_4 = vector.load %arg4[%get3A_2, %get3A_3] : memref<400x16xf32, #tpu.memory_space<vmem>>, vector<400x16xf32>
    %add3A = arith.addf %get3A_1, %get3A_4 : vector<400x16xf32>
    %add3A_5 = arith.constant 1.000000e-16 : f32
    %add3A_6 = vector.broadcast %add3A_5 : f32 to vector<400x16xf32>
    %add3A_7 = arith.addf %add3A, %add3A_6 : vector<400x16xf32>
    %div3A = arith.constant 1.000000e+00 : f32
    %div3A_8 = vector.broadcast %div3A : f32 to vector<400x16xf32>
    %div3A_9 = arith.divf %div3A_8, %add3A_7 : vector<400x16xf32>
    %get3A_10 = arith.constant 0 : index
    %get3A_11 = arith.constant 0 : index
    %get3A_12 = vector.load %arg1[%get3A_10, %get3A_11] : memref<400x64xf32, #tpu.memory_space<vmem>>, vector<400x64xf32>
    %get3A_13 = arith.constant 0 : index
    %get3A_14 = arith.constant 0 : index
    %get3A_15 = vector.load %arg2[%get3A_13, %get3A_14] : memref<400x64xf32, #tpu.memory_space<vmem>>, vector<400x64xf32>
    %add3A_16 = arith.addf %get3A_12, %get3A_15 : vector<400x64xf32>
    %concatenate3A = tpu.concatenate %div3A_9, %div3A_9, %div3A_9, %div3A_9 in 1 : vector<400x16xf32>, vector<400x16xf32>, vector<400x16xf32>, vector<400x16xf32> -> vector<400x64xf32>
    %mul3A = arith.mulf %add3A_16, %concatenate3A : vector<400x64xf32>
    %get3A_17 = arith.constant 0 : index
    %get3A_18 = arith.constant 0 : index
    %get3A_19 = vector.load %arg5[%get3A_17, %get3A_18] : memref<1x64xf32, #tpu.memory_space<vmem>>, vector<1x64xf32>
    %add3A_20 = vector.broadcast %get3A_19 : vector<1x64xf32> to vector<400x64xf32>
    %add3A_21 = arith.addf %mul3A, %add3A_20 : vector<400x64xf32>
    %reduce_max3A = arith.constant dense<0xFF800000> : vector<400xf32>
    %reduce_max3A_22 = vector.multi_reduction <maximumf>, %add3A_21, %reduce_max3A [1] : vector<400x64xf32> to vector<400xf32>
    %broadcast_in_dim3A = vector.shape_cast %reduce_max3A_22 : vector<400xf32> to vector<400x1xf32>
    %sub3A = vector.broadcast %broadcast_in_dim3A : vector<400x1xf32> to vector<400x64xf32>
    %sub3A_23 = arith.subf %add3A_21, %sub3A : vector<400x64xf32>
    %exp3A = math.exp %sub3A_23 : vector<400x64xf32>
    %reduce_sum3A = arith.constant dense<0.000000e+00> : vector<400xf32>
    %reduce_sum3A_24 = vector.multi_reduction <add>, %exp3A, %reduce_sum3A [1] : vector<400x64xf32> to vector<400xf32>
    %broadcast_in_dim3A_25 = vector.shape_cast %reduce_sum3A_24 : vector<400xf32> to vector<400x1xf32>
    %sub3A_26 = vector.broadcast %broadcast_in_dim3A : vector<400x1xf32> to vector<400x64xf32>
    %sub3A_27 = arith.subf %add3A_21, %sub3A_26 : vector<400x64xf32>
    %log3A = math.log %broadcast_in_dim3A_25 : vector<400x1xf32>
    %sub3A_28 = vector.broadcast %log3A : vector<400x1xf32> to vector<400x64xf32>
    %sub3A_29 = arith.subf %sub3A_27, %sub3A_28 : vector<400x64xf32>
    %swap3A = arith.constant 0 : index
    %swap3A_30 = arith.constant 0 : index
    %swap3A_31 = vector.load %arg6[%swap3A, %swap3A_30] : memref<400x64xf32, #tpu.memory_space<vmem>>, vector<400x64xf32>
    tpu.vector_store %arg6[%swap3A, %swap3A_30], %sub3A_29 {strides = array<i32>} : memref<400x64xf32, #tpu.memory_space<vmem>>, vector<400x64xf32>,
    return
  }
  func.func @transform_0(%arg0: i32) -> (i32, i32) {
    %c0_i32 = arith.constant 0 : i32
    %c0_i32_0 = arith.constant 0 : i32
    return %arg0, %c0_i32 : i32, i32
  }
  func.func @transform_1(%arg0: i32) -> (i32, i32) {
    %c0_i32 = arith.constant 0 : i32
    %c0_i32_0 = arith.constant 0 : i32
    return %arg0, %c0_i32 : i32, i32
  }
  func.func @transform_2(%arg0: i32) -> (i32, i32) {
    %c0_i32 = arith.constant 0 : i32
    %c0_i32_0 = arith.constant 0 : i32
    return %arg0, %c0_i32 : i32, i32
  }
  func.func @transform_3(%arg0: i32) -> (i32, i32) {
    %c0_i32 = arith.constant 0 : i32
    %c0_i32_0 = arith.constant 0 : i32
    return %arg0, %c0_i32 : i32, i32
  }
  func.func @transform_4(%arg0: i32) -> (i32, i32) {
    %c0_i32 = arith.constant 0 : i32
    %c0_i32_0 = arith.constant 0 : i32
    %c0_i32_1 = arith.constant 0 : i32
    return %c0_i32, %c0_i32_0 : i32, i32
  }
  func.func @transform_5(%arg0: i32) -> (i32, i32) {
    %c0_i32 = arith.constant 0 : i32
    %c0_i32_0 = arith.constant 0 : i32
    return %arg0, %c0_i32 : i32, i32
  }
}

</mosaic_0001>

<sc_bundles>
// kernel: kernel.10.cloned.1.call-start
scs
__scs_entry_jumppad:
0x0: {  	(pc) =	sbr.rel $0x88, $3  }
0x1: {  	(tag) =	ssettag $0x0;
	lr =	simm.s32 $0x1  }
0x2: {  	[smem:$0x3F97] =	sst lr;
	_ =	strace $0xD0000000  }
0x3: {  	_ = 	snop  }
0x4: {  	_ = 	snop  }
0x5: {  	_ = 	snop  }
0x6: {  	_ = 	snop  }
0x7: {  	_ = 	snop  }
__scs_overlays_trampoline_lowered:
0x8: {  	[smem:$0x3FA6] =	sst s0  }
0x9: {  	[smem:$0x3FA7] =	sst s1  }
0xa: {  	[smem:$0x3FA8] =	sst s2  }
0xb: {  	[smem:$0x3FA9] =	sst s3  }
0xc: {  	[smem:$0x3FAA] =	sst s4  }
0xd: {  	[smem:$0x3FAB] =	sst s5  }
0xe: {  	[smem:$0x3FAC] =	sst s6  }
0xf: {  	[smem:$0x3FAD] =	sst s7  }
0x10: {  	[smem:$0x3FAE] =	sst s8  }
0x11: {  	[smem:$0x3FAF] =	sst s9;
	s0 =	simm.s32 @!p0 $0x0  }
0x12: {  	s1 =	sld [smem:$0x3F95];
	s0 =	simm.s32 @p0 $0x1  }
0x13: {  	[smem:$0x3FB0] =	sst s0;
	s0 =	simm.s32 @!p1 $0x0  }
0x14: {  	s2 =	sld [smem:$0x3F94];
	s0 =	simm.s32 @p1 $0x1  }
0x15: {  	[smem:$0x3FB1] =	sst s0;
	s0 =	simm.s32 @!p2 $0x0  }
0x16: {  	s3 =	sld [smem:$0x3FDB];
	s0 =	simm.s32 @p2 $0x1  }
0x17: {  	s4 =	simm.s32 $0x1BF5;
	[smem:$0x3FB3] =	sst s0  }
0x18: {  	s0 =	sld [smem:$0x3F96];
	_ =	swait.ge [sflag:s4], $0x0  }
0x19: {  	s7 =	sld [smem:$0x3F97]  }
0x1a: {  	s8 =	sadd.s32 $0xFFFFE003, lr  }
0x1b: {  	s9 =	sadd.s32 $0xFFFFFEF7, lr;
	s5 =	simm.s32 $0xFFFFFFFF;
	p2 =	slt.u32 s8, $0xFFFFF086  }
0x1c: {  	p1 =	slt.u32 s9, $0xF7A;
	s5 =	simm.s32 @!p2 $0x0  }
0x1d: {  	s5 =	simm.s32 @p1 $0x1;
	p0 =	seq.s32 s7, s2  }
0x1e: {  	s7 =	smul.u32 @!p0 $0xF7A, s2;
	p2 =	seq.s32 @!p0 s5, $0x0  }
0x1f: {  	s9 =	smul.u32 $0xF7A, s1;
	s8 =	simm.s32 @!p0 $0x1BF5;
	p2 =	por !p2, p0  }
0x20: {  	[sflag:s8] =	ssyncset.s32 @!p0 $0xFFFFF086;
	s6 =	sadd.s32 @!p0 s3, s7;
	s7 =	simm.s32 @!p0 $0x108  }
0x21: {  	s3 =	sadd.s32 s3, s9;
	s6 =	sadd.s32 @!p0 $0x88, s6;
	s7 =	simm.s32 @p2 $0x1082  }
0x22: {  	[simem:s7], [sflag:s8] =	dma.local @!p0 [hbm:s6], $0xF7A  }
0x23: {  	s9 =	sor.u32 $0xD0000000, s2;
	s6 =	simm.s32 $0x108;
	_ =	swait.ge @!p0 [sflag:s8], $0x0  }
0x24: {  	s3 =	sadd.s32 $0x88, s3;
	s6 =	simm.s32 @!p1 $0x1082;
	[sflag:s4] =	ssyncset.s32 $0xFFFFF086  }
0x25: {  	[simem:s6], [sflag:s4] =	dma.local [hbm:s3], $0xF7A  }
0x26: {  	[smem:$0x3F97] =	sst s1;
	(tag) =	ssettag s2;
	_ =	strace s9  }
0x27: {  	s1 =	sld [smem:$0x3FA7]  }
0x28: {  	s2 =	sld [smem:$0x3FA8]  }
0x29: {  	s4 =	sld [smem:$0x3FAA]  }
0x2a: {  	p0 =	seq.s32 s5, $0x0;
	s5 =	sld [smem:$0x3FAB]  }
0x2b: {  	s6 =	sld [smem:$0x3FAC]  }
0x2c: {  	s7 =	sld [smem:$0x3FAD]  }
0x2d: {  	s3 =	simm.s32 $0x108;
	s8 =	sld [smem:$0x3FAE]  }
0x2e: {  	s3 =	simm.s32 @!p0 $0x1082;
	s9 =	sld [smem:$0x3FAF]  }
0x2f: {  	lr =	sadd.s32 s0, s3;
	s0 =	sld [smem:$0x3FA6]  }
0x30: {  	s3 =	sld [smem:$0x3FA9]  }
0x31: {  	[smem:$0x3FB2] =	sst s10  }
0x32: {  	s10 =	sld [smem:$0x3FB0];
	_ =	sdelay $0x3  }
0x33: {  	p0 =	seq.s32 s10, $0x1;
	s10 =	sld [smem:$0x3FB2];
	_ =	sdelay $0x3  }
0x34: {  	[smem:$0x3FB2] =	sst s10  }
0x35: {  	s10 =	sld [smem:$0x3FB1];
	_ =	sdelay $0x3  }
0x36: {  	p1 =	seq.s32 s10, $0x1;
	s10 =	sld [smem:$0x3FB2];
	_ =	sdelay $0x3  }
0x37: {  	[smem:$0x3FB2] =	sst s10  }
0x38: {  	s10 =	sld [smem:$0x3FB3]  }
0x39: {  	_ = 	snop;
	(pc) =	sbr.ind lr, $3  }
0x3a: {  	_ = 	snop  }
0x3b: {  	_ = 	snop  }
0x3c: {  	p2 =	seq.s32 s10, $0x1;
	s10 =	sld [smem:$0x3FB2]  }
0x3d: {  	_ =	shalt  }
0x3e: {  	_ =	shalt  }
0x3f: {  	_ =	shalt  }
0x40: {  	_ =	shalt  }
0x41: {  	_ =	shalt  }
0x42: {  	_ =	shalt  }
0x43: {  	_ =	shalt  }
0x44: {  	_ =	shalt  }
0x45: {  	_ =	shalt  }
0x46: {  	_ =	shalt  }
0x47: {  	_ =	shalt  }
0x48: {  	_ =	shalt  }
0x49: {  	_ =	shalt  }
0x4a: {  	_ =	shalt  }
0x4b: {  	_ =	shalt  }
0x4c: {  	_ =	shalt  }
0x4d: {  	_ =	shalt  }
0x4e: {  	_ =	shalt  }
0x4f: {  	_ =	shalt  }
0x50: {  	_ =	shalt  }
0x51: {  	_ =	shalt  }
0x52: {  	_ =	shalt  }
0x53: {  	_ =	shalt  }
0x54: {  	_ =	shalt  }
0x55: {  	_ =	shalt  }
0x56: {  	_ =	shalt  }
0x57: {  	_ =	shalt  }
0x58: {  	_ =	shalt  }
0x59: {  	_ =	shalt  }
0x5a: {  	_ =	shalt  }
0x5b: {  	_ =	shalt  }
0x5c: {  	_ =	shalt  }
0x5d: {  	_ =	shalt  }
0x5e: {  	_ =	shalt  }
0x5f: {  	_ =	shalt  }
0x60: {  	_ =	shalt  }
0x61: {  	_ =	shalt  }
0x62: {  	_ =	shalt  }
0x63: {  	_ =	shalt  }
0x64: {  	_ =	shalt  }
0x65: {  	_ =	shalt  }
0x66: {  	_ =	shalt  }
0x67: {  	_ =	shalt  }
0x68: {  	_ =	shalt  }
0x69: {  	_ =	shalt  }
0x6a: {  	_ =	shalt  }
0x6b: {  	_ =	shalt  }
0x6c: {  	_ =	shalt  }
0x6d: {  	_ =	shalt  }
0x6e: {  	_ =	shalt  }
0x6f: {  	_ =	shalt  }
0x70: {  	_ =	shalt  }
0x71: {  	_ =	shalt  }
0x72: {  	_ =	shalt  }
0x73: {  	_ =	shalt  }
0x74: {  	_ =	shalt  }
0x75: {  	_ =	shalt  }
0x76: {  	_ =	shalt  }
0x77: {  	_ =	shalt  }
0x78: {  	_ =	shalt  }
0x79: {  	_ =	shalt  }
0x7a: {  	_ =	shalt  }
0x7b: {  	_ =	shalt  }
0x7c: {  	_ =	shalt  }
0x7d: {  	_ =	shalt  }
0x7e: {  	_ =	shalt  }
0x7f: {  	_ =	shalt  }
0x80: {  	_ =	shalt  }
0x81: {  	_ =	shalt  }
0x82: {  	_ =	shalt  }
0x83: {  	_ =	shalt  }
0x84: {  	_ =	shalt  }
0x85: {  	_ =	shalt  }
0x86: {  	_ =	shalt  }
0x87: {  	_ =	shalt  }
.Lfunc_end0:
.L_simem_size_0:
called_computation.1_lowered:
.L_overlay_start_0:
0x88: {  	s2 =	sld [smem:$0x3FD9]  }
0x89: {  	s3 =	sld [smem:$0x3FFE];
	_ =	sdelay $0x1  }
0x8a: {  	s1 =	srdreg.scid  }
0x8b: {  	s0 =	sand.u32 $0x1, s1  }
0x8c: {  	s17 =	sshll.u32 s0, $0xA;
	s2 =	sadd.s32 s3, s2  }
0x8d: {  	s2 =	sadd.s32 s2, s17  }
0x8e: {  	[smem:$0x3FBE] =	sst s2  }
0x8f: {  	_ = 	snop  }
0x90: {  	s2 =	sld [smem:$0x3FD0];
	(tm) =	ssettm $0x1  }
0x91: {  	s18 =	sld [smem:$0x3FFB];
	_ =	sdelay $0x3  }
0x92: {  	_ =	strace s18  }
0x93: {  	s3 =	sld [smem:$0x3FFC];
	_ =	sdelay $0x3  }
0x94: {  	_ =	strace s3  }
0x95: {  	s3 =	sld [smem:$0x3FFD];
	_ =	sdelay $0x3  }
0x96: {  	_ =	strace s3  }
0x97: {  	_ =	strace $0x8FFFFFFF  }
0x98: {  	s19 =	sld [smem:$0x3FDB];
	_ =	sdelay $0x1  }
0x99: {  	s4 =	simm.s32 $_scs_section_size  }
0x9a: {  	s5 =	simm.s32 $_size__tile_overlayer_lowered;
	s6 =	simm.s32 $_tile_overlayer_lowered  }
0x9b: {  	s22 =	simm.s32 $0x1BFF;
	s21 =	sshll.u32 s6, $0x1;
	s3 =	sadd.s32 s4, s19  }
0x9c: {  	s7 =	simm.s32 $0x0;
	s20 =	sshll.u32 s5, $0x1;
	s5 =	sadd.s32 s21, s3  }
0x9d: {  	[timem:s7], [sflag:s22] =	dma.local [hbm:s5], s20  }
0x9e: {  	_ =	swait.ge [sflag:s22], s20  }
0x9f: {  	s4 =	ssub.s32 $0x0, s20;
	[sflag:s22] =	ssyncset.done $0x0  }
0xa0: {  	[sflag:s22] =	ssyncadd.s32 s4;
	_ =	sdelay $0x1  }
0xa1: {  	s23 =	simm.s32 $0x1B8B  }
0xa2: {  	_ =	swait.ge [sflag:s23], $0x1  }
0xa3: {  	[sflag:s23] =	ssyncset.done $0x0  }
0xa4: {  	s25 =	simm.s32 $0x1B8E;
	s24 =	sld [smem:$0x3FFE];
	[sflag:s23] =	ssyncadd.s32 $0xFFFFFFFF  }
0xa5: {  	s26 =	simm.s32 $execute0_lowered;
	[smem:$0x3FD2] =	sst s25  }
0xa6: {  	s5 =	sshll.u32 s26, $0x1;
	_ =	strace $0x80000049;
	[dreg:$0x1] =	wrdreg $0xFFFFFFFF  }
0xa7: {  	s28 =	simm.s32 $_size_execute0_lowered;
	s3 =	sadd.s32 s3, s5;
	[dreg:$0x0] =	wrdreg $0x0  }
0xa8: {  	s5 =	sshll.u32 s28, $0x1;
	[dreg:$0x2] =	wrdreg s3  }
0xa9: {  	[dreg:$0x3] =	wrdreg s5  }
0xaa: {  	[dreg:$0x4] =	wrdreg $0xC0  }
0xab: {  	_ =	task [dreg:s7], $0x5FFFF  }
0xac: {  	[dreg:$0x1] =	wrdreg $0xFFFFFFFF  }
0xad: {  	[dreg:$0x0] =	wrdreg $0x60  }
0xae: {  	[dreg:$0x2] =	wrdreg s24  }
0xaf: {  	[dreg:$0x3] =	wrdreg s2  }
0xb0: {  	[dreg:$0x4] =	wrdreg $0xB2A00  }
0xb1: {  	[dreg:$0x5] =	wrdreg $0xDAA00  }
0xb2: {  	[dreg:$0x6] =	wrdreg $0x9  }
0xb3: {  	_ =	task.clear_ibuf [dreg:s7], $0x7FFFF;
	_ =	strace $0x90000049  }
0xb4: {  	s29 =	simm.s32 $0x9;
	_ =	strace $0x8000004B  }
0xb5: {  	_ =	swait.ge [sflag:s29], $0x1  }
0xb6: {  	[sflag:s29] =	ssyncadd.s32 $0xFFFFFFFF  }
0xb7: {  	_ =	strace $0x9000004B  }
0xb8: {  	_ =	sfence  }
0xb9: {  	s30 =	sld [smem:$0x0];
	_ =	sdelay $0x2  }
0xba: {  	s31 =	sshll.u32 s1, $0xD;
	s1 =	sshrl.u32 s1, $0x2  }
0xbb: {  	s3 =	sand.u32 $0x4000, s31;
	s1 =	sadd.s32 s1, s30  }
0xbc: {  	s0 =	sor.u32 s3, s0;
	s1 =	sshll.u32 s1, $0x11  }
0xbd: {  	s0 =	sor.u32 s1, s0  }
0xbe: {  	s0 =	sadd.s32 $0x8F2B, s0  }
0xbf: {  	[sflag:s0] =	ssyncadd.remote.s32 $0x1  }
0xc0: {  	_ =	sfence.sel $0xFFFF  }
0xc1: {  	[dreg:$0x0] =	wrdreg $0xFFFFFFFF;
	(pc) =	sbr.abs _section_cstart, $3  }
0xc2: {  	[dreg:$0x1] =	wrdreg $0xFFFFFFFF  }
0xc3: {  	_ =	task.clear_ibuf [dreg:s7], $0x2FFFF;
	_ =	strace $0x9FFFFFFF  }
0xc4: {  	(tm) =	ssettm $0x7FFFFFFF  }
0xc5: {  	_ =	shalt  }
tec
execute0_lowered:
.L_overlay_start_1:
0x0: {  	(tag) =	ssettag $0x1  }
0x1: {  	s0 =	rddreg [dreg:$0x0]  }
0x2: {  	s1 =	rddreg [dreg:$0x1]  }
0x3: {  	s2 =	rddreg [dreg:$0x2]  }
0x4: {  	s3 =	rddreg [dreg:$0x3];
	s4 =	simm.s32 $0x0;
	s9 =	srdreg.scid  }
0x5: {  	s20 =	stileid.u32;
	[smem:$0x7FF] =	sst s4  }
0x6: {  	s5 =	sadd.s32 $0x16400, s0;
	s6 =	sadd.s32 $0x1B600, s0;
	s7 =	sadd.s32 $0x1B400, s0  }
0x7: {  	s8 =	sadd.s32 $0xC600, s0;
	s10 =	sadd.s32 $0x2800, s0;
	s15 =	smul.u32 $0xA000, s20  }
0x8: {  	s12 =	sadd.s32 $0x20600, s0;
	s9 =	sand.u32 $0x1, s9;
	s16 =	smul.u32 $0x2800, s20  }
0x9: {  	s13 =	sadd.s32 $0x48600, s0;
	s20 =	smul.u32 $0x2710, s20;
	_ =	strace $0x8000004A  }
0xa: {  	[dreg:$0x5] =	wrdreg s7;
	s7 =	sadd.s32 $0x34600, s0;
	s11 =	ssub.s32 $0x2, s9  }
0xb: {  	s0 =	sadd.s32 $0x4D600, s0;
	s18 =	smul.u32 $0x27100, s9;
	p0 =	seq.s32 s9, $0x1  }
0xc: {  	s14 =	sshrl.u32 s11, $0x1;
	s24 =	sor.u32 $0x1400, s15;
	s25 =	sadd.s32 $0x2800, s15  }
0xd: {  	s26 =	sadd.s32 $0x3C00, s15;
	s13 =	smov.u32 @p0 s0;
	s7 =	smov.u32 @p0 s12  }
0xe: {  	s12 =	simm.s32 $0x190;
	s17 =	ssub.s32 s11, s14;
	s11 =	sadd.s32 s16, s2  }
0xf: {  	s19 =	sshrl.u32 s24, $0x2;
	s14 =	sadd.s32 s24, s3;
	s21 =	sshrl.u32 s25, $0x2  }
0x10: {  	s22 =	sshrl.u32 s26, $0x2;
	s23 =	sadd.s32 s26, s3;
	s24 =	sadd.s32 $0x5000, s15  }
0x11: {  	s26 =	sshrl.u32 s15, $0x3;
	s19 =	sadd.s32 s19, s2;
	[dreg:$0x7] =	wrdreg s14  }
0x12: {  	s14 =	sadd.s32 s20, s18;
	s21 =	sadd.s32 s21, s2;
	[dreg:$0xb] =	wrdreg s23  }
0x13: {  	s9 =	sadd.s32 s22, s2;
	s7 =	sadd.s32 s7, s26;
	[dreg:$0x6] =	wrdreg s19  }
0x14: {  	s0 =	sadd.s32 s24, s3;
	s22 =	sadd.s32 $0x8C00, s15;
	[dreg:$0x8] =	wrdreg s21  }
0x15: {  	s31 =	smax.u32 s17, $0x1;
	s17 =	simm.s32 $0x0;
	[dreg:$0xa] =	wrdreg s9  }
0x16: {  	s19 =	sadd.s32 s25, s3;
	s25 =	sshrl.u32 s16, $0x3;
	[dreg:$0xd] =	wrdreg s7  }
0x17: {  	s16 =	sadd.s32 $0x6400, s15;
	[dreg:$0xf] =	wrdreg s0;
	s21 =	sadd.s32 $0x7800, s15  }
0x18: {  	s30 =	sadd.s32 s22, s3;
	s7 =	simm.s32 $0x4E20;
	[dreg:$0x9] =	wrdreg s19  }
0x19: {  	s9 =	sadd.s32 s13, s25;
	s13 =	sshrl.u32 s24, $0x2;
	s19 =	sshrl.u32 s16, $0x2  }
0x1a: {  	s20 =	sadd.s32 s16, s3;
	s25 =	sadd.s32 s15, s3;
	s23 =	sshrl.u32 s21, $0x2  }
0x1b: {  	s28 =	sadd.s32 s21, s3;
	s24 =	sshrl.u32 s22, $0x2;
	s15 =	simm.s32 $0x1C20  }
0x1c: {  	s16 =	simm.s32 $0x1;
	[dreg:$0xc] =	wrdreg s9;
	s18 =	sadd.s32 s13, s2  }
0x1d: {  	s0 =	sadd.s32 s19, s2;
	[dreg:$0x11] =	wrdreg s20;
	s26 =	sadd.s32 s23, s2  }
0x1e: {  	s29 =	sadd.s32 s24, s2;
	s9 =	simm.s32 $0x3520;
	[dreg:$0xe] =	wrdreg s18  }
0x1f: {  	v0 =	vimm.f32 $0.0e+00;
	s13 =	simm.s32 $0x320;
	[dreg:$0x10] =	wrdreg s0;
	s0 =	simm.s32 $0x2  }
.LBB2_1:
0x20: {  	s18 =	rddreg [dreg:$0x5];
	s19 =	simm.s32 $0xB220  }
0x21: {  	[tilespmem:s19], [sflag:$0x2] =	stream.linear.gather [hbm4b:s18+s4], $0x80, $0x38;
	[tilespmem:$0x17AA0] =	vst v63  }
0x22: {  	_ =	swait.ge [sflag:s0], $0x80  }
0x23: {  	[sflag:s0] =	ssyncset.done $0x0  }
0x24: {  	[sflag:s0] =	ssyncadd.s32 $0xFFFFFF80  }
0x25: {  	s24 =	simm.s32 $0x0;
	v1 =	vld [tilespmem:$0xB220]  }
0x26: {  	s18 =	simm.s32 $0x4E40;
	v2 =	vld [tilespmem:$0xB230];
	[tilespmem:s24+$0x3520] =	vst v0  }
0x27: {  	[tilespmem:s18+$0xFFFFFFE0] =	vst v0  }
0x28: {  	[tilespmem:s18+$0xFFFFFFF0] =	vst v0  }
0x29: {  	[tilespmem:s18+$0x0] =	vst v0  }
0x2a: {  	s19 =	simm.s32 $0x40;
	[tilespmem:s18+$0x10] =	vst v0  }
.LBB2_2:
0x2b: {  	s20 =	sshra.s32 s19, $0x2;
	p0 =	sne.s32 s19, $0x13C0  }
.Ltmp0:
0x2c: {  	s19 =	sadd.s32 $0x40, s19;
	s18 =	sadd.s32 $0x40, s18;
	[tilespmem:s20+$0x3520] =	vst v0;
	(pc) =	sbr.rel @p0 .LBB2_2-.Ltmp0, $4  }
0x2d: {  	[tilespmem:s18+$0xFFFFFFE0] =	vst v0  }
0x2e: {  	[tilespmem:s18+$0xFFFFFFF0] =	vst v0  }
0x2f: {  	[tilespmem:s18+$0x0] =	vst v0  }
0x30: {  	[tilespmem:s18+$0x10] =	vst v0  }
0x31: {  	[spmem:s11] =	stream.linear.scatter [tilespmem:s9], [sflag:$0x2], $0x500, $0x38;
	[tilespmem:$0x17AA0] =	vst v63  }
0x32: {  	_ =	swait.ge [sflag:s0], $0x500  }
0x33: {  	[sflag:s0] =	ssyncset.done $0x0  }
0x34: {  	[sflag:s0] =	ssyncadd.s32 $0xFFFFFB00  }
0x35: {  	[spmem:s25] =	stream.linear.scatter [tilespmem:s7], [sflag:$0x2], $0x1400, $0x38;
	[tilespmem:$0x17AA0] =	vst v63  }
0x36: {  	_ =	swait.ge [sflag:s0], $0x1400  }
0x37: {  	[sflag:s0] =	ssyncset.done $0x0  }
0x38: {  	s18 =	rddreg [dreg:$0x6];
	[sflag:s0] =	ssyncadd.s32 $0xFFFFEC00  }
0x39: {  	[spmem:s18] =	stream.linear.scatter [tilespmem:s9], [sflag:$0x2], $0x500, $0x38;
	[tilespmem:$0x17AA0] =	vst v63  }
0x3a: {  	_ =	swait.ge [sflag:s0], $0x500  }
0x3b: {  	[sflag:s0] =	ssyncset.done $0x0  }
0x3c: {  	s22 =	rddreg [dreg:$0x7];
	[sflag:s0] =	ssyncadd.s32 $0xFFFFFB00  }
0x3d: {  	[spmem:s22] =	stream.linear.scatter [tilespmem:s7], [sflag:$0x2], $0x1400, $0x38;
	[tilespmem:$0x17AA0] =	vst v63  }
0x3e: {  	_ =	swait.ge [sflag:s0], $0x1400  }
0x3f: {  	[sflag:s0] =	ssyncset.done $0x0  }
0x40: {  	s23 =	rddreg [dreg:$0x8];
	[sflag:s0] =	ssyncadd.s32 $0xFFFFEC00  }
0x41: {  	[spmem:s23] =	stream.linear.scatter [tilespmem:s9], [sflag:$0x2], $0x500, $0x38;
	[tilespmem:$0x17AA0] =	vst v63  }
0x42: {  	_ =	swait.ge [sflag:s0], $0x500  }
0x43: {  	[sflag:s0] =	ssyncset.done $0x0  }
0x44: {  	s24 =	rddreg [dreg:$0x9];
	[sflag:s0] =	ssyncadd.s32 $0xFFFFFB00  }
0x45: {  	[spmem:s24] =	stream.linear.scatter [tilespmem:s7], [sflag:$0x2], $0x1400, $0x38;
	[tilespmem:$0x17AA0] =	vst v63  }
0x46: {  	_ =	swait.ge [sflag:s0], $0x1400  }
0x47: {  	[sflag:s0] =	ssyncset.done $0x0  }
0x48: {  	s19 =	rddreg [dreg:$0xa];
	[sflag:s0] =	ssyncadd.s32 $0xFFFFEC00  }
0x49: {  	[spmem:s19] =	stream.linear.scatter [tilespmem:s9], [sflag:$0x2], $0x500, $0x38;
	[tilespmem:$0x17AA0] =	vst v63  }
0x4a: {  	_ =	swait.ge [sflag:s0], $0x500  }
0x4b: {  	[sflag:s0] =	ssyncset.done $0x0  }
0x4c: {  	s20 =	rddreg [dreg:$0xb];
	[sflag:s0] =	ssyncadd.s32 $0xFFFFFB00  }
0x4d: {  	[spmem:s20] =	stream.linear.scatter [tilespmem:s7], [sflag:$0x2], $0x1400, $0x38;
	[tilespmem:$0x17AA0] =	vst v63  }
0x4e: {  	_ =	swait.ge [sflag:s0], $0x1400  }
0x4f: {  	[sflag:s0] =	ssyncset.done $0x0  }
0x50: {  	s21 =	rddreg [dreg:$0xe];
	[sflag:s0] =	ssyncadd.s32 $0xFFFFEC00  }
0x51: {  	[spmem:s21] =	stream.linear.scatter [tilespmem:s9], [sflag:$0x2], $0x500, $0x38;
	[tilespmem:$0x17AA0] =	vst v63  }
0x52: {  	_ =	swait.ge [sflag:s0], $0x500  }
0x53: {  	[sflag:s0] =	ssyncset.done $0x0  }
0x54: {  	s22 =	rddreg [dreg:$0xf];
	[sflag:s0] =	ssyncadd.s32 $0xFFFFFB00  }
0x55: {  	[spmem:s22] =	stream.linear.scatter [tilespmem:s7], [sflag:$0x2], $0x1400, $0x38;
	[tilespmem:$0x17AA0] =	vst v63  }
0x56: {  	_ =	swait.ge [sflag:s0], $0x1400  }
0x57: {  	[sflag:s0] =	ssyncset.done $0x0  }
0x58: {  	s23 =	rddreg [dreg:$0x10];
	[sflag:s0] =	ssyncadd.s32 $0xFFFFEC00  }
0x59: {  	[spmem:s23] =	stream.linear.scatter [tilespmem:s9], [sflag:$0x2], $0x500, $0x38;
	[tilespmem:$0x17AA0] =	vst v63  }
0x5a: {  	_ =	swait.ge [sflag:s0], $0x500  }
0x5b: {  	[sflag:s0] =	ssyncset.done $0x0  }
0x5c: {  	s24 =	rddreg [dreg:$0x11];
	[sflag:s0] =	ssyncadd.s32 $0xFFFFFB00  }
0x5d: {  	[spmem:s24] =	stream.linear.scatter [tilespmem:s7], [sflag:$0x2], $0x1400, $0x38;
	[tilespmem:$0x17AA0] =	vst v63  }
0x5e: {  	_ =	swait.ge [sflag:s0], $0x1400  }
0x5f: {  	[sflag:s0] =	ssyncset.done $0x0  }
0x60: {  	[sflag:s0] =	ssyncadd.s32 $0xFFFFEC00  }
0x61: {  	[spmem:s26] =	stream.linear.scatter [tilespmem:s9], [sflag:$0x2], $0x500, $0x38;
	[tilespmem:$0x17AA0] =	vst v63  }
0x62: {  	_ =	swait.ge [sflag:s0], $0x500  }
0x63: {  	[sflag:s0] =	ssyncset.done $0x0  }
0x64: {  	[sflag:s0] =	ssyncadd.s32 $0xFFFFFB00  }
0x65: {  	[spmem:s28] =	stream.linear.scatter [tilespmem:s7], [sflag:$0x2], $0x1400, $0x38;
	[tilespmem:$0x17AA0] =	vst v63  }
0x66: {  	_ =	swait.ge [sflag:s0], $0x1400  }
0x67: {  	[sflag:s0] =	ssyncset.done $0x0  }
0x68: {  	[sflag:s0] =	ssyncadd.s32 $0xFFFFEC00  }
0x69: {  	[spmem:s29] =	stream.linear.scatter [tilespmem:s9], [sflag:$0x2], $0x500, $0x38;
	[tilespmem:$0x17AA0] =	vst v63  }
0x6a: {  	_ =	swait.ge [sflag:s0], $0x500  }
0x6b: {  	[sflag:s0] =	ssyncset.done $0x0  }
0x6c: {  	[sflag:s0] =	ssyncadd.s32 $0xFFFFFB00  }
0x6d: {  	[spmem:s30] =	stream.linear.scatter [tilespmem:s7], [sflag:$0x2], $0x1400, $0x38;
	[tilespmem:$0x17AA0] =	vst v63  }
0x6e: {  	_ =	swait.ge [sflag:s0], $0x1400  }
0x6f: {  	v1 =	vadd.f32 v2, v1;
	[sflag:s0] =	ssyncset.done $0x0  }
0x70: {  	[sflag:s0] =	ssyncadd.s32 $0xFFFFEC00  }
0x71: {  	v1 =	vmax.f32 v1, $0.0e+00;
	s18 =	simm.s32 $0x0;
	[bflag:$0x0] =	sbarrier.arrive $0xFFFF  }
.LBB2_4:
0x72: {  	s19 =	smul.u32 $0x190, s18;
	_ =	sdelay $0x1  }
0x73: {  	s19 =	sadd.s32 s19, s14  }
0x74: {  	s19 =	sshrl.u32 s19, $0x3  }
0x75: {  	s20 =	sadd.s32 s8, s19  }
0x76: {  	[tilespmem:s4], [sflag:$0x2] =	stream.linear.gather [hbm4b:s20+s4], $0x190, $0x38;
	[tilespmem:$0x17AA0] =	vst v63  }
0x77: {  	_ =	swait.ge [sflag:s0], $0x190  }
0x78: {  	[sflag:s0] =	ssyncset.done $0x0  }
0x79: {  	[sflag:s0] =	ssyncadd.s32 $0xFFFFFE70  }
0x7a: {  	[tilespmem:s13], [sflag:$0x1] =	stream.indirect.gather [hbm4b:s5+s12], $0x10, s4, s12, $0xb8;
	[tilespmem:$0x17AA0] =	vst v63  }
0x7b: {  	_ = 	snop  }
0x7c: {  	[tilespmem:s7], [sflag:$0x1] =	stream.indirect.gather [hbm4b:s1+s12], $0x40, s4, s12, $0xb8;
	[tilespmem:$0x17AA0] =	vst v63  }
0x7d: {  	s19 =	sadd.s32 s10, s19  }
0x7e: {  	[tilespmem:s12], [sflag:$0x2] =	stream.linear.gather [hbm4b:s19+s4], $0x190, $0x38;
	[tilespmem:$0x17AA0] =	vst v63  }
0x7f: {  	_ =	swait.ge [sflag:s0], $0x190  }
0x80: {  	[sflag:s0] =	ssyncset.done $0x0  }
0x81: {  	[sflag:s0] =	ssyncadd.s32 $0xFFFFFE70  }
0x82: {  	[tilespmem:s15], [sflag:$0x1] =	stream.indirect.gather [hbm4b:s6+s12], $0x10, s12, s12, $0xb8;
	[tilespmem:$0x17AA0] =	vst v63  }
0x83: {  	_ =	swait.ge [sflag:s16], $0x1900  }
0x84: {  	[sflag:s16] =	ssyncset.done $0x0  }
0x85: {  	[sflag:s16] =	ssyncadd.s32 $0xFFFFE700  }
0x86: {  	_ =	swait.ge [sflag:s16], $0x1900  }
0x87: {  	[sflag:s16] =	ssyncset.done $0x0  }
0x88: {  	[sflag:s16] =	ssyncadd.s32 $0xFFFFE700  }
0x89: {  	_ =	swait.ge [sflag:s16], $0x6400  }
0x8a: {  	[sflag:s16] =	ssyncset.done $0x0  }
0x8b: {  	s23 =	simm.s32 $0x340;
	[sflag:s16] =	ssyncadd.s32 $0xFFFF9C00  }
0x8c: {  	s24 =	simm.s32 $0x1C40;
	v2 =	vld [tilespmem:s23+$0x10]  }
0x8d: {  	v3 =	vld [tilespmem:s24+$0x10]  }
0x8e: {  	v4 =	vld [tilespmem:s24+$0xFFFFFFE0]  }
0x8f: {  	v5 =	vld [tilespmem:s23+$0xFFFFFFF0]  }
0x90: {  	v6 =	vld [tilespmem:s24+$0xFFFFFFF0]  }
0x91: {  	v7 =	vld [tilespmem:s23+$0x0]  }
0x92: {  	v2 =	vadd.f32 v3, v2;
	v3 =	vld [tilespmem:s24+$0x0]  }
0x93: {  	v8 =	vld [tilespmem:s23+$0xFFFFFFE0]  }
0x94: {  	v9 =	vmul.f32 $2.000000030e-01, v2  }
0x95: {  	v5 =	vadd.f32 v6, v5;
	vm0 =	vge.f32 v2, $0.0e+00  }
0x96: {  	v2 =	vsel vm0, v2, v9  }
0x97: {  	v6 =	vmul.f32 $2.000000030e-01, v5;
	v2 =	vsub.f32 v2, v1;
	v3 =	vadd.f32 v3, v7  }
0x98: {  	v4 =	vadd.f32 v4, v8;
	vm10 =	vge.f32 v5, $0.0e+00  }
0x99: {  	v5 =	vsel vm10, v5, v6;
	v2 =	vmul.f32 $1.442695020e+00, v2;
	v6 =	vmul.f32 $2.000000030e-01, v3  }
0x9a: {  	vm1 =	vge.f32 v4, $0.0e+00;
	v7 =	vmul.f32 $2.000000030e-01, v4;
	vm11 =	vge.f32 v3, $0.0e+00  }
0x9b: {  	(erf) = vpow2.f32 v2;
	v2 =	vsub.f32 v5, v1;
	v3 =	vsel vm11, v3, v6  }
0x9c: {  	v4 =	vsel vm1, v4, v7;
	v3 =	vsub.f32 v3, v1  }
0x9d: {  	s21 =	simm.s32 $0x1C80;
	v4 =	vsub.f32 v4, v1;
	v2 =	vmul.f32 $1.442695020e+00, v2  }
0x9e: {  	v11 =	vld [tilespmem:s21+$0x0];
	v3 =	vmul.f32 $1.442695020e+00, v3  }
0x9f: {  	s22 =	simm.s32 $0x380;
	v8 =	vld [tilespmem:s21+$0xFFFFFFF0];
	v4 =	vmul.f32 $1.442695020e+00, v4;
	(erf) = vpow2.f32 v2  }
0xa0: {  	v7 =	vld [tilespmem:s22+$0xFFFFFFF0];
	(erf) = vpow2.f32 v3  }
0xa1: {  	v5 =	vld [tilespmem:s21+$0x10];
	(erf) = vpow2.f32 v4  }
0xa2: {  	v4 =	vld [tilespmem:s22+$0x10]  }
0xa3: {  	v12 =	vld [tilespmem:s21+$0xFFFFFFE0]  }
0xa4: {  	v9 =	vld [tilespmem:s22+$0x0]  }
0xa5: {  	v13 =	vld [tilespmem:s22+$0xFFFFFFE0];
	_ =	sdelay $0x1  }
0xa6: {  	s19 =	simm.s32 $0x3540;
	v7 =	vadd.f32 v8, v7;
	v2 =	vpop (erf);
	v4 =	vadd.f32 v5, v4  }
0xa7: {  	s20 =	simm.s32 $0x4EA0;
	[tilespmem:s19+$0x10] =	vst v2;
	v10 =	vpop (erf)  }
0xa8: {  	v9 =	vadd.f32 v11, v9;
	v11 =	vmul.f32 $2.000000030e-01, v7;
	v6 =	vld [tilespmem:s20+$0x70];
	v14 =	vmul.f32 $2.000000030e-01, v4;
	v3 =	vpop (erf);
	[tilespmem:s19+$0xFFFFFFF0] =	vst v10  }
0xa9: {  	v12 =	vadd.f32 v12, v13;
	vm13 =	vge.f32 v7, $0.0e+00;
	vm12 =	vge.f32 v4, $0.0e+00;
	v5 =	vpop (erf);
	v13 =	vld [tilespmem:s20+$0xFFFFFFC0]  }
0xaa: {  	v7 =	vsel vm13, v7, v11;
	v4 =	vsel vm12, v4, v14;
	v11 =	vld [tilespmem:s20+$0xFFFFFFD0];
	[tilespmem:s19+$0xFFFFFFE0] =	vst v5  }
0xab: {  	v4 =	vsub.f32 v4, v1;
	v15 =	vld [tilespmem:s20+$0xFFFFFF80]  }
0xac: {  	v8 =	vld [tilespmem:s20+$0xFFFFFF90]  }
0xad: {  	v14 =	vld [tilespmem:s20+$0xFFFFFFA0];
	v4 =	vmul.f32 $1.442695020e+00, v4  }
0xae: {  	vm15 =	vge.f32 v12, $0.0e+00;
	v62 =	vmul.f32 $2.000000030e-01, v12;
	v17 =	vmul.f32 $2.000000030e-01, v9;
	v16 =	vld [tilespmem:s20+$0xFFFFFFB0]  }
0xaf: {  	vm14 =	vge.f32 v9, $0.0e+00;
	v7 =	vsub.f32 v7, v1;
	v18 =	vld [tilespmem:s20+$0xFFFFFFE0];
	(erf) = vpow2.f32 v4  }
0xb0: {  	v12 =	vsel vm15, v12, v62;
	v9 =	vsel vm14, v9, v17;
	[tilespmem:s19+$0x0] =	vst v3;
	v19 =	vld [tilespmem:s20+$0xFFFFFFF0];
	v6 =	vmul.f32 v6, v2  }
0xb1: {  	v63 =	vsub.f32 v9, v1;
	v7 =	vmul.f32 $1.442695020e+00, v7;
	v9 =	vld [tilespmem:s20+$0x10];
	v15 =	vmul.f32 v5, v15  }
0xb2: {  	[tilespmem:s20+$0x70] =	vst v6;
	v6 =	vsub.f32 v12, v1;
	v4 =	vld [tilespmem:s20+$0x0];
	v8 =	vmul.f32 v5, v8;
	v12 =	vmul.f32 v5, v14  }
0xb3: {  	v14 =	vmul.f32 $1.442695020e+00, v63;
	[tilespmem:s20+$0xFFFFFF80] =	vst v15;
	v15 =	vmul.f32 v16, v5;
	v5 =	vld [tilespmem:s20+$0x20]  }
0xb4: {  	(erf) = vpow2.f32 v7;
	[tilespmem:s20+$0xFFFFFF90] =	vst v8;
	v8 =	vmul.f32 $1.442695020e+00, v6;
	v6 =	vld [tilespmem:s20+$0x30]  }
0xb5: {  	v7 =	vld [tilespmem:s20+$0x40];
	[tilespmem:s20+$0xFFFFFFA0] =	vst v12;
	(erf) = vpow2.f32 v14;
	v12 =	vmul.f32 v10, v13  }
0xb6: {  	v13 =	vmul.f32 v10, v11;
	[tilespmem:s20+$0xFFFFFFB0] =	vst v15;
	(erf) = vpow2.f32 v8;
	v8 =	vld [tilespmem:s20+$0x50]  }
0xb7: {  	s23 =	simm.s32 $0x4;
	s24 =	simm.s32 $0x3C0;
	s22 =	simm.s32 $0x4EA0;
	v11 =	vmul.f32 v19, v10;
	[tilespmem:s20+$0xFFFFFFC0] =	vst v12;
	v12 =	vmul.f32 v10, v18;
	v10 =	vld [tilespmem:s20+$0x60]  }
.LBB2_5:
0xb8: {  	v14 =	vld [tilespmem:s24+$0x10];
	s21 =	sadd.s32 $0x40, s21;
	v15 =	vpop (erf);
	[tilespmem:s20+$0xFFFFFFD0] =	vst v13;
	v4 =	vmul.f32 v3, v4;
	v9 =	vmul.f32 v3, v9;
	s19 =	sadd.s32 $0x40, s19  }
0xb9: {  	s23 =	sadd.s32 $0x4, s23;
	v5 =	vmul.f32 v3, v5;
	s20 =	sadd.s32 $0x100, s20;
	v13 =	vld [tilespmem:s21+$0x10];
	[tilespmem:s19+$0x10] =	vst v15;
	v6 =	vmul.f32 v6, v3  }
0xba: {  	p0 =	slt.u32 s23, $0x18C;
	v16 =	vld [tilespmem:s20+$0x70];
	[tilespmem:s22+$0xFFFFFFE0] =	vst v12;
	v7 =	vmul.f32 v2, v7  }
0xbb: {  	v12 =	vld [tilespmem:s21+$0xFFFFFFE0];
	[tilespmem:s22+$0xFFFFFFF0] =	vst v11;
	v8 =	vmul.f32 v2, v8  }
0xbc: {  	v11 =	vld [tilespmem:s24+$0xFFFFFFF0];
	[tilespmem:s22+$0x0] =	vst v4;
	v4 =	vmul.f32 v2, v10;
	v2 =	vmov v15  }
0xbd: {  	v10 =	vld [tilespmem:s21+$0xFFFFFFF0];
	v15 =	vpop (erf);
	[tilespmem:s22+$0x10] =	vst v9  }
0xbe: {  	v9 =	vld [tilespmem:s24+$0x0];
	v13 =	vadd.f32 v13, v14;
	[tilespmem:s19+$0xFFFFFFF0] =	vst v15;
	v3 =	vpop (erf)  }
0xbf: {  	v14 =	vld [tilespmem:s21+$0x0];
	[tilespmem:s19+$0x0] =	vst v3;
	v16 =	vmul.f32 v16, v2;
	v17 =	vpop (erf)  }
0xc0: {  	v18 =	vld [tilespmem:s24+$0xFFFFFFE0];
	v19 =	vmul.f32 $2.000000030e-01, v13;
	[tilespmem:s19+$0xFFFFFFE0] =	vst v17  }
0xc1: {  	vm0 =	vge.f32 v13, $0.0e+00;
	v20 =	vld [tilespmem:s20+$0xFFFFFF80];
	[tilespmem:s20+$0x70] =	vst v16  }
0xc2: {  	v10 =	vadd.f32 v10, v11;
	v11 =	vsel vm0, v13, v19;
	v13 =	vld [tilespmem:s20+$0xFFFFFF90];
	[tilespmem:s22+$0x20] =	vst v5  }
0xc3: {  	v5 =	vsub.f32 v11, v1;
	v11 =	vld [tilespmem:s20+$0xFFFFFFA0];
	[tilespmem:s22+$0x30] =	vst v6  }
0xc4: {  	vm0 =	vge.f32 v10, $0.0e+00;
	v6 =	vmul.f32 $2.000000030e-01, v10;
	v9 =	vadd.f32 v14, v9;
	v14 =	vld [tilespmem:s20+$0xFFFFFFB0];
	[tilespmem:s22+$0x40] =	vst v7  }
0xc5: {  	v7 =	vadd.f32 v12, v18;
	v5 =	vmul.f32 $1.442695020e+00, v5;
	v12 =	vld [tilespmem:s20+$0xFFFFFFC0];
	[tilespmem:s22+$0x50] =	vst v8  }
0xc6: {  	v6 =	vsel vm0, v10, v6;
	vm0 =	vge.f32 v9, $0.0e+00;
	v8 =	vmul.f32 $2.000000030e-01, v9;
	v10 =	vld [tilespmem:s20+$0xFFFFFFD0];
	[tilespmem:s22+$0x60] =	vst v4;
	s22 =	smov.u32 s20  }
0xc7: {  	vm1 =	vge.f32 v7, $0.0e+00;
	v4 =	vmul.f32 $2.000000030e-01, v7;
	(erf) = vpow2.f32 v5;
	v16 =	vld [tilespmem:s20+$0xFFFFFFE0]  }
0xc8: {  	v5 =	vsub.f32 v6, v1;
	v6 =	vsel vm0, v9, v8;
	v8 =	vmul.f32 v17, v20;
	v18 =	vld [tilespmem:s20+$0xFFFFFFF0]  }
0xc9: {  	v13 =	vmul.f32 v17, v13;
	v7 =	vsel vm1, v7, v4;
	v6 =	vsub.f32 v6, v1;
	v4 =	vld [tilespmem:s20+$0x0]  }
0xca: {  	v19 =	vmul.f32 $1.442695020e+00, v5;
	v7 =	vsub.f32 v7, v1;
	[tilespmem:s20+$0xFFFFFF80] =	vst v8;
	v8 =	vmul.f32 v17, v11;
	v9 =	vld [tilespmem:s20+$0x10]  }
.Ltmp1:
0xcb: {  	v11 =	vmul.f32 $1.442695020e+00, v6;
	[tilespmem:s20+$0xFFFFFF90] =	vst v13;
	v13 =	vmul.f32 v14, v17;
	v5 =	vld [tilespmem:s20+$0x20];
	(pc) =	sbr.rel @p0 .LBB2_5-.Ltmp1, $4  }
0xcc: {  	v14 =	vmul.f32 $1.442695020e+00, v7;
	(erf) = vpow2.f32 v19;
	[tilespmem:s20+$0xFFFFFFA0] =	vst v8;
	v6 =	vld [tilespmem:s20+$0x30]  }
0xcd: {  	(erf) = vpow2.f32 v11;
	[tilespmem:s20+$0xFFFFFFB0] =	vst v13;
	v11 =	vmul.f32 v15, v12;
	v7 =	vld [tilespmem:s20+$0x40]  }
0xce: {  	v13 =	vmul.f32 v15, v10;
	(erf) = vpow2.f32 v14;
	v8 =	vld [tilespmem:s20+$0x50]  }
0xcf: {  	s24 =	sadd.s32 $0x40, s24;
	v12 =	vmul.f32 v15, v16;
	[tilespmem:s20+$0xFFFFFFC0] =	vst v11;
	v11 =	vmul.f32 v18, v15;
	v10 =	vld [tilespmem:s20+$0x60]  }
0xd0: {  	v14 =	vpop (erf);
	[tilespmem:s20+$0xFFFFFFD0] =	vst v13;
	s21 =	sadd.s32 $0x40, s19  }
0xd1: {  	[tilespmem:s21+$0x10] =	vst v14  }
0xd2: {  	v4 =	vmul.f32 v3, v4;
	[tilespmem:s22+$0xFFFFFFE0] =	vst v12  }
0xd3: {  	v9 =	vmul.f32 v3, v9;
	[tilespmem:s22+$0xFFFFFFF0] =	vst v11  }
0xd4: {  	v5 =	vmul.f32 v3, v5;
	[tilespmem:s22+$0x0] =	vst v4  }
0xd5: {  	[tilespmem:s22+$0x10] =	vst v9  }
0xd6: {  	s24 =	sadd.s32 $0x100, s20;
	v3 =	vmul.f32 v6, v3;
	v7 =	vmul.f32 v2, v7;
	[tilespmem:s22+$0x20] =	vst v5;
	v45 =	vpop (erf)  }
0xd7: {  	v44 =	vld [tilespmem:s24+$0x70];
	v8 =	vmul.f32 v2, v8;
	v2 =	vmul.f32 v2, v10;
	[tilespmem:s21+$0xFFFFFFF0] =	vst v45  }
0xd8: {  	[tilespmem:s22+$0x30] =	vst v3;
	v52 =	vld [tilespmem:s24+$0xFFFFFFC0]  }
0xd9: {  	v46 =	vpop (erf);
	[tilespmem:s22+$0x60] =	vst v2;
	v2 =	vld [tilespmem:s24+$0xFFFFFFE0]  }
0xda: {  	[tilespmem:s21+$0x0] =	vst v46;
	v55 =	vld [tilespmem:s24+$0xFFFFFFF0]  }
0xdb: {  	[tilespmem:s22+$0x40] =	vst v7;
	v47 =	vpop (erf);
	v56 =	vld [tilespmem:s24+$0x0]  }
0xdc: {  	v48 =	vmul.f32 v44, v14;
	[tilespmem:s21+$0xFFFFFFE0] =	vst v47;
	v59 =	vld [tilespmem:s24+$0x20]  }
0xdd: {  	[tilespmem:s22+$0x50] =	vst v8;
	v3 =	vld [tilespmem:s24+$0xFFFFFFB0];
	v58 =	vmul.f32 v45, v52  }
0xde: {  	v60 =	vld [tilespmem:s24+$0x30];
	[tilespmem:s24+$0x70] =	vst v48;
	v2 =	vmul.f32 v45, v2  }
0xdf: {  	v53 =	vld [tilespmem:s24+$0xFFFFFFD0];
	v4 =	vmul.f32 v55, v45;
	[tilespmem:s24+$0xFFFFFFC0] =	vst v58  }
0xe0: {  	v49 =	vld [tilespmem:s24+$0xFFFFFF80];
	v10 =	vmul.f32 v46, v56;
	[tilespmem:s24+$0xFFFFFFE0] =	vst v2  }
0xe1: {  	v50 =	vld [tilespmem:s24+$0xFFFFFF90];
	v62 =	vmul.f32 v46, v59;
	[tilespmem:s24+$0xFFFFFFF0] =	vst v4  }
0xe2: {  	v51 =	vld [tilespmem:s24+$0xFFFFFFA0];
	v3 =	vmul.f32 v3, v47;
	[tilespmem:s24+$0x0] =	vst v10  }
0xe3: {  	v57 =	vld [tilespmem:s24+$0x10];
	v63 =	vmul.f32 v60, v46;
	[tilespmem:s24+$0x20] =	vst v62  }
0xe4: {  	v61 =	vld [tilespmem:s24+$0x40];
	[tilespmem:s24+$0xFFFFFFB0] =	vst v3;
	v3 =	vmul.f32 v45, v53  }
0xe5: {  	v54 =	vmul.f32 v47, v49;
	v2 =	vld [tilespmem:s24+$0x60];
	[tilespmem:s24+$0x30] =	vst v63  }
0xe6: {  	v6 =	vmul.f32 v47, v50;
	[tilespmem:s24+$0xFFFFFFD0] =	vst v3;
	v3 =	vld [tilespmem:s24+$0x50]  }
0xe7: {  	v5 =	vmul.f32 v47, v51;
	[tilespmem:s24+$0xFFFFFF80] =	vst v54  }
0xe8: {  	[tilespmem:s24+$0xFFFFFF90] =	vst v6;
	v6 =	vmul.f32 v46, v57  }
0xe9: {  	[tilespmem:s24+$0xFFFFFFA0] =	vst v5;
	v5 =	vmul.f32 v14, v61  }
0xea: {  	[tilespmem:s24+$0x10] =	vst v6;
	v2 =	vmul.f32 v14, v2  }
0xeb: {  	[tilespmem:s24+$0x40] =	vst v5;
	v3 =	vmul.f32 v14, v3  }
0xec: {  	[tilespmem:s24+$0x60] =	vst v2  }
0xed: {  	[tilespmem:s24+$0x50] =	vst v3  }
0xee: {  	[spmem:s2] =	stream.indirect.scatter.add.f32 [tilespmem:s9], [sflag:$0x2], $0x10, s12, s12, $0xb8;
	[tilespmem:$0x17AA0] =	vst v63  }
0xef: {  	s18 =	sadd.s32 $0x1, s18;
	_ =	swait.ge [sflag:s0], $0x1900  }
0xf0: {  	p0 =	sne.s32 s18, $0x19;
	[sflag:s0] =	ssyncset.done $0x0  }
.Ltmp2:
0xf1: {  	[sflag:s0] =	ssyncadd.s32 $0xFFFFE700;
	(pc) =	sbr.rel @p0 .LBB2_4-.Ltmp2, $4  }
0xf2: {  	[spmem:s3] =	stream.indirect.scatter.add.f32 [tilespmem:s7], [sflag:$0x2], $0x40, s12, s12, $0xb8;
	[tilespmem:$0x17AA0] =	vst v63  }
0xf3: {  	_ =	swait.ge [sflag:s0], $0x6400  }
0xf4: {  	[sflag:s0] =	ssyncset.done $0x0  }
0xf5: {  	[sflag:s0] =	ssyncadd.s32 $0xFFFF9C00  }
0xf6: {  	s18 =	stileid.u32  }
0xf7: {  	[bflag:$0x0] =	sbarrier.arrive $0xFFFF;
	s18 =	sshll.u32 s18, $0x6  }
0xf8: {  	s19 =	sshrl.u32 s11, $0x3;
	s20 =	rddreg [dreg:$0xc];
	s18 =	sor.u32 $0x1C02, s18  }
0xf9: {  	[hbm:s20], [sflag:s18] =	dma.local [spmem:s19], $0x500  }
0xfa: {  	s17 =	sadd.s32 $0x1, s17;
	_ =	swait.ge [sflag:s0], $0x500  }
0xfb: {  	s23 =	sshrl.u32 s25, $0x3;
	p0 =	sne.s32 s17, s31;
	[sflag:s0] =	ssyncset.done $0x0  }
.Ltmp3:
0xfc: {  	s24 =	rddreg [dreg:$0xd];
	[sflag:s0] =	ssyncadd.s32 $0xFFFFFB00;
	(pc) =	sbr.rel @p0 .LBB2_1-.Ltmp3, $4  }
0xfd: {  	[hbm:s24], [sflag:s18] =	dma.local [spmem:s23], $0x1400  }
0xfe: {  	_ =	swait.ge [sflag:s0], $0x1400  }
0xff: {  	[sflag:s0] =	ssyncset.done $0x0  }
0x100: {  	[sflag:s0] =	ssyncadd.s32 $0xFFFFEC00  }
0x101: {  	_ =	sfence.sel $0x180000  }
0x102: {  	[bflag:$0x0] =	sbarrier.arrive $0xFFFF  }
0x103: {  	_ =	strace $0x9000004A  }
0x104: {  	s0 =	stileid.u32;
	[bflag:$0x2] =	sbarrier.arrive $0xFFFF  }
0x105: {  	p0 =	sne.s32 s0, $0x0;
	s0 =	rddreg [dreg:$0x4]  }
0x106: {  	s0 =	sadd.s32 @!p0 $0x100000, s0  }
0x107: {  	[sflag:s0] =	ssyncadd.tile.s32 @!p0 $0x1;
	_ =	shalt  }
.Lfunc_end2:
_tile_overlayer_lowered:
.L_overlay_start_2:
0x108: {  	(tag) =	ssettag $0x2  }
0x109: {  	s0 =	rddreg [dreg:$0x0];
	s2 =	stileid.u32  }
0x10a: {  	s1 =	rddreg [dreg:$0x1];
	p0 =	sne.s32 s2, $0x0  }
0x10b: {  	s3 =	rddreg [dreg:$0x2];
	[bflag:$0x3] =	sbarrier.arrive $0xFFFF;
	s2 =	simm.s32 @!p0 $0x1C02  }
0x10c: {  	[timem:s3], [sflag:s2] =	dma.local @!p0 [hbm:s0], s1  }
0x10d: {  	s0 =	simm.s32 @!p0 $0x2  }
0x10e: {  	_ =	swait.ge @!p0 [sflag:s0], s1  }
0x10f: {  	s1 =	ssub.s32 @!p0 $0x0, s1;
	[sflag:s0] =	ssyncset.done @!p0 $0x0  }
0x110: {  	[sflag:s0] =	ssyncadd.s32 @!p0 s1  }
0x111: {  	[bflag:$0x3] =	sbarrier.arrive $0xFFFF  }
0x112: {  	_ =	shalt  }

// kernel: kernel.7.cloned.1.call-start
scs
__scs_entry_jumppad:
0x0: {  	(pc) =	sbr.rel $0x88, $3  }
0x1: {  	(tag) =	ssettag $0x0;
	lr =	simm.s32 $0x1  }
0x2: {  	[smem:$0x3F97] =	sst lr;
	_ =	strace $0xD0000000  }
0x3: {  	_ = 	snop  }
0x4: {  	_ = 	snop  }
0x5: {  	_ = 	snop  }
0x6: {  	_ = 	snop  }
0x7: {  	_ = 	snop  }
__scs_overlays_trampoline_lowered:
0x8: {  	[smem:$0x3FA6] =	sst s0  }
0x9: {  	[smem:$0x3FA7] =	sst s1  }
0xa: {  	[smem:$0x3FA8] =	sst s2  }
0xb: {  	[smem:$0x3FA9] =	sst s3  }
0xc: {  	[smem:$0x3FAA] =	sst s4  }
0xd: {  	[smem:$0x3FAB] =	sst s5  }
0xe: {  	[smem:$0x3FAC] =	sst s6  }
0xf: {  	[smem:$0x3FAD] =	sst s7  }
0x10: {  	[smem:$0x3FAE] =	sst s8  }
0x11: {  	[smem:$0x3FAF] =	sst s9;
	s0 =	simm.s32 @!p0 $0x0  }
0x12: {  	s1 =	sld [smem:$0x3F95];
	s0 =	simm.s32 @p0 $0x1  }
0x13: {  	[smem:$0x3FB0] =	sst s0;
	s0 =	simm.s32 @!p1 $0x0  }
0x14: {  	s2 =	sld [smem:$0x3F94];
	s0 =	simm.s32 @p1 $0x1  }
0x15: {  	[smem:$0x3FB1] =	sst s0;
	s0 =	simm.s32 @!p2 $0x0  }
0x16: {  	s3 =	sld [smem:$0x3FDB];
	s0 =	simm.s32 @p2 $0x1  }
0x17: {  	s4 =	simm.s32 $0x1BF5;
	[smem:$0x3FB3] =	sst s0  }
0x18: {  	s0 =	sld [smem:$0x3F96];
	_ =	swait.ge [sflag:s4], $0x0  }
0x19: {  	s7 =	sld [smem:$0x3F97]  }
0x1a: {  	s8 =	sadd.s32 $0xFFFFE003, lr  }
0x1b: {  	s9 =	sadd.s32 $0xFFFFFEF7, lr;
	s5 =	simm.s32 $0xFFFFFFFF;
	p2 =	slt.u32 s8, $0xFFFFF086  }
0x1c: {  	p1 =	slt.u32 s9, $0xF7A;
	s5 =	simm.s32 @!p2 $0x0  }
0x1d: {  	s5 =	simm.s32 @p1 $0x1;
	p0 =	seq.s32 s7, s2  }
0x1e: {  	s7 =	smul.u32 @!p0 $0xF7A, s2;
	p2 =	seq.s32 @!p0 s5, $0x0  }
0x1f: {  	s9 =	smul.u32 $0xF7A, s1;
	s8 =	simm.s32 @!p0 $0x1BF5;
	p2 =	por !p2, p0  }
0x20: {  	[sflag:s8] =	ssyncset.s32 @!p0 $0xFFFFF086;
	s6 =	sadd.s32 @!p0 s3, s7;
	s7 =	simm.s32 @!p0 $0x108  }
0x21: {  	s3 =	sadd.s32 s3, s9;
	s6 =	sadd.s32 @!p0 $0x88, s6;
	s7 =	simm.s32 @p2 $0x1082  }
0x22: {  	[simem:s7], [sflag:s8] =	dma.local @!p0 [hbm:s6], $0xF7A  }
0x23: {  	s9 =	sor.u32 $0xD0000000, s2;
	s6 =	simm.s32 $0x108;
	_ =	swait.ge @!p0 [sflag:s8], $0x0  }
0x24: {  	s3 =	sadd.s32 $0x88, s3;
	s6 =	simm.s32 @!p1 $0x1082;
	[sflag:s4] =	ssyncset.s32 $0xFFFFF086  }
0x25: {  	[simem:s6], [sflag:s4] =	dma.local [hbm:s3], $0xF7A  }
0x26: {  	[smem:$0x3F97] =	sst s1;
	(tag) =	ssettag s2;
	_ =	strace s9  }
0x27: {  	s1 =	sld [smem:$0x3FA7]  }
0x28: {  	s2 =	sld [smem:$0x3FA8]  }
0x29: {  	s4 =	sld [smem:$0x3FAA]  }
0x2a: {  	p0 =	seq.s32 s5, $0x0;
	s5 =	sld [smem:$0x3FAB]  }
0x2b: {  	s6 =	sld [smem:$0x3FAC]  }
0x2c: {  	s7 =	sld [smem:$0x3FAD]  }
0x2d: {  	s3 =	simm.s32 $0x108;
	s8 =	sld [smem:$0x3FAE]  }
0x2e: {  	s3 =	simm.s32 @!p0 $0x1082;
	s9 =	sld [smem:$0x3FAF]  }
0x2f: {  	lr =	sadd.s32 s0, s3;
	s0 =	sld [smem:$0x3FA6]  }
0x30: {  	s3 =	sld [smem:$0x3FA9]  }
0x31: {  	[smem:$0x3FB2] =	sst s10  }
0x32: {  	s10 =	sld [smem:$0x3FB0];
	_ =	sdelay $0x3  }
0x33: {  	p0 =	seq.s32 s10, $0x1;
	s10 =	sld [smem:$0x3FB2];
	_ =	sdelay $0x3  }
0x34: {  	[smem:$0x3FB2] =	sst s10  }
0x35: {  	s10 =	sld [smem:$0x3FB1];
	_ =	sdelay $0x3  }
0x36: {  	p1 =	seq.s32 s10, $0x1;
	s10 =	sld [smem:$0x3FB2];
	_ =	sdelay $0x3  }
0x37: {  	[smem:$0x3FB2] =	sst s10  }
0x38: {  	s10 =	sld [smem:$0x3FB3]  }
0x39: {  	_ = 	snop;
	(pc) =	sbr.ind lr, $3  }
0x3a: {  	_ = 	snop  }
0x3b: {  	_ = 	snop  }
0x3c: {  	p2 =	seq.s32 s10, $0x1;
	s10 =	sld [smem:$0x3FB2]  }
0x3d: {  	_ =	shalt  }
0x3e: {  	_ =	shalt  }
0x3f: {  	_ =	shalt  }
0x40: {  	_ =	shalt  }
0x41: {  	_ =	shalt  }
0x42: {  	_ =	shalt  }
0x43: {  	_ =	shalt  }
0x44: {  	_ =	shalt  }
0x45: {  	_ =	shalt  }
0x46: {  	_ =	shalt  }
0x47: {  	_ =	shalt  }
0x48: {  	_ =	shalt  }
0x49: {  	_ =	shalt  }
0x4a: {  	_ =	shalt  }
0x4b: {  	_ =	shalt  }
0x4c: {  	_ =	shalt  }
0x4d: {  	_ =	shalt  }
0x4e: {  	_ =	shalt  }
0x4f: {  	_ =	shalt  }
0x50: {  	_ =	shalt  }
0x51: {  	_ =	shalt  }
0x52: {  	_ =	shalt  }
0x53: {  	_ =	shalt  }
0x54: {  	_ =	shalt  }
0x55: {  	_ =	shalt  }
0x56: {  	_ =	shalt  }
0x57: {  	_ =	shalt  }
0x58: {  	_ =	shalt  }
0x59: {  	_ =	shalt  }
0x5a: {  	_ =	shalt  }
0x5b: {  	_ =	shalt  }
0x5c: {  	_ =	shalt  }
0x5d: {  	_ =	shalt  }
0x5e: {  	_ =	shalt  }
0x5f: {  	_ =	shalt  }
0x60: {  	_ =	shalt  }
0x61: {  	_ =	shalt  }
0x62: {  	_ =	shalt  }
0x63: {  	_ =	shalt  }
0x64: {  	_ =	shalt  }
0x65: {  	_ =	shalt  }
0x66: {  	_ =	shalt  }
0x67: {  	_ =	shalt  }
0x68: {  	_ =	shalt  }
0x69: {  	_ =	shalt  }
0x6a: {  	_ =	shalt  }
0x6b: {  	_ =	shalt  }
0x6c: {  	_ =	shalt  }
0x6d: {  	_ =	shalt  }
0x6e: {  	_ =	shalt  }
0x6f: {  	_ =	shalt  }
0x70: {  	_ =	shalt  }
0x71: {  	_ =	shalt  }
0x72: {  	_ =	shalt  }
0x73: {  	_ =	shalt  }
0x74: {  	_ =	shalt  }
0x75: {  	_ =	shalt  }
0x76: {  	_ =	shalt  }
0x77: {  	_ =	shalt  }
0x78: {  	_ =	shalt  }
0x79: {  	_ =	shalt  }
0x7a: {  	_ =	shalt  }
0x7b: {  	_ =	shalt  }
0x7c: {  	_ =	shalt  }
0x7d: {  	_ =	shalt  }
0x7e: {  	_ =	shalt  }
0x7f: {  	_ =	shalt  }
0x80: {  	_ =	shalt  }
0x81: {  	_ =	shalt  }
0x82: {  	_ =	shalt  }
0x83: {  	_ =	shalt  }
0x84: {  	_ =	shalt  }
0x85: {  	_ =	shalt  }
0x86: {  	_ =	shalt  }
0x87: {  	_ =	shalt  }
.Lfunc_end0:
.L_simem_size_0:
called_computation_lowered:
.L_overlay_start_0:
0x88: {  	s2 =	sld [smem:$0x3FD9]  }
0x89: {  	s3 =	sld [smem:$0x3FFE];
	_ =	sdelay $0x1  }
0x8a: {  	s1 =	srdreg.scid  }
0x8b: {  	s0 =	sand.u32 $0x1, s1  }
0x8c: {  	s17 =	sshll.u32 s0, $0xA;
	s2 =	sadd.s32 s3, s2  }
0x8d: {  	s2 =	sadd.s32 s2, s17  }
0x8e: {  	[smem:$0x3FBE] =	sst s2  }
0x8f: {  	_ = 	snop  }
0x90: {  	s2 =	sld [smem:$0x3FD0];
	(tm) =	ssettm $0x1  }
0x91: {  	s18 =	sld [smem:$0x3FFB];
	_ =	sdelay $0x3  }
0x92: {  	_ =	strace s18  }
0x93: {  	s3 =	sld [smem:$0x3FFC];
	_ =	sdelay $0x3  }
0x94: {  	_ =	strace s3  }
0x95: {  	s3 =	sld [smem:$0x3FFD];
	_ =	sdelay $0x3  }
0x96: {  	_ =	strace s3  }
0x97: {  	_ =	strace $0x8FFFFFFF  }
0x98: {  	s19 =	sld [smem:$0x3FDB];
	_ =	sdelay $0x1  }
0x99: {  	s4 =	simm.s32 $_scs_section_size  }
0x9a: {  	s5 =	simm.s32 $_size__tile_overlayer_lowered;
	s6 =	simm.s32 $_tile_overlayer_lowered  }
0x9b: {  	s22 =	simm.s32 $0x1BFF;
	s21 =	sshll.u32 s6, $0x1;
	s3 =	sadd.s32 s4, s19  }
0x9c: {  	s7 =	simm.s32 $0x0;
	s20 =	sshll.u32 s5, $0x1;
	s5 =	sadd.s32 s21, s3  }
0x9d: {  	[timem:s7], [sflag:s22] =	dma.local [hbm:s5], s20  }
0x9e: {  	_ =	swait.ge [sflag:s22], s20  }
0x9f: {  	s4 =	ssub.s32 $0x0, s20;
	[sflag:s22] =	ssyncset.done $0x0  }
0xa0: {  	[sflag:s22] =	ssyncadd.s32 s4;
	_ =	sdelay $0x1  }
0xa1: {  	s23 =	simm.s32 $0x1B8B  }
0xa2: {  	_ =	swait.ge [sflag:s23], $0x1  }
0xa3: {  	[sflag:s23] =	ssyncset.done $0x0  }
0xa4: {  	s25 =	simm.s32 $0x1B8E;
	s24 =	sld [smem:$0x3FFE];
	[sflag:s23] =	ssyncadd.s32 $0xFFFFFFFF  }
0xa5: {  	s26 =	simm.s32 $execute0_lowered;
	[smem:$0x3FD2] =	sst s25  }
0xa6: {  	s5 =	sshll.u32 s26, $0x1;
	_ =	strace $0x80000046;
	[dreg:$0x1] =	wrdreg $0xFFFFFFFF  }
0xa7: {  	s28 =	simm.s32 $_size_execute0_lowered;
	s3 =	sadd.s32 s3, s5;
	[dreg:$0x0] =	wrdreg $0x0  }
0xa8: {  	s5 =	sshll.u32 s28, $0x1;
	[dreg:$0x2] =	wrdreg s3  }
0xa9: {  	[dreg:$0x3] =	wrdreg s5  }
0xaa: {  	[dreg:$0x4] =	wrdreg $0xC0  }
0xab: {  	_ =	task [dreg:s7], $0x5FFFF  }
0xac: {  	[dreg:$0x1] =	wrdreg $0xFFFFFFFF  }
0xad: {  	[dreg:$0x0] =	wrdreg $0x60  }
0xae: {  	[dreg:$0x2] =	wrdreg s24  }
0xaf: {  	[dreg:$0x3] =	wrdreg s2  }
0xb0: {  	[dreg:$0x4] =	wrdreg $0x6FC00  }
0xb1: {  	[dreg:$0x5] =	wrdreg $0x97C00  }
0xb2: {  	[dreg:$0x6] =	wrdreg $0x9  }
0xb3: {  	_ =	task.clear_ibuf [dreg:s7], $0x7FFFF;
	_ =	strace $0x90000046  }
0xb4: {  	s29 =	simm.s32 $0x9;
	_ =	strace $0x80000048  }
0xb5: {  	_ =	swait.ge [sflag:s29], $0x1  }
0xb6: {  	[sflag:s29] =	ssyncadd.s32 $0xFFFFFFFF  }
0xb7: {  	_ =	strace $0x90000048  }
0xb8: {  	_ =	sfence  }
0xb9: {  	s30 =	sld [smem:$0x0];
	_ =	sdelay $0x2  }
0xba: {  	s31 =	sshll.u32 s1, $0xD;
	s1 =	sshrl.u32 s1, $0x2  }
0xbb: {  	s3 =	sand.u32 $0x4000, s31;
	s1 =	sadd.s32 s1, s30  }
0xbc: {  	s0 =	sor.u32 s3, s0;
	s1 =	sshll.u32 s1, $0x11  }
0xbd: {  	s0 =	sor.u32 s1, s0  }
0xbe: {  	s0 =	sadd.s32 $0x8F2B, s0  }
0xbf: {  	[sflag:s0] =	ssyncadd.remote.s32 $0x1  }
0xc0: {  	_ =	sfence.sel $0xFFFF  }
0xc1: {  	[dreg:$0x0] =	wrdreg $0xFFFFFFFF;
	(pc) =	sbr.abs _section_cstart, $3  }
0xc2: {  	[dreg:$0x1] =	wrdreg $0xFFFFFFFF  }
0xc3: {  	_ =	task.clear_ibuf [dreg:s7], $0x2FFFF;
	_ =	strace $0x9FFFFFFF  }
0xc4: {  	(tm) =	ssettm $0x7FFFFFFF  }
0xc5: {  	_ =	shalt  }
tec
execute0_lowered:
.L_overlay_start_1:
0x0: {  	(tag) =	ssettag $0x1  }
0x1: {  	s0 =	rddreg [dreg:$0x0]  }
0x2: {  	s24 =	rddreg [dreg:$0x1]  }
0x3: {  	s2 =	rddreg [dreg:$0x2]  }
0x4: {  	s3 =	rddreg [dreg:$0x3]  }
0x5: {  	s4 =	simm.s32 $0x0;
	s26 =	stileid.u32;
	s23 =	srdreg.scid  }
0x6: {  	s31 =	simm.s32 $0x0;
	[smem:$0x7FF] =	sst s4;
	s5 =	sadd.s32 $0xB2C00, s0  }
0x7: {  	s6 =	sadd.s32 $0xB7E00, s0;
	s8 =	sadd.s32 $0x16400, s0;
	s9 =	sadd.s32 $0x1B400, s0  }
0x8: {  	s1 =	sadd.s32 $0xB7C00, s0;
	s11 =	sadd.s32 $0x64800, s0;
	s12 =	sadd.s32 $0x8BA00, s0  }
0x9: {  	s7 =	smul.u32 $0x14000, s26;
	s13 =	sadd.s32 $0xC600, s0;
	s14 =	sadd.s32 $0x2800, s0  }
0xa: {  	s10 =	sand.u32 $0x1, s23;
	s16 =	smul.u32 $0x280, s26;
	s29 =	sadd.s32 $0x20400, s0  }
0xb: {  	_ =	strace $0x80000047;
	[dreg:$0x5] =	wrdreg s1;
	s15 =	ssub.s32 $0x2, s10  }
0xc: {  	p0 =	seq.s32 s10, $0x1;
	[dreg:$0x6] =	wrdreg s29;
	s25 =	sshrl.u32 s7, $0x3  }
0xd: {  	s1 =	sshrl.u32 s15, $0x1;
	s18 =	sadd.s32 s7, s3;
	s7 =	sor.u32 $0x50, s16  }
0xe: {  	s17 =	sadd.s32 s25, s0;
	s1 =	ssub.s32 s15, s1;
	[dreg:$0x7] =	wrdreg s18  }
0xf: {  	s19 =	sshll.u32 s7, $0x4;
	s20 =	sshll.u32 s7, $0x7;
	s18 =	sadd.s32 $0xA0, s16  }
0x10: {  	s15 =	sadd.s32 $0xF0, s16;
	s0 =	sadd.s32 s19, s2;
	s21 =	sadd.s32 s20, s3  }
0x11: {  	s22 =	sshll.u32 s18, $0x4;
	s23 =	sshll.u32 s18, $0x7;
	[dreg:$0x8] =	wrdreg s0  }
0x12: {  	s10 =	sshll.u32 s15, $0x4;
	s1 =	smax.u32 s1, $0x1;
	[dreg:$0x9] =	wrdreg s21  }
0x13: {  	s19 =	sshll.u32 s15, $0x7;
	s0 =	sadd.s32 s22, s2;
	[smem:$0x7FD] =	sst s1  }
0x14: {  	s15 =	sshll.u32 s15, $0x1;
	s25 =	sadd.s32 s23, s3;
	[dreg:$0xa] =	wrdreg s0  }
0x15: {  	[dreg:$0xb] =	wrdreg s25;
	s0 =	sadd.s32 s10, s2;
	s10 =	sadd.s32 $0x140, s16  }
0x16: {  	[dreg:$0xc] =	wrdreg s0;
	s0 =	sadd.s32 s19, s3;
	s20 =	sshll.u32 s10, $0x4  }
0x17: {  	s19 =	sshll.u32 s10, $0x7;
	[dreg:$0xd] =	wrdreg s0;
	s0 =	sadd.s32 s20, s2  }
0x18: {  	s21 =	sadd.s32 s19, s3;
	s19 =	sadd.s32 $0x190, s16;
	[dreg:$0xe] =	wrdreg s0  }
0x19: {  	[dreg:$0xf] =	wrdreg s21;
	s22 =	sshll.u32 s19, $0x4;
	s20 =	sshll.u32 s19, $0x7  }
0x1a: {  	s21 =	sadd.s32 $0x1E0, s16;
	s16 =	sadd.s32 $0x230, s16;
	s25 =	sadd.s32 s22, s2  }
0x1b: {  	s23 =	sadd.s32 s20, s3;
	s20 =	sshll.u32 s21, $0x4;
	s0 =	sshll.u32 s21, $0x7  }
0x1c: {  	s22 =	sshll.u32 s16, $0x4;
	[dreg:$0x10] =	wrdreg s23;
	s0 =	sadd.s32 s0, s3  }
0x1d: {  	s23 =	sshll.u32 s16, $0x7;
	s16 =	sshll.u32 s16, $0x1;
	[dreg:$0x11] =	wrdreg s0  }
0x1e: {  	s30 =	sadd.s32 s22, s2;
	s22 =	sadd.s32 s23, s3;
	[dreg:$0x13] =	wrdreg s16  }
0x1f: {  	s28 =	sadd.s32 s20, s2;
	s23 =	sadd.s32 $0x25400, s17;
	[dreg:$0x12] =	wrdreg s22  }
0x20: {  	s20 =	smul.u32 $0x2800, s26;
	s17 =	sadd.s32 $0xBCE00, s17;
	[dreg:$0x14] =	wrdreg s23  }
0x21: {  	s7 =	sshll.u32 s7, $0x1;
	s16 =	sadd.s32 s29, s15;
	[dreg:$0x15] =	wrdreg s17  }
0x22: {  	s0 =	sadd.s32 s20, s2;
	s17 =	sadd.s32 s24, s7;
	[dreg:$0x1d] =	wrdreg s16  }
0x23: {  	s20 =	sshrl.u32 s20, $0x3;
	s7 =	sadd.s32 s29, s7;
	[dreg:$0x18] =	wrdreg s17  }
0x24: {  	s18 =	sshll.u32 s18, $0x1;
	s22 =	sadd.s32 s24, s20;
	[dreg:$0x19] =	wrdreg s7  }
0x25: {  	s10 =	sshll.u32 s10, $0x1;
	s23 =	sadd.s32 s29, s20;
	[dreg:$0x16] =	wrdreg s22  }
0x26: {  	s19 =	sshll.u32 s19, $0x1;
	s20 =	sadd.s32 s24, s18;
	[dreg:$0x17] =	wrdreg s23  }
0x27: {  	s21 =	sshll.u32 s21, $0x1;
	s17 =	sadd.s32 s24, s10;
	[dreg:$0x1a] =	wrdreg s20  }
0x28: {  	s22 =	sadd.s32 s29, s18;
	s23 =	sadd.s32 s24, s15;
	[dreg:$0x1e] =	wrdreg s17  }
0x29: {  	s18 =	sadd.s32 s29, s10;
	s20 =	sadd.s32 s24, s19;
	[dreg:$0x1b] =	wrdreg s22  }
0x2a: {  	s15 =	smul.u32 $0x4E20, s26;
	s10 =	simm.s32 $0x2;
	[dreg:$0x1c] =	wrdreg s23  }
.Ltmp0:
0x2b: {  	s26 =	simm.s32 $0xB40;
	[dreg:$0x1f] =	wrdreg s18;
	(pc) =	sbr.rel .LBB2_1-.Ltmp0, $4  }
0x2c: {  	[smem:$0x7F9] =	sst s20;
	s22 =	sadd.s32 s29, s19;
	s23 =	sadd.s32 s24, s21  }
0x2d: {  	s24 =	sadd.s32 s29, s21;
	s18 =	simm.s32 $0x1540;
	[smem:$0x7FA] =	sst s22  }
0x2e: {  	s20 =	simm.s32 $0x1F40;
	s29 =	simm.s32 $0x1;
	[smem:$0x7FB] =	sst s23  }
0x2f: {  	v0 =	vimm.f32 $0.0e+00;
	[smem:$0x7FC] =	sst s24;
	s22 =	simm.s32 $0xA0;
	s24 =	simm.s32 $0x140  }
.LBB2_46:
0x30: {  	s7 =	rddreg [dreg:$0x13]  }
0x31: {  	s1 =	sadd.s32 s1, s7  }
0x32: {  	[hbm4b:s1+s4] =	stream.linear.scatter [tilespmem:s18], [sflag:$0x2], $0x500, $0x38;
	[tilespmem:$0x1D7C0] =	vst v63  }
0x33: {  	_ =	swait.ge [sflag:s10], $0x500  }
0x34: {  	s23 =	sld [smem:$0x7FD];
	_ =	sdelay $0x1  }
0x35: {  	s31 =	sadd.s32 $0x1, s31  }
0x36: {  	p1 =	sne.s32 s31, s23  }
.Ltmp1:
0x37: {  	_ = 	snop;
	(pc) =	sbr.rel @!p1 .LBB2_47-.Ltmp1, $3  }
0x38: {  	_ =	sdelay $0x1  }
0x39: {  	[sflag:s10] =	ssyncset.done $0x0  }
0x3a: {  	[sflag:s10] =	ssyncadd.s32 $0xFFFFFB00  }
.LBB2_1:
0x3b: {  	s1 =	rddreg [dreg:$0x5];
	s7 =	simm.s32 $0x6F40  }
0x3c: {  	[tilespmem:s7], [sflag:$0x2] =	stream.linear.gather [hbm4b:s1+s4], $0x80, $0x38;
	[tilespmem:$0x1D7C0] =	vst v63  }
0x3d: {  	_ =	swait.ge [sflag:s10], $0x80  }
0x3e: {  	[sflag:s10] =	ssyncset.done $0x0  }
0x3f: {  	s23 =	simm.s32 $0x0;
	[sflag:s10] =	ssyncadd.s32 $0xFFFFFF80  }
0x40: {  	s1 =	simm.s32 $0x1F80;
	s7 =	simm.s32 $0x40;
	[tilespmem:s23+$0x1540] =	vst v0  }
.LBB2_2:
0x41: {  	p1 =	sne.s32 s7, $0x13C0;
	[tilespmem:s1+$0xFFFFFFC0] =	vst v0  }
0x42: {  	[tilespmem:s1+$0xFFFFFFD0] =	vst v0  }
0x43: {  	[tilespmem:s1+$0xFFFFFFE0] =	vst v0  }
0x44: {  	[tilespmem:s1+$0xFFFFFFF0] =	vst v0  }
.Ltmp2:
0x45: {  	[tilespmem:s1+$0x0] =	vst v0;
	(pc) =	sbr.rel @p1 .LBB2_2-.Ltmp2, $4  }
0x46: {  	[tilespmem:s1+$0x10] =	vst v0  }
0x47: {  	[tilespmem:s1+$0x20] =	vst v0  }
0x48: {  	s16 =	sshra.s32 s7, $0x2;
	[tilespmem:s1+$0x30] =	vst v0  }
0x49: {  	s7 =	sadd.s32 $0x40, s7;
	s1 =	sadd.s32 $0x80, s1;
	[tilespmem:s16+$0x1540] =	vst v0  }
0x4a: {  	[tilespmem:s1+$0xFFFFFFC0] =	vst v0  }
0x4b: {  	[tilespmem:s1+$0xFFFFFFD0] =	vst v0  }
0x4c: {  	[tilespmem:s1+$0xFFFFFFE0] =	vst v0  }
0x4d: {  	[tilespmem:s1+$0xFFFFFFF0] =	vst v0  }
0x4e: {  	[tilespmem:s1+$0x0] =	vst v0  }
0x4f: {  	[tilespmem:s1+$0x10] =	vst v0  }
0x50: {  	[tilespmem:s1+$0x20] =	vst v0  }
0x51: {  	[tilespmem:s1+$0x30] =	vst v0  }
0x52: {  	[spmem:s0] =	stream.linear.scatter [tilespmem:s18], [sflag:$0x2], $0x500, $0x38;
	[tilespmem:$0x1D7C0] =	vst v63  }
0x53: {  	_ =	swait.ge [sflag:s10], $0x500  }
0x54: {  	[sflag:s10] =	ssyncset.done $0x0  }
0x55: {  	s7 =	rddreg [dreg:$0x7];
	[sflag:s10] =	ssyncadd.s32 $0xFFFFFB00  }
0x56: {  	[spmem:s7] =	stream.linear.scatter [tilespmem:s20], [sflag:$0x2], $0x2800, $0x38;
	[tilespmem:$0x1D7C0] =	vst v63  }
0x57: {  	_ =	swait.ge [sflag:s10], $0x2800  }
0x58: {  	[sflag:s10] =	ssyncset.done $0x0  }
0x59: {  	s16 =	rddreg [dreg:$0x8];
	[sflag:s10] =	ssyncadd.s32 $0xFFFFD800  }
0x5a: {  	[spmem:s16] =	stream.linear.scatter [tilespmem:s18], [sflag:$0x2], $0x500, $0x38;
	[tilespmem:$0x1D7C0] =	vst v63  }
0x5b: {  	_ =	swait.ge [sflag:s10], $0x500  }
0x5c: {  	[sflag:s10] =	ssyncset.done $0x0  }
0x5d: {  	s17 =	rddreg [dreg:$0x9];
	[sflag:s10] =	ssyncadd.s32 $0xFFFFFB00  }
0x5e: {  	[spmem:s17] =	stream.linear.scatter [tilespmem:s20], [sflag:$0x2], $0x2800, $0x38;
	[tilespmem:$0x1D7C0] =	vst v63  }
0x5f: {  	_ =	swait.ge [sflag:s10], $0x2800  }
0x60: {  	[sflag:s10] =	ssyncset.done $0x0  }
0x61: {  	s19 =	rddreg [dreg:$0xa];
	[sflag:s10] =	ssyncadd.s32 $0xFFFFD800  }
0x62: {  	[spmem:s19] =	stream.linear.scatter [tilespmem:s18], [sflag:$0x2], $0x500, $0x38;
	[tilespmem:$0x1D7C0] =	vst v63  }
0x63: {  	_ =	swait.ge [sflag:s10], $0x500  }
0x64: {  	[sflag:s10] =	ssyncset.done $0x0  }
0x65: {  	s21 =	rddreg [dreg:$0xb];
	[sflag:s10] =	ssyncadd.s32 $0xFFFFFB00  }
0x66: {  	[spmem:s21] =	stream.linear.scatter [tilespmem:s20], [sflag:$0x2], $0x2800, $0x38;
	[tilespmem:$0x1D7C0] =	vst v63  }
0x67: {  	_ =	swait.ge [sflag:s10], $0x2800  }
0x68: {  	[sflag:s10] =	ssyncset.done $0x0  }
0x69: {  	s23 =	rddreg [dreg:$0xc];
	[sflag:s10] =	ssyncadd.s32 $0xFFFFD800  }
0x6a: {  	[spmem:s23] =	stream.linear.scatter [tilespmem:s18], [sflag:$0x2], $0x500, $0x38;
	[tilespmem:$0x1D7C0] =	vst v63  }
0x6b: {  	_ =	swait.ge [sflag:s10], $0x500  }
0x6c: {  	[sflag:s10] =	ssyncset.done $0x0  }
0x6d: {  	s7 =	rddreg [dreg:$0xd];
	[sflag:s10] =	ssyncadd.s32 $0xFFFFFB00  }
0x6e: {  	[spmem:s7] =	stream.linear.scatter [tilespmem:s20], [sflag:$0x2], $0x2800, $0x38;
	[tilespmem:$0x1D7C0] =	vst v63  }
0x6f: {  	_ =	swait.ge [sflag:s10], $0x2800  }
0x70: {  	[sflag:s10] =	ssyncset.done $0x0  }
0x71: {  	s16 =	rddreg [dreg:$0xe];
	[sflag:s10] =	ssyncadd.s32 $0xFFFFD800  }
0x72: {  	[spmem:s16] =	stream.linear.scatter [tilespmem:s18], [sflag:$0x2], $0x500, $0x38;
	[tilespmem:$0x1D7C0] =	vst v63  }
0x73: {  	_ =	swait.ge [sflag:s10], $0x500  }
0x74: {  	[sflag:s10] =	ssyncset.done $0x0  }
0x75: {  	s17 =	rddreg [dreg:$0xf];
	[sflag:s10] =	ssyncadd.s32 $0xFFFFFB00  }
0x76: {  	[spmem:s17] =	stream.linear.scatter [tilespmem:s20], [sflag:$0x2], $0x2800, $0x38;
	[tilespmem:$0x1D7C0] =	vst v63  }
0x77: {  	_ =	swait.ge [sflag:s10], $0x2800  }
0x78: {  	[sflag:s10] =	ssyncset.done $0x0  }
0x79: {  	[sflag:s10] =	ssyncadd.s32 $0xFFFFD800  }
0x7a: {  	[spmem:s25] =	stream.linear.scatter [tilespmem:s18], [sflag:$0x2], $0x500, $0x38;
	[tilespmem:$0x1D7C0] =	vst v63  }
0x7b: {  	_ =	swait.ge [sflag:s10], $0x500  }
0x7c: {  	[sflag:s10] =	ssyncset.done $0x0  }
0x7d: {  	s19 =	rddreg [dreg:$0x10];
	[sflag:s10] =	ssyncadd.s32 $0xFFFFFB00  }
0x7e: {  	[spmem:s19] =	stream.linear.scatter [tilespmem:s20], [sflag:$0x2], $0x2800, $0x38;
	[tilespmem:$0x1D7C0] =	vst v63  }
0x7f: {  	_ =	swait.ge [sflag:s10], $0x2800  }
0x80: {  	[sflag:s10] =	ssyncset.done $0x0  }
0x81: {  	[sflag:s10] =	ssyncadd.s32 $0xFFFFD800  }
0x82: {  	[spmem:s28] =	stream.linear.scatter [tilespmem:s18], [sflag:$0x2], $0x500, $0x38;
	[tilespmem:$0x1D7C0] =	vst v63  }
0x83: {  	_ =	swait.ge [sflag:s10], $0x500  }
0x84: {  	[sflag:s10] =	ssyncset.done $0x0  }
0x85: {  	s21 =	rddreg [dreg:$0x11];
	[sflag:s10] =	ssyncadd.s32 $0xFFFFFB00  }
0x86: {  	[spmem:s21] =	stream.linear.scatter [tilespmem:s20], [sflag:$0x2], $0x2800, $0x38;
	[tilespmem:$0x1D7C0] =	vst v63  }
0x87: {  	_ =	swait.ge [sflag:s10], $0x2800  }
0x88: {  	[sflag:s10] =	ssyncset.done $0x0  }
0x89: {  	[sflag:s10] =	ssyncadd.s32 $0xFFFFD800  }
0x8a: {  	[spmem:s30] =	stream.linear.scatter [tilespmem:s18], [sflag:$0x2], $0x500, $0x38;
	[tilespmem:$0x1D7C0] =	vst v63  }
0x8b: {  	_ =	swait.ge [sflag:s10], $0x500  }
0x8c: {  	[sflag:s10] =	ssyncset.done $0x0  }
0x8d: {  	s23 =	rddreg [dreg:$0x12];
	[sflag:s10] =	ssyncadd.s32 $0xFFFFFB00  }
0x8e: {  	[spmem:s23] =	stream.linear.scatter [tilespmem:s20], [sflag:$0x2], $0x2800, $0x38;
	[tilespmem:$0x1D7C0] =	vst v63  }
.Ltmp3:
0x8f: {  	_ =	swait.ge [sflag:s10], $0x2800;
	(pc) =	sbr.rel @!p0 .LBB2_4-.Ltmp3, $3  }
0x90: {  	[sflag:s10] =	ssyncset.done $0x0  }
0x91: {  	[sflag:s10] =	ssyncadd.s32 $0xFFFFD800  }
0x92: {  	[bflag:$0x0] =	sbarrier.arrive $0xFFFF;
	_ =	sdelay $0x1  }
0x93: {  	v1 =	vld [tilespmem:$0x6F60]  }
0x94: {  	v2 =	vld [tilespmem:$0x6F70];
	_ =	sdelay $0x4  }
0x95: {  	v1 =	vadd.f32 v2, v1;
	_ =	sdelay $0x1  }
0x96: {  	s1 =	simm.s32 $0x0;
	v1 =	vmax.f32 v1, $0.0e+00  }
.LBB2_26:
0x97: {  	s7 =	smul.u32 $0xA0, s1;
	_ =	sdelay $0x1  }
0x98: {  	s7 =	sadd.s32 s15, s7  }
0x99: {  	s7 =	sshrl.u32 s7, $0x3  }
0x9a: {  	s16 =	sadd.s32 s13, s7  }
0x9b: {  	[tilespmem:s4], [sflag:$0x2] =	stream.linear.gather [hbm4b:s16+s4], $0xA0, $0x38;
	[tilespmem:$0x1D7C0] =	vst v63  }
0x9c: {  	_ =	swait.ge [sflag:s10], $0xA0  }
0x9d: {  	[sflag:s10] =	ssyncset.done $0x0  }
0x9e: {  	[sflag:s10] =	ssyncadd.s32 $0xFFFFFF60  }
0x9f: {  	[tilespmem:s24], [sflag:$0x1] =	stream.indirect.gather [hbm4b:s8+s22], $0x10, s4, s22, $0xb8;
	[tilespmem:$0x1D7C0] =	vst v63  }
0xa0: {  	_ = 	snop  }
0xa1: {  	[tilespmem:s20], [sflag:$0x1] =	stream.indirect.gather [hbm4b:s12+s22], $0x80, s4, s22, $0xb8;
	[tilespmem:$0x1D7C0] =	vst v63  }
0xa2: {  	s7 =	sadd.s32 s14, s7  }
0xa3: {  	[tilespmem:s22], [sflag:$0x2] =	stream.linear.gather [hbm4b:s7+s4], $0xA0, $0x38;
	[tilespmem:$0x1D7C0] =	vst v63  }
0xa4: {  	_ =	swait.ge [sflag:s10], $0xA0  }
0xa5: {  	[sflag:s10] =	ssyncset.done $0x0  }
0xa6: {  	[sflag:s10] =	ssyncadd.s32 $0xFFFFFF60  }
0xa7: {  	[tilespmem:s26], [sflag:$0x1] =	stream.indirect.gather [hbm4b:s9+s22], $0x10, s22, s22, $0xb8;
	[tilespmem:$0x1D7C0] =	vst v63  }
0xa8: {  	_ =	swait.ge [sflag:s29], $0xA00  }
0xa9: {  	[sflag:s29] =	ssyncset.done $0x0  }
0xaa: {  	[sflag:s29] =	ssyncadd.s32 $0xFFFFF600  }
0xab: {  	_ =	swait.ge [sflag:s29], $0xA00  }
0xac: {  	[sflag:s29] =	ssyncset.done $0x0  }
0xad: {  	[sflag:s29] =	ssyncadd.s32 $0xFFFFF600  }
0xae: {  	_ =	swait.ge [sflag:s29], $0x5000  }
0xaf: {  	[sflag:s29] =	ssyncset.done $0x0  }
0xb0: {  	s21 =	simm.s32 $0x160;
	[sflag:s29] =	ssyncadd.s32 $0xFFFFB000  }
0xb1: {  	s23 =	simm.s32 $0xB60;
	v2 =	vld [tilespmem:s21+$0x10]  }
0xb2: {  	v3 =	vld [tilespmem:s23+$0x10]  }
0xb3: {  	v4 =	vld [tilespmem:s23+$0xFFFFFFE0]  }
0xb4: {  	v5 =	vld [tilespmem:s21+$0xFFFFFFF0]  }
0xb5: {  	v6 =	vld [tilespmem:s23+$0xFFFFFFF0]  }
0xb6: {  	v7 =	vld [tilespmem:s21+$0x0]  }
0xb7: {  	v8 =	vld [tilespmem:s23+$0x0];
	v2 =	vadd.f32 v3, v2  }
0xb8: {  	v3 =	vld [tilespmem:s21+$0xFFFFFFE0]  }
0xb9: {  	v9 =	vmul.f32 $2.000000030e-01, v2  }
0xba: {  	v5 =	vadd.f32 v6, v5;
	vm0 =	vge.f32 v2, $0.0e+00  }
0xbb: {  	v2 =	vsel vm0, v2, v9  }
0xbc: {  	v6 =	vadd.f32 v8, v7;
	v7 =	vmul.f32 $2.000000030e-01, v5;
	v2 =	vsub.f32 v2, v1  }
0xbd: {  	vm11 =	vge.f32 v5, $0.0e+00;
	v3 =	vadd.f32 v4, v3  }
0xbe: {  	v5 =	vsel vm11, v5, v7;
	v4 =	vmul.f32 $2.000000030e-01, v6;
	v2 =	vmul.f32 $1.442695020e+00, v2  }
0xbf: {  	vm1 =	vge.f32 v6, $0.0e+00;
	v5 =	vsub.f32 v5, v1;
	v8 =	vmul.f32 $2.000000030e-01, v3  }
0xc0: {  	vm12 =	vge.f32 v3, $0.0e+00;
	v4 =	vsel vm1, v6, v4;
	(erf) = vpow2.f32 v2  }
0xc1: {  	v2 =	vsel vm12, v3, v8;
	v3 =	vsub.f32 v4, v1;
	v4 =	vmul.f32 $1.442695020e+00, v5  }
0xc2: {  	v2 =	vsub.f32 v2, v1  }
0xc3: {  	v3 =	vmul.f32 $1.442695020e+00, v3;
	(erf) = vpow2.f32 v4  }
0xc4: {  	s19 =	simm.s32 $0x1A0;
	v2 =	vmul.f32 $1.442695020e+00, v2  }
0xc5: {  	s16 =	simm.s32 $0xBA0;
	v19 =	vld [tilespmem:s19+$0x10];
	(erf) = vpow2.f32 v3  }
0xc6: {  	v20 =	vld [tilespmem:s16+$0x10];
	(erf) = vpow2.f32 v2  }
0xc7: {  	v21 =	vld [tilespmem:s16+$0xFFFFFFE0]  }
0xc8: {  	v22 =	vld [tilespmem:s19+$0xFFFFFFF0]  }
0xc9: {  	s17 =	simm.s32 $0x1560;
	v23 =	vld [tilespmem:s16+$0xFFFFFFF0];
	v5 =	vpop (erf)  }
0xca: {  	s7 =	simm.s32 $0x2040;
	v24 =	vld [tilespmem:s19+$0x0];
	[tilespmem:s17+$0x10] =	vst v5  }
0xcb: {  	v2 =	vld [tilespmem:s7+$0xF0]  }
0xcc: {  	v3 =	vld [tilespmem:s7+$0x80];
	v4 =	vpop (erf)  }
0xcd: {  	v7 =	vld [tilespmem:s7+$0x90];
	[tilespmem:s17+$0xFFFFFFF0] =	vst v4  }
0xce: {  	v6 =	vpop (erf);
	v10 =	vld [tilespmem:s7+$0xFFFFFF80]  }
0xcf: {  	v18 =	vld [tilespmem:s7+$0xFFFFFF90];
	v9 =	vpop (erf)  }
0xd0: {  	v19 =	vadd.f32 v20, v19;
	v20 =	vld [tilespmem:s7+$0xFFFFFFA0];
	[tilespmem:s17+$0xFFFFFFE0] =	vst v9  }
0xd1: {  	v11 =	vld [tilespmem:s7+$0xFFFFFF00]  }
0xd2: {  	v12 =	vld [tilespmem:s7+$0xFFFFFF10]  }
0xd3: {  	v13 =	vld [tilespmem:s7+$0xFFFFFF20]  }
0xd4: {  	v14 =	vld [tilespmem:s7+$0xFFFFFF30];
	v2 =	vmul.f32 v2, v5  }
0xd5: {  	[tilespmem:s17+$0x0] =	vst v6;
	v15 =	vld [tilespmem:s7+$0xFFFFFF40];
	v3 =	vmul.f32 v5, v3  }
0xd6: {  	v16 =	vld [tilespmem:s7+$0xFFFFFF50];
	v10 =	vmul.f32 v4, v10;
	[tilespmem:s7+$0xF0] =	vst v2  }
0xd7: {  	v17 =	vld [tilespmem:s7+$0xFFFFFF60];
	[tilespmem:s7+$0x80] =	vst v3;
	v11 =	vmul.f32 v9, v11  }
0xd8: {  	v7 =	vmul.f32 v5, v7;
	v18 =	vmul.f32 v4, v18;
	[tilespmem:s7+$0xFFFFFF80] =	vst v10;
	v10 =	vld [tilespmem:s16+$0x0]  }
0xd9: {  	v3 =	vmul.f32 v4, v20;
	v12 =	vmul.f32 v9, v12;
	[tilespmem:s7+$0xFFFFFF00] =	vst v11;
	v11 =	vld [tilespmem:s7+$0xFFFFFF70]  }
0xda: {  	[tilespmem:s7+$0xFFFFFF90] =	vst v18;
	v18 =	vld [tilespmem:s19+$0xFFFFFFE0];
	v13 =	vmul.f32 v9, v13;
	v2 =	vmul.f32 v14, v9  }
0xdb: {  	v8 =	vld [tilespmem:s7+$0xA0];
	v14 =	vmul.f32 $2.000000030e-01, v19;
	[tilespmem:s7+$0xFFFFFF10] =	vst v12;
	v12 =	vmul.f32 v15, v9;
	v15 =	vadd.f32 v23, v22  }
0xdc: {  	vm13 =	vge.f32 v19, $0.0e+00;
	v16 =	vmul.f32 v16, v9;
	v17 =	vmul.f32 v17, v9;
	v22 =	vld [tilespmem:s7+$0xFFFFFFB0];
	[tilespmem:s7+$0xFFFFFF20] =	vst v13  }
0xdd: {  	v14 =	vsel vm13, v19, v14;
	v19 =	vld [tilespmem:s7+$0xFFFFFFC0];
	[tilespmem:s7+$0xFFFFFF30] =	vst v2;
	v10 =	vadd.f32 v10, v24;
	v2 =	vmul.f32 $2.000000030e-01, v15  }
0xde: {  	v13 =	vld [tilespmem:s7+$0xFFFFFFD0];
	[tilespmem:s7+$0xFFFFFF50] =	vst v16;
	vm14 =	vge.f32 v15, $0.0e+00;
	v9 =	vmul.f32 v11, v9;
	v11 =	vsub.f32 v14, v1  }
0xdf: {  	v16 =	vld [tilespmem:s7+$0x0];
	[tilespmem:s7+$0xFFFFFF40] =	vst v12;
	v12 =	vmul.f32 $2.000000030e-01, v10;
	v2 =	vsel vm14, v15, v2;
	v14 =	vadd.f32 v21, v18  }
0xe0: {  	[tilespmem:s7+$0xFFFFFF60] =	vst v17;
	v17 =	vld [tilespmem:s7+$0x60];
	vm15 =	vge.f32 v10, $0.0e+00;
	v2 =	vsub.f32 v2, v1;
	v11 =	vmul.f32 $1.442695020e+00, v11  }
0xe1: {  	[tilespmem:s7+$0x90] =	vst v7;
	v18 =	vld [tilespmem:s7+$0xFFFFFFE0];
	v7 =	vmul.f32 v22, v4;
	v10 =	vsel vm15, v10, v12;
	v15 =	vmul.f32 $2.000000030e-01, v14  }
0xe2: {  	[tilespmem:s7+$0xFFFFFFA0] =	vst v3;
	v21 =	vld [tilespmem:s7+$0xFFFFFFF0];
	vm2 =	vge.f32 v14, $0.0e+00;
	v10 =	vsub.f32 v10, v1;
	(erf) = vpow2.f32 v11  }
0xe3: {  	v3 =	vmul.f32 v13, v4;
	v13 =	vld [tilespmem:s7+$0xC0];
	[tilespmem:s7+$0xFFFFFF70] =	vst v9;
	v2 =	vmul.f32 $1.442695020e+00, v2;
	v9 =	vsel vm2, v14, v15  }
0xe4: {  	v8 =	vmul.f32 v5, v8;
	v12 =	vld [tilespmem:s7+$0x20];
	v10 =	vmul.f32 $1.442695020e+00, v10;
	v9 =	vsub.f32 v9, v1  }
0xe5: {  	[tilespmem:s7+$0xFFFFFFB0] =	vst v7;
	v7 =	vld [tilespmem:s7+$0x70];
	(erf) = vpow2.f32 v2;
	v2 =	vmul.f32 v19, v4  }
0xe6: {  	[tilespmem:s7+$0xA0] =	vst v8;
	v11 =	vld [tilespmem:s7+$0x10];
	v8 =	vmul.f32 $1.442695020e+00, v9  }
0xe7: {  	v14 =	vld [tilespmem:s7+$0x30];
	(erf) = vpow2.f32 v10;
	[tilespmem:s7+$0xFFFFFFC0] =	vst v2;
	v2 =	vmul.f32 v18, v4  }
0xe8: {  	v17 =	vmul.f32 v17, v6;
	v15 =	vld [tilespmem:s7+$0x40];
	(erf) = vpow2.f32 v8  }
0xe9: {  	[tilespmem:s7+$0xFFFFFFD0] =	vst v3;
	v9 =	vld [tilespmem:s7+$0x50]  }
0xea: {  	[tilespmem:s7+$0x60] =	vst v17;
	v18 =	vld [tilespmem:s7+$0xD0]  }
0xeb: {  	s19 =	simm.s32 $0x15A0;
	v3 =	vmul.f32 v21, v4;
	v4 =	vmul.f32 v6, v16;
	v16 =	vld [tilespmem:s7+$0xE0];
	[tilespmem:s7+$0xFFFFFFE0] =	vst v2;
	v2 =	vpop (erf)  }
0xec: {  	s17 =	simm.s32 $0x2240;
	v12 =	vmul.f32 v6, v12;
	v8 =	vld [tilespmem:s7+$0xB0];
	[tilespmem:s19+$0x10] =	vst v2  }
0xed: {  	[tilespmem:s7+$0xFFFFFFF0] =	vst v3;
	v10 =	vmul.f32 v6, v11;
	v11 =	vld [tilespmem:s17+$0xF0]  }
0xee: {  	[tilespmem:s7+$0x20] =	vst v12;
	v19 =	vld [tilespmem:s17+$0x80]  }
0xef: {  	[tilespmem:s7+$0x0] =	vst v4;
	v4 =	vpop (erf);
	v20 =	vld [tilespmem:s17+$0x90]  }
0xf0: {  	[tilespmem:s19+$0xFFFFFFF0] =	vst v4;
	v21 =	vld [tilespmem:s17+$0xA0];
	v3 =	vpop (erf)  }
0xf1: {  	v14 =	vmul.f32 v14, v6;
	[tilespmem:s7+$0x10] =	vst v10;
	v12 =	vld [tilespmem:s17+$0xFFFFFF80];
	v10 =	vpop (erf)  }
0xf2: {  	v15 =	vmul.f32 v15, v6;
	v22 =	vld [tilespmem:s17+$0xFFFFFF90];
	[tilespmem:s19+$0xFFFFFFE0] =	vst v10  }
0xf3: {  	[tilespmem:s7+$0x30] =	vst v14;
	v63 =	vmul.f32 v9, v6;
	v23 =	vld [tilespmem:s17+$0xFFFFFF00]  }
0xf4: {  	[tilespmem:s7+$0x40] =	vst v15;
	v9 =	vmul.f32 v7, v6;
	v6 =	vmul.f32 v13, v5;
	v25 =	vld [tilespmem:s17+$0xFFFFFF10]  }
0xf5: {  	v7 =	vmul.f32 v18, v5;
	[tilespmem:s7+$0x50] =	vst v63;
	v11 =	vmul.f32 v11, v2;
	v26 =	vld [tilespmem:s17+$0xFFFFFF20]  }
0xf6: {  	v8 =	vmul.f32 v8, v5;
	[tilespmem:s19+$0x0] =	vst v3;
	v14 =	vld [tilespmem:s17+$0xFFFFFF30];
	v12 =	vmul.f32 v4, v12  }
0xf7: {  	v15 =	vld [tilespmem:s17+$0xFFFFFF40];
	[tilespmem:s17+$0xF0] =	vst v11;
	v11 =	vmul.f32 v2, v19;
	v19 =	vmul.f32 v4, v22  }
0xf8: {  	v5 =	vmul.f32 v16, v5;
	v16 =	vld [tilespmem:s17+$0xFFFFFF50];
	[tilespmem:s17+$0xFFFFFF80] =	vst v12;
	v18 =	vmul.f32 v10, v23  }
0xf9: {  	v17 =	vld [tilespmem:s17+$0xFFFFFF60];
	v13 =	vmul.f32 v2, v20;
	[tilespmem:s17+$0xFFFFFF90] =	vst v19;
	v20 =	vmul.f32 v10, v25  }
0xfa: {  	s23 =	simm.s32 $0x1E0;
	s21 =	simm.s32 $0x4;
	v12 =	vmul.f32 v2, v21;
	v19 =	vmul.f32 v10, v26;
	[tilespmem:s17+$0xFFFFFF00] =	vst v18;
	v18 =	vld [tilespmem:s17+$0xFFFFFF70]  }
.LBB2_27:
0xfb: {  	v21 =	vld [tilespmem:s23+$0x10];
	[tilespmem:s17+$0xFFFFFF10] =	vst v20;
	v14 =	vmul.f32 v14, v10;
	s16 =	sadd.s32 $0x40, s16  }
0xfc: {  	s21 =	sadd.s32 $0x4, s21;
	v20 =	vld [tilespmem:s16+$0x10];
	[tilespmem:s17+$0xFFFFFF20] =	vst v19;
	v15 =	vmul.f32 v15, v10  }
0xfd: {  	p1 =	slt.u32 s21, $0x9C;
	v19 =	vld [tilespmem:s16+$0xFFFFFFE0];
	[tilespmem:s17+$0xFFFFFF30] =	vst v14;
	v14 =	vmul.f32 v16, v10  }
0xfe: {  	v16 =	vld [tilespmem:s23+$0xFFFFFFF0];
	[tilespmem:s17+$0xFFFFFF40] =	vst v15;
	v15 =	vmul.f32 v17, v10  }
0xff: {  	v17 =	vld [tilespmem:s16+$0xFFFFFFF0];
	[tilespmem:s17+$0xFFFFFF50] =	vst v14;
	v10 =	vmul.f32 v18, v10  }
0x100: {  	v14 =	vld [tilespmem:s23+$0x0];
	[tilespmem:s17+$0xFFFFFF60] =	vst v15  }
0x101: {  	v15 =	vld [tilespmem:s16+$0x0];
	v18 =	vadd.f32 v20, v21;
	[tilespmem:s17+$0xFFFFFF70] =	vst v10  }
0x102: {  	v10 =	vld [tilespmem:s23+$0xFFFFFFE0];
	[tilespmem:s7+$0x70] =	vst v9  }
0x103: {  	v9 =	vmul.f32 $2.000000030e-01, v18;
	v20 =	vld [tilespmem:s17+$0xFFFFFFA0];
	[tilespmem:s17+$0x80] =	vst v11  }
0x104: {  	vm0 =	vge.f32 v18, $0.0e+00;
	v11 =	vadd.f32 v17, v16;
	v16 =	vld [tilespmem:s17+$0xFFFFFFB0];
	[tilespmem:s17+$0x90] =	vst v13  }
0x105: {  	v9 =	vsel vm0, v18, v9;
	v13 =	vld [tilespmem:s17+$0xFFFFFFC0];
	[tilespmem:s17+$0xA0] =	vst v12  }
0x106: {  	v12 =	vmul.f32 $2.000000030e-01, v11;
	v14 =	vadd.f32 v15, v14;
	v9 =	vsub.f32 v9, v1;
	v15 =	vld [tilespmem:s17+$0xFFFFFFD0];
	[tilespmem:s7+$0xB0] =	vst v8  }
0x107: {  	vm0 =	vge.f32 v11, $0.0e+00;
	v8 =	vadd.f32 v19, v10;
	v10 =	vld [tilespmem:s17+$0xFFFFFFE0];
	[tilespmem:s7+$0xC0] =	vst v6  }
0x108: {  	vm1 =	vge.f32 v14, $0.0e+00;
	v6 =	vmul.f32 $2.000000030e-01, v14;
	v9 =	vmul.f32 $1.442695020e+00, v9;
	v17 =	vld [tilespmem:s17+$0xFFFFFFF0];
	[tilespmem:s7+$0xD0] =	vst v7  }
0x109: {  	v11 =	vsel vm0, v11, v12;
	vm2 =	vge.f32 v8, $0.0e+00;
	v7 =	vmul.f32 $2.000000030e-01, v8;
	v12 =	vld [tilespmem:s17+$0x0];
	[tilespmem:s7+$0xE0] =	vst v5;
	s7 =	smov.u32 s17  }
0x10a: {  	v5 =	vsub.f32 v11, v1;
	v6 =	vsel vm1, v14, v6;
	(erf) = vpow2.f32 v9;
	v9 =	vld [tilespmem:s17+$0x10]  }
0x10b: {  	v7 =	vsel vm2, v8, v7;
	v6 =	vsub.f32 v6, v1;
	v8 =	vmul.f32 v4, v20;
	v11 =	vld [tilespmem:s17+$0x20]  }
0x10c: {  	v14 =	vmul.f32 v16, v4;
	v5 =	vmul.f32 $1.442695020e+00, v5;
	v7 =	vsub.f32 v7, v1;
	v16 =	vld [tilespmem:s17+$0x30]  }
0x10d: {  	v6 =	vmul.f32 $1.442695020e+00, v6;
	[tilespmem:s17+$0xFFFFFFA0] =	vst v8;
	v8 =	vmul.f32 v13, v4;
	v13 =	vld [tilespmem:s17+$0x40]  }
0x10e: {  	v7 =	vmul.f32 $1.442695020e+00, v7;
	(erf) = vpow2.f32 v5;
	[tilespmem:s17+$0xFFFFFFB0] =	vst v14;
	v5 =	vld [tilespmem:s17+$0x50]  }
0x10f: {  	(erf) = vpow2.f32 v6;
	[tilespmem:s17+$0xFFFFFFC0] =	vst v8;
	v6 =	vmul.f32 v15, v4;
	v8 =	vld [tilespmem:s17+$0x60]  }
0x110: {  	(erf) = vpow2.f32 v7;
	v7 =	vmul.f32 v10, v4;
	v10 =	vld [tilespmem:s17+$0x70]  }
0x111: {  	v4 =	vmul.f32 v17, v4;
	[tilespmem:s17+$0xFFFFFFD0] =	vst v6;
	v6 =	vmul.f32 v3, v12;
	v12 =	vld [tilespmem:s17+$0xB0]  }
0x112: {  	v11 =	vmul.f32 v3, v11;
	[tilespmem:s17+$0xFFFFFFE0] =	vst v7;
	v7 =	vmul.f32 v3, v9;
	v14 =	vld [tilespmem:s17+$0xC0]  }
0x113: {  	s19 =	sadd.s32 $0x40, s19;
	v16 =	vmul.f32 v16, v3;
	v17 =	vmul.f32 v13, v3;
	v15 =	vpop (erf);
	[tilespmem:s17+$0xFFFFFFF0] =	vst v4;
	v13 =	vld [tilespmem:s17+$0xD0]  }
0x114: {  	v18 =	vmul.f32 v5, v3;
	s17 =	sadd.s32 $0x200, s17;
	[tilespmem:s19+$0x10] =	vst v15;
	v19 =	vmul.f32 v8, v3;
	v5 =	vld [tilespmem:s7+$0xE0]  }
0x115: {  	v20 =	vld [tilespmem:s17+$0xF0];
	[tilespmem:s7+$0x0] =	vst v6;
	v9 =	vmul.f32 v10, v3  }
0x116: {  	v21 =	vld [tilespmem:s17+$0x80];
	[tilespmem:s7+$0x10] =	vst v7;
	v8 =	vmul.f32 v12, v2  }
0x117: {  	v12 =	vld [tilespmem:s17+$0x90];
	v4 =	vpop (erf);
	[tilespmem:s7+$0x20] =	vst v11;
	v6 =	vmul.f32 v14, v2  }
0x118: {  	[tilespmem:s19+$0xFFFFFFF0] =	vst v4;
	v14 =	vld [tilespmem:s17+$0xA0];
	v3 =	vpop (erf);
	v7 =	vmul.f32 v13, v2  }
0x119: {  	v22 =	vld [tilespmem:s17+$0xFFFFFF80];
	[tilespmem:s19+$0x0] =	vst v3;
	v10 =	vpop (erf);
	v5 =	vmul.f32 v5, v2;
	v2 =	vmov v15  }
0x11a: {  	[tilespmem:s19+$0xFFFFFFE0] =	vst v10;
	v23 =	vld [tilespmem:s17+$0xFFFFFF90];
	v15 =	vmul.f32 v20, v2  }
0x11b: {  	v20 =	vld [tilespmem:s17+$0xFFFFFF00];
	v11 =	vmul.f32 v2, v21;
	[tilespmem:s7+$0x30] =	vst v16  }
0x11c: {  	v21 =	vld [tilespmem:s17+$0xFFFFFF10];
	v13 =	vmul.f32 v2, v12;
	[tilespmem:s17+$0xF0] =	vst v15  }
0x11d: {  	v24 =	vld [tilespmem:s17+$0xFFFFFF20];
	v12 =	vmul.f32 v2, v14;
	[tilespmem:s7+$0x40] =	vst v17  }
.Ltmp4:
0x11e: {  	v14 =	vld [tilespmem:s17+$0xFFFFFF30];
	v17 =	vmul.f32 v4, v22;
	[tilespmem:s7+$0x50] =	vst v18;
	(pc) =	sbr.rel @p1 .LBB2_27-.Ltmp4, $4  }
0x11f: {  	v15 =	vld [tilespmem:s17+$0xFFFFFF40];
	v18 =	vmul.f32 v4, v23;
	[tilespmem:s7+$0x60] =	vst v19  }
0x120: {  	v19 =	vmul.f32 v10, v20;
	v16 =	vld [tilespmem:s17+$0xFFFFFF50];
	[tilespmem:s17+$0xFFFFFF80] =	vst v17  }
0x121: {  	v20 =	vmul.f32 v10, v21;
	v17 =	vld [tilespmem:s17+$0xFFFFFF60];
	[tilespmem:s17+$0xFFFFFF90] =	vst v18  }
0x122: {  	s23 =	sadd.s32 $0x40, s23;
	[tilespmem:s17+$0xFFFFFF00] =	vst v19;
	v19 =	vmul.f32 v10, v24;
	v18 =	vld [tilespmem:s17+$0xFFFFFF70]  }
0x123: {  	[tilespmem:s17+$0xFFFFFF10] =	vst v20  }
0x124: {  	[tilespmem:s7+$0x70] =	vst v9  }
0x125: {  	[tilespmem:s17+$0x80] =	vst v11  }
0x126: {  	[tilespmem:s17+$0x90] =	vst v13  }
0x127: {  	[tilespmem:s17+$0xA0] =	vst v12  }
0x128: {  	[tilespmem:s7+$0xB0] =	vst v8  }
0x129: {  	[tilespmem:s7+$0xC0] =	vst v6  }
0x12a: {  	[tilespmem:s7+$0xD0] =	vst v7  }
0x12b: {  	v14 =	vmul.f32 v14, v10;
	v40 =	vld [tilespmem:s17+$0xFFFFFFA0];
	[tilespmem:s7+$0xE0] =	vst v5  }
0x12c: {  	v41 =	vld [tilespmem:s17+$0xFFFFFFB0];
	[tilespmem:s17+$0xFFFFFF20] =	vst v19;
	v15 =	vmul.f32 v15, v10  }
0x12d: {  	v42 =	vld [tilespmem:s17+$0xFFFFFFC0];
	[tilespmem:s17+$0xFFFFFF30] =	vst v14;
	v37 =	vmul.f32 v16, v10  }
0x12e: {  	v43 =	vld [tilespmem:s17+$0xFFFFFFD0];
	[tilespmem:s17+$0xFFFFFF40] =	vst v15;
	v38 =	vmul.f32 v17, v10  }
0x12f: {  	v44 =	vld [tilespmem:s17+$0xFFFFFFE0];
	[tilespmem:s17+$0xFFFFFF50] =	vst v37;
	v39 =	vmul.f32 v18, v10  }
0x130: {  	v45 =	vld [tilespmem:s17+$0xFFFFFFF0];
	[tilespmem:s17+$0xFFFFFF60] =	vst v38;
	v9 =	vmul.f32 v4, v40  }
0x131: {  	v46 =	vld [tilespmem:s17+$0x0];
	v10 =	vmul.f32 v41, v4;
	[tilespmem:s17+$0xFFFFFF70] =	vst v39  }
0x132: {  	v47 =	vld [tilespmem:s17+$0x10];
	v49 =	vmul.f32 v42, v4;
	[tilespmem:s17+$0xFFFFFFA0] =	vst v9  }
0x133: {  	v48 =	vld [tilespmem:s17+$0x20];
	v51 =	vmul.f32 v43, v4;
	[tilespmem:s17+$0xFFFFFFB0] =	vst v10  }
0x134: {  	v50 =	vld [tilespmem:s17+$0x30];
	v8 =	vmul.f32 v44, v4;
	[tilespmem:s17+$0xFFFFFFC0] =	vst v49  }
0x135: {  	v52 =	vld [tilespmem:s17+$0x40];
	v54 =	vmul.f32 v45, v4;
	[tilespmem:s17+$0xFFFFFFD0] =	vst v51  }
0x136: {  	v55 =	vld [tilespmem:s17+$0x60];
	v7 =	vmul.f32 v3, v46;
	[tilespmem:s17+$0xFFFFFFE0] =	vst v8  }
0x137: {  	v53 =	vld [tilespmem:s17+$0x50];
	v5 =	vmul.f32 v3, v47;
	[tilespmem:s17+$0xFFFFFFF0] =	vst v54  }
0x138: {  	v56 =	vld [tilespmem:s17+$0x70];
	v57 =	vmul.f32 v3, v48;
	[tilespmem:s17+$0x0] =	vst v7  }
0x139: {  	v58 =	vld [tilespmem:s17+$0xB0];
	v59 =	vmul.f32 v50, v3;
	[tilespmem:s17+$0x10] =	vst v5  }
0x13a: {  	v60 =	vld [tilespmem:s17+$0xC0];
	v61 =	vmul.f32 v52, v3;
	[tilespmem:s17+$0x20] =	vst v57  }
0x13b: {  	v62 =	vld [tilespmem:s17+$0xD0];
	v6 =	vmul.f32 v55, v3;
	[tilespmem:s17+$0x30] =	vst v59  }
0x13c: {  	v63 =	vld [tilespmem:s17+$0xE0];
	v9 =	vmul.f32 v53, v3;
	[tilespmem:s17+$0x40] =	vst v61  }
0x13d: {  	v3 =	vmul.f32 v56, v3;
	[tilespmem:s17+$0x60] =	vst v6  }
0x13e: {  	v7 =	vmul.f32 v58, v2;
	[tilespmem:s17+$0x50] =	vst v9  }
0x13f: {  	v5 =	vmul.f32 v60, v2;
	[tilespmem:s17+$0x70] =	vst v3  }
0x140: {  	v3 =	vmul.f32 v62, v2;
	[tilespmem:s17+$0xB0] =	vst v7  }
0x141: {  	v2 =	vmul.f32 v63, v2;
	[tilespmem:s17+$0xC0] =	vst v5  }
0x142: {  	[tilespmem:s17+$0xD0] =	vst v3  }
0x143: {  	[tilespmem:s17+$0xE0] =	vst v2  }
0x144: {  	[spmem:s2] =	stream.indirect.scatter.add.f32 [tilespmem:s18], [sflag:$0x2], $0x10, s22, s22, $0xb8;
	[tilespmem:$0x1D7C0] =	vst v63  }
0x145: {  	s1 =	sadd.s32 $0x1, s1;
	_ =	swait.ge [sflag:s10], $0xA00  }
0x146: {  	p1 =	sne.s32 s1, $0x7D;
	[sflag:s10] =	ssyncset.done $0x0  }
.Ltmp5:
0x147: {  	[sflag:s10] =	ssyncadd.s32 $0xFFFFF600;
	(pc) =	sbr.rel @p1 .LBB2_26-.Ltmp5, $4  }
0x148: {  	[spmem:s3] =	stream.indirect.scatter.add.f32 [tilespmem:s20], [sflag:$0x2], $0x80, s22, s22, $0xb8;
	[tilespmem:$0x1D7C0] =	vst v63  }
0x149: {  	_ =	swait.ge [sflag:s10], $0x5000  }
0x14a: {  	[sflag:s10] =	ssyncset.done $0x0  }
0x14b: {  	[sflag:s10] =	ssyncadd.s32 $0xFFFFB000  }
0x14c: {  	s1 =	stileid.u32;
	[bflag:$0x0] =	sbarrier.arrive $0xFFFF  }
0x14d: {  	s1 =	sshll.u32 s1, $0x6;
	s7 =	rddreg [dreg:$0x7]  }
0x14e: {  	s16 =	rddreg [dreg:$0x15];
	s1 =	sor.u32 $0x1C02, s1;
	s7 =	sshrl.u32 s7, $0x3  }
0x14f: {  	[hbm:s16], [sflag:s1] =	dma.local [spmem:s7], $0x2800  }
0x150: {  	_ =	swait.ge [sflag:s10], $0x2800  }
0x151: {  	[sflag:s10] =	ssyncset.done $0x0  }
0x152: {  	[sflag:s10] =	ssyncadd.s32 $0xFFFFD800  }
0x153: {  	[tilespmem:s18], [sflag:$0x2] =	stream.linear.gather [spmem:s0], $0x500, $0x38;
	[tilespmem:$0x1D7C0] =	vst v63  }
0x154: {  	_ =	swait.ge [sflag:s10], $0x500  }
0x155: {  	[sflag:s10] =	ssyncset.done $0x0  }
0x156: {  	s7 =	simm.s32 $0x1560;
	[sflag:s10] =	ssyncadd.s32 $0xFFFFFB00  }
0x157: {  	v1 =	vld [tilespmem:s7+$0x0]  }
0x158: {  	v2 =	vld [tilespmem:s7+$0xFFFFFFE0];
	_ =	sdelay $0x2  }
0x159: {  	v3 =	vld [tilespmem:s7+$0xFFFFFFF0]  }
0x15a: {  	s1 =	simm.s32 $0x15A0;
	v4 =	vld [tilespmem:s7+$0x10];
	v1 =	vadd.f32 $1.000000020e-16, v1  }
0x15b: {  	v5 =	vld [tilespmem:s1+$0x0];
	v2 =	vadd.f32 $1.000000020e-16, v2  }
0x15c: {  	(erf) = vrcp.f32 v1;
	v1 =	vld [tilespmem:s1+$0xFFFFFFE0]  }
0x15d: {  	(erf) = vrcp.f32 v2;
	v2 =	vld [tilespmem:s1+$0xFFFFFFF0];
	_ =	sdelay $0x1  }
0x15e: {  	v6 =	vld [tilespmem:s1+$0x10];
	v3 =	vadd.f32 $1.000000020e-16, v3  }
0x15f: {  	v4 =	vadd.f32 $1.000000020e-16, v4  }
0x160: {  	(erf) = vrcp.f32 v3;
	v3 =	vadd.f32 $1.000000020e-16, v5  }
0x161: {  	s16 =	simm.s32 $0x15E0;
	(erf) = vrcp.f32 v4;
	v4 =	vadd.f32 $1.000000020e-16, v1;
	v7 =	vadd.f32 $1.000000020e-16, v2  }
0x162: {  	v5 =	vld [tilespmem:s16+$0x0];
	(erf) = vrcp.f32 v3  }
0x163: {  	v6 =	vadd.f32 $1.000000020e-16, v6;
	(erf) = vrcp.f32 v4  }
0x164: {  	v1 =	vld [tilespmem:s16+$0xFFFFFFE0];
	(erf) = vrcp.f32 v7  }
0x165: {  	v2 =	vld [tilespmem:s16+$0xFFFFFFF0];
	v7 =	vpop (erf);
	(erf) = vrcp.f32 v6  }
0x166: {  	v3 =	vld [tilespmem:s16+$0x10]  }
0x167: {  	s17 =	simm.s32 $0x8;
	s19 =	simm.s32 $0x1620;
	v4 =	vadd.f32 $1.000000020e-16, v5;
	[tilespmem:s7+$0x0] =	vst v7;
	v5 =	vpop (erf)  }
.LBB2_30:
0x168: {  	s17 =	sadd.s32 $0x4, s17  }
0x169: {  	v6 =	vld [tilespmem:s19+$0x0];
	v7 =	vadd.f32 $1.000000020e-16, v1;
	[tilespmem:s7+$0xFFFFFFE0] =	vst v5;
	v5 =	vpop (erf);
	p1 =	slt.u32 s17, $0x4C  }
.Ltmp6:
0x16a: {  	v1 =	vld [tilespmem:s19+$0xFFFFFFE0];
	v8 =	vadd.f32 $1.000000020e-16, v2;
	(erf) = vrcp.f32 v4;
	[tilespmem:s7+$0xFFFFFFF0] =	vst v5;
	v4 =	vpop (erf);
	(pc) =	sbr.rel @p1 .LBB2_30-.Ltmp6, $4  }
0x16b: {  	v2 =	vld [tilespmem:s19+$0xFFFFFFF0];
	v9 =	vadd.f32 $1.000000020e-16, v3;
	(erf) = vrcp.f32 v7;
	[tilespmem:s7+$0x10] =	vst v4;
	s7 =	smov.u32 s1;
	s1 =	smov.u32 s16;
	s16 =	smov.u32 s19  }
0x16c: {  	v3 =	vld [tilespmem:s19+$0x10];
	(erf) = vrcp.f32 v8  }
0x16d: {  	(erf) = vrcp.f32 v9;
	v5 =	vpop (erf)  }
0x16e: {  	s19 =	sadd.s32 $0x40, s19;
	v4 =	vadd.f32 $1.000000020e-16, v6;
	[tilespmem:s7+$0x0] =	vst v5;
	v5 =	vpop (erf)  }
0x16f: {  	v1 =	vadd.f32 $1.000000020e-16, v1  }
0x170: {  	v2 =	vadd.f32 $1.000000020e-16, v2;
	(erf) = vrcp.f32 v4  }
0x171: {  	v3 =	vadd.f32 $1.000000020e-16, v3;
	(erf) = vrcp.f32 v1  }
0x172: {  	(erf) = vrcp.f32 v2  }
0x173: {  	[tilespmem:s7+$0xFFFFFFE0] =	vst v5;
	v1 =	vpop (erf);
	(erf) = vrcp.f32 v3  }
0x174: {  	v2 =	vpop (erf);
	[tilespmem:s7+$0xFFFFFFF0] =	vst v1  }
0x175: {  	[tilespmem:s7+$0x10] =	vst v2;
	v1 =	vpop (erf)  }
0x176: {  	[tilespmem:s1+$0x0] =	vst v1;
	v1 =	vpop (erf)  }
0x177: {  	[tilespmem:s1+$0xFFFFFFE0] =	vst v1;
	v1 =	vpop (erf)  }
0x178: {  	[tilespmem:s1+$0xFFFFFFF0] =	vst v1;
	v1 =	vpop (erf)  }
0x179: {  	[tilespmem:s1+$0x10] =	vst v1;
	v1 =	vpop (erf)  }
0x17a: {  	[tilespmem:s16+$0x0] =	vst v1;
	v1 =	vpop (erf)  }
0x17b: {  	[tilespmem:s16+$0xFFFFFFE0] =	vst v1;
	v1 =	vpop (erf)  }
0x17c: {  	[tilespmem:s16+$0xFFFFFFF0] =	vst v1;
	v1 =	vpop (erf)  }
0x17d: {  	[tilespmem:s16+$0x10] =	vst v1  }
0x17e: {  	s1 =	rddreg [dreg:$0x17]  }
0x17f: {  	[hbm4b:s1+s4] =	stream.linear.scatter [tilespmem:s18], [sflag:$0x2], $0x500, $0x38;
	[tilespmem:$0x1D7C0] =	vst v63  }
0x180: {  	_ =	swait.ge [sflag:s10], $0x500  }
0x181: {  	[sflag:s10] =	ssyncset.done $0x0  }
0x182: {  	s23 =	rddreg [dreg:$0x8];
	[sflag:s10] =	ssyncadd.s32 $0xFFFFFB00  }
0x183: {  	[tilespmem:s18], [sflag:$0x2] =	stream.linear.gather [spmem:s23], $0x500, $0x38;
	[tilespmem:$0x1D7C0] =	vst v63  }
0x184: {  	_ =	swait.ge [sflag:s10], $0x500  }
0x185: {  	[sflag:s10] =	ssyncset.done $0x0  }
0x186: {  	s7 =	simm.s32 $0x1560;
	[sflag:s10] =	ssyncadd.s32 $0xFFFFFB00  }
0x187: {  	v1 =	vld [tilespmem:s7+$0x0]  }
0x188: {  	v2 =	vld [tilespmem:s7+$0xFFFFFFE0];
	_ =	sdelay $0x2  }
0x189: {  	v3 =	vld [tilespmem:s7+$0xFFFFFFF0]  }
0x18a: {  	s1 =	simm.s32 $0x15A0;
	v4 =	vld [tilespmem:s7+$0x10];
	v1 =	vadd.f32 $1.000000020e-16, v1  }
0x18b: {  	v5 =	vld [tilespmem:s1+$0x0];
	v2 =	vadd.f32 $1.000000020e-16, v2  }
0x18c: {  	(erf) = vrcp.f32 v1;
	v1 =	vld [tilespmem:s1+$0xFFFFFFE0]  }
0x18d: {  	(erf) = vrcp.f32 v2;
	v2 =	vld [tilespmem:s1+$0xFFFFFFF0];
	_ =	sdelay $0x1  }
0x18e: {  	v6 =	vld [tilespmem:s1+$0x10];
	v3 =	vadd.f32 $1.000000020e-16, v3  }
0x18f: {  	v4 =	vadd.f32 $1.000000020e-16, v4  }
0x190: {  	(erf) = vrcp.f32 v3;
	v3 =	vadd.f32 $1.000000020e-16, v5  }
0x191: {  	s16 =	simm.s32 $0x15E0;
	(erf) = vrcp.f32 v4;
	v4 =	vadd.f32 $1.000000020e-16, v1;
	v7 =	vadd.f32 $1.000000020e-16, v2  }
0x192: {  	v5 =	vld [tilespmem:s16+$0x0];
	(erf) = vrcp.f32 v3  }
0x193: {  	v6 =	vadd.f32 $1.000000020e-16, v6;
	(erf) = vrcp.f32 v4  }
0x194: {  	v1 =	vld [tilespmem:s16+$0xFFFFFFE0];
	(erf) = vrcp.f32 v7  }
0x195: {  	v2 =	vld [tilespmem:s16+$0xFFFFFFF0];
	v7 =	vpop (erf);
	(erf) = vrcp.f32 v6  }
0x196: {  	v3 =	vld [tilespmem:s16+$0x10]  }
0x197: {  	s17 =	simm.s32 $0x8;
	s19 =	simm.s32 $0x1620;
	v4 =	vadd.f32 $1.000000020e-16, v5;
	[tilespmem:s7+$0x0] =	vst v7;
	v5 =	vpop (erf)  }
.LBB2_32:
0x198: {  	s17 =	sadd.s32 $0x4, s17  }
0x199: {  	v6 =	vld [tilespmem:s19+$0x0];
	v7 =	vadd.f32 $1.000000020e-16, v1;
	[tilespmem:s7+$0xFFFFFFE0] =	vst v5;
	v5 =	vpop (erf);
	p1 =	slt.u32 s17, $0x4C  }
.Ltmp7:
0x19a: {  	v1 =	vld [tilespmem:s19+$0xFFFFFFE0];
	v8 =	vadd.f32 $1.000000020e-16, v2;
	(erf) = vrcp.f32 v4;
	[tilespmem:s7+$0xFFFFFFF0] =	vst v5;
	v4 =	vpop (erf);
	(pc) =	sbr.rel @p1 .LBB2_32-.Ltmp7, $4  }
0x19b: {  	v2 =	vld [tilespmem:s19+$0xFFFFFFF0];
	v9 =	vadd.f32 $1.000000020e-16, v3;
	(erf) = vrcp.f32 v7;
	[tilespmem:s7+$0x10] =	vst v4;
	s7 =	smov.u32 s1;
	s1 =	smov.u32 s16;
	s16 =	smov.u32 s19  }
0x19c: {  	v3 =	vld [tilespmem:s19+$0x10];
	(erf) = vrcp.f32 v8  }
0x19d: {  	(erf) = vrcp.f32 v9;
	v5 =	vpop (erf)  }
0x19e: {  	s19 =	sadd.s32 $0x40, s19;
	v4 =	vadd.f32 $1.000000020e-16, v6;
	[tilespmem:s7+$0x0] =	vst v5;
	v5 =	vpop (erf)  }
0x19f: {  	v1 =	vadd.f32 $1.000000020e-16, v1  }
0x1a0: {  	v2 =	vadd.f32 $1.000000020e-16, v2;
	(erf) = vrcp.f32 v4  }
0x1a1: {  	v3 =	vadd.f32 $1.000000020e-16, v3;
	(erf) = vrcp.f32 v1  }
0x1a2: {  	(erf) = vrcp.f32 v2  }
0x1a3: {  	[tilespmem:s7+$0xFFFFFFE0] =	vst v5;
	v1 =	vpop (erf);
	(erf) = vrcp.f32 v3  }
0x1a4: {  	v2 =	vpop (erf);
	[tilespmem:s7+$0xFFFFFFF0] =	vst v1  }
0x1a5: {  	[tilespmem:s7+$0x10] =	vst v2;
	v1 =	vpop (erf)  }
0x1a6: {  	[tilespmem:s1+$0x0] =	vst v1;
	v1 =	vpop (erf)  }
0x1a7: {  	[tilespmem:s1+$0xFFFFFFE0] =	vst v1;
	v1 =	vpop (erf)  }
0x1a8: {  	[tilespmem:s1+$0xFFFFFFF0] =	vst v1;
	v1 =	vpop (erf)  }
0x1a9: {  	[tilespmem:s1+$0x10] =	vst v1;
	v1 =	vpop (erf)  }
0x1aa: {  	[tilespmem:s16+$0x0] =	vst v1;
	v1 =	vpop (erf)  }
0x1ab: {  	[tilespmem:s16+$0xFFFFFFE0] =	vst v1;
	v1 =	vpop (erf)  }
0x1ac: {  	[tilespmem:s16+$0xFFFFFFF0] =	vst v1;
	v1 =	vpop (erf)  }
0x1ad: {  	[tilespmem:s16+$0x10] =	vst v1  }
0x1ae: {  	s1 =	rddreg [dreg:$0x19]  }
0x1af: {  	[hbm4b:s1+s4] =	stream.linear.scatter [tilespmem:s18], [sflag:$0x2], $0x500, $0x38;
	[tilespmem:$0x1D7C0] =	vst v63  }
0x1b0: {  	_ =	swait.ge [sflag:s10], $0x500  }
0x1b1: {  	[sflag:s10] =	ssyncset.done $0x0  }
0x1b2: {  	s23 =	rddreg [dreg:$0xa];
	[sflag:s10] =	ssyncadd.s32 $0xFFFFFB00  }
0x1b3: {  	[tilespmem:s18], [sflag:$0x2] =	stream.linear.gather [spmem:s23], $0x500, $0x38;
	[tilespmem:$0x1D7C0] =	vst v63  }
0x1b4: {  	_ =	swait.ge [sflag:s10], $0x500  }
0x1b5: {  	[sflag:s10] =	ssyncset.done $0x0  }
0x1b6: {  	s7 =	simm.s32 $0x1560;
	[sflag:s10] =	ssyncadd.s32 $0xFFFFFB00  }
0x1b7: {  	v1 =	vld [tilespmem:s7+$0x0]  }
0x1b8: {  	v2 =	vld [tilespmem:s7+$0xFFFFFFE0];
	_ =	sdelay $0x2  }
0x1b9: {  	v3 =	vld [tilespmem:s7+$0xFFFFFFF0]  }
0x1ba: {  	s1 =	simm.s32 $0x15A0;
	v4 =	vld [tilespmem:s7+$0x10];
	v1 =	vadd.f32 $1.000000020e-16, v1  }
0x1bb: {  	v5 =	vld [tilespmem:s1+$0x0];
	v2 =	vadd.f32 $1.000000020e-16, v2  }
0x1bc: {  	(erf) = vrcp.f32 v1;
	v1 =	vld [tilespmem:s1+$0xFFFFFFE0]  }
0x1bd: {  	(erf) = vrcp.f32 v2;
	v2 =	vld [tilespmem:s1+$0xFFFFFFF0];
	_ =	sdelay $0x1  }
0x1be: {  	v6 =	vld [tilespmem:s1+$0x10];
	v3 =	vadd.f32 $1.000000020e-16, v3  }
0x1bf: {  	v4 =	vadd.f32 $1.000000020e-16, v4  }
0x1c0: {  	(erf) = vrcp.f32 v3;
	v3 =	vadd.f32 $1.000000020e-16, v5  }
0x1c1: {  	s16 =	simm.s32 $0x15E0;
	(erf) = vrcp.f32 v4;
	v4 =	vadd.f32 $1.000000020e-16, v1;
	v7 =	vadd.f32 $1.000000020e-16, v2  }
0x1c2: {  	v5 =	vld [tilespmem:s16+$0x0];
	(erf) = vrcp.f32 v3  }
0x1c3: {  	v6 =	vadd.f32 $1.000000020e-16, v6;
	(erf) = vrcp.f32 v4  }
0x1c4: {  	v1 =	vld [tilespmem:s16+$0xFFFFFFE0];
	(erf) = vrcp.f32 v7  }
0x1c5: {  	v2 =	vld [tilespmem:s16+$0xFFFFFFF0];
	v7 =	vpop (erf);
	(erf) = vrcp.f32 v6  }
0x1c6: {  	v3 =	vld [tilespmem:s16+$0x10]  }
0x1c7: {  	s17 =	simm.s32 $0x8;
	s19 =	simm.s32 $0x1620;
	v4 =	vadd.f32 $1.000000020e-16, v5;
	[tilespmem:s7+$0x0] =	vst v7;
	v5 =	vpop (erf)  }
.LBB2_34:
0x1c8: {  	s17 =	sadd.s32 $0x4, s17  }
0x1c9: {  	v6 =	vld [tilespmem:s19+$0x0];
	v7 =	vadd.f32 $1.000000020e-16, v1;
	[tilespmem:s7+$0xFFFFFFE0] =	vst v5;
	v5 =	vpop (erf);
	p1 =	slt.u32 s17, $0x4C  }
.Ltmp8:
0x1ca: {  	v1 =	vld [tilespmem:s19+$0xFFFFFFE0];
	v8 =	vadd.f32 $1.000000020e-16, v2;
	(erf) = vrcp.f32 v4;
	[tilespmem:s7+$0xFFFFFFF0] =	vst v5;
	v4 =	vpop (erf);
	(pc) =	sbr.rel @p1 .LBB2_34-.Ltmp8, $4  }
0x1cb: {  	v2 =	vld [tilespmem:s19+$0xFFFFFFF0];
	v9 =	vadd.f32 $1.000000020e-16, v3;
	(erf) = vrcp.f32 v7;
	[tilespmem:s7+$0x10] =	vst v4;
	s7 =	smov.u32 s1;
	s1 =	smov.u32 s16;
	s16 =	smov.u32 s19  }
0x1cc: {  	v3 =	vld [tilespmem:s19+$0x10];
	(erf) = vrcp.f32 v8  }
0x1cd: {  	(erf) = vrcp.f32 v9;
	v5 =	vpop (erf)  }
0x1ce: {  	s19 =	sadd.s32 $0x40, s19;
	v4 =	vadd.f32 $1.000000020e-16, v6;
	[tilespmem:s7+$0x0] =	vst v5;
	v5 =	vpop (erf)  }
0x1cf: {  	v1 =	vadd.f32 $1.000000020e-16, v1  }
0x1d0: {  	v2 =	vadd.f32 $1.000000020e-16, v2;
	(erf) = vrcp.f32 v4  }
0x1d1: {  	v3 =	vadd.f32 $1.000000020e-16, v3;
	(erf) = vrcp.f32 v1  }
0x1d2: {  	(erf) = vrcp.f32 v2  }
0x1d3: {  	[tilespmem:s7+$0xFFFFFFE0] =	vst v5;
	v1 =	vpop (erf);
	(erf) = vrcp.f32 v3  }
0x1d4: {  	v2 =	vpop (erf);
	[tilespmem:s7+$0xFFFFFFF0] =	vst v1  }
0x1d5: {  	[tilespmem:s7+$0x10] =	vst v2;
	v1 =	vpop (erf)  }
0x1d6: {  	[tilespmem:s1+$0x0] =	vst v1;
	v1 =	vpop (erf)  }
0x1d7: {  	[tilespmem:s1+$0xFFFFFFE0] =	vst v1;
	v1 =	vpop (erf)  }
0x1d8: {  	[tilespmem:s1+$0xFFFFFFF0] =	vst v1;
	v1 =	vpop (erf)  }
0x1d9: {  	[tilespmem:s1+$0x10] =	vst v1;
	v1 =	vpop (erf)  }
0x1da: {  	[tilespmem:s16+$0x0] =	vst v1;
	v1 =	vpop (erf)  }
0x1db: {  	[tilespmem:s16+$0xFFFFFFE0] =	vst v1;
	v1 =	vpop (erf)  }
0x1dc: {  	[tilespmem:s16+$0xFFFFFFF0] =	vst v1;
	v1 =	vpop (erf)  }
0x1dd: {  	[tilespmem:s16+$0x10] =	vst v1  }
0x1de: {  	s1 =	rddreg [dreg:$0x1b]  }
0x1df: {  	[hbm4b:s1+s4] =	stream.linear.scatter [tilespmem:s18], [sflag:$0x2], $0x500, $0x38;
	[tilespmem:$0x1D7C0] =	vst v63  }
0x1e0: {  	_ =	swait.ge [sflag:s10], $0x500  }
0x1e1: {  	[sflag:s10] =	ssyncset.done $0x0  }
0x1e2: {  	s23 =	rddreg [dreg:$0xc];
	[sflag:s10] =	ssyncadd.s32 $0xFFFFFB00  }
0x1e3: {  	[tilespmem:s18], [sflag:$0x2] =	stream.linear.gather [spmem:s23], $0x500, $0x38;
	[tilespmem:$0x1D7C0] =	vst v63  }
0x1e4: {  	_ =	swait.ge [sflag:s10], $0x500  }
0x1e5: {  	[sflag:s10] =	ssyncset.done $0x0  }
0x1e6: {  	s7 =	simm.s32 $0x1560;
	[sflag:s10] =	ssyncadd.s32 $0xFFFFFB00  }
0x1e7: {  	v1 =	vld [tilespmem:s7+$0x0]  }
0x1e8: {  	v2 =	vld [tilespmem:s7+$0xFFFFFFE0];
	_ =	sdelay $0x2  }
0x1e9: {  	v3 =	vld [tilespmem:s7+$0xFFFFFFF0]  }
0x1ea: {  	s1 =	simm.s32 $0x15A0;
	v4 =	vld [tilespmem:s7+$0x10];
	v1 =	vadd.f32 $1.000000020e-16, v1  }
0x1eb: {  	v5 =	vld [tilespmem:s1+$0x0];
	v2 =	vadd.f32 $1.000000020e-16, v2  }
0x1ec: {  	(erf) = vrcp.f32 v1;
	v1 =	vld [tilespmem:s1+$0xFFFFFFE0]  }
0x1ed: {  	(erf) = vrcp.f32 v2;
	v2 =	vld [tilespmem:s1+$0xFFFFFFF0];
	_ =	sdelay $0x1  }
0x1ee: {  	v6 =	vld [tilespmem:s1+$0x10];
	v3 =	vadd.f32 $1.000000020e-16, v3  }
0x1ef: {  	v4 =	vadd.f32 $1.000000020e-16, v4  }
0x1f0: {  	(erf) = vrcp.f32 v3;
	v3 =	vadd.f32 $1.000000020e-16, v5  }
0x1f1: {  	s16 =	simm.s32 $0x15E0;
	(erf) = vrcp.f32 v4;
	v4 =	vadd.f32 $1.000000020e-16, v1;
	v7 =	vadd.f32 $1.000000020e-16, v2  }
0x1f2: {  	v5 =	vld [tilespmem:s16+$0x0];
	(erf) = vrcp.f32 v3  }
0x1f3: {  	v6 =	vadd.f32 $1.000000020e-16, v6;
	(erf) = vrcp.f32 v4  }
0x1f4: {  	v1 =	vld [tilespmem:s16+$0xFFFFFFE0];
	(erf) = vrcp.f32 v7  }
0x1f5: {  	v2 =	vld [tilespmem:s16+$0xFFFFFFF0];
	v7 =	vpop (erf);
	(erf) = vrcp.f32 v6  }
0x1f6: {  	v3 =	vld [tilespmem:s16+$0x10]  }
0x1f7: {  	s17 =	simm.s32 $0x8;
	s19 =	simm.s32 $0x1620;
	v4 =	vadd.f32 $1.000000020e-16, v5;
	[tilespmem:s7+$0x0] =	vst v7;
	v5 =	vpop (erf)  }
.LBB2_36:
0x1f8: {  	s17 =	sadd.s32 $0x4, s17  }
0x1f9: {  	v6 =	vld [tilespmem:s19+$0x0];
	v7 =	vadd.f32 $1.000000020e-16, v1;
	[tilespmem:s7+$0xFFFFFFE0] =	vst v5;
	v5 =	vpop (erf);
	p1 =	slt.u32 s17, $0x4C  }
.Ltmp9:
0x1fa: {  	v1 =	vld [tilespmem:s19+$0xFFFFFFE0];
	v8 =	vadd.f32 $1.000000020e-16, v2;
	(erf) = vrcp.f32 v4;
	[tilespmem:s7+$0xFFFFFFF0] =	vst v5;
	v4 =	vpop (erf);
	(pc) =	sbr.rel @p1 .LBB2_36-.Ltmp9, $4  }
0x1fb: {  	v2 =	vld [tilespmem:s19+$0xFFFFFFF0];
	v9 =	vadd.f32 $1.000000020e-16, v3;
	(erf) = vrcp.f32 v7;
	[tilespmem:s7+$0x10] =	vst v4;
	s7 =	smov.u32 s1;
	s1 =	smov.u32 s16;
	s16 =	smov.u32 s19  }
0x1fc: {  	v3 =	vld [tilespmem:s19+$0x10];
	(erf) = vrcp.f32 v8  }
0x1fd: {  	(erf) = vrcp.f32 v9;
	v5 =	vpop (erf)  }
0x1fe: {  	s19 =	sadd.s32 $0x40, s19;
	v4 =	vadd.f32 $1.000000020e-16, v6;
	[tilespmem:s7+$0x0] =	vst v5;
	v5 =	vpop (erf)  }
0x1ff: {  	v1 =	vadd.f32 $1.000000020e-16, v1  }
0x200: {  	v2 =	vadd.f32 $1.000000020e-16, v2;
	(erf) = vrcp.f32 v4  }
0x201: {  	v3 =	vadd.f32 $1.000000020e-16, v3;
	(erf) = vrcp.f32 v1  }
0x202: {  	(erf) = vrcp.f32 v2  }
0x203: {  	[tilespmem:s7+$0xFFFFFFE0] =	vst v5;
	v1 =	vpop (erf);
	(erf) = vrcp.f32 v3  }
0x204: {  	v2 =	vpop (erf);
	[tilespmem:s7+$0xFFFFFFF0] =	vst v1  }
0x205: {  	[tilespmem:s7+$0x10] =	vst v2;
	v1 =	vpop (erf)  }
0x206: {  	[tilespmem:s1+$0x0] =	vst v1;
	v1 =	vpop (erf)  }
0x207: {  	[tilespmem:s1+$0xFFFFFFE0] =	vst v1;
	v1 =	vpop (erf)  }
0x208: {  	[tilespmem:s1+$0xFFFFFFF0] =	vst v1;
	v1 =	vpop (erf)  }
0x209: {  	[tilespmem:s1+$0x10] =	vst v1;
	v1 =	vpop (erf)  }
0x20a: {  	[tilespmem:s16+$0x0] =	vst v1;
	v1 =	vpop (erf)  }
0x20b: {  	[tilespmem:s16+$0xFFFFFFE0] =	vst v1;
	v1 =	vpop (erf)  }
0x20c: {  	[tilespmem:s16+$0xFFFFFFF0] =	vst v1;
	v1 =	vpop (erf)  }
0x20d: {  	[tilespmem:s16+$0x10] =	vst v1  }
0x20e: {  	s1 =	rddreg [dreg:$0x1d]  }
0x20f: {  	[hbm4b:s1+s4] =	stream.linear.scatter [tilespmem:s18], [sflag:$0x2], $0x500, $0x38;
	[tilespmem:$0x1D7C0] =	vst v63  }
0x210: {  	_ =	swait.ge [sflag:s10], $0x500  }
0x211: {  	[sflag:s10] =	ssyncset.done $0x0  }
0x212: {  	s23 =	rddreg [dreg:$0xe];
	[sflag:s10] =	ssyncadd.s32 $0xFFFFFB00  }
0x213: {  	[tilespmem:s18], [sflag:$0x2] =	stream.linear.gather [spmem:s23], $0x500, $0x38;
	[tilespmem:$0x1D7C0] =	vst v63  }
0x214: {  	_ =	swait.ge [sflag:s10], $0x500  }
0x215: {  	[sflag:s10] =	ssyncset.done $0x0  }
0x216: {  	s7 =	simm.s32 $0x1560;
	[sflag:s10] =	ssyncadd.s32 $0xFFFFFB00  }
0x217: {  	v1 =	vld [tilespmem:s7+$0x0]  }
0x218: {  	v2 =	vld [tilespmem:s7+$0xFFFFFFE0];
	_ =	sdelay $0x2  }
0x219: {  	v3 =	vld [tilespmem:s7+$0xFFFFFFF0]  }
0x21a: {  	s1 =	simm.s32 $0x15A0;
	v4 =	vld [tilespmem:s7+$0x10];
	v1 =	vadd.f32 $1.000000020e-16, v1  }
0x21b: {  	v5 =	vld [tilespmem:s1+$0x0];
	v2 =	vadd.f32 $1.000000020e-16, v2  }
0x21c: {  	(erf) = vrcp.f32 v1;
	v1 =	vld [tilespmem:s1+$0xFFFFFFE0]  }
0x21d: {  	(erf) = vrcp.f32 v2;
	v2 =	vld [tilespmem:s1+$0xFFFFFFF0];
	_ =	sdelay $0x1  }
0x21e: {  	v6 =	vld [tilespmem:s1+$0x10];
	v3 =	vadd.f32 $1.000000020e-16, v3  }
0x21f: {  	v4 =	vadd.f32 $1.000000020e-16, v4  }
0x220: {  	(erf) = vrcp.f32 v3;
	v3 =	vadd.f32 $1.000000020e-16, v5  }
0x221: {  	s16 =	simm.s32 $0x15E0;
	(erf) = vrcp.f32 v4;
	v4 =	vadd.f32 $1.000000020e-16, v1;
	v7 =	vadd.f32 $1.000000020e-16, v2  }
0x222: {  	v5 =	vld [tilespmem:s16+$0x0];
	(erf) = vrcp.f32 v3  }
0x223: {  	v6 =	vadd.f32 $1.000000020e-16, v6;
	(erf) = vrcp.f32 v4  }
0x224: {  	v1 =	vld [tilespmem:s16+$0xFFFFFFE0];
	(erf) = vrcp.f32 v7  }
0x225: {  	v2 =	vld [tilespmem:s16+$0xFFFFFFF0];
	v7 =	vpop (erf);
	(erf) = vrcp.f32 v6  }
0x226: {  	v3 =	vld [tilespmem:s16+$0x10]  }
0x227: {  	s17 =	simm.s32 $0x8;
	s19 =	simm.s32 $0x1620;
	v4 =	vadd.f32 $1.000000020e-16, v5;
	[tilespmem:s7+$0x0] =	vst v7;
	v5 =	vpop (erf)  }
.LBB2_38:
0x228: {  	s17 =	sadd.s32 $0x4, s17  }
0x229: {  	v6 =	vld [tilespmem:s19+$0x0];
	v7 =	vadd.f32 $1.000000020e-16, v1;
	[tilespmem:s7+$0xFFFFFFE0] =	vst v5;
	v5 =	vpop (erf);
	p1 =	slt.u32 s17, $0x4C  }
.Ltmp10:
0x22a: {  	v1 =	vld [tilespmem:s19+$0xFFFFFFE0];
	v8 =	vadd.f32 $1.000000020e-16, v2;
	(erf) = vrcp.f32 v4;
	[tilespmem:s7+$0xFFFFFFF0] =	vst v5;
	v4 =	vpop (erf);
	(pc) =	sbr.rel @p1 .LBB2_38-.Ltmp10, $4  }
0x22b: {  	v2 =	vld [tilespmem:s19+$0xFFFFFFF0];
	v9 =	vadd.f32 $1.000000020e-16, v3;
	(erf) = vrcp.f32 v7;
	[tilespmem:s7+$0x10] =	vst v4;
	s7 =	smov.u32 s1;
	s1 =	smov.u32 s16;
	s16 =	smov.u32 s19  }
0x22c: {  	v3 =	vld [tilespmem:s19+$0x10];
	(erf) = vrcp.f32 v8  }
0x22d: {  	(erf) = vrcp.f32 v9;
	v5 =	vpop (erf)  }
0x22e: {  	s19 =	sadd.s32 $0x40, s19;
	v4 =	vadd.f32 $1.000000020e-16, v6;
	[tilespmem:s7+$0x0] =	vst v5;
	v5 =	vpop (erf)  }
0x22f: {  	v1 =	vadd.f32 $1.000000020e-16, v1  }
0x230: {  	v2 =	vadd.f32 $1.000000020e-16, v2;
	(erf) = vrcp.f32 v4  }
0x231: {  	v3 =	vadd.f32 $1.000000020e-16, v3;
	(erf) = vrcp.f32 v1  }
0x232: {  	(erf) = vrcp.f32 v2  }
0x233: {  	[tilespmem:s7+$0xFFFFFFE0] =	vst v5;
	v1 =	vpop (erf);
	(erf) = vrcp.f32 v3  }
0x234: {  	v2 =	vpop (erf);
	[tilespmem:s7+$0xFFFFFFF0] =	vst v1  }
0x235: {  	[tilespmem:s7+$0x10] =	vst v2;
	v1 =	vpop (erf)  }
0x236: {  	[tilespmem:s1+$0x0] =	vst v1;
	v1 =	vpop (erf)  }
0x237: {  	[tilespmem:s1+$0xFFFFFFE0] =	vst v1;
	v1 =	vpop (erf)  }
0x238: {  	[tilespmem:s1+$0xFFFFFFF0] =	vst v1;
	v1 =	vpop (erf)  }
0x239: {  	[tilespmem:s1+$0x10] =	vst v1;
	v1 =	vpop (erf)  }
0x23a: {  	[tilespmem:s16+$0x0] =	vst v1;
	v1 =	vpop (erf)  }
0x23b: {  	[tilespmem:s16+$0xFFFFFFE0] =	vst v1;
	v1 =	vpop (erf)  }
0x23c: {  	[tilespmem:s16+$0xFFFFFFF0] =	vst v1;
	v1 =	vpop (erf)  }
0x23d: {  	[tilespmem:s16+$0x10] =	vst v1  }
0x23e: {  	s1 =	rddreg [dreg:$0x1f]  }
0x23f: {  	[hbm4b:s1+s4] =	stream.linear.scatter [tilespmem:s18], [sflag:$0x2], $0x500, $0x38;
	[tilespmem:$0x1D7C0] =	vst v63  }
0x240: {  	_ =	swait.ge [sflag:s10], $0x500  }
0x241: {  	[sflag:s10] =	ssyncset.done $0x0  }
0x242: {  	[sflag:s10] =	ssyncadd.s32 $0xFFFFFB00  }
0x243: {  	[tilespmem:s18], [sflag:$0x2] =	stream.linear.gather [spmem:s25], $0x500, $0x38;
	[tilespmem:$0x1D7C0] =	vst v63  }
0x244: {  	_ =	swait.ge [sflag:s10], $0x500  }
0x245: {  	[sflag:s10] =	ssyncset.done $0x0  }
0x246: {  	s7 =	simm.s32 $0x1560;
	[sflag:s10] =	ssyncadd.s32 $0xFFFFFB00  }
0x247: {  	v1 =	vld [tilespmem:s7+$0x0]  }
0x248: {  	v2 =	vld [tilespmem:s7+$0xFFFFFFE0];
	_ =	sdelay $0x2  }
0x249: {  	v3 =	vld [tilespmem:s7+$0xFFFFFFF0]  }
0x24a: {  	s1 =	simm.s32 $0x15A0;
	v4 =	vld [tilespmem:s7+$0x10];
	v1 =	vadd.f32 $1.000000020e-16, v1  }
0x24b: {  	v5 =	vld [tilespmem:s1+$0x0];
	v2 =	vadd.f32 $1.000000020e-16, v2  }
0x24c: {  	(erf) = vrcp.f32 v1;
	v1 =	vld [tilespmem:s1+$0xFFFFFFE0]  }
0x24d: {  	(erf) = vrcp.f32 v2;
	v2 =	vld [tilespmem:s1+$0xFFFFFFF0];
	_ =	sdelay $0x1  }
0x24e: {  	v6 =	vld [tilespmem:s1+$0x10];
	v3 =	vadd.f32 $1.000000020e-16, v3  }
0x24f: {  	v4 =	vadd.f32 $1.000000020e-16, v4  }
0x250: {  	(erf) = vrcp.f32 v3;
	v3 =	vadd.f32 $1.000000020e-16, v5  }
0x251: {  	s16 =	simm.s32 $0x15E0;
	(erf) = vrcp.f32 v4;
	v4 =	vadd.f32 $1.000000020e-16, v1;
	v7 =	vadd.f32 $1.000000020e-16, v2  }
0x252: {  	v5 =	vld [tilespmem:s16+$0x0];
	(erf) = vrcp.f32 v3  }
0x253: {  	v6 =	vadd.f32 $1.000000020e-16, v6;
	(erf) = vrcp.f32 v4  }
0x254: {  	v1 =	vld [tilespmem:s16+$0xFFFFFFE0];
	(erf) = vrcp.f32 v7  }
0x255: {  	v2 =	vld [tilespmem:s16+$0xFFFFFFF0];
	v7 =	vpop (erf);
	(erf) = vrcp.f32 v6  }
0x256: {  	v3 =	vld [tilespmem:s16+$0x10]  }
0x257: {  	s17 =	simm.s32 $0x8;
	s19 =	simm.s32 $0x1620;
	v4 =	vadd.f32 $1.000000020e-16, v5;
	[tilespmem:s7+$0x0] =	vst v7;
	v5 =	vpop (erf)  }
.LBB2_40:
0x258: {  	s17 =	sadd.s32 $0x4, s17  }
0x259: {  	v6 =	vld [tilespmem:s19+$0x0];
	v7 =	vadd.f32 $1.000000020e-16, v1;
	[tilespmem:s7+$0xFFFFFFE0] =	vst v5;
	v5 =	vpop (erf);
	p1 =	slt.u32 s17, $0x4C  }
.Ltmp11:
0x25a: {  	v1 =	vld [tilespmem:s19+$0xFFFFFFE0];
	v8 =	vadd.f32 $1.000000020e-16, v2;
	(erf) = vrcp.f32 v4;
	[tilespmem:s7+$0xFFFFFFF0] =	vst v5;
	v4 =	vpop (erf);
	(pc) =	sbr.rel @p1 .LBB2_40-.Ltmp11, $4  }
0x25b: {  	v2 =	vld [tilespmem:s19+$0xFFFFFFF0];
	v9 =	vadd.f32 $1.000000020e-16, v3;
	(erf) = vrcp.f32 v7;
	[tilespmem:s7+$0x10] =	vst v4;
	s7 =	smov.u32 s1;
	s1 =	smov.u32 s16;
	s16 =	smov.u32 s19  }
0x25c: {  	v3 =	vld [tilespmem:s19+$0x10];
	(erf) = vrcp.f32 v8  }
0x25d: {  	(erf) = vrcp.f32 v9;
	v5 =	vpop (erf)  }
0x25e: {  	s19 =	sadd.s32 $0x40, s19;
	v4 =	vadd.f32 $1.000000020e-16, v6;
	[tilespmem:s7+$0x0] =	vst v5;
	v5 =	vpop (erf)  }
0x25f: {  	v1 =	vadd.f32 $1.000000020e-16, v1  }
0x260: {  	v2 =	vadd.f32 $1.000000020e-16, v2;
	(erf) = vrcp.f32 v4  }
0x261: {  	v3 =	vadd.f32 $1.000000020e-16, v3;
	(erf) = vrcp.f32 v1  }
0x262: {  	(erf) = vrcp.f32 v2  }
0x263: {  	[tilespmem:s7+$0xFFFFFFE0] =	vst v5;
	v1 =	vpop (erf);
	(erf) = vrcp.f32 v3  }
0x264: {  	v2 =	vpop (erf);
	[tilespmem:s7+$0xFFFFFFF0] =	vst v1  }
0x265: {  	[tilespmem:s7+$0x10] =	vst v2;
	v1 =	vpop (erf)  }
0x266: {  	[tilespmem:s1+$0x0] =	vst v1;
	v1 =	vpop (erf)  }
0x267: {  	[tilespmem:s1+$0xFFFFFFE0] =	vst v1;
	v1 =	vpop (erf)  }
0x268: {  	[tilespmem:s1+$0xFFFFFFF0] =	vst v1;
	v1 =	vpop (erf)  }
0x269: {  	[tilespmem:s1+$0x10] =	vst v1;
	v1 =	vpop (erf)  }
0x26a: {  	[tilespmem:s16+$0x0] =	vst v1;
	v1 =	vpop (erf)  }
0x26b: {  	[tilespmem:s16+$0xFFFFFFE0] =	vst v1;
	v1 =	vpop (erf)  }
0x26c: {  	[tilespmem:s16+$0xFFFFFFF0] =	vst v1;
	v1 =	vpop (erf)  }
0x26d: {  	[tilespmem:s16+$0x10] =	vst v1  }
0x26e: {  	s1 =	sld [smem:$0x7FA];
	_ =	sdelay $0x2  }
0x26f: {  	[hbm4b:s1+s4] =	stream.linear.scatter [tilespmem:s18], [sflag:$0x2], $0x500, $0x38;
	[tilespmem:$0x1D7C0] =	vst v63  }
0x270: {  	_ =	swait.ge [sflag:s10], $0x500  }
0x271: {  	[sflag:s10] =	ssyncset.done $0x0  }
0x272: {  	[sflag:s10] =	ssyncadd.s32 $0xFFFFFB00  }
0x273: {  	[tilespmem:s18], [sflag:$0x2] =	stream.linear.gather [spmem:s28], $0x500, $0x38;
	[tilespmem:$0x1D7C0] =	vst v63  }
0x274: {  	_ =	swait.ge [sflag:s10], $0x500  }
0x275: {  	[sflag:s10] =	ssyncset.done $0x0  }
0x276: {  	s7 =	simm.s32 $0x1560;
	[sflag:s10] =	ssyncadd.s32 $0xFFFFFB00  }
0x277: {  	v1 =	vld [tilespmem:s7+$0x0]  }
0x278: {  	v2 =	vld [tilespmem:s7+$0xFFFFFFE0];
	_ =	sdelay $0x2  }
0x279: {  	v3 =	vld [tilespmem:s7+$0xFFFFFFF0]  }
0x27a: {  	s1 =	simm.s32 $0x15A0;
	v4 =	vld [tilespmem:s7+$0x10];
	v1 =	vadd.f32 $1.000000020e-16, v1  }
0x27b: {  	v5 =	vld [tilespmem:s1+$0x0];
	v2 =	vadd.f32 $1.000000020e-16, v2  }
0x27c: {  	(erf) = vrcp.f32 v1;
	v1 =	vld [tilespmem:s1+$0xFFFFFFE0]  }
0x27d: {  	(erf) = vrcp.f32 v2;
	v2 =	vld [tilespmem:s1+$0xFFFFFFF0];
	_ =	sdelay $0x1  }
0x27e: {  	v6 =	vld [tilespmem:s1+$0x10];
	v3 =	vadd.f32 $1.000000020e-16, v3  }
0x27f: {  	v4 =	vadd.f32 $1.000000020e-16, v4  }
0x280: {  	(erf) = vrcp.f32 v3;
	v3 =	vadd.f32 $1.000000020e-16, v5  }
0x281: {  	s16 =	simm.s32 $0x15E0;
	(erf) = vrcp.f32 v4;
	v4 =	vadd.f32 $1.000000020e-16, v1;
	v7 =	vadd.f32 $1.000000020e-16, v2  }
0x282: {  	v5 =	vld [tilespmem:s16+$0x0];
	(erf) = vrcp.f32 v3  }
0x283: {  	v6 =	vadd.f32 $1.000000020e-16, v6;
	(erf) = vrcp.f32 v4  }
0x284: {  	v1 =	vld [tilespmem:s16+$0xFFFFFFE0];
	(erf) = vrcp.f32 v7  }
0x285: {  	v2 =	vld [tilespmem:s16+$0xFFFFFFF0];
	v7 =	vpop (erf);
	(erf) = vrcp.f32 v6  }
0x286: {  	v3 =	vld [tilespmem:s16+$0x10]  }
0x287: {  	s17 =	simm.s32 $0x8;
	s19 =	simm.s32 $0x1620;
	v4 =	vadd.f32 $1.000000020e-16, v5;
	[tilespmem:s7+$0x0] =	vst v7;
	v5 =	vpop (erf)  }
.LBB2_42:
0x288: {  	s17 =	sadd.s32 $0x4, s17  }
0x289: {  	v6 =	vld [tilespmem:s19+$0x0];
	v7 =	vadd.f32 $1.000000020e-16, v1;
	[tilespmem:s7+$0xFFFFFFE0] =	vst v5;
	v5 =	vpop (erf);
	p1 =	slt.u32 s17, $0x4C  }
.Ltmp12:
0x28a: {  	v1 =	vld [tilespmem:s19+$0xFFFFFFE0];
	v8 =	vadd.f32 $1.000000020e-16, v2;
	(erf) = vrcp.f32 v4;
	[tilespmem:s7+$0xFFFFFFF0] =	vst v5;
	v4 =	vpop (erf);
	(pc) =	sbr.rel @p1 .LBB2_42-.Ltmp12, $4  }
0x28b: {  	v2 =	vld [tilespmem:s19+$0xFFFFFFF0];
	v9 =	vadd.f32 $1.000000020e-16, v3;
	(erf) = vrcp.f32 v7;
	[tilespmem:s7+$0x10] =	vst v4;
	s7 =	smov.u32 s1;
	s1 =	smov.u32 s16;
	s16 =	smov.u32 s19  }
0x28c: {  	v3 =	vld [tilespmem:s19+$0x10];
	(erf) = vrcp.f32 v8  }
0x28d: {  	(erf) = vrcp.f32 v9;
	v5 =	vpop (erf)  }
0x28e: {  	s19 =	sadd.s32 $0x40, s19;
	v4 =	vadd.f32 $1.000000020e-16, v6;
	[tilespmem:s7+$0x0] =	vst v5;
	v5 =	vpop (erf)  }
0x28f: {  	v1 =	vadd.f32 $1.000000020e-16, v1  }
0x290: {  	v2 =	vadd.f32 $1.000000020e-16, v2;
	(erf) = vrcp.f32 v4  }
0x291: {  	v3 =	vadd.f32 $1.000000020e-16, v3;
	(erf) = vrcp.f32 v1  }
0x292: {  	(erf) = vrcp.f32 v2  }
0x293: {  	[tilespmem:s7+$0xFFFFFFE0] =	vst v5;
	v1 =	vpop (erf);
	(erf) = vrcp.f32 v3  }
0x294: {  	v2 =	vpop (erf);
	[tilespmem:s7+$0xFFFFFFF0] =	vst v1  }
0x295: {  	[tilespmem:s7+$0x10] =	vst v2;
	v1 =	vpop (erf)  }
0x296: {  	[tilespmem:s1+$0x0] =	vst v1;
	v1 =	vpop (erf)  }
0x297: {  	[tilespmem:s1+$0xFFFFFFE0] =	vst v1;
	v1 =	vpop (erf)  }
0x298: {  	[tilespmem:s1+$0xFFFFFFF0] =	vst v1;
	v1 =	vpop (erf)  }
0x299: {  	[tilespmem:s1+$0x10] =	vst v1;
	v1 =	vpop (erf)  }
0x29a: {  	[tilespmem:s16+$0x0] =	vst v1;
	v1 =	vpop (erf)  }
0x29b: {  	[tilespmem:s16+$0xFFFFFFE0] =	vst v1;
	v1 =	vpop (erf)  }
0x29c: {  	[tilespmem:s16+$0xFFFFFFF0] =	vst v1;
	v1 =	vpop (erf)  }
0x29d: {  	[tilespmem:s16+$0x10] =	vst v1  }
0x29e: {  	s1 =	sld [smem:$0x7FC];
	_ =	sdelay $0x2  }
0x29f: {  	[hbm4b:s1+s4] =	stream.linear.scatter [tilespmem:s18], [sflag:$0x2], $0x500, $0x38;
	[tilespmem:$0x1D7C0] =	vst v63  }
0x2a0: {  	_ =	swait.ge [sflag:s10], $0x500  }
0x2a1: {  	[sflag:s10] =	ssyncset.done $0x0  }
0x2a2: {  	[sflag:s10] =	ssyncadd.s32 $0xFFFFFB00  }
0x2a3: {  	[tilespmem:s18], [sflag:$0x2] =	stream.linear.gather [spmem:s30], $0x500, $0x38;
	[tilespmem:$0x1D7C0] =	vst v63  }
0x2a4: {  	_ =	swait.ge [sflag:s10], $0x500  }
0x2a5: {  	[sflag:s10] =	ssyncset.done $0x0  }
0x2a6: {  	s7 =	simm.s32 $0x1560;
	[sflag:s10] =	ssyncadd.s32 $0xFFFFFB00  }
0x2a7: {  	v1 =	vld [tilespmem:s7+$0x0]  }
0x2a8: {  	v2 =	vld [tilespmem:s7+$0xFFFFFFE0];
	_ =	sdelay $0x2  }
0x2a9: {  	v3 =	vld [tilespmem:s7+$0xFFFFFFF0]  }
0x2aa: {  	s1 =	simm.s32 $0x15A0;
	v4 =	vld [tilespmem:s7+$0x10];
	v1 =	vadd.f32 $1.000000020e-16, v1  }
0x2ab: {  	v5 =	vld [tilespmem:s1+$0x0];
	v2 =	vadd.f32 $1.000000020e-16, v2  }
0x2ac: {  	(erf) = vrcp.f32 v1;
	v1 =	vld [tilespmem:s1+$0xFFFFFFE0]  }
0x2ad: {  	(erf) = vrcp.f32 v2;
	v2 =	vld [tilespmem:s1+$0xFFFFFFF0];
	_ =	sdelay $0x1  }
0x2ae: {  	v6 =	vld [tilespmem:s1+$0x10];
	v3 =	vadd.f32 $1.000000020e-16, v3  }
0x2af: {  	v4 =	vadd.f32 $1.000000020e-16, v4  }
0x2b0: {  	(erf) = vrcp.f32 v3;
	v3 =	vadd.f32 $1.000000020e-16, v5  }
0x2b1: {  	s16 =	simm.s32 $0x15E0;
	(erf) = vrcp.f32 v4;
	v4 =	vadd.f32 $1.000000020e-16, v1;
	v7 =	vadd.f32 $1.000000020e-16, v2  }
0x2b2: {  	v5 =	vld [tilespmem:s16+$0x0];
	(erf) = vrcp.f32 v3  }
0x2b3: {  	v6 =	vadd.f32 $1.000000020e-16, v6;
	(erf) = vrcp.f32 v4  }
0x2b4: {  	v1 =	vld [tilespmem:s16+$0xFFFFFFE0];
	(erf) = vrcp.f32 v7  }
0x2b5: {  	v2 =	vld [tilespmem:s16+$0xFFFFFFF0];
	v7 =	vpop (erf);
	(erf) = vrcp.f32 v6  }
0x2b6: {  	v3 =	vld [tilespmem:s16+$0x10]  }
0x2b7: {  	s17 =	simm.s32 $0x8;
	s19 =	simm.s32 $0x1620;
	v4 =	vadd.f32 $1.000000020e-16, v5;
	[tilespmem:s7+$0x0] =	vst v7;
	v5 =	vpop (erf)  }
.LBB2_44:
0x2b8: {  	s17 =	sadd.s32 $0x4, s17  }
0x2b9: {  	v6 =	vld [tilespmem:s19+$0x0];
	v7 =	vadd.f32 $1.000000020e-16, v1;
	[tilespmem:s7+$0xFFFFFFE0] =	vst v5;
	v5 =	vpop (erf);
	p1 =	slt.u32 s17, $0x4C  }
.Ltmp13:
0x2ba: {  	v1 =	vld [tilespmem:s19+$0xFFFFFFE0];
	v8 =	vadd.f32 $1.000000020e-16, v2;
	(erf) = vrcp.f32 v4;
	[tilespmem:s7+$0xFFFFFFF0] =	vst v5;
	v4 =	vpop (erf);
	(pc) =	sbr.rel @p1 .LBB2_44-.Ltmp13, $4  }
0x2bb: {  	v2 =	vld [tilespmem:s19+$0xFFFFFFF0];
	v9 =	vadd.f32 $1.000000020e-16, v3;
	(erf) = vrcp.f32 v7;
	[tilespmem:s7+$0x10] =	vst v4;
	s7 =	smov.u32 s1;
	s1 =	smov.u32 s16;
	s16 =	smov.u32 s19  }
0x2bc: {  	v3 =	vld [tilespmem:s19+$0x10];
	(erf) = vrcp.f32 v8  }
0x2bd: {  	(erf) = vrcp.f32 v9;
	v5 =	vpop (erf)  }
0x2be: {  	s19 =	sadd.s32 $0x40, s19;
	v4 =	vadd.f32 $1.000000020e-16, v6;
	[tilespmem:s7+$0x0] =	vst v5;
	v5 =	vpop (erf)  }
0x2bf: {  	v1 =	vadd.f32 $1.000000020e-16, v1  }
0x2c0: {  	v2 =	vadd.f32 $1.000000020e-16, v2;
	(erf) = vrcp.f32 v4  }
0x2c1: {  	v3 =	vadd.f32 $1.000000020e-16, v3;
	(erf) = vrcp.f32 v1  }
0x2c2: {  	(erf) = vrcp.f32 v2  }
0x2c3: {  	[tilespmem:s7+$0xFFFFFFE0] =	vst v5;
	v1 =	vpop (erf);
	(erf) = vrcp.f32 v3  }
0x2c4: {  	v2 =	vpop (erf);
	[tilespmem:s7+$0xFFFFFFF0] =	vst v1  }
0x2c5: {  	[tilespmem:s7+$0x10] =	vst v2;
	v1 =	vpop (erf)  }
0x2c6: {  	[tilespmem:s1+$0x0] =	vst v1;
	v1 =	vpop (erf)  }
0x2c7: {  	[tilespmem:s1+$0xFFFFFFE0] =	vst v1;
	v1 =	vpop (erf)  }
0x2c8: {  	[tilespmem:s1+$0xFFFFFFF0] =	vst v1;
	v1 =	vpop (erf)  }
0x2c9: {  	[tilespmem:s1+$0x10] =	vst v1;
	v1 =	vpop (erf)  }
.Ltmp14:
0x2ca: {  	[tilespmem:s16+$0x0] =	vst v1;
	v1 =	vpop (erf);
	(pc) =	sbr.rel .LBB2_46-.Ltmp14, $4  }
0x2cb: {  	[tilespmem:s16+$0xFFFFFFE0] =	vst v1;
	v1 =	vpop (erf)  }
0x2cc: {  	[tilespmem:s16+$0xFFFFFFF0] =	vst v1;
	v1 =	vpop (erf)  }
0x2cd: {  	[tilespmem:s16+$0x10] =	vst v1  }
0x2ce: {  	s1 =	rddreg [dreg:$0x6]  }
.LBB2_4:
0x2cf: {  	v1 =	vld [tilespmem:$0x6F40]  }
0x2d0: {  	v2 =	vld [tilespmem:$0x6F50];
	_ =	sdelay $0x4  }
0x2d1: {  	v1 =	vadd.f32 v2, v1;
	_ =	sdelay $0x1  }
0x2d2: {  	s1 =	simm.s32 $0x0;
	v1 =	vmax.f32 v1, $0.0e+00  }
.LBB2_5:
0x2d3: {  	s7 =	smul.u32 $0xA0, s1;
	_ =	sdelay $0x1  }
0x2d4: {  	s7 =	sadd.s32 s15, s7  }
0x2d5: {  	s7 =	sshrl.u32 s7, $0x3  }
0x2d6: {  	s16 =	sadd.s32 s13, s7  }
0x2d7: {  	[tilespmem:s4], [sflag:$0x2] =	stream.linear.gather [hbm4b:s16+s4], $0xA0, $0x38;
	[tilespmem:$0x1D7C0] =	vst v63  }
0x2d8: {  	_ =	swait.ge [sflag:s10], $0xA0  }
0x2d9: {  	[sflag:s10] =	ssyncset.done $0x0  }
0x2da: {  	[sflag:s10] =	ssyncadd.s32 $0xFFFFFF60  }
0x2db: {  	[tilespmem:s24], [sflag:$0x1] =	stream.indirect.gather [hbm4b:s5+s22], $0x10, s4, s22, $0xb8;
	[tilespmem:$0x1D7C0] =	vst v63  }
0x2dc: {  	_ = 	snop  }
0x2dd: {  	[tilespmem:s20], [sflag:$0x1] =	stream.indirect.gather [hbm4b:s11+s22], $0x80, s4, s22, $0xb8;
	[tilespmem:$0x1D7C0] =	vst v63  }
0x2de: {  	s7 =	sadd.s32 s14, s7  }
0x2df: {  	[tilespmem:s22], [sflag:$0x2] =	stream.linear.gather [hbm4b:s7+s4], $0xA0, $0x38;
	[tilespmem:$0x1D7C0] =	vst v63  }
0x2e0: {  	_ =	swait.ge [sflag:s10], $0xA0  }
0x2e1: {  	[sflag:s10] =	ssyncset.done $0x0  }
0x2e2: {  	[sflag:s10] =	ssyncadd.s32 $0xFFFFFF60  }
0x2e3: {  	[tilespmem:s26], [sflag:$0x1] =	stream.indirect.gather [hbm4b:s6+s22], $0x10, s22, s22, $0xb8;
	[tilespmem:$0x1D7C0] =	vst v63  }
0x2e4: {  	_ =	swait.ge [sflag:s29], $0xA00  }
0x2e5: {  	[sflag:s29] =	ssyncset.done $0x0  }
0x2e6: {  	[sflag:s29] =	ssyncadd.s32 $0xFFFFF600  }
0x2e7: {  	_ =	swait.ge [sflag:s29], $0xA00  }
0x2e8: {  	[sflag:s29] =	ssyncset.done $0x0  }
0x2e9: {  	[sflag:s29] =	ssyncadd.s32 $0xFFFFF600  }
0x2ea: {  	_ =	swait.ge [sflag:s29], $0x5000  }
0x2eb: {  	[sflag:s29] =	ssyncset.done $0x0  }
0x2ec: {  	s21 =	simm.s32 $0x160;
	[sflag:s29] =	ssyncadd.s32 $0xFFFFB000  }
0x2ed: {  	s23 =	simm.s32 $0xB60;
	v2 =	vld [tilespmem:s21+$0x10]  }
0x2ee: {  	v3 =	vld [tilespmem:s23+$0x10]  }
0x2ef: {  	v4 =	vld [tilespmem:s23+$0xFFFFFFE0]  }
0x2f0: {  	v5 =	vld [tilespmem:s21+$0xFFFFFFF0]  }
0x2f1: {  	v6 =	vld [tilespmem:s23+$0xFFFFFFF0]  }
0x2f2: {  	v7 =	vld [tilespmem:s21+$0x0]  }
0x2f3: {  	v8 =	vld [tilespmem:s23+$0x0];
	v2 =	vadd.f32 v3, v2  }
0x2f4: {  	v3 =	vld [tilespmem:s21+$0xFFFFFFE0]  }
0x2f5: {  	v9 =	vmul.f32 $2.000000030e-01, v2  }
0x2f6: {  	v5 =	vadd.f32 v6, v5;
	vm0 =	vge.f32 v2, $0.0e+00  }
0x2f7: {  	v2 =	vsel vm0, v2, v9  }
0x2f8: {  	v6 =	vadd.f32 v8, v7;
	v7 =	vmul.f32 $2.000000030e-01, v5;
	v2 =	vsub.f32 v2, v1  }
0x2f9: {  	vm11 =	vge.f32 v5, $0.0e+00;
	v3 =	vadd.f32 v4, v3  }
0x2fa: {  	v5 =	vsel vm11, v5, v7;
	v4 =	vmul.f32 $2.000000030e-01, v6;
	v2 =	vmul.f32 $1.442695020e+00, v2  }
0x2fb: {  	vm1 =	vge.f32 v6, $0.0e+00;
	v5 =	vsub.f32 v5, v1;
	v8 =	vmul.f32 $2.000000030e-01, v3  }
0x2fc: {  	vm12 =	vge.f32 v3, $0.0e+00;
	v4 =	vsel vm1, v6, v4;
	(erf) = vpow2.f32 v2  }
0x2fd: {  	v2 =	vsel vm12, v3, v8;
	v3 =	vsub.f32 v4, v1;
	v4 =	vmul.f32 $1.442695020e+00, v5  }
0x2fe: {  	v2 =	vsub.f32 v2, v1  }
0x2ff: {  	v3 =	vmul.f32 $1.442695020e+00, v3;
	(erf) = vpow2.f32 v4  }
0x300: {  	s19 =	simm.s32 $0x1A0;
	v2 =	vmul.f32 $1.442695020e+00, v2  }
0x301: {  	s16 =	simm.s32 $0xBA0;
	v19 =	vld [tilespmem:s19+$0x10];
	(erf) = vpow2.f32 v3  }
0x302: {  	v20 =	vld [tilespmem:s16+$0x10];
	(erf) = vpow2.f32 v2  }
0x303: {  	v21 =	vld [tilespmem:s16+$0xFFFFFFE0]  }
0x304: {  	v22 =	vld [tilespmem:s19+$0xFFFFFFF0]  }
0x305: {  	s17 =	simm.s32 $0x1560;
	v23 =	vld [tilespmem:s16+$0xFFFFFFF0];
	v5 =	vpop (erf)  }
0x306: {  	s7 =	simm.s32 $0x2040;
	v24 =	vld [tilespmem:s19+$0x0];
	[tilespmem:s17+$0x10] =	vst v5  }
0x307: {  	v2 =	vld [tilespmem:s7+$0xF0]  }
0x308: {  	v3 =	vld [tilespmem:s7+$0x80];
	v4 =	vpop (erf)  }
0x309: {  	v7 =	vld [tilespmem:s7+$0x90];
	[tilespmem:s17+$0xFFFFFFF0] =	vst v4  }
0x30a: {  	v6 =	vpop (erf);
	v10 =	vld [tilespmem:s7+$0xFFFFFF80]  }
0x30b: {  	v18 =	vld [tilespmem:s7+$0xFFFFFF90];
	v9 =	vpop (erf)  }
0x30c: {  	v19 =	vadd.f32 v20, v19;
	v20 =	vld [tilespmem:s7+$0xFFFFFFA0];
	[tilespmem:s17+$0xFFFFFFE0] =	vst v9  }
0x30d: {  	v11 =	vld [tilespmem:s7+$0xFFFFFF00]  }
0x30e: {  	v12 =	vld [tilespmem:s7+$0xFFFFFF10]  }
0x30f: {  	v13 =	vld [tilespmem:s7+$0xFFFFFF20]  }
0x310: {  	v14 =	vld [tilespmem:s7+$0xFFFFFF30];
	v2 =	vmul.f32 v2, v5  }
0x311: {  	[tilespmem:s17+$0x0] =	vst v6;
	v15 =	vld [tilespmem:s7+$0xFFFFFF40];
	v3 =	vmul.f32 v5, v3  }
0x312: {  	v16 =	vld [tilespmem:s7+$0xFFFFFF50];
	v10 =	vmul.f32 v4, v10;
	[tilespmem:s7+$0xF0] =	vst v2  }
0x313: {  	v17 =	vld [tilespmem:s7+$0xFFFFFF60];
	[tilespmem:s7+$0x80] =	vst v3;
	v11 =	vmul.f32 v9, v11  }
0x314: {  	v7 =	vmul.f32 v5, v7;
	v18 =	vmul.f32 v4, v18;
	[tilespmem:s7+$0xFFFFFF80] =	vst v10;
	v10 =	vld [tilespmem:s16+$0x0]  }
0x315: {  	v3 =	vmul.f32 v4, v20;
	v12 =	vmul.f32 v9, v12;
	[tilespmem:s7+$0xFFFFFF00] =	vst v11;
	v11 =	vld [tilespmem:s7+$0xFFFFFF70]  }
0x316: {  	[tilespmem:s7+$0xFFFFFF90] =	vst v18;
	v18 =	vld [tilespmem:s19+$0xFFFFFFE0];
	v13 =	vmul.f32 v9, v13;
	v2 =	vmul.f32 v14, v9  }
0x317: {  	v8 =	vld [tilespmem:s7+$0xA0];
	v14 =	vmul.f32 $2.000000030e-01, v19;
	[tilespmem:s7+$0xFFFFFF10] =	vst v12;
	v12 =	vmul.f32 v15, v9;
	v15 =	vadd.f32 v23, v22  }
0x318: {  	vm13 =	vge.f32 v19, $0.0e+00;
	v16 =	vmul.f32 v16, v9;
	v17 =	vmul.f32 v17, v9;
	v22 =	vld [tilespmem:s7+$0xFFFFFFB0];
	[tilespmem:s7+$0xFFFFFF20] =	vst v13  }
0x319: {  	v14 =	vsel vm13, v19, v14;
	v19 =	vld [tilespmem:s7+$0xFFFFFFC0];
	[tilespmem:s7+$0xFFFFFF30] =	vst v2;
	v10 =	vadd.f32 v10, v24;
	v2 =	vmul.f32 $2.000000030e-01, v15  }
0x31a: {  	v13 =	vld [tilespmem:s7+$0xFFFFFFD0];
	[tilespmem:s7+$0xFFFFFF50] =	vst v16;
	vm14 =	vge.f32 v15, $0.0e+00;
	v9 =	vmul.f32 v11, v9;
	v11 =	vsub.f32 v14, v1  }
0x31b: {  	v16 =	vld [tilespmem:s7+$0x0];
	[tilespmem:s7+$0xFFFFFF40] =	vst v12;
	v12 =	vmul.f32 $2.000000030e-01, v10;
	v2 =	vsel vm14, v15, v2;
	v14 =	vadd.f32 v21, v18  }
0x31c: {  	[tilespmem:s7+$0xFFFFFF60] =	vst v17;
	v17 =	vld [tilespmem:s7+$0x60];
	vm15 =	vge.f32 v10, $0.0e+00;
	v2 =	vsub.f32 v2, v1;
	v11 =	vmul.f32 $1.442695020e+00, v11  }
0x31d: {  	[tilespmem:s7+$0x90] =	vst v7;
	v18 =	vld [tilespmem:s7+$0xFFFFFFE0];
	v7 =	vmul.f32 v22, v4;
	v10 =	vsel vm15, v10, v12;
	v15 =	vmul.f32 $2.000000030e-01, v14  }
0x31e: {  	[tilespmem:s7+$0xFFFFFFA0] =	vst v3;
	v21 =	vld [tilespmem:s7+$0xFFFFFFF0];
	vm2 =	vge.f32 v14, $0.0e+00;
	v10 =	vsub.f32 v10, v1;
	(erf) = vpow2.f32 v11  }
0x31f: {  	v3 =	vmul.f32 v13, v4;
	v13 =	vld [tilespmem:s7+$0xC0];
	[tilespmem:s7+$0xFFFFFF70] =	vst v9;
	v2 =	vmul.f32 $1.442695020e+00, v2;
	v9 =	vsel vm2, v14, v15  }
0x320: {  	v8 =	vmul.f32 v5, v8;
	v12 =	vld [tilespmem:s7+$0x20];
	v10 =	vmul.f32 $1.442695020e+00, v10;
	v9 =	vsub.f32 v9, v1  }
0x321: {  	[tilespmem:s7+$0xFFFFFFB0] =	vst v7;
	v7 =	vld [tilespmem:s7+$0x70];
	(erf) = vpow2.f32 v2;
	v2 =	vmul.f32 v19, v4  }
0x322: {  	[tilespmem:s7+$0xA0] =	vst v8;
	v11 =	vld [tilespmem:s7+$0x10];
	v8 =	vmul.f32 $1.442695020e+00, v9  }
0x323: {  	v14 =	vld [tilespmem:s7+$0x30];
	(erf) = vpow2.f32 v10;
	[tilespmem:s7+$0xFFFFFFC0] =	vst v2;
	v2 =	vmul.f32 v18, v4  }
0x324: {  	v17 =	vmul.f32 v17, v6;
	v15 =	vld [tilespmem:s7+$0x40];
	(erf) = vpow2.f32 v8  }
0x325: {  	[tilespmem:s7+$0xFFFFFFD0] =	vst v3;
	v9 =	vld [tilespmem:s7+$0x50]  }
0x326: {  	[tilespmem:s7+$0x60] =	vst v17;
	v18 =	vld [tilespmem:s7+$0xD0]  }
0x327: {  	s19 =	simm.s32 $0x15A0;
	v3 =	vmul.f32 v21, v4;
	v4 =	vmul.f32 v6, v16;
	v16 =	vld [tilespmem:s7+$0xE0];
	[tilespmem:s7+$0xFFFFFFE0] =	vst v2;
	v2 =	vpop (erf)  }
0x328: {  	s17 =	simm.s32 $0x2240;
	v12 =	vmul.f32 v6, v12;
	v8 =	vld [tilespmem:s7+$0xB0];
	[tilespmem:s19+$0x10] =	vst v2  }
0x329: {  	[tilespmem:s7+$0xFFFFFFF0] =	vst v3;
	v10 =	vmul.f32 v6, v11;
	v11 =	vld [tilespmem:s17+$0xF0]  }
0x32a: {  	[tilespmem:s7+$0x20] =	vst v12;
	v19 =	vld [tilespmem:s17+$0x80]  }
0x32b: {  	[tilespmem:s7+$0x0] =	vst v4;
	v4 =	vpop (erf);
	v20 =	vld [tilespmem:s17+$0x90]  }
0x32c: {  	[tilespmem:s19+$0xFFFFFFF0] =	vst v4;
	v21 =	vld [tilespmem:s17+$0xA0];
	v3 =	vpop (erf)  }
0x32d: {  	v14 =	vmul.f32 v14, v6;
	[tilespmem:s7+$0x10] =	vst v10;
	v12 =	vld [tilespmem:s17+$0xFFFFFF80];
	v10 =	vpop (erf)  }
0x32e: {  	v15 =	vmul.f32 v15, v6;
	v22 =	vld [tilespmem:s17+$0xFFFFFF90];
	[tilespmem:s19+$0xFFFFFFE0] =	vst v10  }
0x32f: {  	[tilespmem:s7+$0x30] =	vst v14;
	v63 =	vmul.f32 v9, v6;
	v23 =	vld [tilespmem:s17+$0xFFFFFF00]  }
0x330: {  	[tilespmem:s7+$0x40] =	vst v15;
	v9 =	vmul.f32 v7, v6;
	v6 =	vmul.f32 v13, v5;
	v25 =	vld [tilespmem:s17+$0xFFFFFF10]  }
0x331: {  	v7 =	vmul.f32 v18, v5;
	[tilespmem:s7+$0x50] =	vst v63;
	v11 =	vmul.f32 v11, v2;
	v26 =	vld [tilespmem:s17+$0xFFFFFF20]  }
0x332: {  	v8 =	vmul.f32 v8, v5;
	[tilespmem:s19+$0x0] =	vst v3;
	v14 =	vld [tilespmem:s17+$0xFFFFFF30];
	v12 =	vmul.f32 v4, v12  }
0x333: {  	v15 =	vld [tilespmem:s17+$0xFFFFFF40];
	[tilespmem:s17+$0xF0] =	vst v11;
	v11 =	vmul.f32 v2, v19;
	v19 =	vmul.f32 v4, v22  }
0x334: {  	v5 =	vmul.f32 v16, v5;
	v16 =	vld [tilespmem:s17+$0xFFFFFF50];
	[tilespmem:s17+$0xFFFFFF80] =	vst v12;
	v18 =	vmul.f32 v10, v23  }
0x335: {  	v17 =	vld [tilespmem:s17+$0xFFFFFF60];
	v13 =	vmul.f32 v2, v20;
	[tilespmem:s17+$0xFFFFFF90] =	vst v19;
	v20 =	vmul.f32 v10, v25  }
0x336: {  	s23 =	simm.s32 $0x1E0;
	s21 =	simm.s32 $0x4;
	v12 =	vmul.f32 v2, v21;
	v19 =	vmul.f32 v10, v26;
	[tilespmem:s17+$0xFFFFFF00] =	vst v18;
	v18 =	vld [tilespmem:s17+$0xFFFFFF70]  }
.LBB2_6:
0x337: {  	v21 =	vld [tilespmem:s23+$0x10];
	[tilespmem:s17+$0xFFFFFF10] =	vst v20;
	v14 =	vmul.f32 v14, v10;
	s16 =	sadd.s32 $0x40, s16  }
0x338: {  	s21 =	sadd.s32 $0x4, s21;
	v20 =	vld [tilespmem:s16+$0x10];
	[tilespmem:s17+$0xFFFFFF20] =	vst v19;
	v15 =	vmul.f32 v15, v10  }
0x339: {  	p1 =	slt.u32 s21, $0x9C;
	v19 =	vld [tilespmem:s16+$0xFFFFFFE0];
	[tilespmem:s17+$0xFFFFFF30] =	vst v14;
	v14 =	vmul.f32 v16, v10  }
0x33a: {  	v16 =	vld [tilespmem:s23+$0xFFFFFFF0];
	[tilespmem:s17+$0xFFFFFF40] =	vst v15;
	v15 =	vmul.f32 v17, v10  }
0x33b: {  	v17 =	vld [tilespmem:s16+$0xFFFFFFF0];
	[tilespmem:s17+$0xFFFFFF50] =	vst v14;
	v10 =	vmul.f32 v18, v10  }
0x33c: {  	v14 =	vld [tilespmem:s23+$0x0];
	[tilespmem:s17+$0xFFFFFF60] =	vst v15  }
0x33d: {  	v15 =	vld [tilespmem:s16+$0x0];
	v18 =	vadd.f32 v20, v21;
	[tilespmem:s17+$0xFFFFFF70] =	vst v10  }
0x33e: {  	v10 =	vld [tilespmem:s23+$0xFFFFFFE0];
	[tilespmem:s7+$0x70] =	vst v9  }
0x33f: {  	v9 =	vmul.f32 $2.000000030e-01, v18;
	v20 =	vld [tilespmem:s17+$0xFFFFFFA0];
	[tilespmem:s17+$0x80] =	vst v11  }
0x340: {  	vm0 =	vge.f32 v18, $0.0e+00;
	v11 =	vadd.f32 v17, v16;
	v16 =	vld [tilespmem:s17+$0xFFFFFFB0];
	[tilespmem:s17+$0x90] =	vst v13  }
0x341: {  	v9 =	vsel vm0, v18, v9;
	v13 =	vld [tilespmem:s17+$0xFFFFFFC0];
	[tilespmem:s17+$0xA0] =	vst v12  }
0x342: {  	v12 =	vmul.f32 $2.000000030e-01, v11;
	v14 =	vadd.f32 v15, v14;
	v9 =	vsub.f32 v9, v1;
	v15 =	vld [tilespmem:s17+$0xFFFFFFD0];
	[tilespmem:s7+$0xB0] =	vst v8  }
0x343: {  	vm0 =	vge.f32 v11, $0.0e+00;
	v8 =	vadd.f32 v19, v10;
	v10 =	vld [tilespmem:s17+$0xFFFFFFE0];
	[tilespmem:s7+$0xC0] =	vst v6  }
0x344: {  	vm1 =	vge.f32 v14, $0.0e+00;
	v6 =	vmul.f32 $2.000000030e-01, v14;
	v9 =	vmul.f32 $1.442695020e+00, v9;
	v17 =	vld [tilespmem:s17+$0xFFFFFFF0];
	[tilespmem:s7+$0xD0] =	vst v7  }
0x345: {  	v11 =	vsel vm0, v11, v12;
	vm2 =	vge.f32 v8, $0.0e+00;
	v7 =	vmul.f32 $2.000000030e-01, v8;
	v12 =	vld [tilespmem:s17+$0x0];
	[tilespmem:s7+$0xE0] =	vst v5;
	s7 =	smov.u32 s17  }
0x346: {  	v5 =	vsub.f32 v11, v1;
	v6 =	vsel vm1, v14, v6;
	(erf) = vpow2.f32 v9;
	v9 =	vld [tilespmem:s17+$0x10]  }
0x347: {  	v7 =	vsel vm2, v8, v7;
	v6 =	vsub.f32 v6, v1;
	v8 =	vmul.f32 v4, v20;
	v11 =	vld [tilespmem:s17+$0x20]  }
0x348: {  	v14 =	vmul.f32 v16, v4;
	v5 =	vmul.f32 $1.442695020e+00, v5;
	v7 =	vsub.f32 v7, v1;
	v16 =	vld [tilespmem:s17+$0x30]  }
0x349: {  	v6 =	vmul.f32 $1.442695020e+00, v6;
	[tilespmem:s17+$0xFFFFFFA0] =	vst v8;
	v8 =	vmul.f32 v13, v4;
	v13 =	vld [tilespmem:s17+$0x40]  }
0x34a: {  	v7 =	vmul.f32 $1.442695020e+00, v7;
	(erf) = vpow2.f32 v5;
	[tilespmem:s17+$0xFFFFFFB0] =	vst v14;
	v5 =	vld [tilespmem:s17+$0x50]  }
0x34b: {  	(erf) = vpow2.f32 v6;
	[tilespmem:s17+$0xFFFFFFC0] =	vst v8;
	v6 =	vmul.f32 v15, v4;
	v8 =	vld [tilespmem:s17+$0x60]  }
0x34c: {  	(erf) = vpow2.f32 v7;
	v7 =	vmul.f32 v10, v4;
	v10 =	vld [tilespmem:s17+$0x70]  }
0x34d: {  	v4 =	vmul.f32 v17, v4;
	[tilespmem:s17+$0xFFFFFFD0] =	vst v6;
	v6 =	vmul.f32 v3, v12;
	v12 =	vld [tilespmem:s17+$0xB0]  }
0x34e: {  	v11 =	vmul.f32 v3, v11;
	[tilespmem:s17+$0xFFFFFFE0] =	vst v7;
	v7 =	vmul.f32 v3, v9;
	v14 =	vld [tilespmem:s17+$0xC0]  }
0x34f: {  	s19 =	sadd.s32 $0x40, s19;
	v16 =	vmul.f32 v16, v3;
	v17 =	vmul.f32 v13, v3;
	v15 =	vpop (erf);
	[tilespmem:s17+$0xFFFFFFF0] =	vst v4;
	v13 =	vld [tilespmem:s17+$0xD0]  }
0x350: {  	v18 =	vmul.f32 v5, v3;
	s17 =	sadd.s32 $0x200, s17;
	[tilespmem:s19+$0x10] =	vst v15;
	v19 =	vmul.f32 v8, v3;
	v5 =	vld [tilespmem:s7+$0xE0]  }
0x351: {  	v20 =	vld [tilespmem:s17+$0xF0];
	[tilespmem:s7+$0x0] =	vst v6;
	v9 =	vmul.f32 v10, v3  }
0x352: {  	v21 =	vld [tilespmem:s17+$0x80];
	[tilespmem:s7+$0x10] =	vst v7;
	v8 =	vmul.f32 v12, v2  }
0x353: {  	v12 =	vld [tilespmem:s17+$0x90];
	v4 =	vpop (erf);
	[tilespmem:s7+$0x20] =	vst v11;
	v6 =	vmul.f32 v14, v2  }
0x354: {  	[tilespmem:s19+$0xFFFFFFF0] =	vst v4;
	v14 =	vld [tilespmem:s17+$0xA0];
	v3 =	vpop (erf);
	v7 =	vmul.f32 v13, v2  }
0x355: {  	v22 =	vld [tilespmem:s17+$0xFFFFFF80];
	[tilespmem:s19+$0x0] =	vst v3;
	v10 =	vpop (erf);
	v5 =	vmul.f32 v5, v2;
	v2 =	vmov v15  }
0x356: {  	[tilespmem:s19+$0xFFFFFFE0] =	vst v10;
	v23 =	vld [tilespmem:s17+$0xFFFFFF90];
	v15 =	vmul.f32 v20, v2  }
0x357: {  	v20 =	vld [tilespmem:s17+$0xFFFFFF00];
	v11 =	vmul.f32 v2, v21;
	[tilespmem:s7+$0x30] =	vst v16  }
0x358: {  	v21 =	vld [tilespmem:s17+$0xFFFFFF10];
	v13 =	vmul.f32 v2, v12;
	[tilespmem:s17+$0xF0] =	vst v15  }
0x359: {  	v24 =	vld [tilespmem:s17+$0xFFFFFF20];
	v12 =	vmul.f32 v2, v14;
	[tilespmem:s7+$0x40] =	vst v17  }
.Ltmp15:
0x35a: {  	v14 =	vld [tilespmem:s17+$0xFFFFFF30];
	v17 =	vmul.f32 v4, v22;
	[tilespmem:s7+$0x50] =	vst v18;
	(pc) =	sbr.rel @p1 .LBB2_6-.Ltmp15, $4  }
0x35b: {  	v15 =	vld [tilespmem:s17+$0xFFFFFF40];
	v18 =	vmul.f32 v4, v23;
	[tilespmem:s7+$0x60] =	vst v19  }
0x35c: {  	v19 =	vmul.f32 v10, v20;
	v16 =	vld [tilespmem:s17+$0xFFFFFF50];
	[tilespmem:s17+$0xFFFFFF80] =	vst v17  }
0x35d: {  	v20 =	vmul.f32 v10, v21;
	v17 =	vld [tilespmem:s17+$0xFFFFFF60];
	[tilespmem:s17+$0xFFFFFF90] =	vst v18  }
0x35e: {  	s23 =	sadd.s32 $0x40, s23;
	[tilespmem:s17+$0xFFFFFF00] =	vst v19;
	v19 =	vmul.f32 v10, v24;
	v18 =	vld [tilespmem:s17+$0xFFFFFF70]  }
0x35f: {  	[tilespmem:s17+$0xFFFFFF10] =	vst v20  }
0x360: {  	[tilespmem:s7+$0x70] =	vst v9  }
0x361: {  	[tilespmem:s17+$0x80] =	vst v11  }
0x362: {  	[tilespmem:s17+$0x90] =	vst v13  }
0x363: {  	[tilespmem:s17+$0xA0] =	vst v12  }
0x364: {  	[tilespmem:s7+$0xB0] =	vst v8  }
0x365: {  	[tilespmem:s7+$0xC0] =	vst v6  }
0x366: {  	[tilespmem:s7+$0xD0] =	vst v7  }
0x367: {  	v14 =	vmul.f32 v14, v10;
	v40 =	vld [tilespmem:s17+$0xFFFFFFA0];
	[tilespmem:s7+$0xE0] =	vst v5  }
0x368: {  	v41 =	vld [tilespmem:s17+$0xFFFFFFB0];
	[tilespmem:s17+$0xFFFFFF20] =	vst v19;
	v15 =	vmul.f32 v15, v10  }
0x369: {  	v42 =	vld [tilespmem:s17+$0xFFFFFFC0];
	[tilespmem:s17+$0xFFFFFF30] =	vst v14;
	v37 =	vmul.f32 v16, v10  }
0x36a: {  	v43 =	vld [tilespmem:s17+$0xFFFFFFD0];
	[tilespmem:s17+$0xFFFFFF40] =	vst v15;
	v38 =	vmul.f32 v17, v10  }
0x36b: {  	v44 =	vld [tilespmem:s17+$0xFFFFFFE0];
	[tilespmem:s17+$0xFFFFFF50] =	vst v37;
	v39 =	vmul.f32 v18, v10  }
0x36c: {  	v45 =	vld [tilespmem:s17+$0xFFFFFFF0];
	[tilespmem:s17+$0xFFFFFF60] =	vst v38;
	v9 =	vmul.f32 v4, v40  }
0x36d: {  	v46 =	vld [tilespmem:s17+$0x0];
	v10 =	vmul.f32 v41, v4;
	[tilespmem:s17+$0xFFFFFF70] =	vst v39  }
0x36e: {  	v47 =	vld [tilespmem:s17+$0x10];
	v49 =	vmul.f32 v42, v4;
	[tilespmem:s17+$0xFFFFFFA0] =	vst v9  }
0x36f: {  	v48 =	vld [tilespmem:s17+$0x20];
	v51 =	vmul.f32 v43, v4;
	[tilespmem:s17+$0xFFFFFFB0] =	vst v10  }
0x370: {  	v50 =	vld [tilespmem:s17+$0x30];
	v8 =	vmul.f32 v44, v4;
	[tilespmem:s17+$0xFFFFFFC0] =	vst v49  }
0x371: {  	v52 =	vld [tilespmem:s17+$0x40];
	v54 =	vmul.f32 v45, v4;
	[tilespmem:s17+$0xFFFFFFD0] =	vst v51  }
0x372: {  	v55 =	vld [tilespmem:s17+$0x60];
	v7 =	vmul.f32 v3, v46;
	[tilespmem:s17+$0xFFFFFFE0] =	vst v8  }
0x373: {  	v53 =	vld [tilespmem:s17+$0x50];
	v5 =	vmul.f32 v3, v47;
	[tilespmem:s17+$0xFFFFFFF0] =	vst v54  }
0x374: {  	v56 =	vld [tilespmem:s17+$0x70];
	v57 =	vmul.f32 v3, v48;
	[tilespmem:s17+$0x0] =	vst v7  }
0x375: {  	v58 =	vld [tilespmem:s17+$0xB0];
	v59 =	vmul.f32 v50, v3;
	[tilespmem:s17+$0x10] =	vst v5  }
0x376: {  	v60 =	vld [tilespmem:s17+$0xC0];
	v61 =	vmul.f32 v52, v3;
	[tilespmem:s17+$0x20] =	vst v57  }
0x377: {  	v62 =	vld [tilespmem:s17+$0xD0];
	v6 =	vmul.f32 v55, v3;
	[tilespmem:s17+$0x30] =	vst v59  }
0x378: {  	v63 =	vld [tilespmem:s17+$0xE0];
	v9 =	vmul.f32 v53, v3;
	[tilespmem:s17+$0x40] =	vst v61  }
0x379: {  	v3 =	vmul.f32 v56, v3;
	[tilespmem:s17+$0x60] =	vst v6  }
0x37a: {  	v7 =	vmul.f32 v58, v2;
	[tilespmem:s17+$0x50] =	vst v9  }
0x37b: {  	v5 =	vmul.f32 v60, v2;
	[tilespmem:s17+$0x70] =	vst v3  }
0x37c: {  	v3 =	vmul.f32 v62, v2;
	[tilespmem:s17+$0xB0] =	vst v7  }
0x37d: {  	v2 =	vmul.f32 v63, v2;
	[tilespmem:s17+$0xC0] =	vst v5  }
0x37e: {  	[tilespmem:s17+$0xD0] =	vst v3  }
0x37f: {  	[tilespmem:s17+$0xE0] =	vst v2  }
0x380: {  	[spmem:s2] =	stream.indirect.scatter.add.f32 [tilespmem:s18], [sflag:$0x2], $0x10, s22, s22, $0xb8;
	[tilespmem:$0x1D7C0] =	vst v63  }
0x381: {  	s1 =	sadd.s32 $0x1, s1;
	_ =	swait.ge [sflag:s10], $0xA00  }
0x382: {  	p1 =	sne.s32 s1, $0x7D;
	[sflag:s10] =	ssyncset.done $0x0  }
.Ltmp16:
0x383: {  	[sflag:s10] =	ssyncadd.s32 $0xFFFFF600;
	(pc) =	sbr.rel @p1 .LBB2_5-.Ltmp16, $4  }
0x384: {  	[spmem:s3] =	stream.indirect.scatter.add.f32 [tilespmem:s20], [sflag:$0x2], $0x80, s22, s22, $0xb8;
	[tilespmem:$0x1D7C0] =	vst v63  }
0x385: {  	_ =	swait.ge [sflag:s10], $0x5000  }
0x386: {  	[sflag:s10] =	ssyncset.done $0x0  }
0x387: {  	[sflag:s10] =	ssyncadd.s32 $0xFFFFB000  }
0x388: {  	s1 =	stileid.u32;
	[bflag:$0x0] =	sbarrier.arrive $0xFFFF  }
0x389: {  	s1 =	sshll.u32 s1, $0x6;
	s7 =	rddreg [dreg:$0x7]  }
0x38a: {  	s16 =	rddreg [dreg:$0x14];
	s1 =	sor.u32 $0x1C02, s1;
	s7 =	sshrl.u32 s7, $0x3  }
0x38b: {  	[hbm:s16], [sflag:s1] =	dma.local [spmem:s7], $0x2800  }
0x38c: {  	_ =	swait.ge [sflag:s10], $0x2800  }
0x38d: {  	[sflag:s10] =	ssyncset.done $0x0  }
0x38e: {  	[sflag:s10] =	ssyncadd.s32 $0xFFFFD800  }
0x38f: {  	[tilespmem:s18], [sflag:$0x2] =	stream.linear.gather [spmem:s0], $0x500, $0x38;
	[tilespmem:$0x1D7C0] =	vst v63  }
0x390: {  	_ =	swait.ge [sflag:s10], $0x500  }
0x391: {  	[sflag:s10] =	ssyncset.done $0x0  }
0x392: {  	s7 =	simm.s32 $0x1560;
	[sflag:s10] =	ssyncadd.s32 $0xFFFFFB00  }
0x393: {  	v1 =	vld [tilespmem:s7+$0x0]  }
0x394: {  	v2 =	vld [tilespmem:s7+$0xFFFFFFE0];
	_ =	sdelay $0x2  }
0x395: {  	v3 =	vld [tilespmem:s7+$0xFFFFFFF0]  }
0x396: {  	s1 =	simm.s32 $0x15A0;
	v4 =	vld [tilespmem:s7+$0x10];
	v1 =	vadd.f32 $1.000000020e-16, v1  }
0x397: {  	v5 =	vld [tilespmem:s1+$0x0];
	v2 =	vadd.f32 $1.000000020e-16, v2  }
0x398: {  	(erf) = vrcp.f32 v1;
	v1 =	vld [tilespmem:s1+$0xFFFFFFE0]  }
0x399: {  	(erf) = vrcp.f32 v2;
	v2 =	vld [tilespmem:s1+$0xFFFFFFF0];
	_ =	sdelay $0x1  }
0x39a: {  	v6 =	vld [tilespmem:s1+$0x10];
	v3 =	vadd.f32 $1.000000020e-16, v3  }
0x39b: {  	v4 =	vadd.f32 $1.000000020e-16, v4  }
0x39c: {  	(erf) = vrcp.f32 v3;
	v3 =	vadd.f32 $1.000000020e-16, v5  }
0x39d: {  	s16 =	simm.s32 $0x15E0;
	(erf) = vrcp.f32 v4;
	v4 =	vadd.f32 $1.000000020e-16, v1;
	v7 =	vadd.f32 $1.000000020e-16, v2  }
0x39e: {  	v5 =	vld [tilespmem:s16+$0x0];
	(erf) = vrcp.f32 v3  }
0x39f: {  	v6 =	vadd.f32 $1.000000020e-16, v6;
	(erf) = vrcp.f32 v4  }
0x3a0: {  	v1 =	vld [tilespmem:s16+$0xFFFFFFE0];
	(erf) = vrcp.f32 v7  }
0x3a1: {  	v2 =	vld [tilespmem:s16+$0xFFFFFFF0];
	v7 =	vpop (erf);
	(erf) = vrcp.f32 v6  }
0x3a2: {  	v3 =	vld [tilespmem:s16+$0x10]  }
0x3a3: {  	s17 =	simm.s32 $0x8;
	s19 =	simm.s32 $0x1620;
	v4 =	vadd.f32 $1.000000020e-16, v5;
	[tilespmem:s7+$0x0] =	vst v7;
	v5 =	vpop (erf)  }
.LBB2_9:
0x3a4: {  	s17 =	sadd.s32 $0x4, s17  }
0x3a5: {  	v6 =	vld [tilespmem:s19+$0x0];
	v7 =	vadd.f32 $1.000000020e-16, v1;
	[tilespmem:s7+$0xFFFFFFE0] =	vst v5;
	v5 =	vpop (erf);
	p1 =	slt.u32 s17, $0x4C  }
.Ltmp17:
0x3a6: {  	v1 =	vld [tilespmem:s19+$0xFFFFFFE0];
	v8 =	vadd.f32 $1.000000020e-16, v2;
	(erf) = vrcp.f32 v4;
	[tilespmem:s7+$0xFFFFFFF0] =	vst v5;
	v4 =	vpop (erf);
	(pc) =	sbr.rel @p1 .LBB2_9-.Ltmp17, $4  }
0x3a7: {  	v2 =	vld [tilespmem:s19+$0xFFFFFFF0];
	v9 =	vadd.f32 $1.000000020e-16, v3;
	(erf) = vrcp.f32 v7;
	[tilespmem:s7+$0x10] =	vst v4;
	s7 =	smov.u32 s1;
	s1 =	smov.u32 s16;
	s16 =	smov.u32 s19  }
0x3a8: {  	v3 =	vld [tilespmem:s19+$0x10];
	(erf) = vrcp.f32 v8  }
0x3a9: {  	(erf) = vrcp.f32 v9;
	v5 =	vpop (erf)  }
0x3aa: {  	s19 =	sadd.s32 $0x40, s19;
	v4 =	vadd.f32 $1.000000020e-16, v6;
	[tilespmem:s7+$0x0] =	vst v5;
	v5 =	vpop (erf)  }
0x3ab: {  	v1 =	vadd.f32 $1.000000020e-16, v1  }
0x3ac: {  	v2 =	vadd.f32 $1.000000020e-16, v2;
	(erf) = vrcp.f32 v4  }
0x3ad: {  	v3 =	vadd.f32 $1.000000020e-16, v3;
	(erf) = vrcp.f32 v1  }
0x3ae: {  	(erf) = vrcp.f32 v2  }
0x3af: {  	[tilespmem:s7+$0xFFFFFFE0] =	vst v5;
	v1 =	vpop (erf);
	(erf) = vrcp.f32 v3  }
0x3b0: {  	v2 =	vpop (erf);
	[tilespmem:s7+$0xFFFFFFF0] =	vst v1  }
0x3b1: {  	[tilespmem:s7+$0x10] =	vst v2;
	v1 =	vpop (erf)  }
0x3b2: {  	[tilespmem:s1+$0x0] =	vst v1;
	v1 =	vpop (erf)  }
0x3b3: {  	[tilespmem:s1+$0xFFFFFFE0] =	vst v1;
	v1 =	vpop (erf)  }
0x3b4: {  	[tilespmem:s1+$0xFFFFFFF0] =	vst v1;
	v1 =	vpop (erf)  }
0x3b5: {  	[tilespmem:s1+$0x10] =	vst v1;
	v1 =	vpop (erf)  }
0x3b6: {  	[tilespmem:s16+$0x0] =	vst v1;
	v1 =	vpop (erf)  }
0x3b7: {  	[tilespmem:s16+$0xFFFFFFE0] =	vst v1;
	v1 =	vpop (erf)  }
0x3b8: {  	[tilespmem:s16+$0xFFFFFFF0] =	vst v1;
	v1 =	vpop (erf)  }
0x3b9: {  	[tilespmem:s16+$0x10] =	vst v1  }
0x3ba: {  	s1 =	rddreg [dreg:$0x16]  }
0x3bb: {  	[hbm4b:s1+s4] =	stream.linear.scatter [tilespmem:s18], [sflag:$0x2], $0x500, $0x38;
	[tilespmem:$0x1D7C0] =	vst v63  }
0x3bc: {  	_ =	swait.ge [sflag:s10], $0x500  }
0x3bd: {  	[sflag:s10] =	ssyncset.done $0x0  }
0x3be: {  	s23 =	rddreg [dreg:$0x8];
	[sflag:s10] =	ssyncadd.s32 $0xFFFFFB00  }
0x3bf: {  	[tilespmem:s18], [sflag:$0x2] =	stream.linear.gather [spmem:s23], $0x500, $0x38;
	[tilespmem:$0x1D7C0] =	vst v63  }
0x3c0: {  	_ =	swait.ge [sflag:s10], $0x500  }
0x3c1: {  	[sflag:s10] =	ssyncset.done $0x0  }
0x3c2: {  	s7 =	simm.s32 $0x1560;
	[sflag:s10] =	ssyncadd.s32 $0xFFFFFB00  }
0x3c3: {  	v1 =	vld [tilespmem:s7+$0x0]  }
0x3c4: {  	v2 =	vld [tilespmem:s7+$0xFFFFFFE0];
	_ =	sdelay $0x2  }
0x3c5: {  	v3 =	vld [tilespmem:s7+$0xFFFFFFF0]  }
0x3c6: {  	s1 =	simm.s32 $0x15A0;
	v4 =	vld [tilespmem:s7+$0x10];
	v1 =	vadd.f32 $1.000000020e-16, v1  }
0x3c7: {  	v5 =	vld [tilespmem:s1+$0x0];
	v2 =	vadd.f32 $1.000000020e-16, v2  }
0x3c8: {  	(erf) = vrcp.f32 v1;
	v1 =	vld [tilespmem:s1+$0xFFFFFFE0]  }
0x3c9: {  	(erf) = vrcp.f32 v2;
	v2 =	vld [tilespmem:s1+$0xFFFFFFF0];
	_ =	sdelay $0x1  }
0x3ca: {  	v6 =	vld [tilespmem:s1+$0x10];
	v3 =	vadd.f32 $1.000000020e-16, v3  }
0x3cb: {  	v4 =	vadd.f32 $1.000000020e-16, v4  }
0x3cc: {  	(erf) = vrcp.f32 v3;
	v3 =	vadd.f32 $1.000000020e-16, v5  }
0x3cd: {  	s16 =	simm.s32 $0x15E0;
	(erf) = vrcp.f32 v4;
	v4 =	vadd.f32 $1.000000020e-16, v1;
	v7 =	vadd.f32 $1.000000020e-16, v2  }
0x3ce: {  	v5 =	vld [tilespmem:s16+$0x0];
	(erf) = vrcp.f32 v3  }
0x3cf: {  	v6 =	vadd.f32 $1.000000020e-16, v6;
	(erf) = vrcp.f32 v4  }
0x3d0: {  	v1 =	vld [tilespmem:s16+$0xFFFFFFE0];
	(erf) = vrcp.f32 v7  }
0x3d1: {  	v2 =	vld [tilespmem:s16+$0xFFFFFFF0];
	v7 =	vpop (erf);
	(erf) = vrcp.f32 v6  }
0x3d2: {  	v3 =	vld [tilespmem:s16+$0x10]  }
0x3d3: {  	s17 =	simm.s32 $0x8;
	s19 =	simm.s32 $0x1620;
	v4 =	vadd.f32 $1.000000020e-16, v5;
	[tilespmem:s7+$0x0] =	vst v7;
	v5 =	vpop (erf)  }
.LBB2_11:
0x3d4: {  	s17 =	sadd.s32 $0x4, s17  }
0x3d5: {  	v6 =	vld [tilespmem:s19+$0x0];
	v7 =	vadd.f32 $1.000000020e-16, v1;
	[tilespmem:s7+$0xFFFFFFE0] =	vst v5;
	v5 =	vpop (erf);
	p1 =	slt.u32 s17, $0x4C  }
.Ltmp18:
0x3d6: {  	v1 =	vld [tilespmem:s19+$0xFFFFFFE0];
	v8 =	vadd.f32 $1.000000020e-16, v2;
	(erf) = vrcp.f32 v4;
	[tilespmem:s7+$0xFFFFFFF0] =	vst v5;
	v4 =	vpop (erf);
	(pc) =	sbr.rel @p1 .LBB2_11-.Ltmp18, $4  }
0x3d7: {  	v2 =	vld [tilespmem:s19+$0xFFFFFFF0];
	v9 =	vadd.f32 $1.000000020e-16, v3;
	(erf) = vrcp.f32 v7;
	[tilespmem:s7+$0x10] =	vst v4;
	s7 =	smov.u32 s1;
	s1 =	smov.u32 s16;
	s16 =	smov.u32 s19  }
0x3d8: {  	v3 =	vld [tilespmem:s19+$0x10];
	(erf) = vrcp.f32 v8  }
0x3d9: {  	(erf) = vrcp.f32 v9;
	v5 =	vpop (erf)  }
0x3da: {  	s19 =	sadd.s32 $0x40, s19;
	v4 =	vadd.f32 $1.000000020e-16, v6;
	[tilespmem:s7+$0x0] =	vst v5;
	v5 =	vpop (erf)  }
0x3db: {  	v1 =	vadd.f32 $1.000000020e-16, v1  }
0x3dc: {  	v2 =	vadd.f32 $1.000000020e-16, v2;
	(erf) = vrcp.f32 v4  }
0x3dd: {  	v3 =	vadd.f32 $1.000000020e-16, v3;
	(erf) = vrcp.f32 v1  }
0x3de: {  	(erf) = vrcp.f32 v2  }
0x3df: {  	[tilespmem:s7+$0xFFFFFFE0] =	vst v5;
	v1 =	vpop (erf);
	(erf) = vrcp.f32 v3  }
0x3e0: {  	v2 =	vpop (erf);
	[tilespmem:s7+$0xFFFFFFF0] =	vst v1  }
0x3e1: {  	[tilespmem:s7+$0x10] =	vst v2;
	v1 =	vpop (erf)  }
0x3e2: {  	[tilespmem:s1+$0x0] =	vst v1;
	v1 =	vpop (erf)  }
0x3e3: {  	[tilespmem:s1+$0xFFFFFFE0] =	vst v1;
	v1 =	vpop (erf)  }
0x3e4: {  	[tilespmem:s1+$0xFFFFFFF0] =	vst v1;
	v1 =	vpop (erf)  }
0x3e5: {  	[tilespmem:s1+$0x10] =	vst v1;
	v1 =	vpop (erf)  }
0x3e6: {  	[tilespmem:s16+$0x0] =	vst v1;
	v1 =	vpop (erf)  }
0x3e7: {  	[tilespmem:s16+$0xFFFFFFE0] =	vst v1;
	v1 =	vpop (erf)  }
0x3e8: {  	[tilespmem:s16+$0xFFFFFFF0] =	vst v1;
	v1 =	vpop (erf)  }
0x3e9: {  	[tilespmem:s16+$0x10] =	vst v1  }
0x3ea: {  	s1 =	rddreg [dreg:$0x18]  }
0x3eb: {  	[hbm4b:s1+s4] =	stream.linear.scatter [tilespmem:s18], [sflag:$0x2], $0x500, $0x38;
	[tilespmem:$0x1D7C0] =	vst v63  }
0x3ec: {  	_ =	swait.ge [sflag:s10], $0x500  }
0x3ed: {  	[sflag:s10] =	ssyncset.done $0x0  }
0x3ee: {  	s23 =	rddreg [dreg:$0xa];
	[sflag:s10] =	ssyncadd.s32 $0xFFFFFB00  }
0x3ef: {  	[tilespmem:s18], [sflag:$0x2] =	stream.linear.gather [spmem:s23], $0x500, $0x38;
	[tilespmem:$0x1D7C0] =	vst v63  }
0x3f0: {  	_ =	swait.ge [sflag:s10], $0x500  }
0x3f1: {  	[sflag:s10] =	ssyncset.done $0x0  }
0x3f2: {  	s7 =	simm.s32 $0x1560;
	[sflag:s10] =	ssyncadd.s32 $0xFFFFFB00  }
0x3f3: {  	v1 =	vld [tilespmem:s7+$0x0]  }
0x3f4: {  	v2 =	vld [tilespmem:s7+$0xFFFFFFE0];
	_ =	sdelay $0x2  }
0x3f5: {  	v3 =	vld [tilespmem:s7+$0xFFFFFFF0]  }
0x3f6: {  	s1 =	simm.s32 $0x15A0;
	v4 =	vld [tilespmem:s7+$0x10];
	v1 =	vadd.f32 $1.000000020e-16, v1  }
0x3f7: {  	v5 =	vld [tilespmem:s1+$0x0];
	v2 =	vadd.f32 $1.000000020e-16, v2  }
0x3f8: {  	(erf) = vrcp.f32 v1;
	v1 =	vld [tilespmem:s1+$0xFFFFFFE0]  }
0x3f9: {  	(erf) = vrcp.f32 v2;
	v2 =	vld [tilespmem:s1+$0xFFFFFFF0];
	_ =	sdelay $0x1  }
0x3fa: {  	v6 =	vld [tilespmem:s1+$0x10];
	v3 =	vadd.f32 $1.000000020e-16, v3  }
0x3fb: {  	v4 =	vadd.f32 $1.000000020e-16, v4  }
0x3fc: {  	(erf) = vrcp.f32 v3;
	v3 =	vadd.f32 $1.000000020e-16, v5  }
0x3fd: {  	s16 =	simm.s32 $0x15E0;
	(erf) = vrcp.f32 v4;
	v4 =	vadd.f32 $1.000000020e-16, v1;
	v7 =	vadd.f32 $1.000000020e-16, v2  }
0x3fe: {  	v5 =	vld [tilespmem:s16+$0x0];
	(erf) = vrcp.f32 v3  }
0x3ff: {  	v6 =	vadd.f32 $1.000000020e-16, v6;
	(erf) = vrcp.f32 v4  }
0x400: {  	v1 =	vld [tilespmem:s16+$0xFFFFFFE0];
	(erf) = vrcp.f32 v7  }
0x401: {  	v2 =	vld [tilespmem:s16+$0xFFFFFFF0];
	v7 =	vpop (erf);
	(erf) = vrcp.f32 v6  }
0x402: {  	v3 =	vld [tilespmem:s16+$0x10]  }
0x403: {  	s17 =	simm.s32 $0x8;
	s19 =	simm.s32 $0x1620;
	v4 =	vadd.f32 $1.000000020e-16, v5;
	[tilespmem:s7+$0x0] =	vst v7;
	v5 =	vpop (erf)  }
.LBB2_13:
0x404: {  	s17 =	sadd.s32 $0x4, s17  }
0x405: {  	v6 =	vld [tilespmem:s19+$0x0];
	v7 =	vadd.f32 $1.000000020e-16, v1;
	[tilespmem:s7+$0xFFFFFFE0] =	vst v5;
	v5 =	vpop (erf);
	p1 =	slt.u32 s17, $0x4C  }
.Ltmp19:
0x406: {  	v1 =	vld [tilespmem:s19+$0xFFFFFFE0];
	v8 =	vadd.f32 $1.000000020e-16, v2;
	(erf) = vrcp.f32 v4;
	[tilespmem:s7+$0xFFFFFFF0] =	vst v5;
	v4 =	vpop (erf);
	(pc) =	sbr.rel @p1 .LBB2_13-.Ltmp19, $4  }
0x407: {  	v2 =	vld [tilespmem:s19+$0xFFFFFFF0];
	v9 =	vadd.f32 $1.000000020e-16, v3;
	(erf) = vrcp.f32 v7;
	[tilespmem:s7+$0x10] =	vst v4;
	s7 =	smov.u32 s1;
	s1 =	smov.u32 s16;
	s16 =	smov.u32 s19  }
0x408: {  	v3 =	vld [tilespmem:s19+$0x10];
	(erf) = vrcp.f32 v8  }
0x409: {  	(erf) = vrcp.f32 v9;
	v5 =	vpop (erf)  }
0x40a: {  	s19 =	sadd.s32 $0x40, s19;
	v4 =	vadd.f32 $1.000000020e-16, v6;
	[tilespmem:s7+$0x0] =	vst v5;
	v5 =	vpop (erf)  }
0x40b: {  	v1 =	vadd.f32 $1.000000020e-16, v1  }
0x40c: {  	v2 =	vadd.f32 $1.000000020e-16, v2;
	(erf) = vrcp.f32 v4  }
0x40d: {  	v3 =	vadd.f32 $1.000000020e-16, v3;
	(erf) = vrcp.f32 v1  }
0x40e: {  	(erf) = vrcp.f32 v2  }
0x40f: {  	[tilespmem:s7+$0xFFFFFFE0] =	vst v5;
	v1 =	vpop (erf);
	(erf) = vrcp.f32 v3  }
0x410: {  	v2 =	vpop (erf);
	[tilespmem:s7+$0xFFFFFFF0] =	vst v1  }
0x411: {  	[tilespmem:s7+$0x10] =	vst v2;
	v1 =	vpop (erf)  }
0x412: {  	[tilespmem:s1+$0x0] =	vst v1;
	v1 =	vpop (erf)  }
0x413: {  	[tilespmem:s1+$0xFFFFFFE0] =	vst v1;
	v1 =	vpop (erf)  }
0x414: {  	[tilespmem:s1+$0xFFFFFFF0] =	vst v1;
	v1 =	vpop (erf)  }
0x415: {  	[tilespmem:s1+$0x10] =	vst v1;
	v1 =	vpop (erf)  }
0x416: {  	[tilespmem:s16+$0x0] =	vst v1;
	v1 =	vpop (erf)  }
0x417: {  	[tilespmem:s16+$0xFFFFFFE0] =	vst v1;
	v1 =	vpop (erf)  }
0x418: {  	[tilespmem:s16+$0xFFFFFFF0] =	vst v1;
	v1 =	vpop (erf)  }
0x419: {  	[tilespmem:s16+$0x10] =	vst v1  }
0x41a: {  	s1 =	rddreg [dreg:$0x1a]  }
0x41b: {  	[hbm4b:s1+s4] =	stream.linear.scatter [tilespmem:s18], [sflag:$0x2], $0x500, $0x38;
	[tilespmem:$0x1D7C0] =	vst v63  }
0x41c: {  	_ =	swait.ge [sflag:s10], $0x500  }
0x41d: {  	[sflag:s10] =	ssyncset.done $0x0  }
0x41e: {  	s23 =	rddreg [dreg:$0xc];
	[sflag:s10] =	ssyncadd.s32 $0xFFFFFB00  }
0x41f: {  	[tilespmem:s18], [sflag:$0x2] =	stream.linear.gather [spmem:s23], $0x500, $0x38;
	[tilespmem:$0x1D7C0] =	vst v63  }
0x420: {  	_ =	swait.ge [sflag:s10], $0x500  }
0x421: {  	[sflag:s10] =	ssyncset.done $0x0  }
0x422: {  	s7 =	simm.s32 $0x1560;
	[sflag:s10] =	ssyncadd.s32 $0xFFFFFB00  }
0x423: {  	v1 =	vld [tilespmem:s7+$0x0]  }
0x424: {  	v2 =	vld [tilespmem:s7+$0xFFFFFFE0];
	_ =	sdelay $0x2  }
0x425: {  	v3 =	vld [tilespmem:s7+$0xFFFFFFF0]  }
0x426: {  	s1 =	simm.s32 $0x15A0;
	v4 =	vld [tilespmem:s7+$0x10];
	v1 =	vadd.f32 $1.000000020e-16, v1  }
0x427: {  	v5 =	vld [tilespmem:s1+$0x0];
	v2 =	vadd.f32 $1.000000020e-16, v2  }
0x428: {  	(erf) = vrcp.f32 v1;
	v1 =	vld [tilespmem:s1+$0xFFFFFFE0]  }
0x429: {  	(erf) = vrcp.f32 v2;
	v2 =	vld [tilespmem:s1+$0xFFFFFFF0];
	_ =	sdelay $0x1  }
0x42a: {  	v6 =	vld [tilespmem:s1+$0x10];
	v3 =	vadd.f32 $1.000000020e-16, v3  }
0x42b: {  	v4 =	vadd.f32 $1.000000020e-16, v4  }
0x42c: {  	(erf) = vrcp.f32 v3;
	v3 =	vadd.f32 $1.000000020e-16, v5  }
0x42d: {  	s16 =	simm.s32 $0x15E0;
	(erf) = vrcp.f32 v4;
	v4 =	vadd.f32 $1.000000020e-16, v1;
	v7 =	vadd.f32 $1.000000020e-16, v2  }
0x42e: {  	v5 =	vld [tilespmem:s16+$0x0];
	(erf) = vrcp.f32 v3  }
0x42f: {  	v6 =	vadd.f32 $1.000000020e-16, v6;
	(erf) = vrcp.f32 v4  }
0x430: {  	v1 =	vld [tilespmem:s16+$0xFFFFFFE0];
	(erf) = vrcp.f32 v7  }
0x431: {  	v2 =	vld [tilespmem:s16+$0xFFFFFFF0];
	v7 =	vpop (erf);
	(erf) = vrcp.f32 v6  }
0x432: {  	v3 =	vld [tilespmem:s16+$0x10]  }
0x433: {  	s17 =	simm.s32 $0x8;
	s19 =	simm.s32 $0x1620;
	v4 =	vadd.f32 $1.000000020e-16, v5;
	[tilespmem:s7+$0x0] =	vst v7;
	v5 =	vpop (erf)  }
.LBB2_15:
0x434: {  	s17 =	sadd.s32 $0x4, s17  }
0x435: {  	v6 =	vld [tilespmem:s19+$0x0];
	v7 =	vadd.f32 $1.000000020e-16, v1;
	[tilespmem:s7+$0xFFFFFFE0] =	vst v5;
	v5 =	vpop (erf);
	p1 =	slt.u32 s17, $0x4C  }
.Ltmp20:
0x436: {  	v1 =	vld [tilespmem:s19+$0xFFFFFFE0];
	v8 =	vadd.f32 $1.000000020e-16, v2;
	(erf) = vrcp.f32 v4;
	[tilespmem:s7+$0xFFFFFFF0] =	vst v5;
	v4 =	vpop (erf);
	(pc) =	sbr.rel @p1 .LBB2_15-.Ltmp20, $4  }
0x437: {  	v2 =	vld [tilespmem:s19+$0xFFFFFFF0];
	v9 =	vadd.f32 $1.000000020e-16, v3;
	(erf) = vrcp.f32 v7;
	[tilespmem:s7+$0x10] =	vst v4;
	s7 =	smov.u32 s1;
	s1 =	smov.u32 s16;
	s16 =	smov.u32 s19  }
0x438: {  	v3 =	vld [tilespmem:s19+$0x10];
	(erf) = vrcp.f32 v8  }
0x439: {  	(erf) = vrcp.f32 v9;
	v5 =	vpop (erf)  }
0x43a: {  	s19 =	sadd.s32 $0x40, s19;
	v4 =	vadd.f32 $1.000000020e-16, v6;
	[tilespmem:s7+$0x0] =	vst v5;
	v5 =	vpop (erf)  }
0x43b: {  	v1 =	vadd.f32 $1.000000020e-16, v1  }
0x43c: {  	v2 =	vadd.f32 $1.000000020e-16, v2;
	(erf) = vrcp.f32 v4  }
0x43d: {  	v3 =	vadd.f32 $1.000000020e-16, v3;
	(erf) = vrcp.f32 v1  }
0x43e: {  	(erf) = vrcp.f32 v2  }
0x43f: {  	[tilespmem:s7+$0xFFFFFFE0] =	vst v5;
	v1 =	vpop (erf);
	(erf) = vrcp.f32 v3  }
0x440: {  	v2 =	vpop (erf);
	[tilespmem:s7+$0xFFFFFFF0] =	vst v1  }
0x441: {  	[tilespmem:s7+$0x10] =	vst v2;
	v1 =	vpop (erf)  }
0x442: {  	[tilespmem:s1+$0x0] =	vst v1;
	v1 =	vpop (erf)  }
0x443: {  	[tilespmem:s1+$0xFFFFFFE0] =	vst v1;
	v1 =	vpop (erf)  }
0x444: {  	[tilespmem:s1+$0xFFFFFFF0] =	vst v1;
	v1 =	vpop (erf)  }
0x445: {  	[tilespmem:s1+$0x10] =	vst v1;
	v1 =	vpop (erf)  }
0x446: {  	[tilespmem:s16+$0x0] =	vst v1;
	v1 =	vpop (erf)  }
0x447: {  	[tilespmem:s16+$0xFFFFFFE0] =	vst v1;
	v1 =	vpop (erf)  }
0x448: {  	[tilespmem:s16+$0xFFFFFFF0] =	vst v1;
	v1 =	vpop (erf)  }
0x449: {  	[tilespmem:s16+$0x10] =	vst v1  }
0x44a: {  	s1 =	rddreg [dreg:$0x1c]  }
0x44b: {  	[hbm4b:s1+s4] =	stream.linear.scatter [tilespmem:s18], [sflag:$0x2], $0x500, $0x38;
	[tilespmem:$0x1D7C0] =	vst v63  }
0x44c: {  	_ =	swait.ge [sflag:s10], $0x500  }
0x44d: {  	[sflag:s10] =	ssyncset.done $0x0  }
0x44e: {  	s23 =	rddreg [dreg:$0xe];
	[sflag:s10] =	ssyncadd.s32 $0xFFFFFB00  }
0x44f: {  	[tilespmem:s18], [sflag:$0x2] =	stream.linear.gather [spmem:s23], $0x500, $0x38;
	[tilespmem:$0x1D7C0] =	vst v63  }
0x450: {  	_ =	swait.ge [sflag:s10], $0x500  }
0x451: {  	[sflag:s10] =	ssyncset.done $0x0  }
0x452: {  	s7 =	simm.s32 $0x1560;
	[sflag:s10] =	ssyncadd.s32 $0xFFFFFB00  }
0x453: {  	v1 =	vld [tilespmem:s7+$0x0]  }
0x454: {  	v2 =	vld [tilespmem:s7+$0xFFFFFFE0];
	_ =	sdelay $0x2  }
0x455: {  	v3 =	vld [tilespmem:s7+$0xFFFFFFF0]  }
0x456: {  	s1 =	simm.s32 $0x15A0;
	v4 =	vld [tilespmem:s7+$0x10];
	v1 =	vadd.f32 $1.000000020e-16, v1  }
0x457: {  	v5 =	vld [tilespmem:s1+$0x0];
	v2 =	vadd.f32 $1.000000020e-16, v2  }
0x458: {  	(erf) = vrcp.f32 v1;
	v1 =	vld [tilespmem:s1+$0xFFFFFFE0]  }
0x459: {  	(erf) = vrcp.f32 v2;
	v2 =	vld [tilespmem:s1+$0xFFFFFFF0];
	_ =	sdelay $0x1  }
0x45a: {  	v6 =	vld [tilespmem:s1+$0x10];
	v3 =	vadd.f32 $1.000000020e-16, v3  }
0x45b: {  	v4 =	vadd.f32 $1.000000020e-16, v4  }
0x45c: {  	(erf) = vrcp.f32 v3;
	v3 =	vadd.f32 $1.000000020e-16, v5  }
0x45d: {  	s16 =	simm.s32 $0x15E0;
	(erf) = vrcp.f32 v4;
	v4 =	vadd.f32 $1.000000020e-16, v1;
	v7 =	vadd.f32 $1.000000020e-16, v2  }
0x45e: {  	v5 =	vld [tilespmem:s16+$0x0];
	(erf) = vrcp.f32 v3  }
0x45f: {  	v6 =	vadd.f32 $1.000000020e-16, v6;
	(erf) = vrcp.f32 v4  }
0x460: {  	v1 =	vld [tilespmem:s16+$0xFFFFFFE0];
	(erf) = vrcp.f32 v7  }
0x461: {  	v2 =	vld [tilespmem:s16+$0xFFFFFFF0];
	v7 =	vpop (erf);
	(erf) = vrcp.f32 v6  }
0x462: {  	v3 =	vld [tilespmem:s16+$0x10]  }
0x463: {  	s17 =	simm.s32 $0x8;
	s19 =	simm.s32 $0x1620;
	v4 =	vadd.f32 $1.000000020e-16, v5;
	[tilespmem:s7+$0x0] =	vst v7;
	v5 =	vpop (erf)  }
.LBB2_17:
0x464: {  	s17 =	sadd.s32 $0x4, s17  }
0x465: {  	v6 =	vld [tilespmem:s19+$0x0];
	v7 =	vadd.f32 $1.000000020e-16, v1;
	[tilespmem:s7+$0xFFFFFFE0] =	vst v5;
	v5 =	vpop (erf);
	p1 =	slt.u32 s17, $0x4C  }
.Ltmp21:
0x466: {  	v1 =	vld [tilespmem:s19+$0xFFFFFFE0];
	v8 =	vadd.f32 $1.000000020e-16, v2;
	(erf) = vrcp.f32 v4;
	[tilespmem:s7+$0xFFFFFFF0] =	vst v5;
	v4 =	vpop (erf);
	(pc) =	sbr.rel @p1 .LBB2_17-.Ltmp21, $4  }
0x467: {  	v2 =	vld [tilespmem:s19+$0xFFFFFFF0];
	v9 =	vadd.f32 $1.000000020e-16, v3;
	(erf) = vrcp.f32 v7;
	[tilespmem:s7+$0x10] =	vst v4;
	s7 =	smov.u32 s1;
	s1 =	smov.u32 s16;
	s16 =	smov.u32 s19  }
0x468: {  	v3 =	vld [tilespmem:s19+$0x10];
	(erf) = vrcp.f32 v8  }
0x469: {  	(erf) = vrcp.f32 v9;
	v5 =	vpop (erf)  }
0x46a: {  	s19 =	sadd.s32 $0x40, s19;
	v4 =	vadd.f32 $1.000000020e-16, v6;
	[tilespmem:s7+$0x0] =	vst v5;
	v5 =	vpop (erf)  }
0x46b: {  	v1 =	vadd.f32 $1.000000020e-16, v1  }
0x46c: {  	v2 =	vadd.f32 $1.000000020e-16, v2;
	(erf) = vrcp.f32 v4  }
0x46d: {  	v3 =	vadd.f32 $1.000000020e-16, v3;
	(erf) = vrcp.f32 v1  }
0x46e: {  	(erf) = vrcp.f32 v2  }
0x46f: {  	[tilespmem:s7+$0xFFFFFFE0] =	vst v5;
	v1 =	vpop (erf);
	(erf) = vrcp.f32 v3  }
0x470: {  	v2 =	vpop (erf);
	[tilespmem:s7+$0xFFFFFFF0] =	vst v1  }
0x471: {  	[tilespmem:s7+$0x10] =	vst v2;
	v1 =	vpop (erf)  }
0x472: {  	[tilespmem:s1+$0x0] =	vst v1;
	v1 =	vpop (erf)  }
0x473: {  	[tilespmem:s1+$0xFFFFFFE0] =	vst v1;
	v1 =	vpop (erf)  }
0x474: {  	[tilespmem:s1+$0xFFFFFFF0] =	vst v1;
	v1 =	vpop (erf)  }
0x475: {  	[tilespmem:s1+$0x10] =	vst v1;
	v1 =	vpop (erf)  }
0x476: {  	[tilespmem:s16+$0x0] =	vst v1;
	v1 =	vpop (erf)  }
0x477: {  	[tilespmem:s16+$0xFFFFFFE0] =	vst v1;
	v1 =	vpop (erf)  }
0x478: {  	[tilespmem:s16+$0xFFFFFFF0] =	vst v1;
	v1 =	vpop (erf)  }
0x479: {  	[tilespmem:s16+$0x10] =	vst v1  }
0x47a: {  	s1 =	rddreg [dreg:$0x1e]  }
0x47b: {  	[hbm4b:s1+s4] =	stream.linear.scatter [tilespmem:s18], [sflag:$0x2], $0x500, $0x38;
	[tilespmem:$0x1D7C0] =	vst v63  }
0x47c: {  	_ =	swait.ge [sflag:s10], $0x500  }
0x47d: {  	[sflag:s10] =	ssyncset.done $0x0  }
0x47e: {  	[sflag:s10] =	ssyncadd.s32 $0xFFFFFB00  }
0x47f: {  	[tilespmem:s18], [sflag:$0x2] =	stream.linear.gather [spmem:s25], $0x500, $0x38;
	[tilespmem:$0x1D7C0] =	vst v63  }
0x480: {  	_ =	swait.ge [sflag:s10], $0x500  }
0x481: {  	[sflag:s10] =	ssyncset.done $0x0  }
0x482: {  	s7 =	simm.s32 $0x1560;
	[sflag:s10] =	ssyncadd.s32 $0xFFFFFB00  }
0x483: {  	v1 =	vld [tilespmem:s7+$0x0]  }
0x484: {  	v2 =	vld [tilespmem:s7+$0xFFFFFFE0];
	_ =	sdelay $0x2  }
0x485: {  	v3 =	vld [tilespmem:s7+$0xFFFFFFF0]  }
0x486: {  	s1 =	simm.s32 $0x15A0;
	v4 =	vld [tilespmem:s7+$0x10];
	v1 =	vadd.f32 $1.000000020e-16, v1  }
0x487: {  	v5 =	vld [tilespmem:s1+$0x0];
	v2 =	vadd.f32 $1.000000020e-16, v2  }
0x488: {  	(erf) = vrcp.f32 v1;
	v1 =	vld [tilespmem:s1+$0xFFFFFFE0]  }
0x489: {  	(erf) = vrcp.f32 v2;
	v2 =	vld [tilespmem:s1+$0xFFFFFFF0];
	_ =	sdelay $0x1  }
0x48a: {  	v6 =	vld [tilespmem:s1+$0x10];
	v3 =	vadd.f32 $1.000000020e-16, v3  }
0x48b: {  	v4 =	vadd.f32 $1.000000020e-16, v4  }
0x48c: {  	(erf) = vrcp.f32 v3;
	v3 =	vadd.f32 $1.000000020e-16, v5  }
0x48d: {  	s16 =	simm.s32 $0x15E0;
	(erf) = vrcp.f32 v4;
	v4 =	vadd.f32 $1.000000020e-16, v1;
	v7 =	vadd.f32 $1.000000020e-16, v2  }
0x48e: {  	v5 =	vld [tilespmem:s16+$0x0];
	(erf) = vrcp.f32 v3  }
0x48f: {  	v6 =	vadd.f32 $1.000000020e-16, v6;
	(erf) = vrcp.f32 v4  }
0x490: {  	v1 =	vld [tilespmem:s16+$0xFFFFFFE0];
	(erf) = vrcp.f32 v7  }
0x491: {  	v2 =	vld [tilespmem:s16+$0xFFFFFFF0];
	v7 =	vpop (erf);
	(erf) = vrcp.f32 v6  }
0x492: {  	v3 =	vld [tilespmem:s16+$0x10]  }
0x493: {  	s17 =	simm.s32 $0x8;
	s19 =	simm.s32 $0x1620;
	v4 =	vadd.f32 $1.000000020e-16, v5;
	[tilespmem:s7+$0x0] =	vst v7;
	v5 =	vpop (erf)  }
.LBB2_19:
0x494: {  	s17 =	sadd.s32 $0x4, s17  }
0x495: {  	v6 =	vld [tilespmem:s19+$0x0];
	v7 =	vadd.f32 $1.000000020e-16, v1;
	[tilespmem:s7+$0xFFFFFFE0] =	vst v5;
	v5 =	vpop (erf);
	p1 =	slt.u32 s17, $0x4C  }
.Ltmp22:
0x496: {  	v1 =	vld [tilespmem:s19+$0xFFFFFFE0];
	v8 =	vadd.f32 $1.000000020e-16, v2;
	(erf) = vrcp.f32 v4;
	[tilespmem:s7+$0xFFFFFFF0] =	vst v5;
	v4 =	vpop (erf);
	(pc) =	sbr.rel @p1 .LBB2_19-.Ltmp22, $4  }
0x497: {  	v2 =	vld [tilespmem:s19+$0xFFFFFFF0];
	v9 =	vadd.f32 $1.000000020e-16, v3;
	(erf) = vrcp.f32 v7;
	[tilespmem:s7+$0x10] =	vst v4;
	s7 =	smov.u32 s1;
	s1 =	smov.u32 s16;
	s16 =	smov.u32 s19  }
0x498: {  	v3 =	vld [tilespmem:s19+$0x10];
	(erf) = vrcp.f32 v8  }
0x499: {  	(erf) = vrcp.f32 v9;
	v5 =	vpop (erf)  }
0x49a: {  	s19 =	sadd.s32 $0x40, s19;
	v4 =	vadd.f32 $1.000000020e-16, v6;
	[tilespmem:s7+$0x0] =	vst v5;
	v5 =	vpop (erf)  }
0x49b: {  	v1 =	vadd.f32 $1.000000020e-16, v1  }
0x49c: {  	v2 =	vadd.f32 $1.000000020e-16, v2;
	(erf) = vrcp.f32 v4  }
0x49d: {  	v3 =	vadd.f32 $1.000000020e-16, v3;
	(erf) = vrcp.f32 v1  }
0x49e: {  	(erf) = vrcp.f32 v2  }
0x49f: {  	[tilespmem:s7+$0xFFFFFFE0] =	vst v5;
	v1 =	vpop (erf);
	(erf) = vrcp.f32 v3  }
0x4a0: {  	v2 =	vpop (erf);
	[tilespmem:s7+$0xFFFFFFF0] =	vst v1  }
0x4a1: {  	[tilespmem:s7+$0x10] =	vst v2;
	v1 =	vpop (erf)  }
0x4a2: {  	[tilespmem:s1+$0x0] =	vst v1;
	v1 =	vpop (erf)  }
0x4a3: {  	[tilespmem:s1+$0xFFFFFFE0] =	vst v1;
	v1 =	vpop (erf)  }
0x4a4: {  	[tilespmem:s1+$0xFFFFFFF0] =	vst v1;
	v1 =	vpop (erf)  }
0x4a5: {  	[tilespmem:s1+$0x10] =	vst v1;
	v1 =	vpop (erf)  }
0x4a6: {  	[tilespmem:s16+$0x0] =	vst v1;
	v1 =	vpop (erf)  }
0x4a7: {  	[tilespmem:s16+$0xFFFFFFE0] =	vst v1;
	v1 =	vpop (erf)  }
0x4a8: {  	[tilespmem:s16+$0xFFFFFFF0] =	vst v1;
	v1 =	vpop (erf)  }
0x4a9: {  	[tilespmem:s16+$0x10] =	vst v1  }
0x4aa: {  	s1 =	sld [smem:$0x7F9];
	_ =	sdelay $0x2  }
0x4ab: {  	[hbm4b:s1+s4] =	stream.linear.scatter [tilespmem:s18], [sflag:$0x2], $0x500, $0x38;
	[tilespmem:$0x1D7C0] =	vst v63  }
0x4ac: {  	_ =	swait.ge [sflag:s10], $0x500  }
0x4ad: {  	[sflag:s10] =	ssyncset.done $0x0  }
0x4ae: {  	[sflag:s10] =	ssyncadd.s32 $0xFFFFFB00  }
0x4af: {  	[tilespmem:s18], [sflag:$0x2] =	stream.linear.gather [spmem:s28], $0x500, $0x38;
	[tilespmem:$0x1D7C0] =	vst v63  }
0x4b0: {  	_ =	swait.ge [sflag:s10], $0x500  }
0x4b1: {  	[sflag:s10] =	ssyncset.done $0x0  }
0x4b2: {  	s7 =	simm.s32 $0x1560;
	[sflag:s10] =	ssyncadd.s32 $0xFFFFFB00  }
0x4b3: {  	v1 =	vld [tilespmem:s7+$0x0]  }
0x4b4: {  	v2 =	vld [tilespmem:s7+$0xFFFFFFE0];
	_ =	sdelay $0x2  }
0x4b5: {  	v3 =	vld [tilespmem:s7+$0xFFFFFFF0]  }
0x4b6: {  	s1 =	simm.s32 $0x15A0;
	v4 =	vld [tilespmem:s7+$0x10];
	v1 =	vadd.f32 $1.000000020e-16, v1  }
0x4b7: {  	v5 =	vld [tilespmem:s1+$0x0];
	v2 =	vadd.f32 $1.000000020e-16, v2  }
0x4b8: {  	(erf) = vrcp.f32 v1;
	v1 =	vld [tilespmem:s1+$0xFFFFFFE0]  }
0x4b9: {  	(erf) = vrcp.f32 v2;
	v2 =	vld [tilespmem:s1+$0xFFFFFFF0];
	_ =	sdelay $0x1  }
0x4ba: {  	v6 =	vld [tilespmem:s1+$0x10];
	v3 =	vadd.f32 $1.000000020e-16, v3  }
0x4bb: {  	v4 =	vadd.f32 $1.000000020e-16, v4  }
0x4bc: {  	(erf) = vrcp.f32 v3;
	v3 =	vadd.f32 $1.000000020e-16, v5  }
0x4bd: {  	s16 =	simm.s32 $0x15E0;
	(erf) = vrcp.f32 v4;
	v4 =	vadd.f32 $1.000000020e-16, v1;
	v7 =	vadd.f32 $1.000000020e-16, v2  }
0x4be: {  	v5 =	vld [tilespmem:s16+$0x0];
	(erf) = vrcp.f32 v3  }
0x4bf: {  	v6 =	vadd.f32 $1.000000020e-16, v6;
	(erf) = vrcp.f32 v4  }
0x4c0: {  	v1 =	vld [tilespmem:s16+$0xFFFFFFE0];
	(erf) = vrcp.f32 v7  }
0x4c1: {  	v2 =	vld [tilespmem:s16+$0xFFFFFFF0];
	v7 =	vpop (erf);
	(erf) = vrcp.f32 v6  }
0x4c2: {  	v3 =	vld [tilespmem:s16+$0x10]  }
0x4c3: {  	s17 =	simm.s32 $0x8;
	s19 =	simm.s32 $0x1620;
	v4 =	vadd.f32 $1.000000020e-16, v5;
	[tilespmem:s7+$0x0] =	vst v7;
	v5 =	vpop (erf)  }
.LBB2_21:
0x4c4: {  	s17 =	sadd.s32 $0x4, s17  }
0x4c5: {  	v6 =	vld [tilespmem:s19+$0x0];
	v7 =	vadd.f32 $1.000000020e-16, v1;
	[tilespmem:s7+$0xFFFFFFE0] =	vst v5;
	v5 =	vpop (erf);
	p1 =	slt.u32 s17, $0x4C  }
.Ltmp23:
0x4c6: {  	v1 =	vld [tilespmem:s19+$0xFFFFFFE0];
	v8 =	vadd.f32 $1.000000020e-16, v2;
	(erf) = vrcp.f32 v4;
	[tilespmem:s7+$0xFFFFFFF0] =	vst v5;
	v4 =	vpop (erf);
	(pc) =	sbr.rel @p1 .LBB2_21-.Ltmp23, $4  }
0x4c7: {  	v2 =	vld [tilespmem:s19+$0xFFFFFFF0];
	v9 =	vadd.f32 $1.000000020e-16, v3;
	(erf) = vrcp.f32 v7;
	[tilespmem:s7+$0x10] =	vst v4;
	s7 =	smov.u32 s1;
	s1 =	smov.u32 s16;
	s16 =	smov.u32 s19  }
0x4c8: {  	v3 =	vld [tilespmem:s19+$0x10];
	(erf) = vrcp.f32 v8  }
0x4c9: {  	(erf) = vrcp.f32 v9;
	v5 =	vpop (erf)  }
0x4ca: {  	s19 =	sadd.s32 $0x40, s19;
	v4 =	vadd.f32 $1.000000020e-16, v6;
	[tilespmem:s7+$0x0] =	vst v5;
	v5 =	vpop (erf)  }
0x4cb: {  	v1 =	vadd.f32 $1.000000020e-16, v1  }
0x4cc: {  	v2 =	vadd.f32 $1.000000020e-16, v2;
	(erf) = vrcp.f32 v4  }
0x4cd: {  	v3 =	vadd.f32 $1.000000020e-16, v3;
	(erf) = vrcp.f32 v1  }
0x4ce: {  	(erf) = vrcp.f32 v2  }
0x4cf: {  	[tilespmem:s7+$0xFFFFFFE0] =	vst v5;
	v1 =	vpop (erf);
	(erf) = vrcp.f32 v3  }
0x4d0: {  	v2 =	vpop (erf);
	[tilespmem:s7+$0xFFFFFFF0] =	vst v1  }
0x4d1: {  	[tilespmem:s7+$0x10] =	vst v2;
	v1 =	vpop (erf)  }
0x4d2: {  	[tilespmem:s1+$0x0] =	vst v1;
	v1 =	vpop (erf)  }
0x4d3: {  	[tilespmem:s1+$0xFFFFFFE0] =	vst v1;
	v1 =	vpop (erf)  }
0x4d4: {  	[tilespmem:s1+$0xFFFFFFF0] =	vst v1;
	v1 =	vpop (erf)  }
0x4d5: {  	[tilespmem:s1+$0x10] =	vst v1;
	v1 =	vpop (erf)  }
0x4d6: {  	[tilespmem:s16+$0x0] =	vst v1;
	v1 =	vpop (erf)  }
0x4d7: {  	[tilespmem:s16+$0xFFFFFFE0] =	vst v1;
	v1 =	vpop (erf)  }
0x4d8: {  	[tilespmem:s16+$0xFFFFFFF0] =	vst v1;
	v1 =	vpop (erf)  }
0x4d9: {  	[tilespmem:s16+$0x10] =	vst v1  }
0x4da: {  	s1 =	sld [smem:$0x7FB];
	_ =	sdelay $0x2  }
0x4db: {  	[hbm4b:s1+s4] =	stream.linear.scatter [tilespmem:s18], [sflag:$0x2], $0x500, $0x38;
	[tilespmem:$0x1D7C0] =	vst v63  }
0x4dc: {  	_ =	swait.ge [sflag:s10], $0x500  }
0x4dd: {  	[sflag:s10] =	ssyncset.done $0x0  }
0x4de: {  	[sflag:s10] =	ssyncadd.s32 $0xFFFFFB00  }
0x4df: {  	[tilespmem:s18], [sflag:$0x2] =	stream.linear.gather [spmem:s30], $0x500, $0x38;
	[tilespmem:$0x1D7C0] =	vst v63  }
0x4e0: {  	_ =	swait.ge [sflag:s10], $0x500  }
0x4e1: {  	[sflag:s10] =	ssyncset.done $0x0  }
0x4e2: {  	s7 =	simm.s32 $0x1560;
	[sflag:s10] =	ssyncadd.s32 $0xFFFFFB00  }
0x4e3: {  	v1 =	vld [tilespmem:s7+$0x0]  }
0x4e4: {  	v2 =	vld [tilespmem:s7+$0xFFFFFFE0];
	_ =	sdelay $0x2  }
0x4e5: {  	v3 =	vld [tilespmem:s7+$0xFFFFFFF0]  }
0x4e6: {  	s1 =	simm.s32 $0x15A0;
	v4 =	vld [tilespmem:s7+$0x10];
	v1 =	vadd.f32 $1.000000020e-16, v1  }
0x4e7: {  	v5 =	vld [tilespmem:s1+$0x0];
	v2 =	vadd.f32 $1.000000020e-16, v2  }
0x4e8: {  	(erf) = vrcp.f32 v1;
	v1 =	vld [tilespmem:s1+$0xFFFFFFE0]  }
0x4e9: {  	(erf) = vrcp.f32 v2;
	v2 =	vld [tilespmem:s1+$0xFFFFFFF0];
	_ =	sdelay $0x1  }
0x4ea: {  	v6 =	vld [tilespmem:s1+$0x10];
	v3 =	vadd.f32 $1.000000020e-16, v3  }
0x4eb: {  	v4 =	vadd.f32 $1.000000020e-16, v4  }
0x4ec: {  	(erf) = vrcp.f32 v3;
	v3 =	vadd.f32 $1.000000020e-16, v5  }
0x4ed: {  	s16 =	simm.s32 $0x15E0;
	(erf) = vrcp.f32 v4;
	v4 =	vadd.f32 $1.000000020e-16, v1;
	v7 =	vadd.f32 $1.000000020e-16, v2  }
0x4ee: {  	v5 =	vld [tilespmem:s16+$0x0];
	(erf) = vrcp.f32 v3  }
0x4ef: {  	v6 =	vadd.f32 $1.000000020e-16, v6;
	(erf) = vrcp.f32 v4  }
0x4f0: {  	v1 =	vld [tilespmem:s16+$0xFFFFFFE0];
	(erf) = vrcp.f32 v7  }
0x4f1: {  	v2 =	vld [tilespmem:s16+$0xFFFFFFF0];
	v7 =	vpop (erf);
	(erf) = vrcp.f32 v6  }
0x4f2: {  	v3 =	vld [tilespmem:s16+$0x10]  }
0x4f3: {  	s17 =	simm.s32 $0x8;
	s19 =	simm.s32 $0x1620;
	v4 =	vadd.f32 $1.000000020e-16, v5;
	[tilespmem:s7+$0x0] =	vst v7;
	v5 =	vpop (erf)  }
.LBB2_23:
0x4f4: {  	s17 =	sadd.s32 $0x4, s17  }
0x4f5: {  	v6 =	vld [tilespmem:s19+$0x0];
	v7 =	vadd.f32 $1.000000020e-16, v1;
	[tilespmem:s7+$0xFFFFFFE0] =	vst v5;
	v5 =	vpop (erf);
	p1 =	slt.u32 s17, $0x4C  }
.Ltmp24:
0x4f6: {  	v1 =	vld [tilespmem:s19+$0xFFFFFFE0];
	v8 =	vadd.f32 $1.000000020e-16, v2;
	(erf) = vrcp.f32 v4;
	[tilespmem:s7+$0xFFFFFFF0] =	vst v5;
	v4 =	vpop (erf);
	(pc) =	sbr.rel @p1 .LBB2_23-.Ltmp24, $4  }
0x4f7: {  	v2 =	vld [tilespmem:s19+$0xFFFFFFF0];
	v9 =	vadd.f32 $1.000000020e-16, v3;
	(erf) = vrcp.f32 v7;
	[tilespmem:s7+$0x10] =	vst v4;
	s7 =	smov.u32 s1;
	s1 =	smov.u32 s16;
	s16 =	smov.u32 s19  }
0x4f8: {  	v3 =	vld [tilespmem:s19+$0x10];
	(erf) = vrcp.f32 v8  }
0x4f9: {  	(erf) = vrcp.f32 v9;
	v5 =	vpop (erf)  }
0x4fa: {  	s19 =	sadd.s32 $0x40, s19;
	v4 =	vadd.f32 $1.000000020e-16, v6;
	[tilespmem:s7+$0x0] =	vst v5;
	v5 =	vpop (erf)  }
0x4fb: {  	v1 =	vadd.f32 $1.000000020e-16, v1  }
0x4fc: {  	v2 =	vadd.f32 $1.000000020e-16, v2;
	(erf) = vrcp.f32 v4  }
0x4fd: {  	v3 =	vadd.f32 $1.000000020e-16, v3;
	(erf) = vrcp.f32 v1  }
0x4fe: {  	(erf) = vrcp.f32 v2  }
0x4ff: {  	[tilespmem:s7+$0xFFFFFFE0] =	vst v5;
	v1 =	vpop (erf);
	(erf) = vrcp.f32 v3  }
0x500: {  	v2 =	vpop (erf);
	[tilespmem:s7+$0xFFFFFFF0] =	vst v1  }
0x501: {  	[tilespmem:s7+$0x10] =	vst v2;
	v1 =	vpop (erf)  }
0x502: {  	[tilespmem:s1+$0x0] =	vst v1;
	v1 =	vpop (erf)  }
0x503: {  	[tilespmem:s1+$0xFFFFFFE0] =	vst v1;
	v1 =	vpop (erf)  }
0x504: {  	[tilespmem:s1+$0xFFFFFFF0] =	vst v1;
	v1 =	vpop (erf)  }
.Ltmp25:
0x505: {  	[tilespmem:s1+$0x10] =	vst v1;
	v1 =	vpop (erf);
	(pc) =	sbr.rel .LBB2_46-.Ltmp25, $4  }
0x506: {  	[tilespmem:s16+$0x0] =	vst v1;
	v1 =	vpop (erf)  }
0x507: {  	[tilespmem:s16+$0xFFFFFFE0] =	vst v1;
	v1 =	vpop (erf)  }
0x508: {  	[tilespmem:s16+$0xFFFFFFF0] =	vst v1;
	v1 =	vpop (erf)  }
0x509: {  	s1 =	rddreg [dreg:$0x1];
	[tilespmem:s16+$0x10] =	vst v1  }
.LBB2_47:
0x50a: {  	_ =	sfence.sel $0x180000  }
0x50b: {  	[bflag:$0x0] =	sbarrier.arrive $0xFFFF  }
0x50c: {  	_ =	strace $0x90000047  }
0x50d: {  	s0 =	stileid.u32;
	[bflag:$0x2] =	sbarrier.arrive $0xFFFF  }
0x50e: {  	p0 =	sne.s32 s0, $0x0;
	s0 =	rddreg [dreg:$0x4]  }
0x50f: {  	s0 =	sadd.s32 @!p0 $0x100000, s0  }
0x510: {  	[sflag:s0] =	ssyncadd.tile.s32 @!p0 $0x1;
	_ =	shalt  }
.Lfunc_end2:
_tile_overlayer_lowered:
.L_overlay_start_2:
0x511: {  	(tag) =	ssettag $0x2  }
0x512: {  	s0 =	rddreg [dreg:$0x0];
	s2 =	stileid.u32  }
0x513: {  	s1 =	rddreg [dreg:$0x1];
	p0 =	sne.s32 s2, $0x0  }
0x514: {  	s3 =	rddreg [dreg:$0x2];
	[bflag:$0x3] =	sbarrier.arrive $0xFFFF;
	s2 =	simm.s32 @!p0 $0x1C02  }
0x515: {  	[timem:s3], [sflag:s2] =	dma.local @!p0 [hbm:s0], s1  }
0x516: {  	s0 =	simm.s32 @!p0 $0x2  }
0x517: {  	_ =	swait.ge @!p0 [sflag:s0], s1  }
0x518: {  	s1 =	ssub.s32 @!p0 $0x0, s1;
	[sflag:s0] =	ssyncset.done @!p0 $0x0  }
0x519: {  	[sflag:s0] =	ssyncadd.s32 @!p0 s1  }
0x51a: {  	[bflag:$0x3] =	sbarrier.arrive $0xFFFF  }
0x51b: {  	_ =	shalt  }

</sc_bundles>
